<compile_context>
chip_gen: v7x
topology: tpu7x:2x2x1
jax: 0.10.2.dev20260603
libtpu: 0.0.44.dev20260713+nightly
codegen_flags: <defaults>
</compile_context>

<pallas_src>
import functools

import jax
import jax.numpy as jnp
from jax import lax
from jax.experimental import pallas as pl
from jax.experimental.pallas import tpu as pltpu
from jax.experimental.pallas import tpu_sc as plsc

N = 10000
E = 160000
IN_DIM = 256
HID = 256
NUM_CLASS = 64
NEG_SLOPE = 0.2

NC, NS = 2, 16
EK = 128
E_PAD = 163840
DUMMY = N
S_ROWS = N + 8
ROWS_PER_TILE = N // NS
CHUNKS = E_PAD // (NS * EK)
DEG_CHUNKS = CHUNKS // NC

_MESH = plsc.VectorSubcoreMesh(
    core_axis_name="c", subcore_axis_name="s", num_cores=NC, num_subcores=NS
)
_SC_PARAMS = pltpu.CompilerParams(use_tc_tiling_on_sc=False)


@functools.partial(
    pl.kernel,
    out_type=jax.ShapeDtypeStruct((NC, N, 16), jnp.float32),
    mesh=_MESH,
    scratch_types=[
        pltpu.VMEM((DEG_CHUNKS, 2, EK), jnp.int32),
        pltpu.VMEM((EK, 16), jnp.float32),
        pltpu.VMEM_SHARED((S_ROWS, 16), jnp.float32),
    ],
    compiler_params=_SC_PARAMS,
)
def _deg_kernel(idx_hbm, ones_hbm, zeros_hbm, out_hbm, idx_all, ones_v, acc):
    cid = lax.axis_index("c")
    sid = lax.axis_index("s")
    r0 = sid * ROWS_PER_TILE
    pltpu.sync_copy(zeros_hbm.at[pl.ds(r0, ROWS_PER_TILE)],
                    acc.at[pl.ds(r0, ROWS_PER_TILE)])

    @pl.when(sid == 0)
    def _():
        pltpu.sync_copy(zeros_hbm.at[pl.ds(0, S_ROWS - N)],
                        acc.at[pl.ds(N, S_ROWS - N)])

    pltpu.sync_copy(ones_hbm, ones_v)
    pltpu.sync_copy(idx_hbm.at[sid, pl.ds(cid * DEG_CHUNKS, DEG_CHUNKS)],
                    idx_all)
    plsc.subcore_barrier()

    def body(j, carry):
        pltpu.sync_copy(ones_v, acc.at[idx_all.at[j, 1]], add=True)
        return carry

    lax.fori_loop(0, DEG_CHUNKS, body, 0)
    plsc.subcore_barrier()
    pltpu.sync_copy(acc.at[pl.ds(r0, ROWS_PER_TILE)],
                    out_hbm.at[cid, pl.ds(r0, ROWS_PER_TILE)])


def _make_spmm(width):

    @functools.partial(
        pl.kernel,
        out_type=(
            jax.ShapeDtypeStruct((N, width), jnp.float32),
            jax.ShapeDtypeStruct((N, width), jnp.float32),
        ),
        mesh=_MESH,
        scratch_types=(
            [pltpu.VMEM((2, EK), jnp.int32) for _ in range(4)]
            + [pltpu.VMEM((EK, width), jnp.float32) for _ in range(2)]
            + [pltpu.VMEM_SHARED((S_ROWS, width), jnp.float32)]
            + [pltpu.SemaphoreType.DMA for _ in range(6)]
        ),
        compiler_params=_SC_PARAMS,
    )
    def spmm(idx_hbm, pa_hbm, pb_hbm, oa_hbm, ob_hbm,
             i0, i1, i2, i3, w0, w1, acc,
             si0, si1, si2, si3, sg0, sg1):
        cid = lax.axis_index("c")
        sid = lax.axis_index("s")
        r0 = sid * ROWS_PER_TILE
        IB = (i0, i1, i2, i3)
        RW = (w0, w1)
        SI = (si0, si1, si2, si3)
        SG = (sg0, sg1)

        def run(p_hbm, o_hbm):
            def start_i(j, b):
                pltpu.async_copy(idx_hbm.at[sid, j], IB[b], SI[b])

            def wait_i(j, b):
                pltpu.make_async_copy(idx_hbm.at[sid, j], IB[b], SI[b]).wait()

            def start_g(bi, bw):
                pltpu.async_copy(p_hbm.at[IB[bi].at[0]], RW[bw], SG[bw])

            def wait_g(bi, bw):
                pltpu.make_async_copy(p_hbm.at[IB[bi].at[0]], RW[bw],
                                      SG[bw]).wait()

            def step(j, bi, bw, do_i, do_g):
                wait_g(bi, bw)
                pltpu.sync_copy(RW[bw], acc.at[IB[bi].at[1]], add=True)
                if do_i:
                    start_i(j + 4, bi)
                if do_g:
                    wait_i(j + 2, (bi + 2) % 4)
                    start_g((bi + 2) % 4, bw)

            pltpu.sync_copy(p_hbm.at[pl.ds(r0, ROWS_PER_TILE)],
                            acc.at[pl.ds(r0, ROWS_PER_TILE)])

            @pl.when(sid == 0)
            def _():
                pltpu.sync_copy(p_hbm.at[pl.ds(0, S_ROWS - N)],
                                acc.at[pl.ds(N, S_ROWS - N)])

            plsc.subcore_barrier()

            for t in range(4):
                start_i(t, t)
            for t in range(2):
                wait_i(t, t)
                start_g(t, t)
            step(0, 0, 0, True, True)

            n_main = ((CHUNKS - 5) // 4) * 4

            def body(g, carry):
                for o in range(4):
                    step(4 * g + 1 + o, (1 + o) % 4, (1 + o) % 2, True, True)
                return carry

            lax.fori_loop(0, n_main // 4, body, 0)
            for j in range(n_main + 1, CHUNKS):
                step(j, j % 4, j % 2, j + 4 < CHUNKS, j + 2 < CHUNKS)
            plsc.subcore_barrier()
            pltpu.sync_copy(acc.at[pl.ds(r0, ROWS_PER_TILE)],
                            o_hbm.at[pl.ds(r0, ROWS_PER_TILE)])

        @pl.when(cid == 0)
        def _():
            run(pa_hbm, oa_hbm)

        @pl.when(cid == 1)
        def _():
            run(pb_hbm, ob_hbm)

    return spmm


EK1 = 80
CHUNKS1 = E_PAD // (NS * EK1)


def _make_spmm_preload(width):

    @functools.partial(
        pl.kernel,
        out_type=(
            jax.ShapeDtypeStruct((N, width), jnp.float32),
            jax.ShapeDtypeStruct((N, width), jnp.float32),
        ),
        mesh=_MESH,
        scratch_types=[
            pltpu.VMEM((CHUNKS1, EK1), jnp.int32),
            pltpu.VMEM((CHUNKS1, EK1), jnp.int32),
            pltpu.VMEM((EK1, width), jnp.float32),
            pltpu.VMEM((EK1, width), jnp.float32),
            pltpu.VMEM_SHARED((S_ROWS, width), jnp.float32),
            pltpu.SemaphoreType.DMA,
            pltpu.SemaphoreType.DMA,
        ],
        compiler_params=_SC_PARAMS,
    )
    def spmm(src_hbm, dst_hbm, pa_hbm, pb_hbm, oa_hbm, ob_hbm,
             src_all, dst_all, rows0, rows1, acc, sem0, sem1):
        cid = lax.axis_index("c")
        sid = lax.axis_index("s")
        r0 = sid * ROWS_PER_TILE
        bufs = ((rows0, sem0), (rows1, sem1))

        def run(p_hbm, o_hbm):
            pltpu.sync_copy(src_hbm.at[sid], src_all)
            pltpu.sync_copy(dst_hbm.at[sid], dst_all)
            pltpu.sync_copy(p_hbm.at[pl.ds(r0, ROWS_PER_TILE)],
                            acc.at[pl.ds(r0, ROWS_PER_TILE)])
            plsc.subcore_barrier()

            for b, (rows, sem) in enumerate(bufs):
                pltpu.async_copy(p_hbm.at[src_all.at[b]], rows, sem)

            def body(g, carry):
                for b, (rows, sem) in enumerate(bufs):
                    j = 2 * g + b
                    pltpu.make_async_copy(
                        p_hbm.at[src_all.at[j]], rows, sem).wait()
                    pltpu.sync_copy(rows, acc.at[dst_all.at[j]], add=True)
                    pltpu.async_copy(p_hbm.at[src_all.at[j + 2]], rows, sem)
                return carry

            lax.fori_loop(0, CHUNKS1 // 2 - 1, body, 0)
            for b, (rows, sem) in enumerate(bufs):
                j = CHUNKS1 - 2 + b
                pltpu.make_async_copy(
                    p_hbm.at[src_all.at[j]], rows, sem).wait()
                pltpu.sync_copy(rows, acc.at[dst_all.at[j]], add=True)
            plsc.subcore_barrier()
            pltpu.sync_copy(acc.at[pl.ds(r0, ROWS_PER_TILE)],
                            o_hbm.at[pl.ds(r0, ROWS_PER_TILE)])

        @pl.when(cid == 0)
        def _():
            run(pa_hbm, oa_hbm)

        @pl.when(cid == 1)
        def _():
            run(pb_hbm, ob_hbm)

    return spmm


_spmm_l1 = _make_spmm(HID // 2)
_spmm_l2 = _make_spmm(NUM_CLASS // 2)


_R = 1000


def _tc_layer1(x, W1, cnt0, cnt1):
    def body(x_ref, w_ref, c0_ref, c1_ref, pa_ref, pb_ref, s_ref):
        s = lax.rsqrt(c0_ref[...] + c1_ref[...] + 1.0)
        p = jnp.dot(x_ref[...], w_ref[...],
                    preferred_element_type=jnp.float32) * s
        pa_ref[...] = p[:, : HID // 2]
        pb_ref[...] = p[:, HID // 2:]
        s_ref[...] = s

    return pl.pallas_call(
        body,
        grid=(N // _R,),
        in_specs=[
            pl.BlockSpec((_R, IN_DIM), lambda i: (i, 0)),
            pl.BlockSpec((IN_DIM, HID), lambda i: (0, 0)),
            pl.BlockSpec((_R, 1), lambda i: (i, 0)),
            pl.BlockSpec((_R, 1), lambda i: (i, 0)),
        ],
        out_specs=[
            pl.BlockSpec((_R, HID // 2), lambda i: (i, 0)),
            pl.BlockSpec((_R, HID // 2), lambda i: (i, 0)),
            pl.BlockSpec((_R, 1), lambda i: (i, 0)),
        ],
        out_shape=[
            jax.ShapeDtypeStruct((N, HID // 2), jnp.float32),
            jax.ShapeDtypeStruct((N, HID // 2), jnp.float32),
            jax.ShapeDtypeStruct((N, 1), jnp.float32),
        ],
    )(x, W1, cnt0, cnt1)


def _tc_mid(aa, ab, s, b1, W2):
    def body(aa_ref, ab_ref, s_ref, b1_ref, w2_ref, pa_ref, pb_ref):
        sv = s_ref[...]
        h = jnp.concatenate([aa_ref[...], ab_ref[...]], axis=1) * sv + b1_ref[...]
        h = jnp.where(h >= 0, h, NEG_SLOPE * h)
        p = jnp.dot(h, w2_ref[...], preferred_element_type=jnp.float32) * sv
        pa_ref[...] = p[:, : NUM_CLASS // 2]
        pb_ref[...] = p[:, NUM_CLASS // 2:]

    return pl.pallas_call(
        body,
        grid=(N // _R,),
        in_specs=[
            pl.BlockSpec((_R, HID // 2), lambda i: (i, 0)),
            pl.BlockSpec((_R, HID // 2), lambda i: (i, 0)),
            pl.BlockSpec((_R, 1), lambda i: (i, 0)),
            pl.BlockSpec((1, HID), lambda i: (0, 0)),
            pl.BlockSpec((HID, NUM_CLASS), lambda i: (0, 0)),
        ],
        out_specs=[
            pl.BlockSpec((_R, NUM_CLASS // 2), lambda i: (i, 0)),
            pl.BlockSpec((_R, NUM_CLASS // 2), lambda i: (i, 0)),
        ],
        out_shape=[
            jax.ShapeDtypeStruct((N, NUM_CLASS // 2), jnp.float32),
            jax.ShapeDtypeStruct((N, NUM_CLASS // 2), jnp.float32),
        ],
    )(aa, ab, s, b1, W2)


def _tc_out(aa, ab, s, b2):
    def body(aa_ref, ab_ref, s_ref, b2_ref, o_ref):
        z = jnp.concatenate([aa_ref[...], ab_ref[...]], axis=1) * s_ref[...]
        z = z + b2_ref[...]
        m = jnp.max(z, axis=1, keepdims=True)
        e = z - m
        o_ref[...] = e - jnp.log(jnp.sum(jnp.exp(e), axis=1, keepdims=True))

    return pl.pallas_call(
        body,
        grid=(N // _R,),
        in_specs=[
            pl.BlockSpec((_R, NUM_CLASS // 2), lambda i: (i, 0)),
            pl.BlockSpec((_R, NUM_CLASS // 2), lambda i: (i, 0)),
            pl.BlockSpec((_R, 1), lambda i: (i, 0)),
            pl.BlockSpec((1, NUM_CLASS), lambda i: (0, 0)),
        ],
        out_specs=pl.BlockSpec((_R, NUM_CLASS), lambda i: (i, 0)),
        out_shape=jax.ShapeDtypeStruct((N, NUM_CLASS), jnp.float32),
    )(aa, ab, s, b2)


def kernel(x, edge_index, W1, b1, W2, b2):
    src = edge_index[0].astype(jnp.int32)
    dst = edge_index[1].astype(jnp.int32)
    pad = E_PAD - E
    src_p = jnp.concatenate([src, jnp.zeros((pad,), jnp.int32)])
    dst_p = jnp.concatenate([dst, jnp.full((pad,), DUMMY, jnp.int32)])
    idx = jnp.stack([src_p.reshape(NS, CHUNKS, EK),
                     dst_p.reshape(NS, CHUNKS, EK)], axis=2)
    src3 = src_p.reshape(NS, CHUNKS1, EK1)
    dst3 = dst_p.reshape(NS, CHUNKS1, EK1)
    ones = jnp.ones((EK, 16), jnp.float32)
    zeros = jnp.zeros((N, 16), jnp.float32)

    cnt = _deg_kernel(idx, ones, zeros)
    cnt0 = lax.slice(cnt, (0, 0, 0), (1, N, 1)).reshape(N, 1)
    cnt1 = lax.slice(cnt, (1, 0, 0), (2, N, 1)).reshape(N, 1)

    pa, pb, s = _tc_layer1(x, W1, cnt0, cnt1)
    agg_a, agg_b = _spmm_l1(idx, pa, pb)
    p2a, p2b = _tc_mid(agg_a, agg_b, s, b1.reshape(1, HID), W2)
    agg2a, agg2b = _spmm_l2(idx, p2a, p2b)
    return _tc_out(agg2a, agg2b, s, b2.reshape(1, NUM_CLASS))

# --- scband reference (transcript-rebuilt; emitter-appended) ---
"""Pipeline reference for scband-pytorch-geo-net-38714835206276 (READ-ONLY COPY).

The authoritative reference and input builder live on the scoring server;
editing this copy changes nothing except your own understanding.
"""

import jax, jax.numpy as jnp
import numpy as np

N_NODES = 10000
N_EDGES = 160000
IN_DIM = 256
HID = 64 * 4  # hidden_dim * n_heads = 256
NUM_CLASS = 64
ALPHA = 0.2


def gcn_conv(x, edge_index, W, b, num_nodes):
    # x: [N, in], W: [in, out], b: [out]
    h = x @ W
    src = edge_index[0]
    dst = edge_index[1]
    # add self-loops (PyG GCNConv default add_self_loops=True)
    loop = jnp.arange(num_nodes, dtype=src.dtype)
    src = jnp.concatenate([src, loop])
    dst = jnp.concatenate([dst, loop])
    # symmetric normalization deg^{-1/2} A deg^{-1/2}
    deg = jnp.zeros((num_nodes,), dtype=h.dtype).at[dst].add(1.0)
    deg_inv_sqrt = jnp.where(deg > 0, deg ** -0.5, 0.0)
    norm = deg_inv_sqrt[src] * deg_inv_sqrt[dst]
    msg = h[src] * norm[:, None]
    out = jnp.zeros((num_nodes, h.shape[1]), dtype=h.dtype).at[dst].add(msg)
    return out + b


def setup_inputs(seed: int = 0) -> dict:
    key = jax.random.key(seed)
    k1, k2, k3, k4, k5, k6 = jax.random.split(key, 6)
    x = jax.random.normal(k1, (N_NODES, IN_DIM), dtype=jnp.float32)
    edge_index = jax.random.randint(k2, (2, N_EDGES), 0, N_NODES, dtype=jnp.int64)
    W1 = jax.random.normal(k3, (IN_DIM, HID), dtype=jnp.float32) * 0.05
    b1 = jnp.zeros((HID,), dtype=jnp.float32)
    W2 = jax.random.normal(k4, (HID, NUM_CLASS), dtype=jnp.float32) * 0.05
    b2 = jnp.zeros((NUM_CLASS,), dtype=jnp.float32)
    return {"x": x, "edge_index": edge_index, "W1": W1, "b1": b1, "W2": W2, "b2": b2}


def reference(x, edge_index, W1, b1, W2, b2):
    # eval mode: all F.dropout calls are identity (training=False).
    # Note the original forward compares self.layer1 == 'GAT' which is always
    # False, so the GCN (else) branch always executes; we build with
    # layer_type='GCN' so this path is consistent.
    h = gcn_conv(x, edge_index, W1, b1, N_NODES)
    h = jax.nn.leaky_relu(h, negative_slope=ALPHA)
    h = gcn_conv(h, edge_index, W2, b2, N_NODES)
    return jax.nn.log_softmax(h, axis=1)

if __name__ == "__main__":
    import jax
    _d = setup_inputs()
    print(jax.jit(kernel)(*tuple(_d.values())))

</pallas_src>

<mosaic_0001>
#map = affine_map<(d0, d1) -> (0, 0, 0, 0)>
#map1 = affine_map<(d0, d1) -> (0, 0)>
module attributes {stable_mosaic.version = 14 : i64} {
  func.func @spmm(%arg0: i32, %arg1: i32, %arg2: memref<16x80x2x128xi32, #tpu.memory_space<hbm>>, %arg3: memref<10000x32xf32, #tpu.memory_space<hbm>>, %arg4: memref<10000x32xf32, #tpu.memory_space<hbm>>, %arg5: memref<10000x32xf32, #tpu.memory_space<hbm>>, %arg6: memref<10000x32xf32, #tpu.memory_space<hbm>>, %arg7: memref<2x128xi32, #tpu.memory_space<vmem>>, %arg8: memref<2x128xi32, #tpu.memory_space<vmem>>, %arg9: memref<2x128xi32, #tpu.memory_space<vmem>>, %arg10: memref<2x128xi32, #tpu.memory_space<vmem>>, %arg11: memref<128x32xf32, #tpu.memory_space<vmem>>, %arg12: memref<128x32xf32, #tpu.memory_space<vmem>>, %arg13: memref<10008x32xf32, #tpu.memory_space<vmem_shared>>, %arg14: memref<!tpu.dma_semaphore, #tpu.memory_space<semaphore_mem>>, %arg15: memref<!tpu.dma_semaphore, #tpu.memory_space<semaphore_mem>>, %arg16: memref<!tpu.dma_semaphore, #tpu.memory_space<semaphore_mem>>, %arg17: memref<!tpu.dma_semaphore, #tpu.memory_space<semaphore_mem>>, %arg18: memref<!tpu.dma_semaphore, #tpu.memory_space<semaphore_mem>>, %arg19: memref<!tpu.dma_semaphore, #tpu.memory_space<semaphore_mem>>) attributes {dimension_semantics = [#tpu.dimension_semantics<core_parallel>, #tpu.dimension_semantics<subcore_parallel>], iteration_bounds = array<i64: 2, 16>, scalar_prefetch = 0 : i64, scratch_operands = 13 : i64, tpu.core_type = #tpu.core_type<sc_vector_subcore>, window_params = [{transform_indices = #map}, {transform_indices = #map1}, {transform_indices = #map1}, {transform_indices = #map1}, {transform_indices = #map1}]} {
    %mul3A = arith.constant 625 : i32
    %mul3A_0 = arith.muli %arg1, %mul3A : i32
    %eq3A = arith.constant 0 : i32
    %eq3A_1 = arith.cmpi eq, %arg0, %eq3A : i32
    %convert_element_type3A = arith.extui %eq3A_1 : i1 to i32
    %cond3A = arith.constant 0 : i32
    %cond3A_2 = arith.cmpi ne, %convert_element_type3A, %cond3A : i32
    scf.if %cond3A_2 {
      "tpu.region"() ({
        %run_scoped3A_280 = tpu.sem_alloc : memref<!tpu.dma_semaphore, #tpu.memory_space<semaphore_mem>>
        %dma_start3A_281 = arith.constant 0 : i32
        %dma_start3A_282 = tpu.memref_slice %arg13[%mul3A_0, %dma_start3A_281] : memref<10008x32xf32, #tpu.memory_space<vmem_shared>> -> memref<625x32xf32, #tpu.memory_space<vmem_shared>>
        %dma_start3A_283 = arith.constant 0 : i32
        %dma_start3A_284 = tpu.memref_slice %arg3[%mul3A_0, %dma_start3A_283] : memref<10000x32xf32, #tpu.memory_space<hbm>> -> memref<625x32xf32, #tpu.memory_space<hbm>>
        tpu.enqueue_dma source(%dma_start3A_284 : memref<625x32xf32, #tpu.memory_space<hbm>>) target(%dma_start3A_282 : memref<625x32xf32, #tpu.memory_space<vmem_shared>>) target_semaphore(%run_scoped3A_280 : memref<!tpu.dma_semaphore, #tpu.memory_space<semaphore_mem>>)
        %dma_wait3A_285 = arith.constant 0 : i32
        %dma_wait3A_286 = tpu.memref_slice %arg13[%mul3A_0, %dma_wait3A_285] : memref<10008x32xf32, #tpu.memory_space<vmem_shared>> -> memref<625x32xf32, #tpu.memory_space<vmem_shared>>
        %dma_wait3A_287 = arith.constant 0 : i32
        %dma_wait3A_288 = tpu.memref_slice %arg3[%mul3A_0, %dma_wait3A_287] : memref<10000x32xf32, #tpu.memory_space<hbm>> -> memref<625x32xf32, #tpu.memory_space<hbm>>
        tpu.wait_dma2 semaphore(%run_scoped3A_280 : memref<!tpu.dma_semaphore, #tpu.memory_space<semaphore_mem>>) src(%dma_wait3A_288 : memref<625x32xf32, #tpu.memory_space<hbm>>) dst(%dma_wait3A_286 : memref<625x32xf32, #tpu.memory_space<vmem_shared>>)
        tpu.yield
      }) : () -> ()
      %eq3A_8 = arith.constant 0 : i32
      %eq3A_9 = arith.cmpi eq, %arg1, %eq3A_8 : i32
      %convert_element_type3A_10 = arith.extui %eq3A_9 : i1 to i32
      %cond3A_11 = arith.constant 0 : i32
      %cond3A_12 = arith.cmpi ne, %convert_element_type3A_10, %cond3A_11 : i32
      scf.if %cond3A_12 {
        "tpu.region"() ({
          %run_scoped3A_280 = tpu.sem_alloc : memref<!tpu.dma_semaphore, #tpu.memory_space<semaphore_mem>>
          %dma_start3A_281 = arith.constant 10000 : i32
          %dma_start3A_282 = arith.constant 0 : i32
          %dma_start3A_283 = tpu.memref_slice %arg13[%dma_start3A_281, %dma_start3A_282] : memref<10008x32xf32, #tpu.memory_space<vmem_shared>> -> memref<8x32xf32, #tpu.memory_space<vmem_shared>>
          %dma_start3A_284 = arith.constant 0 : i32
          %dma_start3A_285 = arith.constant 0 : i32
          %dma_start3A_286 = tpu.memref_slice %arg3[%dma_start3A_284, %dma_start3A_285] : memref<10000x32xf32, #tpu.memory_space<hbm>> -> memref<8x32xf32, #tpu.memory_space<hbm>>
          tpu.enqueue_dma source(%dma_start3A_286 : memref<8x32xf32, #tpu.memory_space<hbm>>) target(%dma_start3A_283 : memref<8x32xf32, #tpu.memory_space<vmem_shared>>) target_semaphore(%run_scoped3A_280 : memref<!tpu.dma_semaphore, #tpu.memory_space<semaphore_mem>>)
          %dma_wait3A_287 = arith.constant 10000 : i32
          %dma_wait3A_288 = arith.constant 0 : i32
          %dma_wait3A_289 = tpu.memref_slice %arg13[%dma_wait3A_287, %dma_wait3A_288] : memref<10008x32xf32, #tpu.memory_space<vmem_shared>> -> memref<8x32xf32, #tpu.memory_space<vmem_shared>>
          %dma_wait3A_290 = arith.constant 0 : i32
          %dma_wait3A_291 = arith.constant 0 : i32
          %dma_wait3A_292 = tpu.memref_slice %arg3[%dma_wait3A_290, %dma_wait3A_291] : memref<10000x32xf32, #tpu.memory_space<hbm>> -> memref<8x32xf32, #tpu.memory_space<hbm>>
          tpu.wait_dma2 semaphore(%run_scoped3A_280 : memref<!tpu.dma_semaphore, #tpu.memory_space<semaphore_mem>>) src(%dma_wait3A_292 : memref<8x32xf32, #tpu.memory_space<hbm>>) dst(%dma_wait3A_289 : memref<8x32xf32, #tpu.memory_space<vmem_shared>>)
          tpu.yield
        }) : () -> ()
      } else {
      }
      %barrier3A = arith.constant 0 : index
      tpu.barrier barrier_id(%barrier3A)
      %dma_start3A = arith.constant 0 : i32
      %dma_start3A_13 = arith.constant 0 : i32
      %dma_start3A_14 = arith.constant 0 : i32
      %dma_start3A_15 = tpu.memref_slice %arg2[%arg1, %dma_start3A, %dma_start3A_13, %dma_start3A_14] : memref<16x80x2x128xi32, #tpu.memory_space<hbm>> -> memref<1x1x2x128xi32, #tpu.memory_space<hbm>>
      %dma_start3A_16 = tpu.memref_squeeze %dma_start3A_15 : memref<1x1x2x128xi32, #tpu.memory_space<hbm>> -> memref<2x128xi32, #tpu.memory_space<hbm>>
      %dma_start3A_17 = arith.constant 0 : i32
      %dma_start3A_18 = arith.constant 0 : i32
      %dma_start3A_19 = tpu.memref_slice %arg2[%arg1, %dma_start3A, %dma_start3A_17, %dma_start3A_18] : memref<16x80x2x128xi32, #tpu.memory_space<hbm>> -> memref<1x1x2x128xi32, #tpu.memory_space<hbm>>
      %dma_start3A_20 = tpu.memref_squeeze %dma_start3A_19 : memref<1x1x2x128xi32, #tpu.memory_space<hbm>> -> memref<2x128xi32, #tpu.memory_space<hbm>>
      tpu.enqueue_dma source(%dma_start3A_20 : memref<2x128xi32, #tpu.memory_space<hbm>>) target(%arg7 : memref<2x128xi32, #tpu.memory_space<vmem>>) target_semaphore(%arg14 : memref<!tpu.dma_semaphore, #tpu.memory_space<semaphore_mem>>)
      %dma_start3A_21 = arith.constant 1 : i32
      %dma_start3A_22 = arith.constant 0 : i32
      %dma_start3A_23 = arith.constant 0 : i32
      %dma_start3A_24 = tpu.memref_slice %arg2[%arg1, %dma_start3A_21, %dma_start3A_22, %dma_start3A_23] : memref<16x80x2x128xi32, #tpu.memory_space<hbm>> -> memref<1x1x2x128xi32, #tpu.memory_space<hbm>>
      %dma_start3A_25 = tpu.memref_squeeze %dma_start3A_24 : memref<1x1x2x128xi32, #tpu.memory_space<hbm>> -> memref<2x128xi32, #tpu.memory_space<hbm>>
      %dma_start3A_26 = arith.constant 0 : i32
      %dma_start3A_27 = arith.constant 0 : i32
      %dma_start3A_28 = tpu.memref_slice %arg2[%arg1, %dma_start3A_21, %dma_start3A_26, %dma_start3A_27] : memref<16x80x2x128xi32, #tpu.memory_space<hbm>> -> memref<1x1x2x128xi32, #tpu.memory_space<hbm>>
      %dma_start3A_29 = tpu.memref_squeeze %dma_start3A_28 : memref<1x1x2x128xi32, #tpu.memory_space<hbm>> -> memref<2x128xi32, #tpu.memory_space<hbm>>
      tpu.enqueue_dma source(%dma_start3A_29 : memref<2x128xi32, #tpu.memory_space<hbm>>) target(%arg8 : memref<2x128xi32, #tpu.memory_space<vmem>>) target_semaphore(%arg15 : memref<!tpu.dma_semaphore, #tpu.memory_space<semaphore_mem>>)
      %dma_start3A_30 = arith.constant 2 : i32
      %dma_start3A_31 = arith.constant 0 : i32
      %dma_start3A_32 = arith.constant 0 : i32
      %dma_start3A_33 = tpu.memref_slice %arg2[%arg1, %dma_start3A_30, %dma_start3A_31, %dma_start3A_32] : memref<16x80x2x128xi32, #tpu.memory_space<hbm>> -> memref<1x1x2x128xi32, #tpu.memory_space<hbm>>
      %dma_start3A_34 = tpu.memref_squeeze %dma_start3A_33 : memref<1x1x2x128xi32, #tpu.memory_space<hbm>> -> memref<2x128xi32, #tpu.memory_space<hbm>>
      %dma_start3A_35 = arith.constant 0 : i32
      %dma_start3A_36 = arith.constant 0 : i32
      %dma_start3A_37 = tpu.memref_slice %arg2[%arg1, %dma_start3A_30, %dma_start3A_35, %dma_start3A_36] : memref<16x80x2x128xi32, #tpu.memory_space<hbm>> -> memref<1x1x2x128xi32, #tpu.memory_space<hbm>>
      %dma_start3A_38 = tpu.memref_squeeze %dma_start3A_37 : memref<1x1x2x128xi32, #tpu.memory_space<hbm>> -> memref<2x128xi32, #tpu.memory_space<hbm>>
      tpu.enqueue_dma source(%dma_start3A_38 : memref<2x128xi32, #tpu.memory_space<hbm>>) target(%arg9 : memref<2x128xi32, #tpu.memory_space<vmem>>) target_semaphore(%arg16 : memref<!tpu.dma_semaphore, #tpu.memory_space<semaphore_mem>>)
      %dma_start3A_39 = arith.constant 3 : i32
      %dma_start3A_40 = arith.constant 0 : i32
      %dma_start3A_41 = arith.constant 0 : i32
      %dma_start3A_42 = tpu.memref_slice %arg2[%arg1, %dma_start3A_39, %dma_start3A_40, %dma_start3A_41] : memref<16x80x2x128xi32, #tpu.memory_space<hbm>> -> memref<1x1x2x128xi32, #tpu.memory_space<hbm>>
      %dma_start3A_43 = tpu.memref_squeeze %dma_start3A_42 : memref<1x1x2x128xi32, #tpu.memory_space<hbm>> -> memref<2x128xi32, #tpu.memory_space<hbm>>
      %dma_start3A_44 = arith.constant 0 : i32
      %dma_start3A_45 = arith.constant 0 : i32
      %dma_start3A_46 = tpu.memref_slice %arg2[%arg1, %dma_start3A_39, %dma_start3A_44, %dma_start3A_45] : memref<16x80x2x128xi32, #tpu.memory_space<hbm>> -> memref<1x1x2x128xi32, #tpu.memory_space<hbm>>
      %dma_start3A_47 = tpu.memref_squeeze %dma_start3A_46 : memref<1x1x2x128xi32, #tpu.memory_space<hbm>> -> memref<2x128xi32, #tpu.memory_space<hbm>>
      tpu.enqueue_dma source(%dma_start3A_47 : memref<2x128xi32, #tpu.memory_space<hbm>>) target(%arg10 : memref<2x128xi32, #tpu.memory_space<vmem>>) target_semaphore(%arg17 : memref<!tpu.dma_semaphore, #tpu.memory_space<semaphore_mem>>)
      %dma_wait3A = arith.constant 0 : i32
      %dma_wait3A_48 = arith.constant 0 : i32
      %dma_wait3A_49 = arith.constant 0 : i32
      %dma_wait3A_50 = tpu.memref_slice %arg2[%arg1, %dma_wait3A, %dma_wait3A_48, %dma_wait3A_49] : memref<16x80x2x128xi32, #tpu.memory_space<hbm>> -> memref<1x1x2x128xi32, #tpu.memory_space<hbm>>
      %dma_wait3A_51 = tpu.memref_squeeze %dma_wait3A_50 : memref<1x1x2x128xi32, #tpu.memory_space<hbm>> -> memref<2x128xi32, #tpu.memory_space<hbm>>
      %dma_wait3A_52 = arith.constant 0 : i32
      %dma_wait3A_53 = arith.constant 0 : i32
      %dma_wait3A_54 = tpu.memref_slice %arg2[%arg1, %dma_wait3A, %dma_wait3A_52, %dma_wait3A_53] : memref<16x80x2x128xi32, #tpu.memory_space<hbm>> -> memref<1x1x2x128xi32, #tpu.memory_space<hbm>>
      %dma_wait3A_55 = tpu.memref_squeeze %dma_wait3A_54 : memref<1x1x2x128xi32, #tpu.memory_space<hbm>> -> memref<2x128xi32, #tpu.memory_space<hbm>>
      tpu.wait_dma2 semaphore(%arg14 : memref<!tpu.dma_semaphore, #tpu.memory_space<semaphore_mem>>) src(%dma_wait3A_55 : memref<2x128xi32, #tpu.memory_space<hbm>>) dst(%arg7 : memref<2x128xi32, #tpu.memory_space<vmem>>)
      %dma_start3A_56 = arith.constant 0 : i32
      %dma_start3A_57 = arith.constant 0 : i32
      %dma_start3A_58 = tpu.memref_slice %arg7[%dma_start3A_56, %dma_start3A_57] : memref<2x128xi32, #tpu.memory_space<vmem>> -> memref<1x128xi32, #tpu.memory_space<vmem>>
      %dma_start3A_59 = tpu.memref_squeeze %dma_start3A_58 : memref<1x128xi32, #tpu.memory_space<vmem>> -> memref<128xi32, #tpu.memory_space<vmem>>
      %dma_start3A_60 = arith.constant 0 : i32
      %dma_start3A_61 = arith.constant 0 : i32
      %dma_start3A_62 = tpu.memref_slice %arg3[%dma_start3A_60, %dma_start3A_61] : memref<10000x32xf32, #tpu.memory_space<hbm>> -> memref<10000x32xf32, #tpu.memory_space<hbm>>
      tpu.enqueue_indirect_dma source(%dma_start3A_62 : memref<10000x32xf32, #tpu.memory_space<hbm>>) target(%arg11 : memref<128x32xf32, #tpu.memory_space<vmem>>) offsets(%dma_start3A_59 : memref<128xi32, #tpu.memory_space<vmem>>) semaphore(%arg18 : memref<!tpu.dma_semaphore, #tpu.memory_space<semaphore_mem>>)
      %dma_wait3A_63 = arith.constant 1 : i32
      %dma_wait3A_64 = arith.constant 0 : i32
      %dma_wait3A_65 = arith.constant 0 : i32
      %dma_wait3A_66 = tpu.memref_slice %arg2[%arg1, %dma_wait3A_63, %dma_wait3A_64, %dma_wait3A_65] : memref<16x80x2x128xi32, #tpu.memory_space<hbm>> -> memref<1x1x2x128xi32, #tpu.memory_space<hbm>>
      %dma_wait3A_67 = tpu.memref_squeeze %dma_wait3A_66 : memref<1x1x2x128xi32, #tpu.memory_space<hbm>> -> memref<2x128xi32, #tpu.memory_space<hbm>>
      %dma_wait3A_68 = arith.constant 0 : i32
      %dma_wait3A_69 = arith.constant 0 : i32
      %dma_wait3A_70 = tpu.memref_slice %arg2[%arg1, %dma_wait3A_63, %dma_wait3A_68, %dma_wait3A_69] : memref<16x80x2x128xi32, #tpu.memory_space<hbm>> -> memref<1x1x2x128xi32, #tpu.memory_space<hbm>>
      %dma_wait3A_71 = tpu.memref_squeeze %dma_wait3A_70 : memref<1x1x2x128xi32, #tpu.memory_space<hbm>> -> memref<2x128xi32, #tpu.memory_space<hbm>>
      tpu.wait_dma2 semaphore(%arg15 : memref<!tpu.dma_semaphore, #tpu.memory_space<semaphore_mem>>) src(%dma_wait3A_71 : memref<2x128xi32, #tpu.memory_space<hbm>>) dst(%arg8 : memref<2x128xi32, #tpu.memory_space<vmem>>)
      %dma_start3A_72 = arith.constant 0 : i32
      %dma_start3A_73 = arith.constant 0 : i32
      %dma_start3A_74 = tpu.memref_slice %arg8[%dma_start3A_72, %dma_start3A_73] : memref<2x128xi32, #tpu.memory_space<vmem>> -> memref<1x128xi32, #tpu.memory_space<vmem>>
      %dma_start3A_75 = tpu.memref_squeeze %dma_start3A_74 : memref<1x128xi32, #tpu.memory_space<vmem>> -> memref<128xi32, #tpu.memory_space<vmem>>
      %dma_start3A_76 = arith.constant 0 : i32
      %dma_start3A_77 = arith.constant 0 : i32
      %dma_start3A_78 = tpu.memref_slice %arg3[%dma_start3A_76, %dma_start3A_77] : memref<10000x32xf32, #tpu.memory_space<hbm>> -> memref<10000x32xf32, #tpu.memory_space<hbm>>
      tpu.enqueue_indirect_dma source(%dma_start3A_78 : memref<10000x32xf32, #tpu.memory_space<hbm>>) target(%arg12 : memref<128x32xf32, #tpu.memory_space<vmem>>) offsets(%dma_start3A_75 : memref<128xi32, #tpu.memory_space<vmem>>) semaphore(%arg19 : memref<!tpu.dma_semaphore, #tpu.memory_space<semaphore_mem>>)
      %dma_wait3A_79 = arith.constant 0 : i32
      %dma_wait3A_80 = arith.constant 0 : i32
      %dma_wait3A_81 = tpu.memref_slice %arg7[%dma_wait3A_79, %dma_wait3A_80] : memref<2x128xi32, #tpu.memory_space<vmem>> -> memref<1x128xi32, #tpu.memory_space<vmem>>
      %dma_wait3A_82 = tpu.memref_squeeze %dma_wait3A_81 : memref<1x128xi32, #tpu.memory_space<vmem>> -> memref<128xi32, #tpu.memory_space<vmem>>
      %dma_wait3A_83 = arith.constant 0 : i32
      %dma_wait3A_84 = arith.constant 0 : i32
      %dma_wait3A_85 = tpu.memref_slice %arg3[%dma_wait3A_83, %dma_wait3A_84] : memref<10000x32xf32, #tpu.memory_space<hbm>> -> memref<10000x32xf32, #tpu.memory_space<hbm>>
      tpu.wait_indirect_dma semaphore(%arg18 : memref<!tpu.dma_semaphore, #tpu.memory_space<semaphore_mem>>) src(%dma_wait3A_85 : memref<10000x32xf32, #tpu.memory_space<hbm>>) dst(%arg11 : memref<128x32xf32, #tpu.memory_space<vmem>>)
      %run_scoped3A = arith.constant 1 : i32
      "tpu.region"() ({
        %run_scoped3A_280 = tpu.sem_alloc : memref<!tpu.dma_semaphore, #tpu.memory_space<semaphore_mem>>
        %dma_start3A_281 = arith.constant 0 : i32
        %dma_start3A_282 = tpu.memref_slice %arg7[%run_scoped3A, %dma_start3A_281] : memref<2x128xi32, #tpu.memory_space<vmem>> -> memref<1x128xi32, #tpu.memory_space<vmem>>
        %dma_start3A_283 = tpu.memref_squeeze %dma_start3A_282 : memref<1x128xi32, #tpu.memory_space<vmem>> -> memref<128xi32, #tpu.memory_space<vmem>>
        %dma_start3A_284 = arith.constant 0 : i32
        %dma_start3A_285 = arith.constant 0 : i32
        %dma_start3A_286 = tpu.memref_slice %arg13[%dma_start3A_284, %dma_start3A_285] : memref<10008x32xf32, #tpu.memory_space<vmem_shared>> -> memref<10008x32xf32, #tpu.memory_space<vmem_shared>>
        tpu.enqueue_indirect_dma source(%arg11 : memref<128x32xf32, #tpu.memory_space<vmem>>) target(%dma_start3A_286 : memref<10008x32xf32, #tpu.memory_space<vmem_shared>>) offsets(%dma_start3A_283 : memref<128xi32, #tpu.memory_space<vmem>>) semaphore(%run_scoped3A_280 : memref<!tpu.dma_semaphore, #tpu.memory_space<semaphore_mem>>) {add = true}
        %dma_wait3A_287 = arith.constant 0 : i32
        %dma_wait3A_288 = tpu.memref_slice %arg7[%run_scoped3A, %dma_wait3A_287] : memref<2x128xi32, #tpu.memory_space<vmem>> -> memref<1x128xi32, #tpu.memory_space<vmem>>
        %dma_wait3A_289 = tpu.memref_squeeze %dma_wait3A_288 : memref<1x128xi32, #tpu.memory_space<vmem>> -> memref<128xi32, #tpu.memory_space<vmem>>
        %dma_wait3A_290 = arith.constant 0 : i32
        %dma_wait3A_291 = arith.constant 0 : i32
        %dma_wait3A_292 = tpu.memref_slice %arg13[%dma_wait3A_290, %dma_wait3A_291] : memref<10008x32xf32, #tpu.memory_space<vmem_shared>> -> memref<10008x32xf32, #tpu.memory_space<vmem_shared>>
        tpu.wait_indirect_dma semaphore(%run_scoped3A_280 : memref<!tpu.dma_semaphore, #tpu.memory_space<semaphore_mem>>) src(%arg11 : memref<128x32xf32, #tpu.memory_space<vmem>>) dst(%dma_wait3A_292 : memref<10008x32xf32, #tpu.memory_space<vmem_shared>>)
        tpu.yield
      }) : () -> ()
      %dma_start3A_86 = arith.constant 4 : i32
      %dma_start3A_87 = arith.constant 0 : i32
      %dma_start3A_88 = arith.constant 0 : i32
      %dma_start3A_89 = tpu.memref_slice %arg2[%arg1, %dma_start3A_86, %dma_start3A_87, %dma_start3A_88] : memref<16x80x2x128xi32, #tpu.memory_space<hbm>> -> memref<1x1x2x128xi32, #tpu.memory_space<hbm>>
      %dma_start3A_90 = tpu.memref_squeeze %dma_start3A_89 : memref<1x1x2x128xi32, #tpu.memory_space<hbm>> -> memref<2x128xi32, #tpu.memory_space<hbm>>
      %dma_start3A_91 = arith.constant 0 : i32
      %dma_start3A_92 = arith.constant 0 : i32
      %dma_start3A_93 = tpu.memref_slice %arg2[%arg1, %dma_start3A_86, %dma_start3A_91, %dma_start3A_92] : memref<16x80x2x128xi32, #tpu.memory_space<hbm>> -> memref<1x1x2x128xi32, #tpu.memory_space<hbm>>
      %dma_start3A_94 = tpu.memref_squeeze %dma_start3A_93 : memref<1x1x2x128xi32, #tpu.memory_space<hbm>> -> memref<2x128xi32, #tpu.memory_space<hbm>>
      tpu.enqueue_dma source(%dma_start3A_94 : memref<2x128xi32, #tpu.memory_space<hbm>>) target(%arg7 : memref<2x128xi32, #tpu.memory_space<vmem>>) target_semaphore(%arg14 : memref<!tpu.dma_semaphore, #tpu.memory_space<semaphore_mem>>)
      %dma_wait3A_95 = arith.constant 2 : i32
      %dma_wait3A_96 = arith.constant 0 : i32
      %dma_wait3A_97 = arith.constant 0 : i32
      %dma_wait3A_98 = tpu.memref_slice %arg2[%arg1, %dma_wait3A_95, %dma_wait3A_96, %dma_wait3A_97] : memref<16x80x2x128xi32, #tpu.memory_space<hbm>> -> memref<1x1x2x128xi32, #tpu.memory_space<hbm>>
      %dma_wait3A_99 = tpu.memref_squeeze %dma_wait3A_98 : memref<1x1x2x128xi32, #tpu.memory_space<hbm>> -> memref<2x128xi32, #tpu.memory_space<hbm>>
      %dma_wait3A_100 = arith.constant 0 : i32
      %dma_wait3A_101 = arith.constant 0 : i32
      %dma_wait3A_102 = tpu.memref_slice %arg2[%arg1, %dma_wait3A_95, %dma_wait3A_100, %dma_wait3A_101] : memref<16x80x2x128xi32, #tpu.memory_space<hbm>> -> memref<1x1x2x128xi32, #tpu.memory_space<hbm>>
      %dma_wait3A_103 = tpu.memref_squeeze %dma_wait3A_102 : memref<1x1x2x128xi32, #tpu.memory_space<hbm>> -> memref<2x128xi32, #tpu.memory_space<hbm>>
      tpu.wait_dma2 semaphore(%arg16 : memref<!tpu.dma_semaphore, #tpu.memory_space<semaphore_mem>>) src(%dma_wait3A_103 : memref<2x128xi32, #tpu.memory_space<hbm>>) dst(%arg9 : memref<2x128xi32, #tpu.memory_space<vmem>>)
      %dma_start3A_104 = arith.constant 0 : i32
      %dma_start3A_105 = arith.constant 0 : i32
      %dma_start3A_106 = tpu.memref_slice %arg9[%dma_start3A_104, %dma_start3A_105] : memref<2x128xi32, #tpu.memory_space<vmem>> -> memref<1x128xi32, #tpu.memory_space<vmem>>
      %dma_start3A_107 = tpu.memref_squeeze %dma_start3A_106 : memref<1x128xi32, #tpu.memory_space<vmem>> -> memref<128xi32, #tpu.memory_space<vmem>>
      %dma_start3A_108 = arith.constant 0 : i32
      %dma_start3A_109 = arith.constant 0 : i32
      %dma_start3A_110 = tpu.memref_slice %arg3[%dma_start3A_108, %dma_start3A_109] : memref<10000x32xf32, #tpu.memory_space<hbm>> -> memref<10000x32xf32, #tpu.memory_space<hbm>>
      tpu.enqueue_indirect_dma source(%dma_start3A_110 : memref<10000x32xf32, #tpu.memory_space<hbm>>) target(%arg11 : memref<128x32xf32, #tpu.memory_space<vmem>>) offsets(%dma_start3A_107 : memref<128xi32, #tpu.memory_space<vmem>>) semaphore(%arg18 : memref<!tpu.dma_semaphore, #tpu.memory_space<semaphore_mem>>)
      %scan3A = arith.constant 0 : i32
      %scan3A_111 = arith.constant 0 : i32
      %scan3A_112 = arith.constant 18 : i32
      %scan3A_113 = arith.addi %scan3A_111, %scan3A_112 : i32
      %scan3A_114 = arith.constant 1 : i32
      scf.for %scan3A_280 = %scan3A_111 to %scan3A_113 step %scan3A_114  : i32 {
        %mul3A_281 = arith.constant 4 : i32
        %mul3A_282 = arith.muli %mul3A_281, %scan3A_280 : i32
        %add3A = arith.constant 1 : i32
        %add3A_283 = arith.addi %mul3A_282, %add3A : i32
        %add3A_284 = arith.constant 0 : i32
        %add3A_285 = arith.addi %add3A_283, %add3A_284 : i32
        %dma_wait3A_286 = arith.constant 0 : i32
        %dma_wait3A_287 = arith.constant 0 : i32
        %dma_wait3A_288 = tpu.memref_slice %arg8[%dma_wait3A_286, %dma_wait3A_287] : memref<2x128xi32, #tpu.memory_space<vmem>> -> memref<1x128xi32, #tpu.memory_space<vmem>>
        %dma_wait3A_289 = tpu.memref_squeeze %dma_wait3A_288 : memref<1x128xi32, #tpu.memory_space<vmem>> -> memref<128xi32, #tpu.memory_space<vmem>>
        %dma_wait3A_290 = arith.constant 0 : i32
        %dma_wait3A_291 = arith.constant 0 : i32
        %dma_wait3A_292 = tpu.memref_slice %arg3[%dma_wait3A_290, %dma_wait3A_291] : memref<10000x32xf32, #tpu.memory_space<hbm>> -> memref<10000x32xf32, #tpu.memory_space<hbm>>
        tpu.wait_indirect_dma semaphore(%arg19 : memref<!tpu.dma_semaphore, #tpu.memory_space<semaphore_mem>>) src(%dma_wait3A_292 : memref<10000x32xf32, #tpu.memory_space<hbm>>) dst(%arg12 : memref<128x32xf32, #tpu.memory_space<vmem>>)
        %run_scoped3A_293 = arith.constant 1 : i32
        "tpu.region"() ({
          %run_scoped3A_444 = tpu.sem_alloc : memref<!tpu.dma_semaphore, #tpu.memory_space<semaphore_mem>>
          %dma_start3A_445 = arith.constant 0 : i32
          %dma_start3A_446 = tpu.memref_slice %arg8[%run_scoped3A_293, %dma_start3A_445] : memref<2x128xi32, #tpu.memory_space<vmem>> -> memref<1x128xi32, #tpu.memory_space<vmem>>
          %dma_start3A_447 = tpu.memref_squeeze %dma_start3A_446 : memref<1x128xi32, #tpu.memory_space<vmem>> -> memref<128xi32, #tpu.memory_space<vmem>>
          %dma_start3A_448 = arith.constant 0 : i32
          %dma_start3A_449 = arith.constant 0 : i32
          %dma_start3A_450 = tpu.memref_slice %arg13[%dma_start3A_448, %dma_start3A_449] : memref<10008x32xf32, #tpu.memory_space<vmem_shared>> -> memref<10008x32xf32, #tpu.memory_space<vmem_shared>>
          tpu.enqueue_indirect_dma source(%arg12 : memref<128x32xf32, #tpu.memory_space<vmem>>) target(%dma_start3A_450 : memref<10008x32xf32, #tpu.memory_space<vmem_shared>>) offsets(%dma_start3A_447 : memref<128xi32, #tpu.memory_space<vmem>>) semaphore(%run_scoped3A_444 : memref<!tpu.dma_semaphore, #tpu.memory_space<semaphore_mem>>) {add = true}
          %dma_wait3A_451 = arith.constant 0 : i32
          %dma_wait3A_452 = tpu.memref_slice %arg8[%run_scoped3A_293, %dma_wait3A_451] : memref<2x128xi32, #tpu.memory_space<vmem>> -> memref<1x128xi32, #tpu.memory_space<vmem>>
          %dma_wait3A_453 = tpu.memref_squeeze %dma_wait3A_452 : memref<1x128xi32, #tpu.memory_space<vmem>> -> memref<128xi32, #tpu.memory_space<vmem>>
          %dma_wait3A_454 = arith.constant 0 : i32
          %dma_wait3A_455 = arith.constant 0 : i32
          %dma_wait3A_456 = tpu.memref_slice %arg13[%dma_wait3A_454, %dma_wait3A_455] : memref<10008x32xf32, #tpu.memory_space<vmem_shared>> -> memref<10008x32xf32, #tpu.memory_space<vmem_shared>>
          tpu.wait_indirect_dma semaphore(%run_scoped3A_444 : memref<!tpu.dma_semaphore, #tpu.memory_space<semaphore_mem>>) src(%arg12 : memref<128x32xf32, #tpu.memory_space<vmem>>) dst(%dma_wait3A_456 : memref<10008x32xf32, #tpu.memory_space<vmem_shared>>)
          tpu.yield
        }) : () -> ()
        %add3A_294 = arith.constant 4 : i32
        %add3A_295 = arith.addi %add3A_285, %add3A_294 : i32
        %dma_start3A_296 = arith.constant 0 : i32
        %dma_start3A_297 = arith.constant 0 : i32
        %dma_start3A_298 = tpu.memref_slice %arg2[%arg1, %add3A_295, %dma_start3A_296, %dma_start3A_297] : memref<16x80x2x128xi32, #tpu.memory_space<hbm>> -> memref<1x1x2x128xi32, #tpu.memory_space<hbm>>
        %dma_start3A_299 = tpu.memref_squeeze %dma_start3A_298 : memref<1x1x2x128xi32, #tpu.memory_space<hbm>> -> memref<2x128xi32, #tpu.memory_space<hbm>>
        %dma_start3A_300 = arith.constant 0 : i32
        %dma_start3A_301 = arith.constant 0 : i32
        %dma_start3A_302 = tpu.memref_slice %arg2[%arg1, %add3A_295, %dma_start3A_300, %dma_start3A_301] : memref<16x80x2x128xi32, #tpu.memory_space<hbm>> -> memref<1x1x2x128xi32, #tpu.memory_space<hbm>>
        %dma_start3A_303 = tpu.memref_squeeze %dma_start3A_302 : memref<1x1x2x128xi32, #tpu.memory_space<hbm>> -> memref<2x128xi32, #tpu.memory_space<hbm>>
        tpu.enqueue_dma source(%dma_start3A_303 : memref<2x128xi32, #tpu.memory_space<hbm>>) target(%arg8 : memref<2x128xi32, #tpu.memory_space<vmem>>) target_semaphore(%arg15 : memref<!tpu.dma_semaphore, #tpu.memory_space<semaphore_mem>>)
        %add3A_304 = arith.constant 2 : i32
        %add3A_305 = arith.addi %add3A_285, %add3A_304 : i32
        %dma_wait3A_306 = arith.constant 0 : i32
        %dma_wait3A_307 = arith.constant 0 : i32
        %dma_wait3A_308 = tpu.memref_slice %arg2[%arg1, %add3A_305, %dma_wait3A_306, %dma_wait3A_307] : memref<16x80x2x128xi32, #tpu.memory_space<hbm>> -> memref<1x1x2x128xi32, #tpu.memory_space<hbm>>
        %dma_wait3A_309 = tpu.memref_squeeze %dma_wait3A_308 : memref<1x1x2x128xi32, #tpu.memory_space<hbm>> -> memref<2x128xi32, #tpu.memory_space<hbm>>
        %dma_wait3A_310 = arith.constant 0 : i32
        %dma_wait3A_311 = arith.constant 0 : i32
        %dma_wait3A_312 = tpu.memref_slice %arg2[%arg1, %add3A_305, %dma_wait3A_310, %dma_wait3A_311] : memref<16x80x2x128xi32, #tpu.memory_space<hbm>> -> memref<1x1x2x128xi32, #tpu.memory_space<hbm>>
        %dma_wait3A_313 = tpu.memref_squeeze %dma_wait3A_312 : memref<1x1x2x128xi32, #tpu.memory_space<hbm>> -> memref<2x128xi32, #tpu.memory_space<hbm>>
        tpu.wait_dma2 semaphore(%arg17 : memref<!tpu.dma_semaphore, #tpu.memory_space<semaphore_mem>>) src(%dma_wait3A_313 : memref<2x128xi32, #tpu.memory_space<hbm>>) dst(%arg10 : memref<2x128xi32, #tpu.memory_space<vmem>>)
        %dma_start3A_314 = arith.constant 0 : i32
        %dma_start3A_315 = arith.constant 0 : i32
        %dma_start3A_316 = tpu.memref_slice %arg10[%dma_start3A_314, %dma_start3A_315] : memref<2x128xi32, #tpu.memory_space<vmem>> -> memref<1x128xi32, #tpu.memory_space<vmem>>
        %dma_start3A_317 = tpu.memref_squeeze %dma_start3A_316 : memref<1x128xi32, #tpu.memory_space<vmem>> -> memref<128xi32, #tpu.memory_space<vmem>>
        %dma_start3A_318 = arith.constant 0 : i32
        %dma_start3A_319 = arith.constant 0 : i32
        %dma_start3A_320 = tpu.memref_slice %arg3[%dma_start3A_318, %dma_start3A_319] : memref<10000x32xf32, #tpu.memory_space<hbm>> -> memref<10000x32xf32, #tpu.memory_space<hbm>>
        tpu.enqueue_indirect_dma source(%dma_start3A_320 : memref<10000x32xf32, #tpu.memory_space<hbm>>) target(%arg12 : memref<128x32xf32, #tpu.memory_space<vmem>>) offsets(%dma_start3A_317 : memref<128xi32, #tpu.memory_space<vmem>>) semaphore(%arg19 : memref<!tpu.dma_semaphore, #tpu.memory_space<semaphore_mem>>)
        %mul3A_321 = arith.constant 4 : i32
        %mul3A_322 = arith.muli %mul3A_321, %scan3A_280 : i32
        %add3A_323 = arith.constant 1 : i32
        %add3A_324 = arith.addi %mul3A_322, %add3A_323 : i32
        %add3A_325 = arith.constant 1 : i32
        %add3A_326 = arith.addi %add3A_324, %add3A_325 : i32
        %dma_wait3A_327 = arith.constant 0 : i32
        %dma_wait3A_328 = arith.constant 0 : i32
        %dma_wait3A_329 = tpu.memref_slice %arg9[%dma_wait3A_327, %dma_wait3A_328] : memref<2x128xi32, #tpu.memory_space<vmem>> -> memref<1x128xi32, #tpu.memory_space<vmem>>
        %dma_wait3A_330 = tpu.memref_squeeze %dma_wait3A_329 : memref<1x128xi32, #tpu.memory_space<vmem>> -> memref<128xi32, #tpu.memory_space<vmem>>
        %dma_wait3A_331 = arith.constant 0 : i32
        %dma_wait3A_332 = arith.constant 0 : i32
        %dma_wait3A_333 = tpu.memref_slice %arg3[%dma_wait3A_331, %dma_wait3A_332] : memref<10000x32xf32, #tpu.memory_space<hbm>> -> memref<10000x32xf32, #tpu.memory_space<hbm>>
        tpu.wait_indirect_dma semaphore(%arg18 : memref<!tpu.dma_semaphore, #tpu.memory_space<semaphore_mem>>) src(%dma_wait3A_333 : memref<10000x32xf32, #tpu.memory_space<hbm>>) dst(%arg11 : memref<128x32xf32, #tpu.memory_space<vmem>>)
        %run_scoped3A_334 = arith.constant 1 : i32
        "tpu.region"() ({
          %run_scoped3A_444 = tpu.sem_alloc : memref<!tpu.dma_semaphore, #tpu.memory_space<semaphore_mem>>
          %dma_start3A_445 = arith.constant 0 : i32
          %dma_start3A_446 = tpu.memref_slice %arg9[%run_scoped3A_334, %dma_start3A_445] : memref<2x128xi32, #tpu.memory_space<vmem>> -> memref<1x128xi32, #tpu.memory_space<vmem>>
          %dma_start3A_447 = tpu.memref_squeeze %dma_start3A_446 : memref<1x128xi32, #tpu.memory_space<vmem>> -> memref<128xi32, #tpu.memory_space<vmem>>
          %dma_start3A_448 = arith.constant 0 : i32
          %dma_start3A_449 = arith.constant 0 : i32
          %dma_start3A_450 = tpu.memref_slice %arg13[%dma_start3A_448, %dma_start3A_449] : memref<10008x32xf32, #tpu.memory_space<vmem_shared>> -> memref<10008x32xf32, #tpu.memory_space<vmem_shared>>
          tpu.enqueue_indirect_dma source(%arg11 : memref<128x32xf32, #tpu.memory_space<vmem>>) target(%dma_start3A_450 : memref<10008x32xf32, #tpu.memory_space<vmem_shared>>) offsets(%dma_start3A_447 : memref<128xi32, #tpu.memory_space<vmem>>) semaphore(%run_scoped3A_444 : memref<!tpu.dma_semaphore, #tpu.memory_space<semaphore_mem>>) {add = true}
          %dma_wait3A_451 = arith.constant 0 : i32
          %dma_wait3A_452 = tpu.memref_slice %arg9[%run_scoped3A_334, %dma_wait3A_451] : memref<2x128xi32, #tpu.memory_space<vmem>> -> memref<1x128xi32, #tpu.memory_space<vmem>>
          %dma_wait3A_453 = tpu.memref_squeeze %dma_wait3A_452 : memref<1x128xi32, #tpu.memory_space<vmem>> -> memref<128xi32, #tpu.memory_space<vmem>>
          %dma_wait3A_454 = arith.constant 0 : i32
          %dma_wait3A_455 = arith.constant 0 : i32
          %dma_wait3A_456 = tpu.memref_slice %arg13[%dma_wait3A_454, %dma_wait3A_455] : memref<10008x32xf32, #tpu.memory_space<vmem_shared>> -> memref<10008x32xf32, #tpu.memory_space<vmem_shared>>
          tpu.wait_indirect_dma semaphore(%run_scoped3A_444 : memref<!tpu.dma_semaphore, #tpu.memory_space<semaphore_mem>>) src(%arg11 : memref<128x32xf32, #tpu.memory_space<vmem>>) dst(%dma_wait3A_456 : memref<10008x32xf32, #tpu.memory_space<vmem_shared>>)
          tpu.yield
        }) : () -> ()
        %add3A_335 = arith.constant 4 : i32
        %add3A_336 = arith.addi %add3A_326, %add3A_335 : i32
        %dma_start3A_337 = arith.constant 0 : i32
        %dma_start3A_338 = arith.constant 0 : i32
        %dma_start3A_339 = tpu.memref_slice %arg2[%arg1, %add3A_336, %dma_start3A_337, %dma_start3A_338] : memref<16x80x2x128xi32, #tpu.memory_space<hbm>> -> memref<1x1x2x128xi32, #tpu.memory_space<hbm>>
        %dma_start3A_340 = tpu.memref_squeeze %dma_start3A_339 : memref<1x1x2x128xi32, #tpu.memory_space<hbm>> -> memref<2x128xi32, #tpu.memory_space<hbm>>
        %dma_start3A_341 = arith.constant 0 : i32
        %dma_start3A_342 = arith.constant 0 : i32
        %dma_start3A_343 = tpu.memref_slice %arg2[%arg1, %add3A_336, %dma_start3A_341, %dma_start3A_342] : memref<16x80x2x128xi32, #tpu.memory_space<hbm>> -> memref<1x1x2x128xi32, #tpu.memory_space<hbm>>
        %dma_start3A_344 = tpu.memref_squeeze %dma_start3A_343 : memref<1x1x2x128xi32, #tpu.memory_space<hbm>> -> memref<2x128xi32, #tpu.memory_space<hbm>>
        tpu.enqueue_dma source(%dma_start3A_344 : memref<2x128xi32, #tpu.memory_space<hbm>>) target(%arg9 : memref<2x128xi32, #tpu.memory_space<vmem>>) target_semaphore(%arg16 : memref<!tpu.dma_semaphore, #tpu.memory_space<semaphore_mem>>)
        %add3A_345 = arith.constant 2 : i32
        %add3A_346 = arith.addi %add3A_326, %add3A_345 : i32
        %dma_wait3A_347 = arith.constant 0 : i32
        %dma_wait3A_348 = arith.constant 0 : i32
        %dma_wait3A_349 = tpu.memref_slice %arg2[%arg1, %add3A_346, %dma_wait3A_347, %dma_wait3A_348] : memref<16x80x2x128xi32, #tpu.memory_space<hbm>> -> memref<1x1x2x128xi32, #tpu.memory_space<hbm>>
        %dma_wait3A_350 = tpu.memref_squeeze %dma_wait3A_349 : memref<1x1x2x128xi32, #tpu.memory_space<hbm>> -> memref<2x128xi32, #tpu.memory_space<hbm>>
        %dma_wait3A_351 = arith.constant 0 : i32
        %dma_wait3A_352 = arith.constant 0 : i32
        %dma_wait3A_353 = tpu.memref_slice %arg2[%arg1, %add3A_346, %dma_wait3A_351, %dma_wait3A_352] : memref<16x80x2x128xi32, #tpu.memory_space<hbm>> -> memref<1x1x2x128xi32, #tpu.memory_space<hbm>>
        %dma_wait3A_354 = tpu.memref_squeeze %dma_wait3A_353 : memref<1x1x2x128xi32, #tpu.memory_space<hbm>> -> memref<2x128xi32, #tpu.memory_space<hbm>>
        tpu.wait_dma2 semaphore(%arg14 : memref<!tpu.dma_semaphore, #tpu.memory_space<semaphore_mem>>) src(%dma_wait3A_354 : memref<2x128xi32, #tpu.memory_space<hbm>>) dst(%arg7 : memref<2x128xi32, #tpu.memory_space<vmem>>)
        %dma_start3A_355 = arith.constant 0 : i32
        %dma_start3A_356 = arith.constant 0 : i32
        %dma_start3A_357 = tpu.memref_slice %arg7[%dma_start3A_355, %dma_start3A_356] : memref<2x128xi32, #tpu.memory_space<vmem>> -> memref<1x128xi32, #tpu.memory_space<vmem>>
        %dma_start3A_358 = tpu.memref_squeeze %dma_start3A_357 : memref<1x128xi32, #tpu.memory_space<vmem>> -> memref<128xi32, #tpu.memory_space<vmem>>
        %dma_start3A_359 = arith.constant 0 : i32
        %dma_start3A_360 = arith.constant 0 : i32
        %dma_start3A_361 = tpu.memref_slice %arg3[%dma_start3A_359, %dma_start3A_360] : memref<10000x32xf32, #tpu.memory_space<hbm>> -> memref<10000x32xf32, #tpu.memory_space<hbm>>
        tpu.enqueue_indirect_dma source(%dma_start3A_361 : memref<10000x32xf32, #tpu.memory_space<hbm>>) target(%arg11 : memref<128x32xf32, #tpu.memory_space<vmem>>) offsets(%dma_start3A_358 : memref<128xi32, #tpu.memory_space<vmem>>) semaphore(%arg18 : memref<!tpu.dma_semaphore, #tpu.memory_space<semaphore_mem>>)
        %mul3A_362 = arith.constant 4 : i32
        %mul3A_363 = arith.muli %mul3A_362, %scan3A_280 : i32
        %add3A_364 = arith.constant 1 : i32
        %add3A_365 = arith.addi %mul3A_363, %add3A_364 : i32
        %add3A_366 = arith.constant 2 : i32
        %add3A_367 = arith.addi %add3A_365, %add3A_366 : i32
        %dma_wait3A_368 = arith.constant 0 : i32
        %dma_wait3A_369 = arith.constant 0 : i32
        %dma_wait3A_370 = tpu.memref_slice %arg10[%dma_wait3A_368, %dma_wait3A_369] : memref<2x128xi32, #tpu.memory_space<vmem>> -> memref<1x128xi32, #tpu.memory_space<vmem>>
        %dma_wait3A_371 = tpu.memref_squeeze %dma_wait3A_370 : memref<1x128xi32, #tpu.memory_space<vmem>> -> memref<128xi32, #tpu.memory_space<vmem>>
        %dma_wait3A_372 = arith.constant 0 : i32
        %dma_wait3A_373 = arith.constant 0 : i32
        %dma_wait3A_374 = tpu.memref_slice %arg3[%dma_wait3A_372, %dma_wait3A_373] : memref<10000x32xf32, #tpu.memory_space<hbm>> -> memref<10000x32xf32, #tpu.memory_space<hbm>>
        tpu.wait_indirect_dma semaphore(%arg19 : memref<!tpu.dma_semaphore, #tpu.memory_space<semaphore_mem>>) src(%dma_wait3A_374 : memref<10000x32xf32, #tpu.memory_space<hbm>>) dst(%arg12 : memref<128x32xf32, #tpu.memory_space<vmem>>)
        %run_scoped3A_375 = arith.constant 1 : i32
        "tpu.region"() ({
          %run_scoped3A_444 = tpu.sem_alloc : memref<!tpu.dma_semaphore, #tpu.memory_space<semaphore_mem>>
          %dma_start3A_445 = arith.constant 0 : i32
          %dma_start3A_446 = tpu.memref_slice %arg10[%run_scoped3A_375, %dma_start3A_445] : memref<2x128xi32, #tpu.memory_space<vmem>> -> memref<1x128xi32, #tpu.memory_space<vmem>>
          %dma_start3A_447 = tpu.memref_squeeze %dma_start3A_446 : memref<1x128xi32, #tpu.memory_space<vmem>> -> memref<128xi32, #tpu.memory_space<vmem>>
          %dma_start3A_448 = arith.constant 0 : i32
          %dma_start3A_449 = arith.constant 0 : i32
          %dma_start3A_450 = tpu.memref_slice %arg13[%dma_start3A_448, %dma_start3A_449] : memref<10008x32xf32, #tpu.memory_space<vmem_shared>> -> memref<10008x32xf32, #tpu.memory_space<vmem_shared>>
          tpu.enqueue_indirect_dma source(%arg12 : memref<128x32xf32, #tpu.memory_space<vmem>>) target(%dma_start3A_450 : memref<10008x32xf32, #tpu.memory_space<vmem_shared>>) offsets(%dma_start3A_447 : memref<128xi32, #tpu.memory_space<vmem>>) semaphore(%run_scoped3A_444 : memref<!tpu.dma_semaphore, #tpu.memory_space<semaphore_mem>>) {add = true}
          %dma_wait3A_451 = arith.constant 0 : i32
          %dma_wait3A_452 = tpu.memref_slice %arg10[%run_scoped3A_375, %dma_wait3A_451] : memref<2x128xi32, #tpu.memory_space<vmem>> -> memref<1x128xi32, #tpu.memory_space<vmem>>
          %dma_wait3A_453 = tpu.memref_squeeze %dma_wait3A_452 : memref<1x128xi32, #tpu.memory_space<vmem>> -> memref<128xi32, #tpu.memory_space<vmem>>
          %dma_wait3A_454 = arith.constant 0 : i32
          %dma_wait3A_455 = arith.constant 0 : i32
          %dma_wait3A_456 = tpu.memref_slice %arg13[%dma_wait3A_454, %dma_wait3A_455] : memref<10008x32xf32, #tpu.memory_space<vmem_shared>> -> memref<10008x32xf32, #tpu.memory_space<vmem_shared>>
          tpu.wait_indirect_dma semaphore(%run_scoped3A_444 : memref<!tpu.dma_semaphore, #tpu.memory_space<semaphore_mem>>) src(%arg12 : memref<128x32xf32, #tpu.memory_space<vmem>>) dst(%dma_wait3A_456 : memref<10008x32xf32, #tpu.memory_space<vmem_shared>>)
          tpu.yield
        }) : () -> ()
        %add3A_376 = arith.constant 4 : i32
        %add3A_377 = arith.addi %add3A_367, %add3A_376 : i32
        %dma_start3A_378 = arith.constant 0 : i32
        %dma_start3A_379 = arith.constant 0 : i32
        %dma_start3A_380 = tpu.memref_slice %arg2[%arg1, %add3A_377, %dma_start3A_378, %dma_start3A_379] : memref<16x80x2x128xi32, #tpu.memory_space<hbm>> -> memref<1x1x2x128xi32, #tpu.memory_space<hbm>>
        %dma_start3A_381 = tpu.memref_squeeze %dma_start3A_380 : memref<1x1x2x128xi32, #tpu.memory_space<hbm>> -> memref<2x128xi32, #tpu.memory_space<hbm>>
        %dma_start3A_382 = arith.constant 0 : i32
        %dma_start3A_383 = arith.constant 0 : i32
        %dma_start3A_384 = tpu.memref_slice %arg2[%arg1, %add3A_377, %dma_start3A_382, %dma_start3A_383] : memref<16x80x2x128xi32, #tpu.memory_space<hbm>> -> memref<1x1x2x128xi32, #tpu.memory_space<hbm>>
        %dma_start3A_385 = tpu.memref_squeeze %dma_start3A_384 : memref<1x1x2x128xi32, #tpu.memory_space<hbm>> -> memref<2x128xi32, #tpu.memory_space<hbm>>
        tpu.enqueue_dma source(%dma_start3A_385 : memref<2x128xi32, #tpu.memory_space<hbm>>) target(%arg10 : memref<2x128xi32, #tpu.memory_space<vmem>>) target_semaphore(%arg17 : memref<!tpu.dma_semaphore, #tpu.memory_space<semaphore_mem>>)
        %add3A_386 = arith.constant 2 : i32
        %add3A_387 = arith.addi %add3A_367, %add3A_386 : i32
        %dma_wait3A_388 = arith.constant 0 : i32
        %dma_wait3A_389 = arith.constant 0 : i32
        %dma_wait3A_390 = tpu.memref_slice %arg2[%arg1, %add3A_387, %dma_wait3A_388, %dma_wait3A_389] : memref<16x80x2x128xi32, #tpu.memory_space<hbm>> -> memref<1x1x2x128xi32, #tpu.memory_space<hbm>>
        %dma_wait3A_391 = tpu.memref_squeeze %dma_wait3A_390 : memref<1x1x2x128xi32, #tpu.memory_space<hbm>> -> memref<2x128xi32, #tpu.memory_space<hbm>>
        %dma_wait3A_392 = arith.constant 0 : i32
        %dma_wait3A_393 = arith.constant 0 : i32
        %dma_wait3A_394 = tpu.memref_slice %arg2[%arg1, %add3A_387, %dma_wait3A_392, %dma_wait3A_393] : memref<16x80x2x128xi32, #tpu.memory_space<hbm>> -> memref<1x1x2x128xi32, #tpu.memory_space<hbm>>
        %dma_wait3A_395 = tpu.memref_squeeze %dma_wait3A_394 : memref<1x1x2x128xi32, #tpu.memory_space<hbm>> -> memref<2x128xi32, #tpu.memory_space<hbm>>
        tpu.wait_dma2 semaphore(%arg15 : memref<!tpu.dma_semaphore, #tpu.memory_space<semaphore_mem>>) src(%dma_wait3A_395 : memref<2x128xi32, #tpu.memory_space<hbm>>) dst(%arg8 : memref<2x128xi32, #tpu.memory_space<vmem>>)
        %dma_start3A_396 = arith.constant 0 : i32
        %dma_start3A_397 = arith.constant 0 : i32
        %dma_start3A_398 = tpu.memref_slice %arg8[%dma_start3A_396, %dma_start3A_397] : memref<2x128xi32, #tpu.memory_space<vmem>> -> memref<1x128xi32, #tpu.memory_space<vmem>>
        %dma_start3A_399 = tpu.memref_squeeze %dma_start3A_398 : memref<1x128xi32, #tpu.memory_space<vmem>> -> memref<128xi32, #tpu.memory_space<vmem>>
        %dma_start3A_400 = arith.constant 0 : i32
        %dma_start3A_401 = arith.constant 0 : i32
        %dma_start3A_402 = tpu.memref_slice %arg3[%dma_start3A_400, %dma_start3A_401] : memref<10000x32xf32, #tpu.memory_space<hbm>> -> memref<10000x32xf32, #tpu.memory_space<hbm>>
        tpu.enqueue_indirect_dma source(%dma_start3A_402 : memref<10000x32xf32, #tpu.memory_space<hbm>>) target(%arg12 : memref<128x32xf32, #tpu.memory_space<vmem>>) offsets(%dma_start3A_399 : memref<128xi32, #tpu.memory_space<vmem>>) semaphore(%arg19 : memref<!tpu.dma_semaphore, #tpu.memory_space<semaphore_mem>>)
        %mul3A_403 = arith.constant 4 : i32
        %mul3A_404 = arith.muli %mul3A_403, %scan3A_280 : i32
        %add3A_405 = arith.constant 1 : i32
        %add3A_406 = arith.addi %mul3A_404, %add3A_405 : i32
        %add3A_407 = arith.constant 3 : i32
        %add3A_408 = arith.addi %add3A_406, %add3A_407 : i32
        %dma_wait3A_409 = arith.constant 0 : i32
        %dma_wait3A_410 = arith.constant 0 : i32
        %dma_wait3A_411 = tpu.memref_slice %arg7[%dma_wait3A_409, %dma_wait3A_410] : memref<2x128xi32, #tpu.memory_space<vmem>> -> memref<1x128xi32, #tpu.memory_space<vmem>>
        %dma_wait3A_412 = tpu.memref_squeeze %dma_wait3A_411 : memref<1x128xi32, #tpu.memory_space<vmem>> -> memref<128xi32, #tpu.memory_space<vmem>>
        %dma_wait3A_413 = arith.constant 0 : i32
        %dma_wait3A_414 = arith.constant 0 : i32
        %dma_wait3A_415 = tpu.memref_slice %arg3[%dma_wait3A_413, %dma_wait3A_414] : memref<10000x32xf32, #tpu.memory_space<hbm>> -> memref<10000x32xf32, #tpu.memory_space<hbm>>
        tpu.wait_indirect_dma semaphore(%arg18 : memref<!tpu.dma_semaphore, #tpu.memory_space<semaphore_mem>>) src(%dma_wait3A_415 : memref<10000x32xf32, #tpu.memory_space<hbm>>) dst(%arg11 : memref<128x32xf32, #tpu.memory_space<vmem>>)
        %run_scoped3A_416 = arith.constant 1 : i32
        "tpu.region"() ({
          %run_scoped3A_444 = tpu.sem_alloc : memref<!tpu.dma_semaphore, #tpu.memory_space<semaphore_mem>>
          %dma_start3A_445 = arith.constant 0 : i32
          %dma_start3A_446 = tpu.memref_slice %arg7[%run_scoped3A_416, %dma_start3A_445] : memref<2x128xi32, #tpu.memory_space<vmem>> -> memref<1x128xi32, #tpu.memory_space<vmem>>
          %dma_start3A_447 = tpu.memref_squeeze %dma_start3A_446 : memref<1x128xi32, #tpu.memory_space<vmem>> -> memref<128xi32, #tpu.memory_space<vmem>>
          %dma_start3A_448 = arith.constant 0 : i32
          %dma_start3A_449 = arith.constant 0 : i32
          %dma_start3A_450 = tpu.memref_slice %arg13[%dma_start3A_448, %dma_start3A_449] : memref<10008x32xf32, #tpu.memory_space<vmem_shared>> -> memref<10008x32xf32, #tpu.memory_space<vmem_shared>>
          tpu.enqueue_indirect_dma source(%arg11 : memref<128x32xf32, #tpu.memory_space<vmem>>) target(%dma_start3A_450 : memref<10008x32xf32, #tpu.memory_space<vmem_shared>>) offsets(%dma_start3A_447 : memref<128xi32, #tpu.memory_space<vmem>>) semaphore(%run_scoped3A_444 : memref<!tpu.dma_semaphore, #tpu.memory_space<semaphore_mem>>) {add = true}
          %dma_wait3A_451 = arith.constant 0 : i32
          %dma_wait3A_452 = tpu.memref_slice %arg7[%run_scoped3A_416, %dma_wait3A_451] : memref<2x128xi32, #tpu.memory_space<vmem>> -> memref<1x128xi32, #tpu.memory_space<vmem>>
          %dma_wait3A_453 = tpu.memref_squeeze %dma_wait3A_452 : memref<1x128xi32, #tpu.memory_space<vmem>> -> memref<128xi32, #tpu.memory_space<vmem>>
          %dma_wait3A_454 = arith.constant 0 : i32
          %dma_wait3A_455 = arith.constant 0 : i32
          %dma_wait3A_456 = tpu.memref_slice %arg13[%dma_wait3A_454, %dma_wait3A_455] : memref<10008x32xf32, #tpu.memory_space<vmem_shared>> -> memref<10008x32xf32, #tpu.memory_space<vmem_shared>>
          tpu.wait_indirect_dma semaphore(%run_scoped3A_444 : memref<!tpu.dma_semaphore, #tpu.memory_space<semaphore_mem>>) src(%arg11 : memref<128x32xf32, #tpu.memory_space<vmem>>) dst(%dma_wait3A_456 : memref<10008x32xf32, #tpu.memory_space<vmem_shared>>)
          tpu.yield
        }) : () -> ()
        %add3A_417 = arith.constant 4 : i32
        %add3A_418 = arith.addi %add3A_408, %add3A_417 : i32
        %dma_start3A_419 = arith.constant 0 : i32
        %dma_start3A_420 = arith.constant 0 : i32
        %dma_start3A_421 = tpu.memref_slice %arg2[%arg1, %add3A_418, %dma_start3A_419, %dma_start3A_420] : memref<16x80x2x128xi32, #tpu.memory_space<hbm>> -> memref<1x1x2x128xi32, #tpu.memory_space<hbm>>
        %dma_start3A_422 = tpu.memref_squeeze %dma_start3A_421 : memref<1x1x2x128xi32, #tpu.memory_space<hbm>> -> memref<2x128xi32, #tpu.memory_space<hbm>>
        %dma_start3A_423 = arith.constant 0 : i32
        %dma_start3A_424 = arith.constant 0 : i32
        %dma_start3A_425 = tpu.memref_slice %arg2[%arg1, %add3A_418, %dma_start3A_423, %dma_start3A_424] : memref<16x80x2x128xi32, #tpu.memory_space<hbm>> -> memref<1x1x2x128xi32, #tpu.memory_space<hbm>>
        %dma_start3A_426 = tpu.memref_squeeze %dma_start3A_425 : memref<1x1x2x128xi32, #tpu.memory_space<hbm>> -> memref<2x128xi32, #tpu.memory_space<hbm>>
        tpu.enqueue_dma source(%dma_start3A_426 : memref<2x128xi32, #tpu.memory_space<hbm>>) target(%arg7 : memref<2x128xi32, #tpu.memory_space<vmem>>) target_semaphore(%arg14 : memref<!tpu.dma_semaphore, #tpu.memory_space<semaphore_mem>>)
        %add3A_427 = arith.constant 2 : i32
        %add3A_428 = arith.addi %add3A_408, %add3A_427 : i32
        %dma_wait3A_429 = arith.constant 0 : i32
        %dma_wait3A_430 = arith.constant 0 : i32
        %dma_wait3A_431 = tpu.memref_slice %arg2[%arg1, %add3A_428, %dma_wait3A_429, %dma_wait3A_430] : memref<16x80x2x128xi32, #tpu.memory_space<hbm>> -> memref<1x1x2x128xi32, #tpu.memory_space<hbm>>
        %dma_wait3A_432 = tpu.memref_squeeze %dma_wait3A_431 : memref<1x1x2x128xi32, #tpu.memory_space<hbm>> -> memref<2x128xi32, #tpu.memory_space<hbm>>
        %dma_wait3A_433 = arith.constant 0 : i32
        %dma_wait3A_434 = arith.constant 0 : i32
        %dma_wait3A_435 = tpu.memref_slice %arg2[%arg1, %add3A_428, %dma_wait3A_433, %dma_wait3A_434] : memref<16x80x2x128xi32, #tpu.memory_space<hbm>> -> memref<1x1x2x128xi32, #tpu.memory_space<hbm>>
        %dma_wait3A_436 = tpu.memref_squeeze %dma_wait3A_435 : memref<1x1x2x128xi32, #tpu.memory_space<hbm>> -> memref<2x128xi32, #tpu.memory_space<hbm>>
        tpu.wait_dma2 semaphore(%arg16 : memref<!tpu.dma_semaphore, #tpu.memory_space<semaphore_mem>>) src(%dma_wait3A_436 : memref<2x128xi32, #tpu.memory_space<hbm>>) dst(%arg9 : memref<2x128xi32, #tpu.memory_space<vmem>>)
        %dma_start3A_437 = arith.constant 0 : i32
        %dma_start3A_438 = arith.constant 0 : i32
        %dma_start3A_439 = tpu.memref_slice %arg9[%dma_start3A_437, %dma_start3A_438] : memref<2x128xi32, #tpu.memory_space<vmem>> -> memref<1x128xi32, #tpu.memory_space<vmem>>
        %dma_start3A_440 = tpu.memref_squeeze %dma_start3A_439 : memref<1x128xi32, #tpu.memory_space<vmem>> -> memref<128xi32, #tpu.memory_space<vmem>>
        %dma_start3A_441 = arith.constant 0 : i32
        %dma_start3A_442 = arith.constant 0 : i32
        %dma_start3A_443 = tpu.memref_slice %arg3[%dma_start3A_441, %dma_start3A_442] : memref<10000x32xf32, #tpu.memory_space<hbm>> -> memref<10000x32xf32, #tpu.memory_space<hbm>>
        tpu.enqueue_indirect_dma source(%dma_start3A_443 : memref<10000x32xf32, #tpu.memory_space<hbm>>) target(%arg11 : memref<128x32xf32, #tpu.memory_space<vmem>>) offsets(%dma_start3A_440 : memref<128xi32, #tpu.memory_space<vmem>>) semaphore(%arg18 : memref<!tpu.dma_semaphore, #tpu.memory_space<semaphore_mem>>)
      }
      %scan3A_115 = arith.constant 18 : i32
      %dma_wait3A_116 = arith.constant 0 : i32
      %dma_wait3A_117 = arith.constant 0 : i32
      %dma_wait3A_118 = tpu.memref_slice %arg8[%dma_wait3A_116, %dma_wait3A_117] : memref<2x128xi32, #tpu.memory_space<vmem>> -> memref<1x128xi32, #tpu.memory_space<vmem>>
      %dma_wait3A_119 = tpu.memref_squeeze %dma_wait3A_118 : memref<1x128xi32, #tpu.memory_space<vmem>> -> memref<128xi32, #tpu.memory_space<vmem>>
      %dma_wait3A_120 = arith.constant 0 : i32
      %dma_wait3A_121 = arith.constant 0 : i32
      %dma_wait3A_122 = tpu.memref_slice %arg3[%dma_wait3A_120, %dma_wait3A_121] : memref<10000x32xf32, #tpu.memory_space<hbm>> -> memref<10000x32xf32, #tpu.memory_space<hbm>>
      tpu.wait_indirect_dma semaphore(%arg19 : memref<!tpu.dma_semaphore, #tpu.memory_space<semaphore_mem>>) src(%dma_wait3A_122 : memref<10000x32xf32, #tpu.memory_space<hbm>>) dst(%arg12 : memref<128x32xf32, #tpu.memory_space<vmem>>)
      %run_scoped3A_123 = arith.constant 1 : i32
      "tpu.region"() ({
        %run_scoped3A_280 = tpu.sem_alloc : memref<!tpu.dma_semaphore, #tpu.memory_space<semaphore_mem>>
        %dma_start3A_281 = arith.constant 0 : i32
        %dma_start3A_282 = tpu.memref_slice %arg8[%run_scoped3A_123, %dma_start3A_281] : memref<2x128xi32, #tpu.memory_space<vmem>> -> memref<1x128xi32, #tpu.memory_space<vmem>>
        %dma_start3A_283 = tpu.memref_squeeze %dma_start3A_282 : memref<1x128xi32, #tpu.memory_space<vmem>> -> memref<128xi32, #tpu.memory_space<vmem>>
        %dma_start3A_284 = arith.constant 0 : i32
        %dma_start3A_285 = arith.constant 0 : i32
        %dma_start3A_286 = tpu.memref_slice %arg13[%dma_start3A_284, %dma_start3A_285] : memref<10008x32xf32, #tpu.memory_space<vmem_shared>> -> memref<10008x32xf32, #tpu.memory_space<vmem_shared>>
        tpu.enqueue_indirect_dma source(%arg12 : memref<128x32xf32, #tpu.memory_space<vmem>>) target(%dma_start3A_286 : memref<10008x32xf32, #tpu.memory_space<vmem_shared>>) offsets(%dma_start3A_283 : memref<128xi32, #tpu.memory_space<vmem>>) semaphore(%run_scoped3A_280 : memref<!tpu.dma_semaphore, #tpu.memory_space<semaphore_mem>>) {add = true}
        %dma_wait3A_287 = arith.constant 0 : i32
        %dma_wait3A_288 = tpu.memref_slice %arg8[%run_scoped3A_123, %dma_wait3A_287] : memref<2x128xi32, #tpu.memory_space<vmem>> -> memref<1x128xi32, #tpu.memory_space<vmem>>
        %dma_wait3A_289 = tpu.memref_squeeze %dma_wait3A_288 : memref<1x128xi32, #tpu.memory_space<vmem>> -> memref<128xi32, #tpu.memory_space<vmem>>
        %dma_wait3A_290 = arith.constant 0 : i32
        %dma_wait3A_291 = arith.constant 0 : i32
        %dma_wait3A_292 = tpu.memref_slice %arg13[%dma_wait3A_290, %dma_wait3A_291] : memref<10008x32xf32, #tpu.memory_space<vmem_shared>> -> memref<10008x32xf32, #tpu.memory_space<vmem_shared>>
        tpu.wait_indirect_dma semaphore(%run_scoped3A_280 : memref<!tpu.dma_semaphore, #tpu.memory_space<semaphore_mem>>) src(%arg12 : memref<128x32xf32, #tpu.memory_space<vmem>>) dst(%dma_wait3A_292 : memref<10008x32xf32, #tpu.memory_space<vmem_shared>>)
        tpu.yield
      }) : () -> ()
      %dma_start3A_124 = arith.constant 77 : i32
      %dma_start3A_125 = arith.constant 0 : i32
      %dma_start3A_126 = arith.constant 0 : i32
      %dma_start3A_127 = tpu.memref_slice %arg2[%arg1, %dma_start3A_124, %dma_start3A_125, %dma_start3A_126] : memref<16x80x2x128xi32, #tpu.memory_space<hbm>> -> memref<1x1x2x128xi32, #tpu.memory_space<hbm>>
      %dma_start3A_128 = tpu.memref_squeeze %dma_start3A_127 : memref<1x1x2x128xi32, #tpu.memory_space<hbm>> -> memref<2x128xi32, #tpu.memory_space<hbm>>
      %dma_start3A_129 = arith.constant 0 : i32
      %dma_start3A_130 = arith.constant 0 : i32
      %dma_start3A_131 = tpu.memref_slice %arg2[%arg1, %dma_start3A_124, %dma_start3A_129, %dma_start3A_130] : memref<16x80x2x128xi32, #tpu.memory_space<hbm>> -> memref<1x1x2x128xi32, #tpu.memory_space<hbm>>
      %dma_start3A_132 = tpu.memref_squeeze %dma_start3A_131 : memref<1x1x2x128xi32, #tpu.memory_space<hbm>> -> memref<2x128xi32, #tpu.memory_space<hbm>>
      tpu.enqueue_dma source(%dma_start3A_132 : memref<2x128xi32, #tpu.memory_space<hbm>>) target(%arg8 : memref<2x128xi32, #tpu.memory_space<vmem>>) target_semaphore(%arg15 : memref<!tpu.dma_semaphore, #tpu.memory_space<semaphore_mem>>)
      %dma_wait3A_133 = arith.constant 75 : i32
      %dma_wait3A_134 = arith.constant 0 : i32
      %dma_wait3A_135 = arith.constant 0 : i32
      %dma_wait3A_136 = tpu.memref_slice %arg2[%arg1, %dma_wait3A_133, %dma_wait3A_134, %dma_wait3A_135] : memref<16x80x2x128xi32, #tpu.memory_space<hbm>> -> memref<1x1x2x128xi32, #tpu.memory_space<hbm>>
      %dma_wait3A_137 = tpu.memref_squeeze %dma_wait3A_136 : memref<1x1x2x128xi32, #tpu.memory_space<hbm>> -> memref<2x128xi32, #tpu.memory_space<hbm>>
      %dma_wait3A_138 = arith.constant 0 : i32
      %dma_wait3A_139 = arith.constant 0 : i32
      %dma_wait3A_140 = tpu.memref_slice %arg2[%arg1, %dma_wait3A_133, %dma_wait3A_138, %dma_wait3A_139] : memref<16x80x2x128xi32, #tpu.memory_space<hbm>> -> memref<1x1x2x128xi32, #tpu.memory_space<hbm>>
      %dma_wait3A_141 = tpu.memref_squeeze %dma_wait3A_140 : memref<1x1x2x128xi32, #tpu.memory_space<hbm>> -> memref<2x128xi32, #tpu.memory_space<hbm>>
      tpu.wait_dma2 semaphore(%arg17 : memref<!tpu.dma_semaphore, #tpu.memory_space<semaphore_mem>>) src(%dma_wait3A_141 : memref<2x128xi32, #tpu.memory_space<hbm>>) dst(%arg10 : memref<2x128xi32, #tpu.memory_space<vmem>>)
      %dma_start3A_142 = arith.constant 0 : i32
      %dma_start3A_143 = arith.constant 0 : i32
      %dma_start3A_144 = tpu.memref_slice %arg10[%dma_start3A_142, %dma_start3A_143] : memref<2x128xi32, #tpu.memory_space<vmem>> -> memref<1x128xi32, #tpu.memory_space<vmem>>
      %dma_start3A_145 = tpu.memref_squeeze %dma_start3A_144 : memref<1x128xi32, #tpu.memory_space<vmem>> -> memref<128xi32, #tpu.memory_space<vmem>>
      %dma_start3A_146 = arith.constant 0 : i32
      %dma_start3A_147 = arith.constant 0 : i32
      %dma_start3A_148 = tpu.memref_slice %arg3[%dma_start3A_146, %dma_start3A_147] : memref<10000x32xf32, #tpu.memory_space<hbm>> -> memref<10000x32xf32, #tpu.memory_space<hbm>>
      tpu.enqueue_indirect_dma source(%dma_start3A_148 : memref<10000x32xf32, #tpu.memory_space<hbm>>) target(%arg12 : memref<128x32xf32, #tpu.memory_space<vmem>>) offsets(%dma_start3A_145 : memref<128xi32, #tpu.memory_space<vmem>>) semaphore(%arg19 : memref<!tpu.dma_semaphore, #tpu.memory_space<semaphore_mem>>)
      %dma_wait3A_149 = arith.constant 0 : i32
      %dma_wait3A_150 = arith.constant 0 : i32
      %dma_wait3A_151 = tpu.memref_slice %arg9[%dma_wait3A_149, %dma_wait3A_150] : memref<2x128xi32, #tpu.memory_space<vmem>> -> memref<1x128xi32, #tpu.memory_space<vmem>>
      %dma_wait3A_152 = tpu.memref_squeeze %dma_wait3A_151 : memref<1x128xi32, #tpu.memory_space<vmem>> -> memref<128xi32, #tpu.memory_space<vmem>>
      %dma_wait3A_153 = arith.constant 0 : i32
      %dma_wait3A_154 = arith.constant 0 : i32
      %dma_wait3A_155 = tpu.memref_slice %arg3[%dma_wait3A_153, %dma_wait3A_154] : memref<10000x32xf32, #tpu.memory_space<hbm>> -> memref<10000x32xf32, #tpu.memory_space<hbm>>
      tpu.wait_indirect_dma semaphore(%arg18 : memref<!tpu.dma_semaphore, #tpu.memory_space<semaphore_mem>>) src(%dma_wait3A_155 : memref<10000x32xf32, #tpu.memory_space<hbm>>) dst(%arg11 : memref<128x32xf32, #tpu.memory_space<vmem>>)
      %run_scoped3A_156 = arith.constant 1 : i32
      "tpu.region"() ({
        %run_scoped3A_280 = tpu.sem_alloc : memref<!tpu.dma_semaphore, #tpu.memory_space<semaphore_mem>>
        %dma_start3A_281 = arith.constant 0 : i32
        %dma_start3A_282 = tpu.memref_slice %arg9[%run_scoped3A_156, %dma_start3A_281] : memref<2x128xi32, #tpu.memory_space<vmem>> -> memref<1x128xi32, #tpu.memory_space<vmem>>
        %dma_start3A_283 = tpu.memref_squeeze %dma_start3A_282 : memref<1x128xi32, #tpu.memory_space<vmem>> -> memref<128xi32, #tpu.memory_space<vmem>>
        %dma_start3A_284 = arith.constant 0 : i32
        %dma_start3A_285 = arith.constant 0 : i32
        %dma_start3A_286 = tpu.memref_slice %arg13[%dma_start3A_284, %dma_start3A_285] : memref<10008x32xf32, #tpu.memory_space<vmem_shared>> -> memref<10008x32xf32, #tpu.memory_space<vmem_shared>>
        tpu.enqueue_indirect_dma source(%arg11 : memref<128x32xf32, #tpu.memory_space<vmem>>) target(%dma_start3A_286 : memref<10008x32xf32, #tpu.memory_space<vmem_shared>>) offsets(%dma_start3A_283 : memref<128xi32, #tpu.memory_space<vmem>>) semaphore(%run_scoped3A_280 : memref<!tpu.dma_semaphore, #tpu.memory_space<semaphore_mem>>) {add = true}
        %dma_wait3A_287 = arith.constant 0 : i32
        %dma_wait3A_288 = tpu.memref_slice %arg9[%run_scoped3A_156, %dma_wait3A_287] : memref<2x128xi32, #tpu.memory_space<vmem>> -> memref<1x128xi32, #tpu.memory_space<vmem>>
        %dma_wait3A_289 = tpu.memref_squeeze %dma_wait3A_288 : memref<1x128xi32, #tpu.memory_space<vmem>> -> memref<128xi32, #tpu.memory_space<vmem>>
        %dma_wait3A_290 = arith.constant 0 : i32
        %dma_wait3A_291 = arith.constant 0 : i32
        %dma_wait3A_292 = tpu.memref_slice %arg13[%dma_wait3A_290, %dma_wait3A_291] : memref<10008x32xf32, #tpu.memory_space<vmem_shared>> -> memref<10008x32xf32, #tpu.memory_space<vmem_shared>>
        tpu.wait_indirect_dma semaphore(%run_scoped3A_280 : memref<!tpu.dma_semaphore, #tpu.memory_space<semaphore_mem>>) src(%arg11 : memref<128x32xf32, #tpu.memory_space<vmem>>) dst(%dma_wait3A_292 : memref<10008x32xf32, #tpu.memory_space<vmem_shared>>)
        tpu.yield
      }) : () -> ()
      %dma_start3A_157 = arith.constant 78 : i32
      %dma_start3A_158 = arith.constant 0 : i32
      %dma_start3A_159 = arith.constant 0 : i32
      %dma_start3A_160 = tpu.memref_slice %arg2[%arg1, %dma_start3A_157, %dma_start3A_158, %dma_start3A_159] : memref<16x80x2x128xi32, #tpu.memory_space<hbm>> -> memref<1x1x2x128xi32, #tpu.memory_space<hbm>>
      %dma_start3A_161 = tpu.memref_squeeze %dma_start3A_160 : memref<1x1x2x128xi32, #tpu.memory_space<hbm>> -> memref<2x128xi32, #tpu.memory_space<hbm>>
      %dma_start3A_162 = arith.constant 0 : i32
      %dma_start3A_163 = arith.constant 0 : i32
      %dma_start3A_164 = tpu.memref_slice %arg2[%arg1, %dma_start3A_157, %dma_start3A_162, %dma_start3A_163] : memref<16x80x2x128xi32, #tpu.memory_space<hbm>> -> memref<1x1x2x128xi32, #tpu.memory_space<hbm>>
      %dma_start3A_165 = tpu.memref_squeeze %dma_start3A_164 : memref<1x1x2x128xi32, #tpu.memory_space<hbm>> -> memref<2x128xi32, #tpu.memory_space<hbm>>
      tpu.enqueue_dma source(%dma_start3A_165 : memref<2x128xi32, #tpu.memory_space<hbm>>) target(%arg9 : memref<2x128xi32, #tpu.memory_space<vmem>>) target_semaphore(%arg16 : memref<!tpu.dma_semaphore, #tpu.memory_space<semaphore_mem>>)
      %dma_wait3A_166 = arith.constant 76 : i32
      %dma_wait3A_167 = arith.constant 0 : i32
      %dma_wait3A_168 = arith.constant 0 : i32
      %dma_wait3A_169 = tpu.memref_slice %arg2[%arg1, %dma_wait3A_166, %dma_wait3A_167, %dma_wait3A_168] : memref<16x80x2x128xi32, #tpu.memory_space<hbm>> -> memref<1x1x2x128xi32, #tpu.memory_space<hbm>>
      %dma_wait3A_170 = tpu.memref_squeeze %dma_wait3A_169 : memref<1x1x2x128xi32, #tpu.memory_space<hbm>> -> memref<2x128xi32, #tpu.memory_space<hbm>>
      %dma_wait3A_171 = arith.constant 0 : i32
      %dma_wait3A_172 = arith.constant 0 : i32
      %dma_wait3A_173 = tpu.memref_slice %arg2[%arg1, %dma_wait3A_166, %dma_wait3A_171, %dma_wait3A_172] : memref<16x80x2x128xi32, #tpu.memory_space<hbm>> -> memref<1x1x2x128xi32, #tpu.memory_space<hbm>>
      %dma_wait3A_174 = tpu.memref_squeeze %dma_wait3A_173 : memref<1x1x2x128xi32, #tpu.memory_space<hbm>> -> memref<2x128xi32, #tpu.memory_space<hbm>>
      tpu.wait_dma2 semaphore(%arg14 : memref<!tpu.dma_semaphore, #tpu.memory_space<semaphore_mem>>) src(%dma_wait3A_174 : memref<2x128xi32, #tpu.memory_space<hbm>>) dst(%arg7 : memref<2x128xi32, #tpu.memory_space<vmem>>)
      %dma_start3A_175 = arith.constant 0 : i32
      %dma_start3A_176 = arith.constant 0 : i32
      %dma_start3A_177 = tpu.memref_slice %arg7[%dma_start3A_175, %dma_start3A_176] : memref<2x128xi32, #tpu.memory_space<vmem>> -> memref<1x128xi32, #tpu.memory_space<vmem>>
      %dma_start3A_178 = tpu.memref_squeeze %dma_start3A_177 : memref<1x128xi32, #tpu.memory_space<vmem>> -> memref<128xi32, #tpu.memory_space<vmem>>
      %dma_start3A_179 = arith.constant 0 : i32
      %dma_start3A_180 = arith.constant 0 : i32
      %dma_start3A_181 = tpu.memref_slice %arg3[%dma_start3A_179, %dma_start3A_180] : memref<10000x32xf32, #tpu.memory_space<hbm>> -> memref<10000x32xf32, #tpu.memory_space<hbm>>
      tpu.enqueue_indirect_dma source(%dma_start3A_181 : memref<10000x32xf32, #tpu.memory_space<hbm>>) target(%arg11 : memref<128x32xf32, #tpu.memory_space<vmem>>) offsets(%dma_start3A_178 : memref<128xi32, #tpu.memory_space<vmem>>) semaphore(%arg18 : memref<!tpu.dma_semaphore, #tpu.memory_space<semaphore_mem>>)
      %dma_wait3A_182 = arith.constant 0 : i32
      %dma_wait3A_183 = arith.constant 0 : i32
      %dma_wait3A_184 = tpu.memref_slice %arg10[%dma_wait3A_182, %dma_wait3A_183] : memref<2x128xi32, #tpu.memory_space<vmem>> -> memref<1x128xi32, #tpu.memory_space<vmem>>
      %dma_wait3A_185 = tpu.memref_squeeze %dma_wait3A_184 : memref<1x128xi32, #tpu.memory_space<vmem>> -> memref<128xi32, #tpu.memory_space<vmem>>
      %dma_wait3A_186 = arith.constant 0 : i32
      %dma_wait3A_187 = arith.constant 0 : i32
      %dma_wait3A_188 = tpu.memref_slice %arg3[%dma_wait3A_186, %dma_wait3A_187] : memref<10000x32xf32, #tpu.memory_space<hbm>> -> memref<10000x32xf32, #tpu.memory_space<hbm>>
      tpu.wait_indirect_dma semaphore(%arg19 : memref<!tpu.dma_semaphore, #tpu.memory_space<semaphore_mem>>) src(%dma_wait3A_188 : memref<10000x32xf32, #tpu.memory_space<hbm>>) dst(%arg12 : memref<128x32xf32, #tpu.memory_space<vmem>>)
      %run_scoped3A_189 = arith.constant 1 : i32
      "tpu.region"() ({
        %run_scoped3A_280 = tpu.sem_alloc : memref<!tpu.dma_semaphore, #tpu.memory_space<semaphore_mem>>
        %dma_start3A_281 = arith.constant 0 : i32
        %dma_start3A_282 = tpu.memref_slice %arg10[%run_scoped3A_189, %dma_start3A_281] : memref<2x128xi32, #tpu.memory_space<vmem>> -> memref<1x128xi32, #tpu.memory_space<vmem>>
        %dma_start3A_283 = tpu.memref_squeeze %dma_start3A_282 : memref<1x128xi32, #tpu.memory_space<vmem>> -> memref<128xi32, #tpu.memory_space<vmem>>
        %dma_start3A_284 = arith.constant 0 : i32
        %dma_start3A_285 = arith.constant 0 : i32
        %dma_start3A_286 = tpu.memref_slice %arg13[%dma_start3A_284, %dma_start3A_285] : memref<10008x32xf32, #tpu.memory_space<vmem_shared>> -> memref<10008x32xf32, #tpu.memory_space<vmem_shared>>
        tpu.enqueue_indirect_dma source(%arg12 : memref<128x32xf32, #tpu.memory_space<vmem>>) target(%dma_start3A_286 : memref<10008x32xf32, #tpu.memory_space<vmem_shared>>) offsets(%dma_start3A_283 : memref<128xi32, #tpu.memory_space<vmem>>) semaphore(%run_scoped3A_280 : memref<!tpu.dma_semaphore, #tpu.memory_space<semaphore_mem>>) {add = true}
        %dma_wait3A_287 = arith.constant 0 : i32
        %dma_wait3A_288 = tpu.memref_slice %arg10[%run_scoped3A_189, %dma_wait3A_287] : memref<2x128xi32, #tpu.memory_space<vmem>> -> memref<1x128xi32, #tpu.memory_space<vmem>>
        %dma_wait3A_289 = tpu.memref_squeeze %dma_wait3A_288 : memref<1x128xi32, #tpu.memory_space<vmem>> -> memref<128xi32, #tpu.memory_space<vmem>>
        %dma_wait3A_290 = arith.constant 0 : i32
        %dma_wait3A_291 = arith.constant 0 : i32
        %dma_wait3A_292 = tpu.memref_slice %arg13[%dma_wait3A_290, %dma_wait3A_291] : memref<10008x32xf32, #tpu.memory_space<vmem_shared>> -> memref<10008x32xf32, #tpu.memory_space<vmem_shared>>
        tpu.wait_indirect_dma semaphore(%run_scoped3A_280 : memref<!tpu.dma_semaphore, #tpu.memory_space<semaphore_mem>>) src(%arg12 : memref<128x32xf32, #tpu.memory_space<vmem>>) dst(%dma_wait3A_292 : memref<10008x32xf32, #tpu.memory_space<vmem_shared>>)
        tpu.yield
      }) : () -> ()
      %dma_start3A_190 = arith.constant 79 : i32
      %dma_start3A_191 = arith.constant 0 : i32
      %dma_start3A_192 = arith.constant 0 : i32
      %dma_start3A_193 = tpu.memref_slice %arg2[%arg1, %dma_start3A_190, %dma_start3A_191, %dma_start3A_192] : memref<16x80x2x128xi32, #tpu.memory_space<hbm>> -> memref<1x1x2x128xi32, #tpu.memory_space<hbm>>
      %dma_start3A_194 = tpu.memref_squeeze %dma_start3A_193 : memref<1x1x2x128xi32, #tpu.memory_space<hbm>> -> memref<2x128xi32, #tpu.memory_space<hbm>>
      %dma_start3A_195 = arith.constant 0 : i32
      %dma_start3A_196 = arith.constant 0 : i32
      %dma_start3A_197 = tpu.memref_slice %arg2[%arg1, %dma_start3A_190, %dma_start3A_195, %dma_start3A_196] : memref<16x80x2x128xi32, #tpu.memory_space<hbm>> -> memref<1x1x2x128xi32, #tpu.memory_space<hbm>>
      %dma_start3A_198 = tpu.memref_squeeze %dma_start3A_197 : memref<1x1x2x128xi32, #tpu.memory_space<hbm>> -> memref<2x128xi32, #tpu.memory_space<hbm>>
      tpu.enqueue_dma source(%dma_start3A_198 : memref<2x128xi32, #tpu.memory_space<hbm>>) target(%arg10 : memref<2x128xi32, #tpu.memory_space<vmem>>) target_semaphore(%arg17 : memref<!tpu.dma_semaphore, #tpu.memory_space<semaphore_mem>>)
      %dma_wait3A_199 = arith.constant 77 : i32
      %dma_wait3A_200 = arith.constant 0 : i32
      %dma_wait3A_201 = arith.constant 0 : i32
      %dma_wait3A_202 = tpu.memref_slice %arg2[%arg1, %dma_wait3A_199, %dma_wait3A_200, %dma_wait3A_201] : memref<16x80x2x128xi32, #tpu.memory_space<hbm>> -> memref<1x1x2x128xi32, #tpu.memory_space<hbm>>
      %dma_wait3A_203 = tpu.memref_squeeze %dma_wait3A_202 : memref<1x1x2x128xi32, #tpu.memory_space<hbm>> -> memref<2x128xi32, #tpu.memory_space<hbm>>
      %dma_wait3A_204 = arith.constant 0 : i32
      %dma_wait3A_205 = arith.constant 0 : i32
      %dma_wait3A_206 = tpu.memref_slice %arg2[%arg1, %dma_wait3A_199, %dma_wait3A_204, %dma_wait3A_205] : memref<16x80x2x128xi32, #tpu.memory_space<hbm>> -> memref<1x1x2x128xi32, #tpu.memory_space<hbm>>
      %dma_wait3A_207 = tpu.memref_squeeze %dma_wait3A_206 : memref<1x1x2x128xi32, #tpu.memory_space<hbm>> -> memref<2x128xi32, #tpu.memory_space<hbm>>
      tpu.wait_dma2 semaphore(%arg15 : memref<!tpu.dma_semaphore, #tpu.memory_space<semaphore_mem>>) src(%dma_wait3A_207 : memref<2x128xi32, #tpu.memory_space<hbm>>) dst(%arg8 : memref<2x128xi32, #tpu.memory_space<vmem>>)
      %dma_start3A_208 = arith.constant 0 : i32
      %dma_start3A_209 = arith.constant 0 : i32
      %dma_start3A_210 = tpu.memref_slice %arg8[%dma_start3A_208, %dma_start3A_209] : memref<2x128xi32, #tpu.memory_space<vmem>> -> memref<1x128xi32, #tpu.memory_space<vmem>>
      %dma_start3A_211 = tpu.memref_squeeze %dma_start3A_210 : memref<1x128xi32, #tpu.memory_space<vmem>> -> memref<128xi32, #tpu.memory_space<vmem>>
      %dma_start3A_212 = arith.constant 0 : i32
      %dma_start3A_213 = arith.constant 0 : i32
      %dma_start3A_214 = tpu.memref_slice %arg3[%dma_start3A_212, %dma_start3A_213] : memref<10000x32xf32, #tpu.memory_space<hbm>> -> memref<10000x32xf32, #tpu.memory_space<hbm>>
      tpu.enqueue_indirect_dma source(%dma_start3A_214 : memref<10000x32xf32, #tpu.memory_space<hbm>>) target(%arg12 : memref<128x32xf32, #tpu.memory_space<vmem>>) offsets(%dma_start3A_211 : memref<128xi32, #tpu.memory_space<vmem>>) semaphore(%arg19 : memref<!tpu.dma_semaphore, #tpu.memory_space<semaphore_mem>>)
      %dma_wait3A_215 = arith.constant 0 : i32
      %dma_wait3A_216 = arith.constant 0 : i32
      %dma_wait3A_217 = tpu.memref_slice %arg7[%dma_wait3A_215, %dma_wait3A_216] : memref<2x128xi32, #tpu.memory_space<vmem>> -> memref<1x128xi32, #tpu.memory_space<vmem>>
      %dma_wait3A_218 = tpu.memref_squeeze %dma_wait3A_217 : memref<1x128xi32, #tpu.memory_space<vmem>> -> memref<128xi32, #tpu.memory_space<vmem>>
      %dma_wait3A_219 = arith.constant 0 : i32
      %dma_wait3A_220 = arith.constant 0 : i32
      %dma_wait3A_221 = tpu.memref_slice %arg3[%dma_wait3A_219, %dma_wait3A_220] : memref<10000x32xf32, #tpu.memory_space<hbm>> -> memref<10000x32xf32, #tpu.memory_space<hbm>>
      tpu.wait_indirect_dma semaphore(%arg18 : memref<!tpu.dma_semaphore, #tpu.memory_space<semaphore_mem>>) src(%dma_wait3A_221 : memref<10000x32xf32, #tpu.memory_space<hbm>>) dst(%arg11 : memref<128x32xf32, #tpu.memory_space<vmem>>)
      %run_scoped3A_222 = arith.constant 1 : i32
      "tpu.region"() ({
        %run_scoped3A_280 = tpu.sem_alloc : memref<!tpu.dma_semaphore, #tpu.memory_space<semaphore_mem>>
        %dma_start3A_281 = arith.constant 0 : i32
        %dma_start3A_282 = tpu.memref_slice %arg7[%run_scoped3A_222, %dma_start3A_281] : memref<2x128xi32, #tpu.memory_space<vmem>> -> memref<1x128xi32, #tpu.memory_space<vmem>>
        %dma_start3A_283 = tpu.memref_squeeze %dma_start3A_282 : memref<1x128xi32, #tpu.memory_space<vmem>> -> memref<128xi32, #tpu.memory_space<vmem>>
        %dma_start3A_284 = arith.constant 0 : i32
        %dma_start3A_285 = arith.constant 0 : i32
        %dma_start3A_286 = tpu.memref_slice %arg13[%dma_start3A_284, %dma_start3A_285] : memref<10008x32xf32, #tpu.memory_space<vmem_shared>> -> memref<10008x32xf32, #tpu.memory_space<vmem_shared>>
        tpu.enqueue_indirect_dma source(%arg11 : memref<128x32xf32, #tpu.memory_space<vmem>>) target(%dma_start3A_286 : memref<10008x32xf32, #tpu.memory_space<vmem_shared>>) offsets(%dma_start3A_283 : memref<128xi32, #tpu.memory_space<vmem>>) semaphore(%run_scoped3A_280 : memref<!tpu.dma_semaphore, #tpu.memory_space<semaphore_mem>>) {add = true}
        %dma_wait3A_287 = arith.constant 0 : i32
        %dma_wait3A_288 = tpu.memref_slice %arg7[%run_scoped3A_222, %dma_wait3A_287] : memref<2x128xi32, #tpu.memory_space<vmem>> -> memref<1x128xi32, #tpu.memory_space<vmem>>
        %dma_wait3A_289 = tpu.memref_squeeze %dma_wait3A_288 : memref<1x128xi32, #tpu.memory_space<vmem>> -> memref<128xi32, #tpu.memory_space<vmem>>
        %dma_wait3A_290 = arith.constant 0 : i32
        %dma_wait3A_291 = arith.constant 0 : i32
        %dma_wait3A_292 = tpu.memref_slice %arg13[%dma_wait3A_290, %dma_wait3A_291] : memref<10008x32xf32, #tpu.memory_space<vmem_shared>> -> memref<10008x32xf32, #tpu.memory_space<vmem_shared>>
        tpu.wait_indirect_dma semaphore(%run_scoped3A_280 : memref<!tpu.dma_semaphore, #tpu.memory_space<semaphore_mem>>) src(%arg11 : memref<128x32xf32, #tpu.memory_space<vmem>>) dst(%dma_wait3A_292 : memref<10008x32xf32, #tpu.memory_space<vmem_shared>>)
        tpu.yield
      }) : () -> ()
      %dma_wait3A_223 = arith.constant 78 : i32
      %dma_wait3A_224 = arith.constant 0 : i32
      %dma_wait3A_225 = arith.constant 0 : i32
      %dma_wait3A_226 = tpu.memref_slice %arg2[%arg1, %dma_wait3A_223, %dma_wait3A_224, %dma_wait3A_225] : memref<16x80x2x128xi32, #tpu.memory_space<hbm>> -> memref<1x1x2x128xi32, #tpu.memory_space<hbm>>
      %dma_wait3A_227 = tpu.memref_squeeze %dma_wait3A_226 : memref<1x1x2x128xi32, #tpu.memory_space<hbm>> -> memref<2x128xi32, #tpu.memory_space<hbm>>
      %dma_wait3A_228 = arith.constant 0 : i32
      %dma_wait3A_229 = arith.constant 0 : i32
      %dma_wait3A_230 = tpu.memref_slice %arg2[%arg1, %dma_wait3A_223, %dma_wait3A_228, %dma_wait3A_229] : memref<16x80x2x128xi32, #tpu.memory_space<hbm>> -> memref<1x1x2x128xi32, #tpu.memory_space<hbm>>
      %dma_wait3A_231 = tpu.memref_squeeze %dma_wait3A_230 : memref<1x1x2x128xi32, #tpu.memory_space<hbm>> -> memref<2x128xi32, #tpu.memory_space<hbm>>
      tpu.wait_dma2 semaphore(%arg16 : memref<!tpu.dma_semaphore, #tpu.memory_space<semaphore_mem>>) src(%dma_wait3A_231 : memref<2x128xi32, #tpu.memory_space<hbm>>) dst(%arg9 : memref<2x128xi32, #tpu.memory_space<vmem>>)
      %dma_start3A_232 = arith.constant 0 : i32
      %dma_start3A_233 = arith.constant 0 : i32
      %dma_start3A_234 = tpu.memref_slice %arg9[%dma_start3A_232, %dma_start3A_233] : memref<2x128xi32, #tpu.memory_space<vmem>> -> memref<1x128xi32, #tpu.memory_space<vmem>>
      %dma_start3A_235 = tpu.memref_squeeze %dma_start3A_234 : memref<1x128xi32, #tpu.memory_space<vmem>> -> memref<128xi32, #tpu.memory_space<vmem>>
      %dma_start3A_236 = arith.constant 0 : i32
      %dma_start3A_237 = arith.constant 0 : i32
      %dma_start3A_238 = tpu.memref_slice %arg3[%dma_start3A_236, %dma_start3A_237] : memref<10000x32xf32, #tpu.memory_space<hbm>> -> memref<10000x32xf32, #tpu.memory_space<hbm>>
      tpu.enqueue_indirect_dma source(%dma_start3A_238 : memref<10000x32xf32, #tpu.memory_space<hbm>>) target(%arg11 : memref<128x32xf32, #tpu.memory_space<vmem>>) offsets(%dma_start3A_235 : memref<128xi32, #tpu.memory_space<vmem>>) semaphore(%arg18 : memref<!tpu.dma_semaphore, #tpu.memory_space<semaphore_mem>>)
      %dma_wait3A_239 = arith.constant 0 : i32
      %dma_wait3A_240 = arith.constant 0 : i32
      %dma_wait3A_241 = tpu.memref_slice %arg8[%dma_wait3A_239, %dma_wait3A_240] : memref<2x128xi32, #tpu.memory_space<vmem>> -> memref<1x128xi32, #tpu.memory_space<vmem>>
      %dma_wait3A_242 = tpu.memref_squeeze %dma_wait3A_241 : memref<1x128xi32, #tpu.memory_space<vmem>> -> memref<128xi32, #tpu.memory_space<vmem>>
      %dma_wait3A_243 = arith.constant 0 : i32
      %dma_wait3A_244 = arith.constant 0 : i32
      %dma_wait3A_245 = tpu.memref_slice %arg3[%dma_wait3A_243, %dma_wait3A_244] : memref<10000x32xf32, #tpu.memory_space<hbm>> -> memref<10000x32xf32, #tpu.memory_space<hbm>>
      tpu.wait_indirect_dma semaphore(%arg19 : memref<!tpu.dma_semaphore, #tpu.memory_space<semaphore_mem>>) src(%dma_wait3A_245 : memref<10000x32xf32, #tpu.memory_space<hbm>>) dst(%arg12 : memref<128x32xf32, #tpu.memory_space<vmem>>)
      %run_scoped3A_246 = arith.constant 1 : i32
      "tpu.region"() ({
        %run_scoped3A_280 = tpu.sem_alloc : memref<!tpu.dma_semaphore, #tpu.memory_space<semaphore_mem>>
        %dma_start3A_281 = arith.constant 0 : i32
        %dma_start3A_282 = tpu.memref_slice %arg8[%run_scoped3A_246, %dma_start3A_281] : memref<2x128xi32, #tpu.memory_space<vmem>> -> memref<1x128xi32, #tpu.memory_space<vmem>>
        %dma_start3A_283 = tpu.memref_squeeze %dma_start3A_282 : memref<1x128xi32, #tpu.memory_space<vmem>> -> memref<128xi32, #tpu.memory_space<vmem>>
        %dma_start3A_284 = arith.constant 0 : i32
        %dma_start3A_285 = arith.constant 0 : i32
        %dma_start3A_286 = tpu.memref_slice %arg13[%dma_start3A_284, %dma_start3A_285] : memref<10008x32xf32, #tpu.memory_space<vmem_shared>> -> memref<10008x32xf32, #tpu.memory_space<vmem_shared>>
        tpu.enqueue_indirect_dma source(%arg12 : memref<128x32xf32, #tpu.memory_space<vmem>>) target(%dma_start3A_286 : memref<10008x32xf32, #tpu.memory_space<vmem_shared>>) offsets(%dma_start3A_283 : memref<128xi32, #tpu.memory_space<vmem>>) semaphore(%run_scoped3A_280 : memref<!tpu.dma_semaphore, #tpu.memory_space<semaphore_mem>>) {add = true}
        %dma_wait3A_287 = arith.constant 0 : i32
        %dma_wait3A_288 = tpu.memref_slice %arg8[%run_scoped3A_246, %dma_wait3A_287] : memref<2x128xi32, #tpu.memory_space<vmem>> -> memref<1x128xi32, #tpu.memory_space<vmem>>
        %dma_wait3A_289 = tpu.memref_squeeze %dma_wait3A_288 : memref<1x128xi32, #tpu.memory_space<vmem>> -> memref<128xi32, #tpu.memory_space<vmem>>
        %dma_wait3A_290 = arith.constant 0 : i32
        %dma_wait3A_291 = arith.constant 0 : i32
        %dma_wait3A_292 = tpu.memref_slice %arg13[%dma_wait3A_290, %dma_wait3A_291] : memref<10008x32xf32, #tpu.memory_space<vmem_shared>> -> memref<10008x32xf32, #tpu.memory_space<vmem_shared>>
        tpu.wait_indirect_dma semaphore(%run_scoped3A_280 : memref<!tpu.dma_semaphore, #tpu.memory_space<semaphore_mem>>) src(%arg12 : memref<128x32xf32, #tpu.memory_space<vmem>>) dst(%dma_wait3A_292 : memref<10008x32xf32, #tpu.memory_space<vmem_shared>>)
        tpu.yield
      }) : () -> ()
      %dma_wait3A_247 = arith.constant 79 : i32
      %dma_wait3A_248 = arith.constant 0 : i32
      %dma_wait3A_249 = arith.constant 0 : i32
      %dma_wait3A_250 = tpu.memref_slice %arg2[%arg1, %dma_wait3A_247, %dma_wait3A_248, %dma_wait3A_249] : memref<16x80x2x128xi32, #tpu.memory_space<hbm>> -> memref<1x1x2x128xi32, #tpu.memory_space<hbm>>
      %dma_wait3A_251 = tpu.memref_squeeze %dma_wait3A_250 : memref<1x1x2x128xi32, #tpu.memory_space<hbm>> -> memref<2x128xi32, #tpu.memory_space<hbm>>
      %dma_wait3A_252 = arith.constant 0 : i32
      %dma_wait3A_253 = arith.constant 0 : i32
      %dma_wait3A_254 = tpu.memref_slice %arg2[%arg1, %dma_wait3A_247, %dma_wait3A_252, %dma_wait3A_253] : memref<16x80x2x128xi32, #tpu.memory_space<hbm>> -> memref<1x1x2x128xi32, #tpu.memory_space<hbm>>
      %dma_wait3A_255 = tpu.memref_squeeze %dma_wait3A_254 : memref<1x1x2x128xi32, #tpu.memory_space<hbm>> -> memref<2x128xi32, #tpu.memory_space<hbm>>
      tpu.wait_dma2 semaphore(%arg17 : memref<!tpu.dma_semaphore, #tpu.memory_space<semaphore_mem>>) src(%dma_wait3A_255 : memref<2x128xi32, #tpu.memory_space<hbm>>) dst(%arg10 : memref<2x128xi32, #tpu.memory_space<vmem>>)
      %dma_start3A_256 = arith.constant 0 : i32
      %dma_start3A_257 = arith.constant 0 : i32
      %dma_start3A_258 = tpu.memref_slice %arg10[%dma_start3A_256, %dma_start3A_257] : memref<2x128xi32, #tpu.memory_space<vmem>> -> memref<1x128xi32, #tpu.memory_space<vmem>>
      %dma_start3A_259 = tpu.memref_squeeze %dma_start3A_258 : memref<1x128xi32, #tpu.memory_space<vmem>> -> memref<128xi32, #tpu.memory_space<vmem>>
      %dma_start3A_260 = arith.constant 0 : i32
      %dma_start3A_261 = arith.constant 0 : i32
      %dma_start3A_262 = tpu.memref_slice %arg3[%dma_start3A_260, %dma_start3A_261] : memref<10000x32xf32, #tpu.memory_space<hbm>> -> memref<10000x32xf32, #tpu.memory_space<hbm>>
      tpu.enqueue_indirect_dma source(%dma_start3A_262 : memref<10000x32xf32, #tpu.memory_space<hbm>>) target(%arg12 : memref<128x32xf32, #tpu.memory_space<vmem>>) offsets(%dma_start3A_259 : memref<128xi32, #tpu.memory_space<vmem>>) semaphore(%arg19 : memref<!tpu.dma_semaphore, #tpu.memory_space<semaphore_mem>>)
      %dma_wait3A_263 = arith.constant 0 : i32
      %dma_wait3A_264 = arith.constant 0 : i32
      %dma_wait3A_265 = tpu.memref_slice %arg9[%dma_wait3A_263, %dma_wait3A_264] : memref<2x128xi32, #tpu.memory_space<vmem>> -> memref<1x128xi32, #tpu.memory_space<vmem>>
      %dma_wait3A_266 = tpu.memref_squeeze %dma_wait3A_265 : memref<1x128xi32, #tpu.memory_space<vmem>> -> memref<128xi32, #tpu.memory_space<vmem>>
      %dma_wait3A_267 = arith.constant 0 : i32
      %dma_wait3A_268 = arith.constant 0 : i32
      %dma_wait3A_269 = tpu.memref_slice %arg3[%dma_wait3A_267, %dma_wait3A_268] : memref<10000x32xf32, #tpu.memory_space<hbm>> -> memref<10000x32xf32, #tpu.memory_space<hbm>>
      tpu.wait_indirect_dma semaphore(%arg18 : memref<!tpu.dma_semaphore, #tpu.memory_space<semaphore_mem>>) src(%dma_wait3A_269 : memref<10000x32xf32, #tpu.memory_space<hbm>>) dst(%arg11 : memref<128x32xf32, #tpu.memory_space<vmem>>)
      %run_scoped3A_270 = arith.constant 1 : i32
      "tpu.region"() ({
        %run_scoped3A_280 = tpu.sem_alloc : memref<!tpu.dma_semaphore, #tpu.memory_space<semaphore_mem>>
        %dma_start3A_281 = arith.constant 0 : i32
        %dma_start3A_282 = tpu.memref_slice %arg9[%run_scoped3A_270, %dma_start3A_281] : memref<2x128xi32, #tpu.memory_space<vmem>> -> memref<1x128xi32, #tpu.memory_space<vmem>>
        %dma_start3A_283 = tpu.memref_squeeze %dma_start3A_282 : memref<1x128xi32, #tpu.memory_space<vmem>> -> memref<128xi32, #tpu.memory_space<vmem>>
        %dma_start3A_284 = arith.constant 0 : i32
        %dma_start3A_285 = arith.constant 0 : i32
        %dma_start3A_286 = tpu.memref_slice %arg13[%dma_start3A_284, %dma_start3A_285] : memref<10008x32xf32, #tpu.memory_space<vmem_shared>> -> memref<10008x32xf32, #tpu.memory_space<vmem_shared>>
        tpu.enqueue_indirect_dma source(%arg11 : memref<128x32xf32, #tpu.memory_space<vmem>>) target(%dma_start3A_286 : memref<10008x32xf32, #tpu.memory_space<vmem_shared>>) offsets(%dma_start3A_283 : memref<128xi32, #tpu.memory_space<vmem>>) semaphore(%run_scoped3A_280 : memref<!tpu.dma_semaphore, #tpu.memory_space<semaphore_mem>>) {add = true}
        %dma_wait3A_287 = arith.constant 0 : i32
        %dma_wait3A_288 = tpu.memref_slice %arg9[%run_scoped3A_270, %dma_wait3A_287] : memref<2x128xi32, #tpu.memory_space<vmem>> -> memref<1x128xi32, #tpu.memory_space<vmem>>
        %dma_wait3A_289 = tpu.memref_squeeze %dma_wait3A_288 : memref<1x128xi32, #tpu.memory_space<vmem>> -> memref<128xi32, #tpu.memory_space<vmem>>
        %dma_wait3A_290 = arith.constant 0 : i32
        %dma_wait3A_291 = arith.constant 0 : i32
        %dma_wait3A_292 = tpu.memref_slice %arg13[%dma_wait3A_290, %dma_wait3A_291] : memref<10008x32xf32, #tpu.memory_space<vmem_shared>> -> memref<10008x32xf32, #tpu.memory_space<vmem_shared>>
        tpu.wait_indirect_dma semaphore(%run_scoped3A_280 : memref<!tpu.dma_semaphore, #tpu.memory_space<semaphore_mem>>) src(%arg11 : memref<128x32xf32, #tpu.memory_space<vmem>>) dst(%dma_wait3A_292 : memref<10008x32xf32, #tpu.memory_space<vmem_shared>>)
        tpu.yield
      }) : () -> ()
      %dma_wait3A_271 = arith.constant 0 : i32
      %dma_wait3A_272 = arith.constant 0 : i32
      %dma_wait3A_273 = tpu.memref_slice %arg10[%dma_wait3A_271, %dma_wait3A_272] : memref<2x128xi32, #tpu.memory_space<vmem>> -> memref<1x128xi32, #tpu.memory_space<vmem>>
      %dma_wait3A_274 = tpu.memref_squeeze %dma_wait3A_273 : memref<1x128xi32, #tpu.memory_space<vmem>> -> memref<128xi32, #tpu.memory_space<vmem>>
      %dma_wait3A_275 = arith.constant 0 : i32
      %dma_wait3A_276 = arith.constant 0 : i32
      %dma_wait3A_277 = tpu.memref_slice %arg3[%dma_wait3A_275, %dma_wait3A_276] : memref<10000x32xf32, #tpu.memory_space<hbm>> -> memref<10000x32xf32, #tpu.memory_space<hbm>>
      tpu.wait_indirect_dma semaphore(%arg19 : memref<!tpu.dma_semaphore, #tpu.memory_space<semaphore_mem>>) src(%dma_wait3A_277 : memref<10000x32xf32, #tpu.memory_space<hbm>>) dst(%arg12 : memref<128x32xf32, #tpu.memory_space<vmem>>)
      %run_scoped3A_278 = arith.constant 1 : i32
      "tpu.region"() ({
        %run_scoped3A_280 = tpu.sem_alloc : memref<!tpu.dma_semaphore, #tpu.memory_space<semaphore_mem>>
        %dma_start3A_281 = arith.constant 0 : i32
        %dma_start3A_282 = tpu.memref_slice %arg10[%run_scoped3A_278, %dma_start3A_281] : memref<2x128xi32, #tpu.memory_space<vmem>> -> memref<1x128xi32, #tpu.memory_space<vmem>>
        %dma_start3A_283 = tpu.memref_squeeze %dma_start3A_282 : memref<1x128xi32, #tpu.memory_space<vmem>> -> memref<128xi32, #tpu.memory_space<vmem>>
        %dma_start3A_284 = arith.constant 0 : i32
        %dma_start3A_285 = arith.constant 0 : i32
        %dma_start3A_286 = tpu.memref_slice %arg13[%dma_start3A_284, %dma_start3A_285] : memref<10008x32xf32, #tpu.memory_space<vmem_shared>> -> memref<10008x32xf32, #tpu.memory_space<vmem_shared>>
        tpu.enqueue_indirect_dma source(%arg12 : memref<128x32xf32, #tpu.memory_space<vmem>>) target(%dma_start3A_286 : memref<10008x32xf32, #tpu.memory_space<vmem_shared>>) offsets(%dma_start3A_283 : memref<128xi32, #tpu.memory_space<vmem>>) semaphore(%run_scoped3A_280 : memref<!tpu.dma_semaphore, #tpu.memory_space<semaphore_mem>>) {add = true}
        %dma_wait3A_287 = arith.constant 0 : i32
        %dma_wait3A_288 = tpu.memref_slice %arg10[%run_scoped3A_278, %dma_wait3A_287] : memref<2x128xi32, #tpu.memory_space<vmem>> -> memref<1x128xi32, #tpu.memory_space<vmem>>
        %dma_wait3A_289 = tpu.memref_squeeze %dma_wait3A_288 : memref<1x128xi32, #tpu.memory_space<vmem>> -> memref<128xi32, #tpu.memory_space<vmem>>
        %dma_wait3A_290 = arith.constant 0 : i32
        %dma_wait3A_291 = arith.constant 0 : i32
        %dma_wait3A_292 = tpu.memref_slice %arg13[%dma_wait3A_290, %dma_wait3A_291] : memref<10008x32xf32, #tpu.memory_space<vmem_shared>> -> memref<10008x32xf32, #tpu.memory_space<vmem_shared>>
        tpu.wait_indirect_dma semaphore(%run_scoped3A_280 : memref<!tpu.dma_semaphore, #tpu.memory_space<semaphore_mem>>) src(%arg12 : memref<128x32xf32, #tpu.memory_space<vmem>>) dst(%dma_wait3A_292 : memref<10008x32xf32, #tpu.memory_space<vmem_shared>>)
        tpu.yield
      }) : () -> ()
      %barrier3A_279 = arith.constant 0 : index
      tpu.barrier barrier_id(%barrier3A_279)
      "tpu.region"() ({
        %run_scoped3A_280 = tpu.sem_alloc : memref<!tpu.dma_semaphore, #tpu.memory_space<semaphore_mem>>
        %dma_start3A_281 = arith.constant 0 : i32
        %dma_start3A_282 = tpu.memref_slice %arg5[%mul3A_0, %dma_start3A_281] : memref<10000x32xf32, #tpu.memory_space<hbm>> -> memref<625x32xf32, #tpu.memory_space<hbm>>
        %dma_start3A_283 = arith.constant 0 : i32
        %dma_start3A_284 = tpu.memref_slice %arg13[%mul3A_0, %dma_start3A_283] : memref<10008x32xf32, #tpu.memory_space<vmem_shared>> -> memref<625x32xf32, #tpu.memory_space<vmem_shared>>
        tpu.enqueue_dma source(%dma_start3A_284 : memref<625x32xf32, #tpu.memory_space<vmem_shared>>) target(%dma_start3A_282 : memref<625x32xf32, #tpu.memory_space<hbm>>) target_semaphore(%run_scoped3A_280 : memref<!tpu.dma_semaphore, #tpu.memory_space<semaphore_mem>>)
        %dma_wait3A_285 = arith.constant 0 : i32
        %dma_wait3A_286 = tpu.memref_slice %arg5[%mul3A_0, %dma_wait3A_285] : memref<10000x32xf32, #tpu.memory_space<hbm>> -> memref<625x32xf32, #tpu.memory_space<hbm>>
        %dma_wait3A_287 = arith.constant 0 : i32
        %dma_wait3A_288 = tpu.memref_slice %arg13[%mul3A_0, %dma_wait3A_287] : memref<10008x32xf32, #tpu.memory_space<vmem_shared>> -> memref<625x32xf32, #tpu.memory_space<vmem_shared>>
        tpu.wait_dma2 semaphore(%run_scoped3A_280 : memref<!tpu.dma_semaphore, #tpu.memory_space<semaphore_mem>>) src(%dma_wait3A_288 : memref<625x32xf32, #tpu.memory_space<vmem_shared>>) dst(%dma_wait3A_286 : memref<625x32xf32, #tpu.memory_space<hbm>>)
        tpu.yield
      }) : () -> ()
    } else {
    }
    %eq3A_3 = arith.constant 1 : i32
    %eq3A_4 = arith.cmpi eq, %arg0, %eq3A_3 : i32
    %convert_element_type3A_5 = arith.extui %eq3A_4 : i1 to i32
    %cond3A_6 = arith.constant 0 : i32
    %cond3A_7 = arith.cmpi ne, %convert_element_type3A_5, %cond3A_6 : i32
    scf.if %cond3A_7 {
      "tpu.region"() ({
        %run_scoped3A_280 = tpu.sem_alloc : memref<!tpu.dma_semaphore, #tpu.memory_space<semaphore_mem>>
        %dma_start3A_281 = arith.constant 0 : i32
        %dma_start3A_282 = tpu.memref_slice %arg13[%mul3A_0, %dma_start3A_281] : memref<10008x32xf32, #tpu.memory_space<vmem_shared>> -> memref<625x32xf32, #tpu.memory_space<vmem_shared>>
        %dma_start3A_283 = arith.constant 0 : i32
        %dma_start3A_284 = tpu.memref_slice %arg4[%mul3A_0, %dma_start3A_283] : memref<10000x32xf32, #tpu.memory_space<hbm>> -> memref<625x32xf32, #tpu.memory_space<hbm>>
        tpu.enqueue_dma source(%dma_start3A_284 : memref<625x32xf32, #tpu.memory_space<hbm>>) target(%dma_start3A_282 : memref<625x32xf32, #tpu.memory_space<vmem_shared>>) target_semaphore(%run_scoped3A_280 : memref<!tpu.dma_semaphore, #tpu.memory_space<semaphore_mem>>)
        %dma_wait3A_285 = arith.constant 0 : i32
        %dma_wait3A_286 = tpu.memref_slice %arg13[%mul3A_0, %dma_wait3A_285] : memref<10008x32xf32, #tpu.memory_space<vmem_shared>> -> memref<625x32xf32, #tpu.memory_space<vmem_shared>>
        %dma_wait3A_287 = arith.constant 0 : i32
        %dma_wait3A_288 = tpu.memref_slice %arg4[%mul3A_0, %dma_wait3A_287] : memref<10000x32xf32, #tpu.memory_space<hbm>> -> memref<625x32xf32, #tpu.memory_space<hbm>>
        tpu.wait_dma2 semaphore(%run_scoped3A_280 : memref<!tpu.dma_semaphore, #tpu.memory_space<semaphore_mem>>) src(%dma_wait3A_288 : memref<625x32xf32, #tpu.memory_space<hbm>>) dst(%dma_wait3A_286 : memref<625x32xf32, #tpu.memory_space<vmem_shared>>)
        tpu.yield
      }) : () -> ()
      %eq3A_8 = arith.constant 0 : i32
      %eq3A_9 = arith.cmpi eq, %arg1, %eq3A_8 : i32
      %convert_element_type3A_10 = arith.extui %eq3A_9 : i1 to i32
      %cond3A_11 = arith.constant 0 : i32
      %cond3A_12 = arith.cmpi ne, %convert_element_type3A_10, %cond3A_11 : i32
      scf.if %cond3A_12 {
        "tpu.region"() ({
          %run_scoped3A_280 = tpu.sem_alloc : memref<!tpu.dma_semaphore, #tpu.memory_space<semaphore_mem>>
          %dma_start3A_281 = arith.constant 10000 : i32
          %dma_start3A_282 = arith.constant 0 : i32
          %dma_start3A_283 = tpu.memref_slice %arg13[%dma_start3A_281, %dma_start3A_282] : memref<10008x32xf32, #tpu.memory_space<vmem_shared>> -> memref<8x32xf32, #tpu.memory_space<vmem_shared>>
          %dma_start3A_284 = arith.constant 0 : i32
          %dma_start3A_285 = arith.constant 0 : i32
          %dma_start3A_286 = tpu.memref_slice %arg4[%dma_start3A_284, %dma_start3A_285] : memref<10000x32xf32, #tpu.memory_space<hbm>> -> memref<8x32xf32, #tpu.memory_space<hbm>>
          tpu.enqueue_dma source(%dma_start3A_286 : memref<8x32xf32, #tpu.memory_space<hbm>>) target(%dma_start3A_283 : memref<8x32xf32, #tpu.memory_space<vmem_shared>>) target_semaphore(%run_scoped3A_280 : memref<!tpu.dma_semaphore, #tpu.memory_space<semaphore_mem>>)
          %dma_wait3A_287 = arith.constant 10000 : i32
          %dma_wait3A_288 = arith.constant 0 : i32
          %dma_wait3A_289 = tpu.memref_slice %arg13[%dma_wait3A_287, %dma_wait3A_288] : memref<10008x32xf32, #tpu.memory_space<vmem_shared>> -> memref<8x32xf32, #tpu.memory_space<vmem_shared>>
          %dma_wait3A_290 = arith.constant 0 : i32
          %dma_wait3A_291 = arith.constant 0 : i32
          %dma_wait3A_292 = tpu.memref_slice %arg4[%dma_wait3A_290, %dma_wait3A_291] : memref<10000x32xf32, #tpu.memory_space<hbm>> -> memref<8x32xf32, #tpu.memory_space<hbm>>
          tpu.wait_dma2 semaphore(%run_scoped3A_280 : memref<!tpu.dma_semaphore, #tpu.memory_space<semaphore_mem>>) src(%dma_wait3A_292 : memref<8x32xf32, #tpu.memory_space<hbm>>) dst(%dma_wait3A_289 : memref<8x32xf32, #tpu.memory_space<vmem_shared>>)
          tpu.yield
        }) : () -> ()
      } else {
      }
      %barrier3A = arith.constant 0 : index
      tpu.barrier barrier_id(%barrier3A)
      %dma_start3A = arith.constant 0 : i32
      %dma_start3A_13 = arith.constant 0 : i32
      %dma_start3A_14 = arith.constant 0 : i32
      %dma_start3A_15 = tpu.memref_slice %arg2[%arg1, %dma_start3A, %dma_start3A_13, %dma_start3A_14] : memref<16x80x2x128xi32, #tpu.memory_space<hbm>> -> memref<1x1x2x128xi32, #tpu.memory_space<hbm>>
      %dma_start3A_16 = tpu.memref_squeeze %dma_start3A_15 : memref<1x1x2x128xi32, #tpu.memory_space<hbm>> -> memref<2x128xi32, #tpu.memory_space<hbm>>
      %dma_start3A_17 = arith.constant 0 : i32
      %dma_start3A_18 = arith.constant 0 : i32
      %dma_start3A_19 = tpu.memref_slice %arg2[%arg1, %dma_start3A, %dma_start3A_17, %dma_start3A_18] : memref<16x80x2x128xi32, #tpu.memory_space<hbm>> -> memref<1x1x2x128xi32, #tpu.memory_space<hbm>>
      %dma_start3A_20 = tpu.memref_squeeze %dma_start3A_19 : memref<1x1x2x128xi32, #tpu.memory_space<hbm>> -> memref<2x128xi32, #tpu.memory_space<hbm>>
      tpu.enqueue_dma source(%dma_start3A_20 : memref<2x128xi32, #tpu.memory_space<hbm>>) target(%arg7 : memref<2x128xi32, #tpu.memory_space<vmem>>) target_semaphore(%arg14 : memref<!tpu.dma_semaphore, #tpu.memory_space<semaphore_mem>>)
      %dma_start3A_21 = arith.constant 1 : i32
      %dma_start3A_22 = arith.constant 0 : i32
      %dma_start3A_23 = arith.constant 0 : i32
      %dma_start3A_24 = tpu.memref_slice %arg2[%arg1, %dma_start3A_21, %dma_start3A_22, %dma_start3A_23] : memref<16x80x2x128xi32, #tpu.memory_space<hbm>> -> memref<1x1x2x128xi32, #tpu.memory_space<hbm>>
      %dma_start3A_25 = tpu.memref_squeeze %dma_start3A_24 : memref<1x1x2x128xi32, #tpu.memory_space<hbm>> -> memref<2x128xi32, #tpu.memory_space<hbm>>
      %dma_start3A_26 = arith.constant 0 : i32
      %dma_start3A_27 = arith.constant 0 : i32
      %dma_start3A_28 = tpu.memref_slice %arg2[%arg1, %dma_start3A_21, %dma_start3A_26, %dma_start3A_27] : memref<16x80x2x128xi32, #tpu.memory_space<hbm>> -> memref<1x1x2x128xi32, #tpu.memory_space<hbm>>
      %dma_start3A_29 = tpu.memref_squeeze %dma_start3A_28 : memref<1x1x2x128xi32, #tpu.memory_space<hbm>> -> memref<2x128xi32, #tpu.memory_space<hbm>>
      tpu.enqueue_dma source(%dma_start3A_29 : memref<2x128xi32, #tpu.memory_space<hbm>>) target(%arg8 : memref<2x128xi32, #tpu.memory_space<vmem>>) target_semaphore(%arg15 : memref<!tpu.dma_semaphore, #tpu.memory_space<semaphore_mem>>)
      %dma_start3A_30 = arith.constant 2 : i32
      %dma_start3A_31 = arith.constant 0 : i32
      %dma_start3A_32 = arith.constant 0 : i32
      %dma_start3A_33 = tpu.memref_slice %arg2[%arg1, %dma_start3A_30, %dma_start3A_31, %dma_start3A_32] : memref<16x80x2x128xi32, #tpu.memory_space<hbm>> -> memref<1x1x2x128xi32, #tpu.memory_space<hbm>>
      %dma_start3A_34 = tpu.memref_squeeze %dma_start3A_33 : memref<1x1x2x128xi32, #tpu.memory_space<hbm>> -> memref<2x128xi32, #tpu.memory_space<hbm>>
      %dma_start3A_35 = arith.constant 0 : i32
      %dma_start3A_36 = arith.constant 0 : i32
      %dma_start3A_37 = tpu.memref_slice %arg2[%arg1, %dma_start3A_30, %dma_start3A_35, %dma_start3A_36] : memref<16x80x2x128xi32, #tpu.memory_space<hbm>> -> memref<1x1x2x128xi32, #tpu.memory_space<hbm>>
      %dma_start3A_38 = tpu.memref_squeeze %dma_start3A_37 : memref<1x1x2x128xi32, #tpu.memory_space<hbm>> -> memref<2x128xi32, #tpu.memory_space<hbm>>
      tpu.enqueue_dma source(%dma_start3A_38 : memref<2x128xi32, #tpu.memory_space<hbm>>) target(%arg9 : memref<2x128xi32, #tpu.memory_space<vmem>>) target_semaphore(%arg16 : memref<!tpu.dma_semaphore, #tpu.memory_space<semaphore_mem>>)
      %dma_start3A_39 = arith.constant 3 : i32
      %dma_start3A_40 = arith.constant 0 : i32
      %dma_start3A_41 = arith.constant 0 : i32
      %dma_start3A_42 = tpu.memref_slice %arg2[%arg1, %dma_start3A_39, %dma_start3A_40, %dma_start3A_41] : memref<16x80x2x128xi32, #tpu.memory_space<hbm>> -> memref<1x1x2x128xi32, #tpu.memory_space<hbm>>
      %dma_start3A_43 = tpu.memref_squeeze %dma_start3A_42 : memref<1x1x2x128xi32, #tpu.memory_space<hbm>> -> memref<2x128xi32, #tpu.memory_space<hbm>>
      %dma_start3A_44 = arith.constant 0 : i32
      %dma_start3A_45 = arith.constant 0 : i32
      %dma_start3A_46 = tpu.memref_slice %arg2[%arg1, %dma_start3A_39, %dma_start3A_44, %dma_start3A_45] : memref<16x80x2x128xi32, #tpu.memory_space<hbm>> -> memref<1x1x2x128xi32, #tpu.memory_space<hbm>>
      %dma_start3A_47 = tpu.memref_squeeze %dma_start3A_46 : memref<1x1x2x128xi32, #tpu.memory_space<hbm>> -> memref<2x128xi32, #tpu.memory_space<hbm>>
      tpu.enqueue_dma source(%dma_start3A_47 : memref<2x128xi32, #tpu.memory_space<hbm>>) target(%arg10 : memref<2x128xi32, #tpu.memory_space<vmem>>) target_semaphore(%arg17 : memref<!tpu.dma_semaphore, #tpu.memory_space<semaphore_mem>>)
      %dma_wait3A = arith.constant 0 : i32
      %dma_wait3A_48 = arith.constant 0 : i32
      %dma_wait3A_49 = arith.constant 0 : i32
      %dma_wait3A_50 = tpu.memref_slice %arg2[%arg1, %dma_wait3A, %dma_wait3A_48, %dma_wait3A_49] : memref<16x80x2x128xi32, #tpu.memory_space<hbm>> -> memref<1x1x2x128xi32, #tpu.memory_space<hbm>>
      %dma_wait3A_51 = tpu.memref_squeeze %dma_wait3A_50 : memref<1x1x2x128xi32, #tpu.memory_space<hbm>> -> memref<2x128xi32, #tpu.memory_space<hbm>>
      %dma_wait3A_52 = arith.constant 0 : i32
      %dma_wait3A_53 = arith.constant 0 : i32
      %dma_wait3A_54 = tpu.memref_slice %arg2[%arg1, %dma_wait3A, %dma_wait3A_52, %dma_wait3A_53] : memref<16x80x2x128xi32, #tpu.memory_space<hbm>> -> memref<1x1x2x128xi32, #tpu.memory_space<hbm>>
      %dma_wait3A_55 = tpu.memref_squeeze %dma_wait3A_54 : memref<1x1x2x128xi32, #tpu.memory_space<hbm>> -> memref<2x128xi32, #tpu.memory_space<hbm>>
      tpu.wait_dma2 semaphore(%arg14 : memref<!tpu.dma_semaphore, #tpu.memory_space<semaphore_mem>>) src(%dma_wait3A_55 : memref<2x128xi32, #tpu.memory_space<hbm>>) dst(%arg7 : memref<2x128xi32, #tpu.memory_space<vmem>>)
      %dma_start3A_56 = arith.constant 0 : i32
      %dma_start3A_57 = arith.constant 0 : i32
      %dma_start3A_58 = tpu.memref_slice %arg7[%dma_start3A_56, %dma_start3A_57] : memref<2x128xi32, #tpu.memory_space<vmem>> -> memref<1x128xi32, #tpu.memory_space<vmem>>
      %dma_start3A_59 = tpu.memref_squeeze %dma_start3A_58 : memref<1x128xi32, #tpu.memory_space<vmem>> -> memref<128xi32, #tpu.memory_space<vmem>>
      %dma_start3A_60 = arith.constant 0 : i32
      %dma_start3A_61 = arith.constant 0 : i32
      %dma_start3A_62 = tpu.memref_slice %arg4[%dma_start3A_60, %dma_start3A_61] : memref<10000x32xf32, #tpu.memory_space<hbm>> -> memref<10000x32xf32, #tpu.memory_space<hbm>>
      tpu.enqueue_indirect_dma source(%dma_start3A_62 : memref<10000x32xf32, #tpu.memory_space<hbm>>) target(%arg11 : memref<128x32xf32, #tpu.memory_space<vmem>>) offsets(%dma_start3A_59 : memref<128xi32, #tpu.memory_space<vmem>>) semaphore(%arg18 : memref<!tpu.dma_semaphore, #tpu.memory_space<semaphore_mem>>)
      %dma_wait3A_63 = arith.constant 1 : i32
      %dma_wait3A_64 = arith.constant 0 : i32
      %dma_wait3A_65 = arith.constant 0 : i32
      %dma_wait3A_66 = tpu.memref_slice %arg2[%arg1, %dma_wait3A_63, %dma_wait3A_64, %dma_wait3A_65] : memref<16x80x2x128xi32, #tpu.memory_space<hbm>> -> memref<1x1x2x128xi32, #tpu.memory_space<hbm>>
      %dma_wait3A_67 = tpu.memref_squeeze %dma_wait3A_66 : memref<1x1x2x128xi32, #tpu.memory_space<hbm>> -> memref<2x128xi32, #tpu.memory_space<hbm>>
      %dma_wait3A_68 = arith.constant 0 : i32
      %dma_wait3A_69 = arith.constant 0 : i32
      %dma_wait3A_70 = tpu.memref_slice %arg2[%arg1, %dma_wait3A_63, %dma_wait3A_68, %dma_wait3A_69] : memref<16x80x2x128xi32, #tpu.memory_space<hbm>> -> memref<1x1x2x128xi32, #tpu.memory_space<hbm>>
      %dma_wait3A_71 = tpu.memref_squeeze %dma_wait3A_70 : memref<1x1x2x128xi32, #tpu.memory_space<hbm>> -> memref<2x128xi32, #tpu.memory_space<hbm>>
      tpu.wait_dma2 semaphore(%arg15 : memref<!tpu.dma_semaphore, #tpu.memory_space<semaphore_mem>>) src(%dma_wait3A_71 : memref<2x128xi32, #tpu.memory_space<hbm>>) dst(%arg8 : memref<2x128xi32, #tpu.memory_space<vmem>>)
      %dma_start3A_72 = arith.constant 0 : i32
      %dma_start3A_73 = arith.constant 0 : i32
      %dma_start3A_74 = tpu.memref_slice %arg8[%dma_start3A_72, %dma_start3A_73] : memref<2x128xi32, #tpu.memory_space<vmem>> -> memref<1x128xi32, #tpu.memory_space<vmem>>
      %dma_start3A_75 = tpu.memref_squeeze %dma_start3A_74 : memref<1x128xi32, #tpu.memory_space<vmem>> -> memref<128xi32, #tpu.memory_space<vmem>>
      %dma_start3A_76 = arith.constant 0 : i32
      %dma_start3A_77 = arith.constant 0 : i32
      %dma_start3A_78 = tpu.memref_slice %arg4[%dma_start3A_76, %dma_start3A_77] : memref<10000x32xf32, #tpu.memory_space<hbm>> -> memref<10000x32xf32, #tpu.memory_space<hbm>>
      tpu.enqueue_indirect_dma source(%dma_start3A_78 : memref<10000x32xf32, #tpu.memory_space<hbm>>) target(%arg12 : memref<128x32xf32, #tpu.memory_space<vmem>>) offsets(%dma_start3A_75 : memref<128xi32, #tpu.memory_space<vmem>>) semaphore(%arg19 : memref<!tpu.dma_semaphore, #tpu.memory_space<semaphore_mem>>)
      %dma_wait3A_79 = arith.constant 0 : i32
      %dma_wait3A_80 = arith.constant 0 : i32
      %dma_wait3A_81 = tpu.memref_slice %arg7[%dma_wait3A_79, %dma_wait3A_80] : memref<2x128xi32, #tpu.memory_space<vmem>> -> memref<1x128xi32, #tpu.memory_space<vmem>>
      %dma_wait3A_82 = tpu.memref_squeeze %dma_wait3A_81 : memref<1x128xi32, #tpu.memory_space<vmem>> -> memref<128xi32, #tpu.memory_space<vmem>>
      %dma_wait3A_83 = arith.constant 0 : i32
      %dma_wait3A_84 = arith.constant 0 : i32
      %dma_wait3A_85 = tpu.memref_slice %arg4[%dma_wait3A_83, %dma_wait3A_84] : memref<10000x32xf32, #tpu.memory_space<hbm>> -> memref<10000x32xf32, #tpu.memory_space<hbm>>
      tpu.wait_indirect_dma semaphore(%arg18 : memref<!tpu.dma_semaphore, #tpu.memory_space<semaphore_mem>>) src(%dma_wait3A_85 : memref<10000x32xf32, #tpu.memory_space<hbm>>) dst(%arg11 : memref<128x32xf32, #tpu.memory_space<vmem>>)
      %run_scoped3A = arith.constant 1 : i32
      "tpu.region"() ({
        %run_scoped3A_280 = tpu.sem_alloc : memref<!tpu.dma_semaphore, #tpu.memory_space<semaphore_mem>>
        %dma_start3A_281 = arith.constant 0 : i32
        %dma_start3A_282 = tpu.memref_slice %arg7[%run_scoped3A, %dma_start3A_281] : memref<2x128xi32, #tpu.memory_space<vmem>> -> memref<1x128xi32, #tpu.memory_space<vmem>>
        %dma_start3A_283 = tpu.memref_squeeze %dma_start3A_282 : memref<1x128xi32, #tpu.memory_space<vmem>> -> memref<128xi32, #tpu.memory_space<vmem>>
        %dma_start3A_284 = arith.constant 0 : i32
        %dma_start3A_285 = arith.constant 0 : i32
        %dma_start3A_286 = tpu.memref_slice %arg13[%dma_start3A_284, %dma_start3A_285] : memref<10008x32xf32, #tpu.memory_space<vmem_shared>> -> memref<10008x32xf32, #tpu.memory_space<vmem_shared>>
        tpu.enqueue_indirect_dma source(%arg11 : memref<128x32xf32, #tpu.memory_space<vmem>>) target(%dma_start3A_286 : memref<10008x32xf32, #tpu.memory_space<vmem_shared>>) offsets(%dma_start3A_283 : memref<128xi32, #tpu.memory_space<vmem>>) semaphore(%run_scoped3A_280 : memref<!tpu.dma_semaphore, #tpu.memory_space<semaphore_mem>>) {add = true}
        %dma_wait3A_287 = arith.constant 0 : i32
        %dma_wait3A_288 = tpu.memref_slice %arg7[%run_scoped3A, %dma_wait3A_287] : memref<2x128xi32, #tpu.memory_space<vmem>> -> memref<1x128xi32, #tpu.memory_space<vmem>>
        %dma_wait3A_289 = tpu.memref_squeeze %dma_wait3A_288 : memref<1x128xi32, #tpu.memory_space<vmem>> -> memref<128xi32, #tpu.memory_space<vmem>>
        %dma_wait3A_290 = arith.constant 0 : i32
        %dma_wait3A_291 = arith.constant 0 : i32
        %dma_wait3A_292 = tpu.memref_slice %arg13[%dma_wait3A_290, %dma_wait3A_291] : memref<10008x32xf32, #tpu.memory_space<vmem_shared>> -> memref<10008x32xf32, #tpu.memory_space<vmem_shared>>
        tpu.wait_indirect_dma semaphore(%run_scoped3A_280 : memref<!tpu.dma_semaphore, #tpu.memory_space<semaphore_mem>>) src(%arg11 : memref<128x32xf32, #tpu.memory_space<vmem>>) dst(%dma_wait3A_292 : memref<10008x32xf32, #tpu.memory_space<vmem_shared>>)
        tpu.yield
      }) : () -> ()
      %dma_start3A_86 = arith.constant 4 : i32
      %dma_start3A_87 = arith.constant 0 : i32
      %dma_start3A_88 = arith.constant 0 : i32
      %dma_start3A_89 = tpu.memref_slice %arg2[%arg1, %dma_start3A_86, %dma_start3A_87, %dma_start3A_88] : memref<16x80x2x128xi32, #tpu.memory_space<hbm>> -> memref<1x1x2x128xi32, #tpu.memory_space<hbm>>
      %dma_start3A_90 = tpu.memref_squeeze %dma_start3A_89 : memref<1x1x2x128xi32, #tpu.memory_space<hbm>> -> memref<2x128xi32, #tpu.memory_space<hbm>>
      %dma_start3A_91 = arith.constant 0 : i32
      %dma_start3A_92 = arith.constant 0 : i32
      %dma_start3A_93 = tpu.memref_slice %arg2[%arg1, %dma_start3A_86, %dma_start3A_91, %dma_start3A_92] : memref<16x80x2x128xi32, #tpu.memory_space<hbm>> -> memref<1x1x2x128xi32, #tpu.memory_space<hbm>>
      %dma_start3A_94 = tpu.memref_squeeze %dma_start3A_93 : memref<1x1x2x128xi32, #tpu.memory_space<hbm>> -> memref<2x128xi32, #tpu.memory_space<hbm>>
      tpu.enqueue_dma source(%dma_start3A_94 : memref<2x128xi32, #tpu.memory_space<hbm>>) target(%arg7 : memref<2x128xi32, #tpu.memory_space<vmem>>) target_semaphore(%arg14 : memref<!tpu.dma_semaphore, #tpu.memory_space<semaphore_mem>>)
      %dma_wait3A_95 = arith.constant 2 : i32
      %dma_wait3A_96 = arith.constant 0 : i32
      %dma_wait3A_97 = arith.constant 0 : i32
      %dma_wait3A_98 = tpu.memref_slice %arg2[%arg1, %dma_wait3A_95, %dma_wait3A_96, %dma_wait3A_97] : memref<16x80x2x128xi32, #tpu.memory_space<hbm>> -> memref<1x1x2x128xi32, #tpu.memory_space<hbm>>
      %dma_wait3A_99 = tpu.memref_squeeze %dma_wait3A_98 : memref<1x1x2x128xi32, #tpu.memory_space<hbm>> -> memref<2x128xi32, #tpu.memory_space<hbm>>
      %dma_wait3A_100 = arith.constant 0 : i32
      %dma_wait3A_101 = arith.constant 0 : i32
      %dma_wait3A_102 = tpu.memref_slice %arg2[%arg1, %dma_wait3A_95, %dma_wait3A_100, %dma_wait3A_101] : memref<16x80x2x128xi32, #tpu.memory_space<hbm>> -> memref<1x1x2x128xi32, #tpu.memory_space<hbm>>
      %dma_wait3A_103 = tpu.memref_squeeze %dma_wait3A_102 : memref<1x1x2x128xi32, #tpu.memory_space<hbm>> -> memref<2x128xi32, #tpu.memory_space<hbm>>
      tpu.wait_dma2 semaphore(%arg16 : memref<!tpu.dma_semaphore, #tpu.memory_space<semaphore_mem>>) src(%dma_wait3A_103 : memref<2x128xi32, #tpu.memory_space<hbm>>) dst(%arg9 : memref<2x128xi32, #tpu.memory_space<vmem>>)
      %dma_start3A_104 = arith.constant 0 : i32
      %dma_start3A_105 = arith.constant 0 : i32
      %dma_start3A_106 = tpu.memref_slice %arg9[%dma_start3A_104, %dma_start3A_105] : memref<2x128xi32, #tpu.memory_space<vmem>> -> memref<1x128xi32, #tpu.memory_space<vmem>>
      %dma_start3A_107 = tpu.memref_squeeze %dma_start3A_106 : memref<1x128xi32, #tpu.memory_space<vmem>> -> memref<128xi32, #tpu.memory_space<vmem>>
      %dma_start3A_108 = arith.constant 0 : i32
      %dma_start3A_109 = arith.constant 0 : i32
      %dma_start3A_110 = tpu.memref_slice %arg4[%dma_start3A_108, %dma_start3A_109] : memref<10000x32xf32, #tpu.memory_space<hbm>> -> memref<10000x32xf32, #tpu.memory_space<hbm>>
      tpu.enqueue_indirect_dma source(%dma_start3A_110 : memref<10000x32xf32, #tpu.memory_space<hbm>>) target(%arg11 : memref<128x32xf32, #tpu.memory_space<vmem>>) offsets(%dma_start3A_107 : memref<128xi32, #tpu.memory_space<vmem>>) semaphore(%arg18 : memref<!tpu.dma_semaphore, #tpu.memory_space<semaphore_mem>>)
      %scan3A = arith.constant 0 : i32
      %scan3A_111 = arith.constant 0 : i32
      %scan3A_112 = arith.constant 18 : i32
      %scan3A_113 = arith.addi %scan3A_111, %scan3A_112 : i32
      %scan3A_114 = arith.constant 1 : i32
      scf.for %scan3A_280 = %scan3A_111 to %scan3A_113 step %scan3A_114  : i32 {
        %mul3A_281 = arith.constant 4 : i32
        %mul3A_282 = arith.muli %mul3A_281, %scan3A_280 : i32
        %add3A = arith.constant 1 : i32
        %add3A_283 = arith.addi %mul3A_282, %add3A : i32
        %add3A_284 = arith.constant 0 : i32
        %add3A_285 = arith.addi %add3A_283, %add3A_284 : i32
        %dma_wait3A_286 = arith.constant 0 : i32
        %dma_wait3A_287 = arith.constant 0 : i32
        %dma_wait3A_288 = tpu.memref_slice %arg8[%dma_wait3A_286, %dma_wait3A_287] : memref<2x128xi32, #tpu.memory_space<vmem>> -> memref<1x128xi32, #tpu.memory_space<vmem>>
        %dma_wait3A_289 = tpu.memref_squeeze %dma_wait3A_288 : memref<1x128xi32, #tpu.memory_space<vmem>> -> memref<128xi32, #tpu.memory_space<vmem>>
        %dma_wait3A_290 = arith.constant 0 : i32
        %dma_wait3A_291 = arith.constant 0 : i32
        %dma_wait3A_292 = tpu.memref_slice %arg4[%dma_wait3A_290, %dma_wait3A_291] : memref<10000x32xf32, #tpu.memory_space<hbm>> -> memref<10000x32xf32, #tpu.memory_space<hbm>>
        tpu.wait_indirect_dma semaphore(%arg19 : memref<!tpu.dma_semaphore, #tpu.memory_space<semaphore_mem>>) src(%dma_wait3A_292 : memref<10000x32xf32, #tpu.memory_space<hbm>>) dst(%arg12 : memref<128x32xf32, #tpu.memory_space<vmem>>)
        %run_scoped3A_293 = arith.constant 1 : i32
        "tpu.region"() ({
          %run_scoped3A_444 = tpu.sem_alloc : memref<!tpu.dma_semaphore, #tpu.memory_space<semaphore_mem>>
          %dma_start3A_445 = arith.constant 0 : i32
          %dma_start3A_446 = tpu.memref_slice %arg8[%run_scoped3A_293, %dma_start3A_445] : memref<2x128xi32, #tpu.memory_space<vmem>> -> memref<1x128xi32, #tpu.memory_space<vmem>>
          %dma_start3A_447 = tpu.memref_squeeze %dma_start3A_446 : memref<1x128xi32, #tpu.memory_space<vmem>> -> memref<128xi32, #tpu.memory_space<vmem>>
          %dma_start3A_448 = arith.constant 0 : i32
          %dma_start3A_449 = arith.constant 0 : i32
          %dma_start3A_450 = tpu.memref_slice %arg13[%dma_start3A_448, %dma_start3A_449] : memref<10008x32xf32, #tpu.memory_space<vmem_shared>> -> memref<10008x32xf32, #tpu.memory_space<vmem_shared>>
          tpu.enqueue_indirect_dma source(%arg12 : memref<128x32xf32, #tpu.memory_space<vmem>>) target(%dma_start3A_450 : memref<10008x32xf32, #tpu.memory_space<vmem_shared>>) offsets(%dma_start3A_447 : memref<128xi32, #tpu.memory_space<vmem>>) semaphore(%run_scoped3A_444 : memref<!tpu.dma_semaphore, #tpu.memory_space<semaphore_mem>>) {add = true}
          %dma_wait3A_451 = arith.constant 0 : i32
          %dma_wait3A_452 = tpu.memref_slice %arg8[%run_scoped3A_293, %dma_wait3A_451] : memref<2x128xi32, #tpu.memory_space<vmem>> -> memref<1x128xi32, #tpu.memory_space<vmem>>
          %dma_wait3A_453 = tpu.memref_squeeze %dma_wait3A_452 : memref<1x128xi32, #tpu.memory_space<vmem>> -> memref<128xi32, #tpu.memory_space<vmem>>
          %dma_wait3A_454 = arith.constant 0 : i32
          %dma_wait3A_455 = arith.constant 0 : i32
          %dma_wait3A_456 = tpu.memref_slice %arg13[%dma_wait3A_454, %dma_wait3A_455] : memref<10008x32xf32, #tpu.memory_space<vmem_shared>> -> memref<10008x32xf32, #tpu.memory_space<vmem_shared>>
          tpu.wait_indirect_dma semaphore(%run_scoped3A_444 : memref<!tpu.dma_semaphore, #tpu.memory_space<semaphore_mem>>) src(%arg12 : memref<128x32xf32, #tpu.memory_space<vmem>>) dst(%dma_wait3A_456 : memref<10008x32xf32, #tpu.memory_space<vmem_shared>>)
          tpu.yield
        }) : () -> ()
        %add3A_294 = arith.constant 4 : i32
        %add3A_295 = arith.addi %add3A_285, %add3A_294 : i32
        %dma_start3A_296 = arith.constant 0 : i32
        %dma_start3A_297 = arith.constant 0 : i32
        %dma_start3A_298 = tpu.memref_slice %arg2[%arg1, %add3A_295, %dma_start3A_296, %dma_start3A_297] : memref<16x80x2x128xi32, #tpu.memory_space<hbm>> -> memref<1x1x2x128xi32, #tpu.memory_space<hbm>>
        %dma_start3A_299 = tpu.memref_squeeze %dma_start3A_298 : memref<1x1x2x128xi32, #tpu.memory_space<hbm>> -> memref<2x128xi32, #tpu.memory_space<hbm>>
        %dma_start3A_300 = arith.constant 0 : i32
        %dma_start3A_301 = arith.constant 0 : i32
        %dma_start3A_302 = tpu.memref_slice %arg2[%arg1, %add3A_295, %dma_start3A_300, %dma_start3A_301] : memref<16x80x2x128xi32, #tpu.memory_space<hbm>> -> memref<1x1x2x128xi32, #tpu.memory_space<hbm>>
        %dma_start3A_303 = tpu.memref_squeeze %dma_start3A_302 : memref<1x1x2x128xi32, #tpu.memory_space<hbm>> -> memref<2x128xi32, #tpu.memory_space<hbm>>
        tpu.enqueue_dma source(%dma_start3A_303 : memref<2x128xi32, #tpu.memory_space<hbm>>) target(%arg8 : memref<2x128xi32, #tpu.memory_space<vmem>>) target_semaphore(%arg15 : memref<!tpu.dma_semaphore, #tpu.memory_space<semaphore_mem>>)
        %add3A_304 = arith.constant 2 : i32
        %add3A_305 = arith.addi %add3A_285, %add3A_304 : i32
        %dma_wait3A_306 = arith.constant 0 : i32
        %dma_wait3A_307 = arith.constant 0 : i32
        %dma_wait3A_308 = tpu.memref_slice %arg2[%arg1, %add3A_305, %dma_wait3A_306, %dma_wait3A_307] : memref<16x80x2x128xi32, #tpu.memory_space<hbm>> -> memref<1x1x2x128xi32, #tpu.memory_space<hbm>>
        %dma_wait3A_309 = tpu.memref_squeeze %dma_wait3A_308 : memref<1x1x2x128xi32, #tpu.memory_space<hbm>> -> memref<2x128xi32, #tpu.memory_space<hbm>>
        %dma_wait3A_310 = arith.constant 0 : i32
        %dma_wait3A_311 = arith.constant 0 : i32
        %dma_wait3A_312 = tpu.memref_slice %arg2[%arg1, %add3A_305, %dma_wait3A_310, %dma_wait3A_311] : memref<16x80x2x128xi32, #tpu.memory_space<hbm>> -> memref<1x1x2x128xi32, #tpu.memory_space<hbm>>
        %dma_wait3A_313 = tpu.memref_squeeze %dma_wait3A_312 : memref<1x1x2x128xi32, #tpu.memory_space<hbm>> -> memref<2x128xi32, #tpu.memory_space<hbm>>
        tpu.wait_dma2 semaphore(%arg17 : memref<!tpu.dma_semaphore, #tpu.memory_space<semaphore_mem>>) src(%dma_wait3A_313 : memref<2x128xi32, #tpu.memory_space<hbm>>) dst(%arg10 : memref<2x128xi32, #tpu.memory_space<vmem>>)
        %dma_start3A_314 = arith.constant 0 : i32
        %dma_start3A_315 = arith.constant 0 : i32
        %dma_start3A_316 = tpu.memref_slice %arg10[%dma_start3A_314, %dma_start3A_315] : memref<2x128xi32, #tpu.memory_space<vmem>> -> memref<1x128xi32, #tpu.memory_space<vmem>>
        %dma_start3A_317 = tpu.memref_squeeze %dma_start3A_316 : memref<1x128xi32, #tpu.memory_space<vmem>> -> memref<128xi32, #tpu.memory_space<vmem>>
        %dma_start3A_318 = arith.constant 0 : i32
        %dma_start3A_319 = arith.constant 0 : i32
        %dma_start3A_320 = tpu.memref_slice %arg4[%dma_start3A_318, %dma_start3A_319] : memref<10000x32xf32, #tpu.memory_space<hbm>> -> memref<10000x32xf32, #tpu.memory_space<hbm>>
        tpu.enqueue_indirect_dma source(%dma_start3A_320 : memref<10000x32xf32, #tpu.memory_space<hbm>>) target(%arg12 : memref<128x32xf32, #tpu.memory_space<vmem>>) offsets(%dma_start3A_317 : memref<128xi32, #tpu.memory_space<vmem>>) semaphore(%arg19 : memref<!tpu.dma_semaphore, #tpu.memory_space<semaphore_mem>>)
        %mul3A_321 = arith.constant 4 : i32
        %mul3A_322 = arith.muli %mul3A_321, %scan3A_280 : i32
        %add3A_323 = arith.constant 1 : i32
        %add3A_324 = arith.addi %mul3A_322, %add3A_323 : i32
        %add3A_325 = arith.constant 1 : i32
        %add3A_326 = arith.addi %add3A_324, %add3A_325 : i32
        %dma_wait3A_327 = arith.constant 0 : i32
        %dma_wait3A_328 = arith.constant 0 : i32
        %dma_wait3A_329 = tpu.memref_slice %arg9[%dma_wait3A_327, %dma_wait3A_328] : memref<2x128xi32, #tpu.memory_space<vmem>> -> memref<1x128xi32, #tpu.memory_space<vmem>>
        %dma_wait3A_330 = tpu.memref_squeeze %dma_wait3A_329 : memref<1x128xi32, #tpu.memory_space<vmem>> -> memref<128xi32, #tpu.memory_space<vmem>>
        %dma_wait3A_331 = arith.constant 0 : i32
        %dma_wait3A_332 = arith.constant 0 : i32
        %dma_wait3A_333 = tpu.memref_slice %arg4[%dma_wait3A_331, %dma_wait3A_332] : memref<10000x32xf32, #tpu.memory_space<hbm>> -> memref<10000x32xf32, #tpu.memory_space<hbm>>
        tpu.wait_indirect_dma semaphore(%arg18 : memref<!tpu.dma_semaphore, #tpu.memory_space<semaphore_mem>>) src(%dma_wait3A_333 : memref<10000x32xf32, #tpu.memory_space<hbm>>) dst(%arg11 : memref<128x32xf32, #tpu.memory_space<vmem>>)
        %run_scoped3A_334 = arith.constant 1 : i32
        "tpu.region"() ({
          %run_scoped3A_444 = tpu.sem_alloc : memref<!tpu.dma_semaphore, #tpu.memory_space<semaphore_mem>>
          %dma_start3A_445 = arith.constant 0 : i32
          %dma_start3A_446 = tpu.memref_slice %arg9[%run_scoped3A_334, %dma_start3A_445] : memref<2x128xi32, #tpu.memory_space<vmem>> -> memref<1x128xi32, #tpu.memory_space<vmem>>
          %dma_start3A_447 = tpu.memref_squeeze %dma_start3A_446 : memref<1x128xi32, #tpu.memory_space<vmem>> -> memref<128xi32, #tpu.memory_space<vmem>>
          %dma_start3A_448 = arith.constant 0 : i32
          %dma_start3A_449 = arith.constant 0 : i32
          %dma_start3A_450 = tpu.memref_slice %arg13[%dma_start3A_448, %dma_start3A_449] : memref<10008x32xf32, #tpu.memory_space<vmem_shared>> -> memref<10008x32xf32, #tpu.memory_space<vmem_shared>>
          tpu.enqueue_indirect_dma source(%arg11 : memref<128x32xf32, #tpu.memory_space<vmem>>) target(%dma_start3A_450 : memref<10008x32xf32, #tpu.memory_space<vmem_shared>>) offsets(%dma_start3A_447 : memref<128xi32, #tpu.memory_space<vmem>>) semaphore(%run_scoped3A_444 : memref<!tpu.dma_semaphore, #tpu.memory_space<semaphore_mem>>) {add = true}
          %dma_wait3A_451 = arith.constant 0 : i32
          %dma_wait3A_452 = tpu.memref_slice %arg9[%run_scoped3A_334, %dma_wait3A_451] : memref<2x128xi32, #tpu.memory_space<vmem>> -> memref<1x128xi32, #tpu.memory_space<vmem>>
          %dma_wait3A_453 = tpu.memref_squeeze %dma_wait3A_452 : memref<1x128xi32, #tpu.memory_space<vmem>> -> memref<128xi32, #tpu.memory_space<vmem>>
          %dma_wait3A_454 = arith.constant 0 : i32
          %dma_wait3A_455 = arith.constant 0 : i32
          %dma_wait3A_456 = tpu.memref_slice %arg13[%dma_wait3A_454, %dma_wait3A_455] : memref<10008x32xf32, #tpu.memory_space<vmem_shared>> -> memref<10008x32xf32, #tpu.memory_space<vmem_shared>>
          tpu.wait_indirect_dma semaphore(%run_scoped3A_444 : memref<!tpu.dma_semaphore, #tpu.memory_space<semaphore_mem>>) src(%arg11 : memref<128x32xf32, #tpu.memory_space<vmem>>) dst(%dma_wait3A_456 : memref<10008x32xf32, #tpu.memory_space<vmem_shared>>)
          tpu.yield
        }) : () -> ()
        %add3A_335 = arith.constant 4 : i32
        %add3A_336 = arith.addi %add3A_326, %add3A_335 : i32
        %dma_start3A_337 = arith.constant 0 : i32
        %dma_start3A_338 = arith.constant 0 : i32
        %dma_start3A_339 = tpu.memref_slice %arg2[%arg1, %add3A_336, %dma_start3A_337, %dma_start3A_338] : memref<16x80x2x128xi32, #tpu.memory_space<hbm>> -> memref<1x1x2x128xi32, #tpu.memory_space<hbm>>
        %dma_start3A_340 = tpu.memref_squeeze %dma_start3A_339 : memref<1x1x2x128xi32, #tpu.memory_space<hbm>> -> memref<2x128xi32, #tpu.memory_space<hbm>>
        %dma_start3A_341 = arith.constant 0 : i32
        %dma_start3A_342 = arith.constant 0 : i32
        %dma_start3A_343 = tpu.memref_slice %arg2[%arg1, %add3A_336, %dma_start3A_341, %dma_start3A_342] : memref<16x80x2x128xi32, #tpu.memory_space<hbm>> -> memref<1x1x2x128xi32, #tpu.memory_space<hbm>>
        %dma_start3A_344 = tpu.memref_squeeze %dma_start3A_343 : memref<1x1x2x128xi32, #tpu.memory_space<hbm>> -> memref<2x128xi32, #tpu.memory_space<hbm>>
        tpu.enqueue_dma source(%dma_start3A_344 : memref<2x128xi32, #tpu.memory_space<hbm>>) target(%arg9 : memref<2x128xi32, #tpu.memory_space<vmem>>) target_semaphore(%arg16 : memref<!tpu.dma_semaphore, #tpu.memory_space<semaphore_mem>>)
        %add3A_345 = arith.constant 2 : i32
        %add3A_346 = arith.addi %add3A_326, %add3A_345 : i32
        %dma_wait3A_347 = arith.constant 0 : i32
        %dma_wait3A_348 = arith.constant 0 : i32
        %dma_wait3A_349 = tpu.memref_slice %arg2[%arg1, %add3A_346, %dma_wait3A_347, %dma_wait3A_348] : memref<16x80x2x128xi32, #tpu.memory_space<hbm>> -> memref<1x1x2x128xi32, #tpu.memory_space<hbm>>
        %dma_wait3A_350 = tpu.memref_squeeze %dma_wait3A_349 : memref<1x1x2x128xi32, #tpu.memory_space<hbm>> -> memref<2x128xi32, #tpu.memory_space<hbm>>
        %dma_wait3A_351 = arith.constant 0 : i32
        %dma_wait3A_352 = arith.constant 0 : i32
        %dma_wait3A_353 = tpu.memref_slice %arg2[%arg1, %add3A_346, %dma_wait3A_351, %dma_wait3A_352] : memref<16x80x2x128xi32, #tpu.memory_space<hbm>> -> memref<1x1x2x128xi32, #tpu.memory_space<hbm>>
        %dma_wait3A_354 = tpu.memref_squeeze %dma_wait3A_353 : memref<1x1x2x128xi32, #tpu.memory_space<hbm>> -> memref<2x128xi32, #tpu.memory_space<hbm>>
        tpu.wait_dma2 semaphore(%arg14 : memref<!tpu.dma_semaphore, #tpu.memory_space<semaphore_mem>>) src(%dma_wait3A_354 : memref<2x128xi32, #tpu.memory_space<hbm>>) dst(%arg7 : memref<2x128xi32, #tpu.memory_space<vmem>>)
        %dma_start3A_355 = arith.constant 0 : i32
        %dma_start3A_356 = arith.constant 0 : i32
        %dma_start3A_357 = tpu.memref_slice %arg7[%dma_start3A_355, %dma_start3A_356] : memref<2x128xi32, #tpu.memory_space<vmem>> -> memref<1x128xi32, #tpu.memory_space<vmem>>
        %dma_start3A_358 = tpu.memref_squeeze %dma_start3A_357 : memref<1x128xi32, #tpu.memory_space<vmem>> -> memref<128xi32, #tpu.memory_space<vmem>>
        %dma_start3A_359 = arith.constant 0 : i32
        %dma_start3A_360 = arith.constant 0 : i32
        %dma_start3A_361 = tpu.memref_slice %arg4[%dma_start3A_359, %dma_start3A_360] : memref<10000x32xf32, #tpu.memory_space<hbm>> -> memref<10000x32xf32, #tpu.memory_space<hbm>>
        tpu.enqueue_indirect_dma source(%dma_start3A_361 : memref<10000x32xf32, #tpu.memory_space<hbm>>) target(%arg11 : memref<128x32xf32, #tpu.memory_space<vmem>>) offsets(%dma_start3A_358 : memref<128xi32, #tpu.memory_space<vmem>>) semaphore(%arg18 : memref<!tpu.dma_semaphore, #tpu.memory_space<semaphore_mem>>)
        %mul3A_362 = arith.constant 4 : i32
        %mul3A_363 = arith.muli %mul3A_362, %scan3A_280 : i32
        %add3A_364 = arith.constant 1 : i32
        %add3A_365 = arith.addi %mul3A_363, %add3A_364 : i32
        %add3A_366 = arith.constant 2 : i32
        %add3A_367 = arith.addi %add3A_365, %add3A_366 : i32
        %dma_wait3A_368 = arith.constant 0 : i32
        %dma_wait3A_369 = arith.constant 0 : i32
        %dma_wait3A_370 = tpu.memref_slice %arg10[%dma_wait3A_368, %dma_wait3A_369] : memref<2x128xi32, #tpu.memory_space<vmem>> -> memref<1x128xi32, #tpu.memory_space<vmem>>
        %dma_wait3A_371 = tpu.memref_squeeze %dma_wait3A_370 : memref<1x128xi32, #tpu.memory_space<vmem>> -> memref<128xi32, #tpu.memory_space<vmem>>
        %dma_wait3A_372 = arith.constant 0 : i32
        %dma_wait3A_373 = arith.constant 0 : i32
        %dma_wait3A_374 = tpu.memref_slice %arg4[%dma_wait3A_372, %dma_wait3A_373] : memref<10000x32xf32, #tpu.memory_space<hbm>> -> memref<10000x32xf32, #tpu.memory_space<hbm>>
        tpu.wait_indirect_dma semaphore(%arg19 : memref<!tpu.dma_semaphore, #tpu.memory_space<semaphore_mem>>) src(%dma_wait3A_374 : memref<10000x32xf32, #tpu.memory_space<hbm>>) dst(%arg12 : memref<128x32xf32, #tpu.memory_space<vmem>>)
        %run_scoped3A_375 = arith.constant 1 : i32
        "tpu.region"() ({
          %run_scoped3A_444 = tpu.sem_alloc : memref<!tpu.dma_semaphore, #tpu.memory_space<semaphore_mem>>
          %dma_start3A_445 = arith.constant 0 : i32
          %dma_start3A_446 = tpu.memref_slice %arg10[%run_scoped3A_375, %dma_start3A_445] : memref<2x128xi32, #tpu.memory_space<vmem>> -> memref<1x128xi32, #tpu.memory_space<vmem>>
          %dma_start3A_447 = tpu.memref_squeeze %dma_start3A_446 : memref<1x128xi32, #tpu.memory_space<vmem>> -> memref<128xi32, #tpu.memory_space<vmem>>
          %dma_start3A_448 = arith.constant 0 : i32
          %dma_start3A_449 = arith.constant 0 : i32
          %dma_start3A_450 = tpu.memref_slice %arg13[%dma_start3A_448, %dma_start3A_449] : memref<10008x32xf32, #tpu.memory_space<vmem_shared>> -> memref<10008x32xf32, #tpu.memory_space<vmem_shared>>
          tpu.enqueue_indirect_dma source(%arg12 : memref<128x32xf32, #tpu.memory_space<vmem>>) target(%dma_start3A_450 : memref<10008x32xf32, #tpu.memory_space<vmem_shared>>) offsets(%dma_start3A_447 : memref<128xi32, #tpu.memory_space<vmem>>) semaphore(%run_scoped3A_444 : memref<!tpu.dma_semaphore, #tpu.memory_space<semaphore_mem>>) {add = true}
          %dma_wait3A_451 = arith.constant 0 : i32
          %dma_wait3A_452 = tpu.memref_slice %arg10[%run_scoped3A_375, %dma_wait3A_451] : memref<2x128xi32, #tpu.memory_space<vmem>> -> memref<1x128xi32, #tpu.memory_space<vmem>>
          %dma_wait3A_453 = tpu.memref_squeeze %dma_wait3A_452 : memref<1x128xi32, #tpu.memory_space<vmem>> -> memref<128xi32, #tpu.memory_space<vmem>>
          %dma_wait3A_454 = arith.constant 0 : i32
          %dma_wait3A_455 = arith.constant 0 : i32
          %dma_wait3A_456 = tpu.memref_slice %arg13[%dma_wait3A_454, %dma_wait3A_455] : memref<10008x32xf32, #tpu.memory_space<vmem_shared>> -> memref<10008x32xf32, #tpu.memory_space<vmem_shared>>
          tpu.wait_indirect_dma semaphore(%run_scoped3A_444 : memref<!tpu.dma_semaphore, #tpu.memory_space<semaphore_mem>>) src(%arg12 : memref<128x32xf32, #tpu.memory_space<vmem>>) dst(%dma_wait3A_456 : memref<10008x32xf32, #tpu.memory_space<vmem_shared>>)
          tpu.yield
        }) : () -> ()
        %add3A_376 = arith.constant 4 : i32
        %add3A_377 = arith.addi %add3A_367, %add3A_376 : i32
        %dma_start3A_378 = arith.constant 0 : i32
        %dma_start3A_379 = arith.constant 0 : i32
        %dma_start3A_380 = tpu.memref_slice %arg2[%arg1, %add3A_377, %dma_start3A_378, %dma_start3A_379] : memref<16x80x2x128xi32, #tpu.memory_space<hbm>> -> memref<1x1x2x128xi32, #tpu.memory_space<hbm>>
        %dma_start3A_381 = tpu.memref_squeeze %dma_start3A_380 : memref<1x1x2x128xi32, #tpu.memory_space<hbm>> -> memref<2x128xi32, #tpu.memory_space<hbm>>
        %dma_start3A_382 = arith.constant 0 : i32
        %dma_start3A_383 = arith.constant 0 : i32
        %dma_start3A_384 = tpu.memref_slice %arg2[%arg1, %add3A_377, %dma_start3A_382, %dma_start3A_383] : memref<16x80x2x128xi32, #tpu.memory_space<hbm>> -> memref<1x1x2x128xi32, #tpu.memory_space<hbm>>
        %dma_start3A_385 = tpu.memref_squeeze %dma_start3A_384 : memref<1x1x2x128xi32, #tpu.memory_space<hbm>> -> memref<2x128xi32, #tpu.memory_space<hbm>>
        tpu.enqueue_dma source(%dma_start3A_385 : memref<2x128xi32, #tpu.memory_space<hbm>>) target(%arg10 : memref<2x128xi32, #tpu.memory_space<vmem>>) target_semaphore(%arg17 : memref<!tpu.dma_semaphore, #tpu.memory_space<semaphore_mem>>)
        %add3A_386 = arith.constant 2 : i32
        %add3A_387 = arith.addi %add3A_367, %add3A_386 : i32
        %dma_wait3A_388 = arith.constant 0 : i32
        %dma_wait3A_389 = arith.constant 0 : i32
        %dma_wait3A_390 = tpu.memref_slice %arg2[%arg1, %add3A_387, %dma_wait3A_388, %dma_wait3A_389] : memref<16x80x2x128xi32, #tpu.memory_space<hbm>> -> memref<1x1x2x128xi32, #tpu.memory_space<hbm>>
        %dma_wait3A_391 = tpu.memref_squeeze %dma_wait3A_390 : memref<1x1x2x128xi32, #tpu.memory_space<hbm>> -> memref<2x128xi32, #tpu.memory_space<hbm>>
        %dma_wait3A_392 = arith.constant 0 : i32
        %dma_wait3A_393 = arith.constant 0 : i32
        %dma_wait3A_394 = tpu.memref_slice %arg2[%arg1, %add3A_387, %dma_wait3A_392, %dma_wait3A_393] : memref<16x80x2x128xi32, #tpu.memory_space<hbm>> -> memref<1x1x2x128xi32, #tpu.memory_space<hbm>>
        %dma_wait3A_395 = tpu.memref_squeeze %dma_wait3A_394 : memref<1x1x2x128xi32, #tpu.memory_space<hbm>> -> memref<2x128xi32, #tpu.memory_space<hbm>>
        tpu.wait_dma2 semaphore(%arg15 : memref<!tpu.dma_semaphore, #tpu.memory_space<semaphore_mem>>) src(%dma_wait3A_395 : memref<2x128xi32, #tpu.memory_space<hbm>>) dst(%arg8 : memref<2x128xi32, #tpu.memory_space<vmem>>)
        %dma_start3A_396 = arith.constant 0 : i32
        %dma_start3A_397 = arith.constant 0 : i32
        %dma_start3A_398 = tpu.memref_slice %arg8[%dma_start3A_396, %dma_start3A_397] : memref<2x128xi32, #tpu.memory_space<vmem>> -> memref<1x128xi32, #tpu.memory_space<vmem>>
        %dma_start3A_399 = tpu.memref_squeeze %dma_start3A_398 : memref<1x128xi32, #tpu.memory_space<vmem>> -> memref<128xi32, #tpu.memory_space<vmem>>
        %dma_start3A_400 = arith.constant 0 : i32
        %dma_start3A_401 = arith.constant 0 : i32
        %dma_start3A_402 = tpu.memref_slice %arg4[%dma_start3A_400, %dma_start3A_401] : memref<10000x32xf32, #tpu.memory_space<hbm>> -> memref<10000x32xf32, #tpu.memory_space<hbm>>
        tpu.enqueue_indirect_dma source(%dma_start3A_402 : memref<10000x32xf32, #tpu.memory_space<hbm>>) target(%arg12 : memref<128x32xf32, #tpu.memory_space<vmem>>) offsets(%dma_start3A_399 : memref<128xi32, #tpu.memory_space<vmem>>) semaphore(%arg19 : memref<!tpu.dma_semaphore, #tpu.memory_space<semaphore_mem>>)
        %mul3A_403 = arith.constant 4 : i32
        %mul3A_404 = arith.muli %mul3A_403, %scan3A_280 : i32
        %add3A_405 = arith.constant 1 : i32
        %add3A_406 = arith.addi %mul3A_404, %add3A_405 : i32
        %add3A_407 = arith.constant 3 : i32
        %add3A_408 = arith.addi %add3A_406, %add3A_407 : i32
        %dma_wait3A_409 = arith.constant 0 : i32
        %dma_wait3A_410 = arith.constant 0 : i32
        %dma_wait3A_411 = tpu.memref_slice %arg7[%dma_wait3A_409, %dma_wait3A_410] : memref<2x128xi32, #tpu.memory_space<vmem>> -> memref<1x128xi32, #tpu.memory_space<vmem>>
        %dma_wait3A_412 = tpu.memref_squeeze %dma_wait3A_411 : memref<1x128xi32, #tpu.memory_space<vmem>> -> memref<128xi32, #tpu.memory_space<vmem>>
        %dma_wait3A_413 = arith.constant 0 : i32
        %dma_wait3A_414 = arith.constant 0 : i32
        %dma_wait3A_415 = tpu.memref_slice %arg4[%dma_wait3A_413, %dma_wait3A_414] : memref<10000x32xf32, #tpu.memory_space<hbm>> -> memref<10000x32xf32, #tpu.memory_space<hbm>>
        tpu.wait_indirect_dma semaphore(%arg18 : memref<!tpu.dma_semaphore, #tpu.memory_space<semaphore_mem>>) src(%dma_wait3A_415 : memref<10000x32xf32, #tpu.memory_space<hbm>>) dst(%arg11 : memref<128x32xf32, #tpu.memory_space<vmem>>)
        %run_scoped3A_416 = arith.constant 1 : i32
        "tpu.region"() ({
          %run_scoped3A_444 = tpu.sem_alloc : memref<!tpu.dma_semaphore, #tpu.memory_space<semaphore_mem>>
          %dma_start3A_445 = arith.constant 0 : i32
          %dma_start3A_446 = tpu.memref_slice %arg7[%run_scoped3A_416, %dma_start3A_445] : memref<2x128xi32, #tpu.memory_space<vmem>> -> memref<1x128xi32, #tpu.memory_space<vmem>>
          %dma_start3A_447 = tpu.memref_squeeze %dma_start3A_446 : memref<1x128xi32, #tpu.memory_space<vmem>> -> memref<128xi32, #tpu.memory_space<vmem>>
          %dma_start3A_448 = arith.constant 0 : i32
          %dma_start3A_449 = arith.constant 0 : i32
          %dma_start3A_450 = tpu.memref_slice %arg13[%dma_start3A_448, %dma_start3A_449] : memref<10008x32xf32, #tpu.memory_space<vmem_shared>> -> memref<10008x32xf32, #tpu.memory_space<vmem_shared>>
          tpu.enqueue_indirect_dma source(%arg11 : memref<128x32xf32, #tpu.memory_space<vmem>>) target(%dma_start3A_450 : memref<10008x32xf32, #tpu.memory_space<vmem_shared>>) offsets(%dma_start3A_447 : memref<128xi32, #tpu.memory_space<vmem>>) semaphore(%run_scoped3A_444 : memref<!tpu.dma_semaphore, #tpu.memory_space<semaphore_mem>>) {add = true}
          %dma_wait3A_451 = arith.constant 0 : i32
          %dma_wait3A_452 = tpu.memref_slice %arg7[%run_scoped3A_416, %dma_wait3A_451] : memref<2x128xi32, #tpu.memory_space<vmem>> -> memref<1x128xi32, #tpu.memory_space<vmem>>
          %dma_wait3A_453 = tpu.memref_squeeze %dma_wait3A_452 : memref<1x128xi32, #tpu.memory_space<vmem>> -> memref<128xi32, #tpu.memory_space<vmem>>
          %dma_wait3A_454 = arith.constant 0 : i32
          %dma_wait3A_455 = arith.constant 0 : i32
          %dma_wait3A_456 = tpu.memref_slice %arg13[%dma_wait3A_454, %dma_wait3A_455] : memref<10008x32xf32, #tpu.memory_space<vmem_shared>> -> memref<10008x32xf32, #tpu.memory_space<vmem_shared>>
          tpu.wait_indirect_dma semaphore(%run_scoped3A_444 : memref<!tpu.dma_semaphore, #tpu.memory_space<semaphore_mem>>) src(%arg11 : memref<128x32xf32, #tpu.memory_space<vmem>>) dst(%dma_wait3A_456 : memref<10008x32xf32, #tpu.memory_space<vmem_shared>>)
          tpu.yield
        }) : () -> ()
        %add3A_417 = arith.constant 4 : i32
        %add3A_418 = arith.addi %add3A_408, %add3A_417 : i32
        %dma_start3A_419 = arith.constant 0 : i32
        %dma_start3A_420 = arith.constant 0 : i32
        %dma_start3A_421 = tpu.memref_slice %arg2[%arg1, %add3A_418, %dma_start3A_419, %dma_start3A_420] : memref<16x80x2x128xi32, #tpu.memory_space<hbm>> -> memref<1x1x2x128xi32, #tpu.memory_space<hbm>>
        %dma_start3A_422 = tpu.memref_squeeze %dma_start3A_421 : memref<1x1x2x128xi32, #tpu.memory_space<hbm>> -> memref<2x128xi32, #tpu.memory_space<hbm>>
        %dma_start3A_423 = arith.constant 0 : i32
        %dma_start3A_424 = arith.constant 0 : i32
        %dma_start3A_425 = tpu.memref_slice %arg2[%arg1, %add3A_418, %dma_start3A_423, %dma_start3A_424] : memref<16x80x2x128xi32, #tpu.memory_space<hbm>> -> memref<1x1x2x128xi32, #tpu.memory_space<hbm>>
        %dma_start3A_426 = tpu.memref_squeeze %dma_start3A_425 : memref<1x1x2x128xi32, #tpu.memory_space<hbm>> -> memref<2x128xi32, #tpu.memory_space<hbm>>
        tpu.enqueue_dma source(%dma_start3A_426 : memref<2x128xi32, #tpu.memory_space<hbm>>) target(%arg7 : memref<2x128xi32, #tpu.memory_space<vmem>>) target_semaphore(%arg14 : memref<!tpu.dma_semaphore, #tpu.memory_space<semaphore_mem>>)
        %add3A_427 = arith.constant 2 : i32
        %add3A_428 = arith.addi %add3A_408, %add3A_427 : i32
        %dma_wait3A_429 = arith.constant 0 : i32
        %dma_wait3A_430 = arith.constant 0 : i32
        %dma_wait3A_431 = tpu.memref_slice %arg2[%arg1, %add3A_428, %dma_wait3A_429, %dma_wait3A_430] : memref<16x80x2x128xi32, #tpu.memory_space<hbm>> -> memref<1x1x2x128xi32, #tpu.memory_space<hbm>>
        %dma_wait3A_432 = tpu.memref_squeeze %dma_wait3A_431 : memref<1x1x2x128xi32, #tpu.memory_space<hbm>> -> memref<2x128xi32, #tpu.memory_space<hbm>>
        %dma_wait3A_433 = arith.constant 0 : i32
        %dma_wait3A_434 = arith.constant 0 : i32
        %dma_wait3A_435 = tpu.memref_slice %arg2[%arg1, %add3A_428, %dma_wait3A_433, %dma_wait3A_434] : memref<16x80x2x128xi32, #tpu.memory_space<hbm>> -> memref<1x1x2x128xi32, #tpu.memory_space<hbm>>
        %dma_wait3A_436 = tpu.memref_squeeze %dma_wait3A_435 : memref<1x1x2x128xi32, #tpu.memory_space<hbm>> -> memref<2x128xi32, #tpu.memory_space<hbm>>
        tpu.wait_dma2 semaphore(%arg16 : memref<!tpu.dma_semaphore, #tpu.memory_space<semaphore_mem>>) src(%dma_wait3A_436 : memref<2x128xi32, #tpu.memory_space<hbm>>) dst(%arg9 : memref<2x128xi32, #tpu.memory_space<vmem>>)
        %dma_start3A_437 = arith.constant 0 : i32
        %dma_start3A_438 = arith.constant 0 : i32
        %dma_start3A_439 = tpu.memref_slice %arg9[%dma_start3A_437, %dma_start3A_438] : memref<2x128xi32, #tpu.memory_space<vmem>> -> memref<1x128xi32, #tpu.memory_space<vmem>>
        %dma_start3A_440 = tpu.memref_squeeze %dma_start3A_439 : memref<1x128xi32, #tpu.memory_space<vmem>> -> memref<128xi32, #tpu.memory_space<vmem>>
        %dma_start3A_441 = arith.constant 0 : i32
        %dma_start3A_442 = arith.constant 0 : i32
        %dma_start3A_443 = tpu.memref_slice %arg4[%dma_start3A_441, %dma_start3A_442] : memref<10000x32xf32, #tpu.memory_space<hbm>> -> memref<10000x32xf32, #tpu.memory_space<hbm>>
        tpu.enqueue_indirect_dma source(%dma_start3A_443 : memref<10000x32xf32, #tpu.memory_space<hbm>>) target(%arg11 : memref<128x32xf32, #tpu.memory_space<vmem>>) offsets(%dma_start3A_440 : memref<128xi32, #tpu.memory_space<vmem>>) semaphore(%arg18 : memref<!tpu.dma_semaphore, #tpu.memory_space<semaphore_mem>>)
      }
      %scan3A_115 = arith.constant 18 : i32
      %dma_wait3A_116 = arith.constant 0 : i32
      %dma_wait3A_117 = arith.constant 0 : i32
      %dma_wait3A_118 = tpu.memref_slice %arg8[%dma_wait3A_116, %dma_wait3A_117] : memref<2x128xi32, #tpu.memory_space<vmem>> -> memref<1x128xi32, #tpu.memory_space<vmem>>
      %dma_wait3A_119 = tpu.memref_squeeze %dma_wait3A_118 : memref<1x128xi32, #tpu.memory_space<vmem>> -> memref<128xi32, #tpu.memory_space<vmem>>
      %dma_wait3A_120 = arith.constant 0 : i32
      %dma_wait3A_121 = arith.constant 0 : i32
      %dma_wait3A_122 = tpu.memref_slice %arg4[%dma_wait3A_120, %dma_wait3A_121] : memref<10000x32xf32, #tpu.memory_space<hbm>> -> memref<10000x32xf32, #tpu.memory_space<hbm>>
      tpu.wait_indirect_dma semaphore(%arg19 : memref<!tpu.dma_semaphore, #tpu.memory_space<semaphore_mem>>) src(%dma_wait3A_122 : memref<10000x32xf32, #tpu.memory_space<hbm>>) dst(%arg12 : memref<128x32xf32, #tpu.memory_space<vmem>>)
      %run_scoped3A_123 = arith.constant 1 : i32
      "tpu.region"() ({
        %run_scoped3A_280 = tpu.sem_alloc : memref<!tpu.dma_semaphore, #tpu.memory_space<semaphore_mem>>
        %dma_start3A_281 = arith.constant 0 : i32
        %dma_start3A_282 = tpu.memref_slice %arg8[%run_scoped3A_123, %dma_start3A_281] : memref<2x128xi32, #tpu.memory_space<vmem>> -> memref<1x128xi32, #tpu.memory_space<vmem>>
        %dma_start3A_283 = tpu.memref_squeeze %dma_start3A_282 : memref<1x128xi32, #tpu.memory_space<vmem>> -> memref<128xi32, #tpu.memory_space<vmem>>
        %dma_start3A_284 = arith.constant 0 : i32
        %dma_start3A_285 = arith.constant 0 : i32
        %dma_start3A_286 = tpu.memref_slice %arg13[%dma_start3A_284, %dma_start3A_285] : memref<10008x32xf32, #tpu.memory_space<vmem_shared>> -> memref<10008x32xf32, #tpu.memory_space<vmem_shared>>
        tpu.enqueue_indirect_dma source(%arg12 : memref<128x32xf32, #tpu.memory_space<vmem>>) target(%dma_start3A_286 : memref<10008x32xf32, #tpu.memory_space<vmem_shared>>) offsets(%dma_start3A_283 : memref<128xi32, #tpu.memory_space<vmem>>) semaphore(%run_scoped3A_280 : memref<!tpu.dma_semaphore, #tpu.memory_space<semaphore_mem>>) {add = true}
        %dma_wait3A_287 = arith.constant 0 : i32
        %dma_wait3A_288 = tpu.memref_slice %arg8[%run_scoped3A_123, %dma_wait3A_287] : memref<2x128xi32, #tpu.memory_space<vmem>> -> memref<1x128xi32, #tpu.memory_space<vmem>>
        %dma_wait3A_289 = tpu.memref_squeeze %dma_wait3A_288 : memref<1x128xi32, #tpu.memory_space<vmem>> -> memref<128xi32, #tpu.memory_space<vmem>>
        %dma_wait3A_290 = arith.constant 0 : i32
        %dma_wait3A_291 = arith.constant 0 : i32
        %dma_wait3A_292 = tpu.memref_slice %arg13[%dma_wait3A_290, %dma_wait3A_291] : memref<10008x32xf32, #tpu.memory_space<vmem_shared>> -> memref<10008x32xf32, #tpu.memory_space<vmem_shared>>
        tpu.wait_indirect_dma semaphore(%run_scoped3A_280 : memref<!tpu.dma_semaphore, #tpu.memory_space<semaphore_mem>>) src(%arg12 : memref<128x32xf32, #tpu.memory_space<vmem>>) dst(%dma_wait3A_292 : memref<10008x32xf32, #tpu.memory_space<vmem_shared>>)
        tpu.yield
      }) : () -> ()
      %dma_start3A_124 = arith.constant 77 : i32
      %dma_start3A_125 = arith.constant 0 : i32
      %dma_start3A_126 = arith.constant 0 : i32
      %dma_start3A_127 = tpu.memref_slice %arg2[%arg1, %dma_start3A_124, %dma_start3A_125, %dma_start3A_126] : memref<16x80x2x128xi32, #tpu.memory_space<hbm>> -> memref<1x1x2x128xi32, #tpu.memory_space<hbm>>
      %dma_start3A_128 = tpu.memref_squeeze %dma_start3A_127 : memref<1x1x2x128xi32, #tpu.memory_space<hbm>> -> memref<2x128xi32, #tpu.memory_space<hbm>>
      %dma_start3A_129 = arith.constant 0 : i32
      %dma_start3A_130 = arith.constant 0 : i32
      %dma_start3A_131 = tpu.memref_slice %arg2[%arg1, %dma_start3A_124, %dma_start3A_129, %dma_start3A_130] : memref<16x80x2x128xi32, #tpu.memory_space<hbm>> -> memref<1x1x2x128xi32, #tpu.memory_space<hbm>>
      %dma_start3A_132 = tpu.memref_squeeze %dma_start3A_131 : memref<1x1x2x128xi32, #tpu.memory_space<hbm>> -> memref<2x128xi32, #tpu.memory_space<hbm>>
      tpu.enqueue_dma source(%dma_start3A_132 : memref<2x128xi32, #tpu.memory_space<hbm>>) target(%arg8 : memref<2x128xi32, #tpu.memory_space<vmem>>) target_semaphore(%arg15 : memref<!tpu.dma_semaphore, #tpu.memory_space<semaphore_mem>>)
      %dma_wait3A_133 = arith.constant 75 : i32
      %dma_wait3A_134 = arith.constant 0 : i32
      %dma_wait3A_135 = arith.constant 0 : i32
      %dma_wait3A_136 = tpu.memref_slice %arg2[%arg1, %dma_wait3A_133, %dma_wait3A_134, %dma_wait3A_135] : memref<16x80x2x128xi32, #tpu.memory_space<hbm>> -> memref<1x1x2x128xi32, #tpu.memory_space<hbm>>
      %dma_wait3A_137 = tpu.memref_squeeze %dma_wait3A_136 : memref<1x1x2x128xi32, #tpu.memory_space<hbm>> -> memref<2x128xi32, #tpu.memory_space<hbm>>
      %dma_wait3A_138 = arith.constant 0 : i32
      %dma_wait3A_139 = arith.constant 0 : i32
      %dma_wait3A_140 = tpu.memref_slice %arg2[%arg1, %dma_wait3A_133, %dma_wait3A_138, %dma_wait3A_139] : memref<16x80x2x128xi32, #tpu.memory_space<hbm>> -> memref<1x1x2x128xi32, #tpu.memory_space<hbm>>
      %dma_wait3A_141 = tpu.memref_squeeze %dma_wait3A_140 : memref<1x1x2x128xi32, #tpu.memory_space<hbm>> -> memref<2x128xi32, #tpu.memory_space<hbm>>
      tpu.wait_dma2 semaphore(%arg17 : memref<!tpu.dma_semaphore, #tpu.memory_space<semaphore_mem>>) src(%dma_wait3A_141 : memref<2x128xi32, #tpu.memory_space<hbm>>) dst(%arg10 : memref<2x128xi32, #tpu.memory_space<vmem>>)
      %dma_start3A_142 = arith.constant 0 : i32
      %dma_start3A_143 = arith.constant 0 : i32
      %dma_start3A_144 = tpu.memref_slice %arg10[%dma_start3A_142, %dma_start3A_143] : memref<2x128xi32, #tpu.memory_space<vmem>> -> memref<1x128xi32, #tpu.memory_space<vmem>>
      %dma_start3A_145 = tpu.memref_squeeze %dma_start3A_144 : memref<1x128xi32, #tpu.memory_space<vmem>> -> memref<128xi32, #tpu.memory_space<vmem>>
      %dma_start3A_146 = arith.constant 0 : i32
      %dma_start3A_147 = arith.constant 0 : i32
      %dma_start3A_148 = tpu.memref_slice %arg4[%dma_start3A_146, %dma_start3A_147] : memref<10000x32xf32, #tpu.memory_space<hbm>> -> memref<10000x32xf32, #tpu.memory_space<hbm>>
      tpu.enqueue_indirect_dma source(%dma_start3A_148 : memref<10000x32xf32, #tpu.memory_space<hbm>>) target(%arg12 : memref<128x32xf32, #tpu.memory_space<vmem>>) offsets(%dma_start3A_145 : memref<128xi32, #tpu.memory_space<vmem>>) semaphore(%arg19 : memref<!tpu.dma_semaphore, #tpu.memory_space<semaphore_mem>>)
      %dma_wait3A_149 = arith.constant 0 : i32
      %dma_wait3A_150 = arith.constant 0 : i32
      %dma_wait3A_151 = tpu.memref_slice %arg9[%dma_wait3A_149, %dma_wait3A_150] : memref<2x128xi32, #tpu.memory_space<vmem>> -> memref<1x128xi32, #tpu.memory_space<vmem>>
      %dma_wait3A_152 = tpu.memref_squeeze %dma_wait3A_151 : memref<1x128xi32, #tpu.memory_space<vmem>> -> memref<128xi32, #tpu.memory_space<vmem>>
      %dma_wait3A_153 = arith.constant 0 : i32
      %dma_wait3A_154 = arith.constant 0 : i32
      %dma_wait3A_155 = tpu.memref_slice %arg4[%dma_wait3A_153, %dma_wait3A_154] : memref<10000x32xf32, #tpu.memory_space<hbm>> -> memref<10000x32xf32, #tpu.memory_space<hbm>>
      tpu.wait_indirect_dma semaphore(%arg18 : memref<!tpu.dma_semaphore, #tpu.memory_space<semaphore_mem>>) src(%dma_wait3A_155 : memref<10000x32xf32, #tpu.memory_space<hbm>>) dst(%arg11 : memref<128x32xf32, #tpu.memory_space<vmem>>)
      %run_scoped3A_156 = arith.constant 1 : i32
      "tpu.region"() ({
        %run_scoped3A_280 = tpu.sem_alloc : memref<!tpu.dma_semaphore, #tpu.memory_space<semaphore_mem>>
        %dma_start3A_281 = arith.constant 0 : i32
        %dma_start3A_282 = tpu.memref_slice %arg9[%run_scoped3A_156, %dma_start3A_281] : memref<2x128xi32, #tpu.memory_space<vmem>> -> memref<1x128xi32, #tpu.memory_space<vmem>>
        %dma_start3A_283 = tpu.memref_squeeze %dma_start3A_282 : memref<1x128xi32, #tpu.memory_space<vmem>> -> memref<128xi32, #tpu.memory_space<vmem>>
        %dma_start3A_284 = arith.constant 0 : i32
        %dma_start3A_285 = arith.constant 0 : i32
        %dma_start3A_286 = tpu.memref_slice %arg13[%dma_start3A_284, %dma_start3A_285] : memref<10008x32xf32, #tpu.memory_space<vmem_shared>> -> memref<10008x32xf32, #tpu.memory_space<vmem_shared>>
        tpu.enqueue_indirect_dma source(%arg11 : memref<128x32xf32, #tpu.memory_space<vmem>>) target(%dma_start3A_286 : memref<10008x32xf32, #tpu.memory_space<vmem_shared>>) offsets(%dma_start3A_283 : memref<128xi32, #tpu.memory_space<vmem>>) semaphore(%run_scoped3A_280 : memref<!tpu.dma_semaphore, #tpu.memory_space<semaphore_mem>>) {add = true}
        %dma_wait3A_287 = arith.constant 0 : i32
        %dma_wait3A_288 = tpu.memref_slice %arg9[%run_scoped3A_156, %dma_wait3A_287] : memref<2x128xi32, #tpu.memory_space<vmem>> -> memref<1x128xi32, #tpu.memory_space<vmem>>
        %dma_wait3A_289 = tpu.memref_squeeze %dma_wait3A_288 : memref<1x128xi32, #tpu.memory_space<vmem>> -> memref<128xi32, #tpu.memory_space<vmem>>
        %dma_wait3A_290 = arith.constant 0 : i32
        %dma_wait3A_291 = arith.constant 0 : i32
        %dma_wait3A_292 = tpu.memref_slice %arg13[%dma_wait3A_290, %dma_wait3A_291] : memref<10008x32xf32, #tpu.memory_space<vmem_shared>> -> memref<10008x32xf32, #tpu.memory_space<vmem_shared>>
        tpu.wait_indirect_dma semaphore(%run_scoped3A_280 : memref<!tpu.dma_semaphore, #tpu.memory_space<semaphore_mem>>) src(%arg11 : memref<128x32xf32, #tpu.memory_space<vmem>>) dst(%dma_wait3A_292 : memref<10008x32xf32, #tpu.memory_space<vmem_shared>>)
        tpu.yield
      }) : () -> ()
      %dma_start3A_157 = arith.constant 78 : i32
      %dma_start3A_158 = arith.constant 0 : i32
      %dma_start3A_159 = arith.constant 0 : i32
      %dma_start3A_160 = tpu.memref_slice %arg2[%arg1, %dma_start3A_157, %dma_start3A_158, %dma_start3A_159] : memref<16x80x2x128xi32, #tpu.memory_space<hbm>> -> memref<1x1x2x128xi32, #tpu.memory_space<hbm>>
      %dma_start3A_161 = tpu.memref_squeeze %dma_start3A_160 : memref<1x1x2x128xi32, #tpu.memory_space<hbm>> -> memref<2x128xi32, #tpu.memory_space<hbm>>
      %dma_start3A_162 = arith.constant 0 : i32
      %dma_start3A_163 = arith.constant 0 : i32
      %dma_start3A_164 = tpu.memref_slice %arg2[%arg1, %dma_start3A_157, %dma_start3A_162, %dma_start3A_163] : memref<16x80x2x128xi32, #tpu.memory_space<hbm>> -> memref<1x1x2x128xi32, #tpu.memory_space<hbm>>
      %dma_start3A_165 = tpu.memref_squeeze %dma_start3A_164 : memref<1x1x2x128xi32, #tpu.memory_space<hbm>> -> memref<2x128xi32, #tpu.memory_space<hbm>>
      tpu.enqueue_dma source(%dma_start3A_165 : memref<2x128xi32, #tpu.memory_space<hbm>>) target(%arg9 : memref<2x128xi32, #tpu.memory_space<vmem>>) target_semaphore(%arg16 : memref<!tpu.dma_semaphore, #tpu.memory_space<semaphore_mem>>)
      %dma_wait3A_166 = arith.constant 76 : i32
      %dma_wait3A_167 = arith.constant 0 : i32
      %dma_wait3A_168 = arith.constant 0 : i32
      %dma_wait3A_169 = tpu.memref_slice %arg2[%arg1, %dma_wait3A_166, %dma_wait3A_167, %dma_wait3A_168] : memref<16x80x2x128xi32, #tpu.memory_space<hbm>> -> memref<1x1x2x128xi32, #tpu.memory_space<hbm>>
      %dma_wait3A_170 = tpu.memref_squeeze %dma_wait3A_169 : memref<1x1x2x128xi32, #tpu.memory_space<hbm>> -> memref<2x128xi32, #tpu.memory_space<hbm>>
      %dma_wait3A_171 = arith.constant 0 : i32
      %dma_wait3A_172 = arith.constant 0 : i32
      %dma_wait3A_173 = tpu.memref_slice %arg2[%arg1, %dma_wait3A_166, %dma_wait3A_171, %dma_wait3A_172] : memref<16x80x2x128xi32, #tpu.memory_space<hbm>> -> memref<1x1x2x128xi32, #tpu.memory_space<hbm>>
      %dma_wait3A_174 = tpu.memref_squeeze %dma_wait3A_173 : memref<1x1x2x128xi32, #tpu.memory_space<hbm>> -> memref<2x128xi32, #tpu.memory_space<hbm>>
      tpu.wait_dma2 semaphore(%arg14 : memref<!tpu.dma_semaphore, #tpu.memory_space<semaphore_mem>>) src(%dma_wait3A_174 : memref<2x128xi32, #tpu.memory_space<hbm>>) dst(%arg7 : memref<2x128xi32, #tpu.memory_space<vmem>>)
      %dma_start3A_175 = arith.constant 0 : i32
      %dma_start3A_176 = arith.constant 0 : i32
      %dma_start3A_177 = tpu.memref_slice %arg7[%dma_start3A_175, %dma_start3A_176] : memref<2x128xi32, #tpu.memory_space<vmem>> -> memref<1x128xi32, #tpu.memory_space<vmem>>
      %dma_start3A_178 = tpu.memref_squeeze %dma_start3A_177 : memref<1x128xi32, #tpu.memory_space<vmem>> -> memref<128xi32, #tpu.memory_space<vmem>>
      %dma_start3A_179 = arith.constant 0 : i32
      %dma_start3A_180 = arith.constant 0 : i32
      %dma_start3A_181 = tpu.memref_slice %arg4[%dma_start3A_179, %dma_start3A_180] : memref<10000x32xf32, #tpu.memory_space<hbm>> -> memref<10000x32xf32, #tpu.memory_space<hbm>>
      tpu.enqueue_indirect_dma source(%dma_start3A_181 : memref<10000x32xf32, #tpu.memory_space<hbm>>) target(%arg11 : memref<128x32xf32, #tpu.memory_space<vmem>>) offsets(%dma_start3A_178 : memref<128xi32, #tpu.memory_space<vmem>>) semaphore(%arg18 : memref<!tpu.dma_semaphore, #tpu.memory_space<semaphore_mem>>)
      %dma_wait3A_182 = arith.constant 0 : i32
      %dma_wait3A_183 = arith.constant 0 : i32
      %dma_wait3A_184 = tpu.memref_slice %arg10[%dma_wait3A_182, %dma_wait3A_183] : memref<2x128xi32, #tpu.memory_space<vmem>> -> memref<1x128xi32, #tpu.memory_space<vmem>>
      %dma_wait3A_185 = tpu.memref_squeeze %dma_wait3A_184 : memref<1x128xi32, #tpu.memory_space<vmem>> -> memref<128xi32, #tpu.memory_space<vmem>>
      %dma_wait3A_186 = arith.constant 0 : i32
      %dma_wait3A_187 = arith.constant 0 : i32
      %dma_wait3A_188 = tpu.memref_slice %arg4[%dma_wait3A_186, %dma_wait3A_187] : memref<10000x32xf32, #tpu.memory_space<hbm>> -> memref<10000x32xf32, #tpu.memory_space<hbm>>
      tpu.wait_indirect_dma semaphore(%arg19 : memref<!tpu.dma_semaphore, #tpu.memory_space<semaphore_mem>>) src(%dma_wait3A_188 : memref<10000x32xf32, #tpu.memory_space<hbm>>) dst(%arg12 : memref<128x32xf32, #tpu.memory_space<vmem>>)
      %run_scoped3A_189 = arith.constant 1 : i32
      "tpu.region"() ({
        %run_scoped3A_280 = tpu.sem_alloc : memref<!tpu.dma_semaphore, #tpu.memory_space<semaphore_mem>>
        %dma_start3A_281 = arith.constant 0 : i32
        %dma_start3A_282 = tpu.memref_slice %arg10[%run_scoped3A_189, %dma_start3A_281] : memref<2x128xi32, #tpu.memory_space<vmem>> -> memref<1x128xi32, #tpu.memory_space<vmem>>
        %dma_start3A_283 = tpu.memref_squeeze %dma_start3A_282 : memref<1x128xi32, #tpu.memory_space<vmem>> -> memref<128xi32, #tpu.memory_space<vmem>>
        %dma_start3A_284 = arith.constant 0 : i32
        %dma_start3A_285 = arith.constant 0 : i32
        %dma_start3A_286 = tpu.memref_slice %arg13[%dma_start3A_284, %dma_start3A_285] : memref<10008x32xf32, #tpu.memory_space<vmem_shared>> -> memref<10008x32xf32, #tpu.memory_space<vmem_shared>>
        tpu.enqueue_indirect_dma source(%arg12 : memref<128x32xf32, #tpu.memory_space<vmem>>) target(%dma_start3A_286 : memref<10008x32xf32, #tpu.memory_space<vmem_shared>>) offsets(%dma_start3A_283 : memref<128xi32, #tpu.memory_space<vmem>>) semaphore(%run_scoped3A_280 : memref<!tpu.dma_semaphore, #tpu.memory_space<semaphore_mem>>) {add = true}
        %dma_wait3A_287 = arith.constant 0 : i32
        %dma_wait3A_288 = tpu.memref_slice %arg10[%run_scoped3A_189, %dma_wait3A_287] : memref<2x128xi32, #tpu.memory_space<vmem>> -> memref<1x128xi32, #tpu.memory_space<vmem>>
        %dma_wait3A_289 = tpu.memref_squeeze %dma_wait3A_288 : memref<1x128xi32, #tpu.memory_space<vmem>> -> memref<128xi32, #tpu.memory_space<vmem>>
        %dma_wait3A_290 = arith.constant 0 : i32
        %dma_wait3A_291 = arith.constant 0 : i32
        %dma_wait3A_292 = tpu.memref_slice %arg13[%dma_wait3A_290, %dma_wait3A_291] : memref<10008x32xf32, #tpu.memory_space<vmem_shared>> -> memref<10008x32xf32, #tpu.memory_space<vmem_shared>>
        tpu.wait_indirect_dma semaphore(%run_scoped3A_280 : memref<!tpu.dma_semaphore, #tpu.memory_space<semaphore_mem>>) src(%arg12 : memref<128x32xf32, #tpu.memory_space<vmem>>) dst(%dma_wait3A_292 : memref<10008x32xf32, #tpu.memory_space<vmem_shared>>)
        tpu.yield
      }) : () -> ()
      %dma_start3A_190 = arith.constant 79 : i32
      %dma_start3A_191 = arith.constant 0 : i32
      %dma_start3A_192 = arith.constant 0 : i32
      %dma_start3A_193 = tpu.memref_slice %arg2[%arg1, %dma_start3A_190, %dma_start3A_191, %dma_start3A_192] : memref<16x80x2x128xi32, #tpu.memory_space<hbm>> -> memref<1x1x2x128xi32, #tpu.memory_space<hbm>>
      %dma_start3A_194 = tpu.memref_squeeze %dma_start3A_193 : memref<1x1x2x128xi32, #tpu.memory_space<hbm>> -> memref<2x128xi32, #tpu.memory_space<hbm>>
      %dma_start3A_195 = arith.constant 0 : i32
      %dma_start3A_196 = arith.constant 0 : i32
      %dma_start3A_197 = tpu.memref_slice %arg2[%arg1, %dma_start3A_190, %dma_start3A_195, %dma_start3A_196] : memref<16x80x2x128xi32, #tpu.memory_space<hbm>> -> memref<1x1x2x128xi32, #tpu.memory_space<hbm>>
      %dma_start3A_198 = tpu.memref_squeeze %dma_start3A_197 : memref<1x1x2x128xi32, #tpu.memory_space<hbm>> -> memref<2x128xi32, #tpu.memory_space<hbm>>
      tpu.enqueue_dma source(%dma_start3A_198 : memref<2x128xi32, #tpu.memory_space<hbm>>) target(%arg10 : memref<2x128xi32, #tpu.memory_space<vmem>>) target_semaphore(%arg17 : memref<!tpu.dma_semaphore, #tpu.memory_space<semaphore_mem>>)
      %dma_wait3A_199 = arith.constant 77 : i32
      %dma_wait3A_200 = arith.constant 0 : i32
      %dma_wait3A_201 = arith.constant 0 : i32
      %dma_wait3A_202 = tpu.memref_slice %arg2[%arg1, %dma_wait3A_199, %dma_wait3A_200, %dma_wait3A_201] : memref<16x80x2x128xi32, #tpu.memory_space<hbm>> -> memref<1x1x2x128xi32, #tpu.memory_space<hbm>>
      %dma_wait3A_203 = tpu.memref_squeeze %dma_wait3A_202 : memref<1x1x2x128xi32, #tpu.memory_space<hbm>> -> memref<2x128xi32, #tpu.memory_space<hbm>>
      %dma_wait3A_204 = arith.constant 0 : i32
      %dma_wait3A_205 = arith.constant 0 : i32
      %dma_wait3A_206 = tpu.memref_slice %arg2[%arg1, %dma_wait3A_199, %dma_wait3A_204, %dma_wait3A_205] : memref<16x80x2x128xi32, #tpu.memory_space<hbm>> -> memref<1x1x2x128xi32, #tpu.memory_space<hbm>>
      %dma_wait3A_207 = tpu.memref_squeeze %dma_wait3A_206 : memref<1x1x2x128xi32, #tpu.memory_space<hbm>> -> memref<2x128xi32, #tpu.memory_space<hbm>>
      tpu.wait_dma2 semaphore(%arg15 : memref<!tpu.dma_semaphore, #tpu.memory_space<semaphore_mem>>) src(%dma_wait3A_207 : memref<2x128xi32, #tpu.memory_space<hbm>>) dst(%arg8 : memref<2x128xi32, #tpu.memory_space<vmem>>)
      %dma_start3A_208 = arith.constant 0 : i32
      %dma_start3A_209 = arith.constant 0 : i32
      %dma_start3A_210 = tpu.memref_slice %arg8[%dma_start3A_208, %dma_start3A_209] : memref<2x128xi32, #tpu.memory_space<vmem>> -> memref<1x128xi32, #tpu.memory_space<vmem>>
      %dma_start3A_211 = tpu.memref_squeeze %dma_start3A_210 : memref<1x128xi32, #tpu.memory_space<vmem>> -> memref<128xi32, #tpu.memory_space<vmem>>
      %dma_start3A_212 = arith.constant 0 : i32
      %dma_start3A_213 = arith.constant 0 : i32
      %dma_start3A_214 = tpu.memref_slice %arg4[%dma_start3A_212, %dma_start3A_213] : memref<10000x32xf32, #tpu.memory_space<hbm>> -> memref<10000x32xf32, #tpu.memory_space<hbm>>
      tpu.enqueue_indirect_dma source(%dma_start3A_214 : memref<10000x32xf32, #tpu.memory_space<hbm>>) target(%arg12 : memref<128x32xf32, #tpu.memory_space<vmem>>) offsets(%dma_start3A_211 : memref<128xi32, #tpu.memory_space<vmem>>) semaphore(%arg19 : memref<!tpu.dma_semaphore, #tpu.memory_space<semaphore_mem>>)
      %dma_wait3A_215 = arith.constant 0 : i32
      %dma_wait3A_216 = arith.constant 0 : i32
      %dma_wait3A_217 = tpu.memref_slice %arg7[%dma_wait3A_215, %dma_wait3A_216] : memref<2x128xi32, #tpu.memory_space<vmem>> -> memref<1x128xi32, #tpu.memory_space<vmem>>
      %dma_wait3A_218 = tpu.memref_squeeze %dma_wait3A_217 : memref<1x128xi32, #tpu.memory_space<vmem>> -> memref<128xi32, #tpu.memory_space<vmem>>
      %dma_wait3A_219 = arith.constant 0 : i32
      %dma_wait3A_220 = arith.constant 0 : i32
      %dma_wait3A_221 = tpu.memref_slice %arg4[%dma_wait3A_219, %dma_wait3A_220] : memref<10000x32xf32, #tpu.memory_space<hbm>> -> memref<10000x32xf32, #tpu.memory_space<hbm>>
      tpu.wait_indirect_dma semaphore(%arg18 : memref<!tpu.dma_semaphore, #tpu.memory_space<semaphore_mem>>) src(%dma_wait3A_221 : memref<10000x32xf32, #tpu.memory_space<hbm>>) dst(%arg11 : memref<128x32xf32, #tpu.memory_space<vmem>>)
      %run_scoped3A_222 = arith.constant 1 : i32
      "tpu.region"() ({
        %run_scoped3A_280 = tpu.sem_alloc : memref<!tpu.dma_semaphore, #tpu.memory_space<semaphore_mem>>
        %dma_start3A_281 = arith.constant 0 : i32
        %dma_start3A_282 = tpu.memref_slice %arg7[%run_scoped3A_222, %dma_start3A_281] : memref<2x128xi32, #tpu.memory_space<vmem>> -> memref<1x128xi32, #tpu.memory_space<vmem>>
        %dma_start3A_283 = tpu.memref_squeeze %dma_start3A_282 : memref<1x128xi32, #tpu.memory_space<vmem>> -> memref<128xi32, #tpu.memory_space<vmem>>
        %dma_start3A_284 = arith.constant 0 : i32
        %dma_start3A_285 = arith.constant 0 : i32
        %dma_start3A_286 = tpu.memref_slice %arg13[%dma_start3A_284, %dma_start3A_285] : memref<10008x32xf32, #tpu.memory_space<vmem_shared>> -> memref<10008x32xf32, #tpu.memory_space<vmem_shared>>
        tpu.enqueue_indirect_dma source(%arg11 : memref<128x32xf32, #tpu.memory_space<vmem>>) target(%dma_start3A_286 : memref<10008x32xf32, #tpu.memory_space<vmem_shared>>) offsets(%dma_start3A_283 : memref<128xi32, #tpu.memory_space<vmem>>) semaphore(%run_scoped3A_280 : memref<!tpu.dma_semaphore, #tpu.memory_space<semaphore_mem>>) {add = true}
        %dma_wait3A_287 = arith.constant 0 : i32
        %dma_wait3A_288 = tpu.memref_slice %arg7[%run_scoped3A_222, %dma_wait3A_287] : memref<2x128xi32, #tpu.memory_space<vmem>> -> memref<1x128xi32, #tpu.memory_space<vmem>>
        %dma_wait3A_289 = tpu.memref_squeeze %dma_wait3A_288 : memref<1x128xi32, #tpu.memory_space<vmem>> -> memref<128xi32, #tpu.memory_space<vmem>>
        %dma_wait3A_290 = arith.constant 0 : i32
        %dma_wait3A_291 = arith.constant 0 : i32
        %dma_wait3A_292 = tpu.memref_slice %arg13[%dma_wait3A_290, %dma_wait3A_291] : memref<10008x32xf32, #tpu.memory_space<vmem_shared>> -> memref<10008x32xf32, #tpu.memory_space<vmem_shared>>
        tpu.wait_indirect_dma semaphore(%run_scoped3A_280 : memref<!tpu.dma_semaphore, #tpu.memory_space<semaphore_mem>>) src(%arg11 : memref<128x32xf32, #tpu.memory_space<vmem>>) dst(%dma_wait3A_292 : memref<10008x32xf32, #tpu.memory_space<vmem_shared>>)
        tpu.yield
      }) : () -> ()
      %dma_wait3A_223 = arith.constant 78 : i32
      %dma_wait3A_224 = arith.constant 0 : i32
      %dma_wait3A_225 = arith.constant 0 : i32
      %dma_wait3A_226 = tpu.memref_slice %arg2[%arg1, %dma_wait3A_223, %dma_wait3A_224, %dma_wait3A_225] : memref<16x80x2x128xi32, #tpu.memory_space<hbm>> -> memref<1x1x2x128xi32, #tpu.memory_space<hbm>>
      %dma_wait3A_227 = tpu.memref_squeeze %dma_wait3A_226 : memref<1x1x2x128xi32, #tpu.memory_space<hbm>> -> memref<2x128xi32, #tpu.memory_space<hbm>>
      %dma_wait3A_228 = arith.constant 0 : i32
      %dma_wait3A_229 = arith.constant 0 : i32
      %dma_wait3A_230 = tpu.memref_slice %arg2[%arg1, %dma_wait3A_223, %dma_wait3A_228, %dma_wait3A_229] : memref<16x80x2x128xi32, #tpu.memory_space<hbm>> -> memref<1x1x2x128xi32, #tpu.memory_space<hbm>>
      %dma_wait3A_231 = tpu.memref_squeeze %dma_wait3A_230 : memref<1x1x2x128xi32, #tpu.memory_space<hbm>> -> memref<2x128xi32, #tpu.memory_space<hbm>>
      tpu.wait_dma2 semaphore(%arg16 : memref<!tpu.dma_semaphore, #tpu.memory_space<semaphore_mem>>) src(%dma_wait3A_231 : memref<2x128xi32, #tpu.memory_space<hbm>>) dst(%arg9 : memref<2x128xi32, #tpu.memory_space<vmem>>)
      %dma_start3A_232 = arith.constant 0 : i32
      %dma_start3A_233 = arith.constant 0 : i32
      %dma_start3A_234 = tpu.memref_slice %arg9[%dma_start3A_232, %dma_start3A_233] : memref<2x128xi32, #tpu.memory_space<vmem>> -> memref<1x128xi32, #tpu.memory_space<vmem>>
      %dma_start3A_235 = tpu.memref_squeeze %dma_start3A_234 : memref<1x128xi32, #tpu.memory_space<vmem>> -> memref<128xi32, #tpu.memory_space<vmem>>
      %dma_start3A_236 = arith.constant 0 : i32
      %dma_start3A_237 = arith.constant 0 : i32
      %dma_start3A_238 = tpu.memref_slice %arg4[%dma_start3A_236, %dma_start3A_237] : memref<10000x32xf32, #tpu.memory_space<hbm>> -> memref<10000x32xf32, #tpu.memory_space<hbm>>
      tpu.enqueue_indirect_dma source(%dma_start3A_238 : memref<10000x32xf32, #tpu.memory_space<hbm>>) target(%arg11 : memref<128x32xf32, #tpu.memory_space<vmem>>) offsets(%dma_start3A_235 : memref<128xi32, #tpu.memory_space<vmem>>) semaphore(%arg18 : memref<!tpu.dma_semaphore, #tpu.memory_space<semaphore_mem>>)
      %dma_wait3A_239 = arith.constant 0 : i32
      %dma_wait3A_240 = arith.constant 0 : i32
      %dma_wait3A_241 = tpu.memref_slice %arg8[%dma_wait3A_239, %dma_wait3A_240] : memref<2x128xi32, #tpu.memory_space<vmem>> -> memref<1x128xi32, #tpu.memory_space<vmem>>
      %dma_wait3A_242 = tpu.memref_squeeze %dma_wait3A_241 : memref<1x128xi32, #tpu.memory_space<vmem>> -> memref<128xi32, #tpu.memory_space<vmem>>
      %dma_wait3A_243 = arith.constant 0 : i32
      %dma_wait3A_244 = arith.constant 0 : i32
      %dma_wait3A_245 = tpu.memref_slice %arg4[%dma_wait3A_243, %dma_wait3A_244] : memref<10000x32xf32, #tpu.memory_space<hbm>> -> memref<10000x32xf32, #tpu.memory_space<hbm>>
      tpu.wait_indirect_dma semaphore(%arg19 : memref<!tpu.dma_semaphore, #tpu.memory_space<semaphore_mem>>) src(%dma_wait3A_245 : memref<10000x32xf32, #tpu.memory_space<hbm>>) dst(%arg12 : memref<128x32xf32, #tpu.memory_space<vmem>>)
      %run_scoped3A_246 = arith.constant 1 : i32
      "tpu.region"() ({
        %run_scoped3A_280 = tpu.sem_alloc : memref<!tpu.dma_semaphore, #tpu.memory_space<semaphore_mem>>
        %dma_start3A_281 = arith.constant 0 : i32
        %dma_start3A_282 = tpu.memref_slice %arg8[%run_scoped3A_246, %dma_start3A_281] : memref<2x128xi32, #tpu.memory_space<vmem>> -> memref<1x128xi32, #tpu.memory_space<vmem>>
        %dma_start3A_283 = tpu.memref_squeeze %dma_start3A_282 : memref<1x128xi32, #tpu.memory_space<vmem>> -> memref<128xi32, #tpu.memory_space<vmem>>
        %dma_start3A_284 = arith.constant 0 : i32
        %dma_start3A_285 = arith.constant 0 : i32
        %dma_start3A_286 = tpu.memref_slice %arg13[%dma_start3A_284, %dma_start3A_285] : memref<10008x32xf32, #tpu.memory_space<vmem_shared>> -> memref<10008x32xf32, #tpu.memory_space<vmem_shared>>
        tpu.enqueue_indirect_dma source(%arg12 : memref<128x32xf32, #tpu.memory_space<vmem>>) target(%dma_start3A_286 : memref<10008x32xf32, #tpu.memory_space<vmem_shared>>) offsets(%dma_start3A_283 : memref<128xi32, #tpu.memory_space<vmem>>) semaphore(%run_scoped3A_280 : memref<!tpu.dma_semaphore, #tpu.memory_space<semaphore_mem>>) {add = true}
        %dma_wait3A_287 = arith.constant 0 : i32
        %dma_wait3A_288 = tpu.memref_slice %arg8[%run_scoped3A_246, %dma_wait3A_287] : memref<2x128xi32, #tpu.memory_space<vmem>> -> memref<1x128xi32, #tpu.memory_space<vmem>>
        %dma_wait3A_289 = tpu.memref_squeeze %dma_wait3A_288 : memref<1x128xi32, #tpu.memory_space<vmem>> -> memref<128xi32, #tpu.memory_space<vmem>>
        %dma_wait3A_290 = arith.constant 0 : i32
        %dma_wait3A_291 = arith.constant 0 : i32
        %dma_wait3A_292 = tpu.memref_slice %arg13[%dma_wait3A_290, %dma_wait3A_291] : memref<10008x32xf32, #tpu.memory_space<vmem_shared>> -> memref<10008x32xf32, #tpu.memory_space<vmem_shared>>
        tpu.wait_indirect_dma semaphore(%run_scoped3A_280 : memref<!tpu.dma_semaphore, #tpu.memory_space<semaphore_mem>>) src(%arg12 : memref<128x32xf32, #tpu.memory_space<vmem>>) dst(%dma_wait3A_292 : memref<10008x32xf32, #tpu.memory_space<vmem_shared>>)
        tpu.yield
      }) : () -> ()
      %dma_wait3A_247 = arith.constant 79 : i32
      %dma_wait3A_248 = arith.constant 0 : i32
      %dma_wait3A_249 = arith.constant 0 : i32
      %dma_wait3A_250 = tpu.memref_slice %arg2[%arg1, %dma_wait3A_247, %dma_wait3A_248, %dma_wait3A_249] : memref<16x80x2x128xi32, #tpu.memory_space<hbm>> -> memref<1x1x2x128xi32, #tpu.memory_space<hbm>>
      %dma_wait3A_251 = tpu.memref_squeeze %dma_wait3A_250 : memref<1x1x2x128xi32, #tpu.memory_space<hbm>> -> memref<2x128xi32, #tpu.memory_space<hbm>>
      %dma_wait3A_252 = arith.constant 0 : i32
      %dma_wait3A_253 = arith.constant 0 : i32
      %dma_wait3A_254 = tpu.memref_slice %arg2[%arg1, %dma_wait3A_247, %dma_wait3A_252, %dma_wait3A_253] : memref<16x80x2x128xi32, #tpu.memory_space<hbm>> -> memref<1x1x2x128xi32, #tpu.memory_space<hbm>>
      %dma_wait3A_255 = tpu.memref_squeeze %dma_wait3A_254 : memref<1x1x2x128xi32, #tpu.memory_space<hbm>> -> memref<2x128xi32, #tpu.memory_space<hbm>>
      tpu.wait_dma2 semaphore(%arg17 : memref<!tpu.dma_semaphore, #tpu.memory_space<semaphore_mem>>) src(%dma_wait3A_255 : memref<2x128xi32, #tpu.memory_space<hbm>>) dst(%arg10 : memref<2x128xi32, #tpu.memory_space<vmem>>)
      %dma_start3A_256 = arith.constant 0 : i32
      %dma_start3A_257 = arith.constant 0 : i32
      %dma_start3A_258 = tpu.memref_slice %arg10[%dma_start3A_256, %dma_start3A_257] : memref<2x128xi32, #tpu.memory_space<vmem>> -> memref<1x128xi32, #tpu.memory_space<vmem>>
      %dma_start3A_259 = tpu.memref_squeeze %dma_start3A_258 : memref<1x128xi32, #tpu.memory_space<vmem>> -> memref<128xi32, #tpu.memory_space<vmem>>
      %dma_start3A_260 = arith.constant 0 : i32
      %dma_start3A_261 = arith.constant 0 : i32
      %dma_start3A_262 = tpu.memref_slice %arg4[%dma_start3A_260, %dma_start3A_261] : memref<10000x32xf32, #tpu.memory_space<hbm>> -> memref<10000x32xf32, #tpu.memory_space<hbm>>
      tpu.enqueue_indirect_dma source(%dma_start3A_262 : memref<10000x32xf32, #tpu.memory_space<hbm>>) target(%arg12 : memref<128x32xf32, #tpu.memory_space<vmem>>) offsets(%dma_start3A_259 : memref<128xi32, #tpu.memory_space<vmem>>) semaphore(%arg19 : memref<!tpu.dma_semaphore, #tpu.memory_space<semaphore_mem>>)
      %dma_wait3A_263 = arith.constant 0 : i32
      %dma_wait3A_264 = arith.constant 0 : i32
      %dma_wait3A_265 = tpu.memref_slice %arg9[%dma_wait3A_263, %dma_wait3A_264] : memref<2x128xi32, #tpu.memory_space<vmem>> -> memref<1x128xi32, #tpu.memory_space<vmem>>
      %dma_wait3A_266 = tpu.memref_squeeze %dma_wait3A_265 : memref<1x128xi32, #tpu.memory_space<vmem>> -> memref<128xi32, #tpu.memory_space<vmem>>
      %dma_wait3A_267 = arith.constant 0 : i32
      %dma_wait3A_268 = arith.constant 0 : i32
      %dma_wait3A_269 = tpu.memref_slice %arg4[%dma_wait3A_267, %dma_wait3A_268] : memref<10000x32xf32, #tpu.memory_space<hbm>> -> memref<10000x32xf32, #tpu.memory_space<hbm>>
      tpu.wait_indirect_dma semaphore(%arg18 : memref<!tpu.dma_semaphore, #tpu.memory_space<semaphore_mem>>) src(%dma_wait3A_269 : memref<10000x32xf32, #tpu.memory_space<hbm>>) dst(%arg11 : memref<128x32xf32, #tpu.memory_space<vmem>>)
      %run_scoped3A_270 = arith.constant 1 : i32
      "tpu.region"() ({
        %run_scoped3A_280 = tpu.sem_alloc : memref<!tpu.dma_semaphore, #tpu.memory_space<semaphore_mem>>
        %dma_start3A_281 = arith.constant 0 : i32
        %dma_start3A_282 = tpu.memref_slice %arg9[%run_scoped3A_270, %dma_start3A_281] : memref<2x128xi32, #tpu.memory_space<vmem>> -> memref<1x128xi32, #tpu.memory_space<vmem>>
        %dma_start3A_283 = tpu.memref_squeeze %dma_start3A_282 : memref<1x128xi32, #tpu.memory_space<vmem>> -> memref<128xi32, #tpu.memory_space<vmem>>
        %dma_start3A_284 = arith.constant 0 : i32
        %dma_start3A_285 = arith.constant 0 : i32
        %dma_start3A_286 = tpu.memref_slice %arg13[%dma_start3A_284, %dma_start3A_285] : memref<10008x32xf32, #tpu.memory_space<vmem_shared>> -> memref<10008x32xf32, #tpu.memory_space<vmem_shared>>
        tpu.enqueue_indirect_dma source(%arg11 : memref<128x32xf32, #tpu.memory_space<vmem>>) target(%dma_start3A_286 : memref<10008x32xf32, #tpu.memory_space<vmem_shared>>) offsets(%dma_start3A_283 : memref<128xi32, #tpu.memory_space<vmem>>) semaphore(%run_scoped3A_280 : memref<!tpu.dma_semaphore, #tpu.memory_space<semaphore_mem>>) {add = true}
        %dma_wait3A_287 = arith.constant 0 : i32
        %dma_wait3A_288 = tpu.memref_slice %arg9[%run_scoped3A_270, %dma_wait3A_287] : memref<2x128xi32, #tpu.memory_space<vmem>> -> memref<1x128xi32, #tpu.memory_space<vmem>>
        %dma_wait3A_289 = tpu.memref_squeeze %dma_wait3A_288 : memref<1x128xi32, #tpu.memory_space<vmem>> -> memref<128xi32, #tpu.memory_space<vmem>>
        %dma_wait3A_290 = arith.constant 0 : i32
        %dma_wait3A_291 = arith.constant 0 : i32
        %dma_wait3A_292 = tpu.memref_slice %arg13[%dma_wait3A_290, %dma_wait3A_291] : memref<10008x32xf32, #tpu.memory_space<vmem_shared>> -> memref<10008x32xf32, #tpu.memory_space<vmem_shared>>
        tpu.wait_indirect_dma semaphore(%run_scoped3A_280 : memref<!tpu.dma_semaphore, #tpu.memory_space<semaphore_mem>>) src(%arg11 : memref<128x32xf32, #tpu.memory_space<vmem>>) dst(%dma_wait3A_292 : memref<10008x32xf32, #tpu.memory_space<vmem_shared>>)
        tpu.yield
      }) : () -> ()
      %dma_wait3A_271 = arith.constant 0 : i32
      %dma_wait3A_272 = arith.constant 0 : i32
      %dma_wait3A_273 = tpu.memref_slice %arg10[%dma_wait3A_271, %dma_wait3A_272] : memref<2x128xi32, #tpu.memory_space<vmem>> -> memref<1x128xi32, #tpu.memory_space<vmem>>
      %dma_wait3A_274 = tpu.memref_squeeze %dma_wait3A_273 : memref<1x128xi32, #tpu.memory_space<vmem>> -> memref<128xi32, #tpu.memory_space<vmem>>
      %dma_wait3A_275 = arith.constant 0 : i32
      %dma_wait3A_276 = arith.constant 0 : i32
      %dma_wait3A_277 = tpu.memref_slice %arg4[%dma_wait3A_275, %dma_wait3A_276] : memref<10000x32xf32, #tpu.memory_space<hbm>> -> memref<10000x32xf32, #tpu.memory_space<hbm>>
      tpu.wait_indirect_dma semaphore(%arg19 : memref<!tpu.dma_semaphore, #tpu.memory_space<semaphore_mem>>) src(%dma_wait3A_277 : memref<10000x32xf32, #tpu.memory_space<hbm>>) dst(%arg12 : memref<128x32xf32, #tpu.memory_space<vmem>>)
      %run_scoped3A_278 = arith.constant 1 : i32
      "tpu.region"() ({
        %run_scoped3A_280 = tpu.sem_alloc : memref<!tpu.dma_semaphore, #tpu.memory_space<semaphore_mem>>
        %dma_start3A_281 = arith.constant 0 : i32
        %dma_start3A_282 = tpu.memref_slice %arg10[%run_scoped3A_278, %dma_start3A_281] : memref<2x128xi32, #tpu.memory_space<vmem>> -> memref<1x128xi32, #tpu.memory_space<vmem>>
        %dma_start3A_283 = tpu.memref_squeeze %dma_start3A_282 : memref<1x128xi32, #tpu.memory_space<vmem>> -> memref<128xi32, #tpu.memory_space<vmem>>
        %dma_start3A_284 = arith.constant 0 : i32
        %dma_start3A_285 = arith.constant 0 : i32
        %dma_start3A_286 = tpu.memref_slice %arg13[%dma_start3A_284, %dma_start3A_285] : memref<10008x32xf32, #tpu.memory_space<vmem_shared>> -> memref<10008x32xf32, #tpu.memory_space<vmem_shared>>
        tpu.enqueue_indirect_dma source(%arg12 : memref<128x32xf32, #tpu.memory_space<vmem>>) target(%dma_start3A_286 : memref<10008x32xf32, #tpu.memory_space<vmem_shared>>) offsets(%dma_start3A_283 : memref<128xi32, #tpu.memory_space<vmem>>) semaphore(%run_scoped3A_280 : memref<!tpu.dma_semaphore, #tpu.memory_space<semaphore_mem>>) {add = true}
        %dma_wait3A_287 = arith.constant 0 : i32
        %dma_wait3A_288 = tpu.memref_slice %arg10[%run_scoped3A_278, %dma_wait3A_287] : memref<2x128xi32, #tpu.memory_space<vmem>> -> memref<1x128xi32, #tpu.memory_space<vmem>>
        %dma_wait3A_289 = tpu.memref_squeeze %dma_wait3A_288 : memref<1x128xi32, #tpu.memory_space<vmem>> -> memref<128xi32, #tpu.memory_space<vmem>>
        %dma_wait3A_290 = arith.constant 0 : i32
        %dma_wait3A_291 = arith.constant 0 : i32
        %dma_wait3A_292 = tpu.memref_slice %arg13[%dma_wait3A_290, %dma_wait3A_291] : memref<10008x32xf32, #tpu.memory_space<vmem_shared>> -> memref<10008x32xf32, #tpu.memory_space<vmem_shared>>
        tpu.wait_indirect_dma semaphore(%run_scoped3A_280 : memref<!tpu.dma_semaphore, #tpu.memory_space<semaphore_mem>>) src(%arg12 : memref<128x32xf32, #tpu.memory_space<vmem>>) dst(%dma_wait3A_292 : memref<10008x32xf32, #tpu.memory_space<vmem_shared>>)
        tpu.yield
      }) : () -> ()
      %barrier3A_279 = arith.constant 0 : index
      tpu.barrier barrier_id(%barrier3A_279)
      "tpu.region"() ({
        %run_scoped3A_280 = tpu.sem_alloc : memref<!tpu.dma_semaphore, #tpu.memory_space<semaphore_mem>>
        %dma_start3A_281 = arith.constant 0 : i32
        %dma_start3A_282 = tpu.memref_slice %arg6[%mul3A_0, %dma_start3A_281] : memref<10000x32xf32, #tpu.memory_space<hbm>> -> memref<625x32xf32, #tpu.memory_space<hbm>>
        %dma_start3A_283 = arith.constant 0 : i32
        %dma_start3A_284 = tpu.memref_slice %arg13[%mul3A_0, %dma_start3A_283] : memref<10008x32xf32, #tpu.memory_space<vmem_shared>> -> memref<625x32xf32, #tpu.memory_space<vmem_shared>>
        tpu.enqueue_dma source(%dma_start3A_284 : memref<625x32xf32, #tpu.memory_space<vmem_shared>>) target(%dma_start3A_282 : memref<625x32xf32, #tpu.memory_space<hbm>>) target_semaphore(%run_scoped3A_280 : memref<!tpu.dma_semaphore, #tpu.memory_space<semaphore_mem>>)
        %dma_wait3A_285 = arith.constant 0 : i32
        %dma_wait3A_286 = tpu.memref_slice %arg6[%mul3A_0, %dma_wait3A_285] : memref<10000x32xf32, #tpu.memory_space<hbm>> -> memref<625x32xf32, #tpu.memory_space<hbm>>
        %dma_wait3A_287 = arith.constant 0 : i32
        %dma_wait3A_288 = tpu.memref_slice %arg13[%mul3A_0, %dma_wait3A_287] : memref<10008x32xf32, #tpu.memory_space<vmem_shared>> -> memref<625x32xf32, #tpu.memory_space<vmem_shared>>
        tpu.wait_dma2 semaphore(%run_scoped3A_280 : memref<!tpu.dma_semaphore, #tpu.memory_space<semaphore_mem>>) src(%dma_wait3A_288 : memref<625x32xf32, #tpu.memory_space<vmem_shared>>) dst(%dma_wait3A_286 : memref<625x32xf32, #tpu.memory_space<hbm>>)
        tpu.yield
      }) : () -> ()
    } else {
    }
    return
  }
}

#map = affine_map<(d0, d1) -> (0, 0, 0, 0)>
#map1 = affine_map<(d0, d1) -> (0, 0)>
#map2 = affine_map<(d0, d1) -> (0, 0, 0)>
module attributes {stable_mosaic.version = 14 : i64} {
  func.func @_deg_kernel(%arg0: i32, %arg1: i32, %arg2: memref<16x80x2x128xi32, #tpu.memory_space<hbm>>, %arg3: memref<128x16xf32, #tpu.memory_space<hbm>>, %arg4: memref<10000x16xf32, #tpu.memory_space<hbm>>, %arg5: memref<2x10000x16xf32, #tpu.memory_space<hbm>>, %arg6: memref<40x2x128xi32, #tpu.memory_space<vmem>>, %arg7: memref<128x16xf32, #tpu.memory_space<vmem>>, %arg8: memref<10008x16xf32, #tpu.memory_space<vmem_shared>>) attributes {dimension_semantics = [#tpu.dimension_semantics<core_parallel>, #tpu.dimension_semantics<subcore_parallel>], iteration_bounds = array<i64: 2, 16>, scalar_prefetch = 0 : i64, scratch_operands = 3 : i64, tpu.core_type = #tpu.core_type<sc_vector_subcore>, window_params = [{transform_indices = #map}, {transform_indices = #map1}, {transform_indices = #map1}, {transform_indices = #map2}]} {
    %mul3A = arith.constant 625 : i32
    %mul3A_0 = arith.muli %arg1, %mul3A : i32
    "tpu.region"() ({
      %run_scoped3A = tpu.sem_alloc : memref<!tpu.dma_semaphore, #tpu.memory_space<semaphore_mem>>
      %dma_start3A = arith.constant 0 : i32
      %dma_start3A_11 = tpu.memref_slice %arg8[%mul3A_0, %dma_start3A] : memref<10008x16xf32, #tpu.memory_space<vmem_shared>> -> memref<625x16xf32, #tpu.memory_space<vmem_shared>>
      %dma_start3A_12 = arith.constant 0 : i32
      %dma_start3A_13 = tpu.memref_slice %arg4[%mul3A_0, %dma_start3A_12] : memref<10000x16xf32, #tpu.memory_space<hbm>> -> memref<625x16xf32, #tpu.memory_space<hbm>>
      tpu.enqueue_dma source(%dma_start3A_13 : memref<625x16xf32, #tpu.memory_space<hbm>>) target(%dma_start3A_11 : memref<625x16xf32, #tpu.memory_space<vmem_shared>>) target_semaphore(%run_scoped3A : memref<!tpu.dma_semaphore, #tpu.memory_space<semaphore_mem>>)
      %dma_wait3A = arith.constant 0 : i32
      %dma_wait3A_14 = tpu.memref_slice %arg8[%mul3A_0, %dma_wait3A] : memref<10008x16xf32, #tpu.memory_space<vmem_shared>> -> memref<625x16xf32, #tpu.memory_space<vmem_shared>>
      %dma_wait3A_15 = arith.constant 0 : i32
      %dma_wait3A_16 = tpu.memref_slice %arg4[%mul3A_0, %dma_wait3A_15] : memref<10000x16xf32, #tpu.memory_space<hbm>> -> memref<625x16xf32, #tpu.memory_space<hbm>>
      tpu.wait_dma2 semaphore(%run_scoped3A : memref<!tpu.dma_semaphore, #tpu.memory_space<semaphore_mem>>) src(%dma_wait3A_16 : memref<625x16xf32, #tpu.memory_space<hbm>>) dst(%dma_wait3A_14 : memref<625x16xf32, #tpu.memory_space<vmem_shared>>)
      tpu.yield
    }) : () -> ()
    %eq3A = arith.constant 0 : i32
    %eq3A_1 = arith.cmpi eq, %arg1, %eq3A : i32
    %convert_element_type3A = arith.extui %eq3A_1 : i1 to i32
    %cond3A = arith.constant 0 : i32
    %cond3A_2 = arith.cmpi ne, %convert_element_type3A, %cond3A : i32
    scf.if %cond3A_2 {
      "tpu.region"() ({
        %run_scoped3A = tpu.sem_alloc : memref<!tpu.dma_semaphore, #tpu.memory_space<semaphore_mem>>
        %dma_start3A = arith.constant 10000 : i32
        %dma_start3A_11 = arith.constant 0 : i32
        %dma_start3A_12 = tpu.memref_slice %arg8[%dma_start3A, %dma_start3A_11] : memref<10008x16xf32, #tpu.memory_space<vmem_shared>> -> memref<8x16xf32, #tpu.memory_space<vmem_shared>>
        %dma_start3A_13 = arith.constant 0 : i32
        %dma_start3A_14 = arith.constant 0 : i32
        %dma_start3A_15 = tpu.memref_slice %arg4[%dma_start3A_13, %dma_start3A_14] : memref<10000x16xf32, #tpu.memory_space<hbm>> -> memref<8x16xf32, #tpu.memory_space<hbm>>
        tpu.enqueue_dma source(%dma_start3A_15 : memref<8x16xf32, #tpu.memory_space<hbm>>) target(%dma_start3A_12 : memref<8x16xf32, #tpu.memory_space<vmem_shared>>) target_semaphore(%run_scoped3A : memref<!tpu.dma_semaphore, #tpu.memory_space<semaphore_mem>>)
        %dma_wait3A = arith.constant 10000 : i32
        %dma_wait3A_16 = arith.constant 0 : i32
        %dma_wait3A_17 = tpu.memref_slice %arg8[%dma_wait3A, %dma_wait3A_16] : memref<10008x16xf32, #tpu.memory_space<vmem_shared>> -> memref<8x16xf32, #tpu.memory_space<vmem_shared>>
        %dma_wait3A_18 = arith.constant 0 : i32
        %dma_wait3A_19 = arith.constant 0 : i32
        %dma_wait3A_20 = tpu.memref_slice %arg4[%dma_wait3A_18, %dma_wait3A_19] : memref<10000x16xf32, #tpu.memory_space<hbm>> -> memref<8x16xf32, #tpu.memory_space<hbm>>
        tpu.wait_dma2 semaphore(%run_scoped3A : memref<!tpu.dma_semaphore, #tpu.memory_space<semaphore_mem>>) src(%dma_wait3A_20 : memref<8x16xf32, #tpu.memory_space<hbm>>) dst(%dma_wait3A_17 : memref<8x16xf32, #tpu.memory_space<vmem_shared>>)
        tpu.yield
      }) : () -> ()
    } else {
    }
    "tpu.region"() ({
      %run_scoped3A = tpu.sem_alloc : memref<!tpu.dma_semaphore, #tpu.memory_space<semaphore_mem>>
      tpu.enqueue_dma source(%arg3 : memref<128x16xf32, #tpu.memory_space<hbm>>) target(%arg7 : memref<128x16xf32, #tpu.memory_space<vmem>>) target_semaphore(%run_scoped3A : memref<!tpu.dma_semaphore, #tpu.memory_space<semaphore_mem>>)
      tpu.wait_dma2 semaphore(%run_scoped3A : memref<!tpu.dma_semaphore, #tpu.memory_space<semaphore_mem>>) src(%arg3 : memref<128x16xf32, #tpu.memory_space<hbm>>) dst(%arg7 : memref<128x16xf32, #tpu.memory_space<vmem>>)
      tpu.yield
    }) : () -> ()
    %mul3A_3 = arith.constant 40 : i32
    %mul3A_4 = arith.muli %arg0, %mul3A_3 : i32
    "tpu.region"() ({
      %run_scoped3A = tpu.sem_alloc : memref<!tpu.dma_semaphore, #tpu.memory_space<semaphore_mem>>
      %dma_start3A = arith.constant 0 : i32
      %dma_start3A_11 = arith.constant 0 : i32
      %dma_start3A_12 = tpu.memref_slice %arg2[%arg1, %mul3A_4, %dma_start3A, %dma_start3A_11] : memref<16x80x2x128xi32, #tpu.memory_space<hbm>> -> memref<1x40x2x128xi32, #tpu.memory_space<hbm>>
      %dma_start3A_13 = tpu.memref_squeeze %dma_start3A_12 : memref<1x40x2x128xi32, #tpu.memory_space<hbm>> -> memref<40x2x128xi32, #tpu.memory_space<hbm>>
      %dma_start3A_14 = arith.constant 0 : i32
      %dma_start3A_15 = arith.constant 0 : i32
      %dma_start3A_16 = tpu.memref_slice %arg2[%arg1, %mul3A_4, %dma_start3A_14, %dma_start3A_15] : memref<16x80x2x128xi32, #tpu.memory_space<hbm>> -> memref<1x40x2x128xi32, #tpu.memory_space<hbm>>
      %dma_start3A_17 = tpu.memref_squeeze %dma_start3A_16 : memref<1x40x2x128xi32, #tpu.memory_space<hbm>> -> memref<40x2x128xi32, #tpu.memory_space<hbm>>
      tpu.enqueue_dma source(%dma_start3A_17 : memref<40x2x128xi32, #tpu.memory_space<hbm>>) target(%arg6 : memref<40x2x128xi32, #tpu.memory_space<vmem>>) target_semaphore(%run_scoped3A : memref<!tpu.dma_semaphore, #tpu.memory_space<semaphore_mem>>)
      %dma_wait3A = arith.constant 0 : i32
      %dma_wait3A_18 = arith.constant 0 : i32
      %dma_wait3A_19 = tpu.memref_slice %arg2[%arg1, %mul3A_4, %dma_wait3A, %dma_wait3A_18] : memref<16x80x2x128xi32, #tpu.memory_space<hbm>> -> memref<1x40x2x128xi32, #tpu.memory_space<hbm>>
      %dma_wait3A_20 = tpu.memref_squeeze %dma_wait3A_19 : memref<1x40x2x128xi32, #tpu.memory_space<hbm>> -> memref<40x2x128xi32, #tpu.memory_space<hbm>>
      %dma_wait3A_21 = arith.constant 0 : i32
      %dma_wait3A_22 = arith.constant 0 : i32
      %dma_wait3A_23 = tpu.memref_slice %arg2[%arg1, %mul3A_4, %dma_wait3A_21, %dma_wait3A_22] : memref<16x80x2x128xi32, #tpu.memory_space<hbm>> -> memref<1x40x2x128xi32, #tpu.memory_space<hbm>>
      %dma_wait3A_24 = tpu.memref_squeeze %dma_wait3A_23 : memref<1x40x2x128xi32, #tpu.memory_space<hbm>> -> memref<40x2x128xi32, #tpu.memory_space<hbm>>
      tpu.wait_dma2 semaphore(%run_scoped3A : memref<!tpu.dma_semaphore, #tpu.memory_space<semaphore_mem>>) src(%dma_wait3A_24 : memref<40x2x128xi32, #tpu.memory_space<hbm>>) dst(%arg6 : memref<40x2x128xi32, #tpu.memory_space<vmem>>)
      tpu.yield
    }) : () -> ()
    %barrier3A = arith.constant 0 : index
    tpu.barrier barrier_id(%barrier3A)
    %scan3A = arith.constant 0 : i32
    %scan3A_5 = arith.constant 0 : i32
    %scan3A_6 = arith.constant 40 : i32
    %scan3A_7 = arith.addi %scan3A_5, %scan3A_6 : i32
    %scan3A_8 = arith.constant 1 : i32
    scf.for %scan3A_11 = %scan3A_5 to %scan3A_7 step %scan3A_8  : i32 {
      %run_scoped3A = arith.constant 1 : i32
      "tpu.region"() ({
        %run_scoped3A_12 = tpu.sem_alloc : memref<!tpu.dma_semaphore, #tpu.memory_space<semaphore_mem>>
        %dma_start3A = arith.constant 0 : i32
        %dma_start3A_13 = tpu.memref_slice %arg6[%scan3A_11, %run_scoped3A, %dma_start3A] : memref<40x2x128xi32, #tpu.memory_space<vmem>> -> memref<1x1x128xi32, #tpu.memory_space<vmem>>
        %dma_start3A_14 = tpu.memref_squeeze %dma_start3A_13 : memref<1x1x128xi32, #tpu.memory_space<vmem>> -> memref<128xi32, #tpu.memory_space<vmem>>
        %dma_start3A_15 = arith.constant 0 : i32
        %dma_start3A_16 = arith.constant 0 : i32
        %dma_start3A_17 = tpu.memref_slice %arg8[%dma_start3A_15, %dma_start3A_16] : memref<10008x16xf32, #tpu.memory_space<vmem_shared>> -> memref<10008x16xf32, #tpu.memory_space<vmem_shared>>
        tpu.enqueue_indirect_dma source(%arg7 : memref<128x16xf32, #tpu.memory_space<vmem>>) target(%dma_start3A_17 : memref<10008x16xf32, #tpu.memory_space<vmem_shared>>) offsets(%dma_start3A_14 : memref<128xi32, #tpu.memory_space<vmem>>) semaphore(%run_scoped3A_12 : memref<!tpu.dma_semaphore, #tpu.memory_space<semaphore_mem>>) {add = true}
        %dma_wait3A = arith.constant 0 : i32
        %dma_wait3A_18 = tpu.memref_slice %arg6[%scan3A_11, %run_scoped3A, %dma_wait3A] : memref<40x2x128xi32, #tpu.memory_space<vmem>> -> memref<1x1x128xi32, #tpu.memory_space<vmem>>
        %dma_wait3A_19 = tpu.memref_squeeze %dma_wait3A_18 : memref<1x1x128xi32, #tpu.memory_space<vmem>> -> memref<128xi32, #tpu.memory_space<vmem>>
        %dma_wait3A_20 = arith.constant 0 : i32
        %dma_wait3A_21 = arith.constant 0 : i32
        %dma_wait3A_22 = tpu.memref_slice %arg8[%dma_wait3A_20, %dma_wait3A_21] : memref<10008x16xf32, #tpu.memory_space<vmem_shared>> -> memref<10008x16xf32, #tpu.memory_space<vmem_shared>>
        tpu.wait_indirect_dma semaphore(%run_scoped3A_12 : memref<!tpu.dma_semaphore, #tpu.memory_space<semaphore_mem>>) src(%arg7 : memref<128x16xf32, #tpu.memory_space<vmem>>) dst(%dma_wait3A_22 : memref<10008x16xf32, #tpu.memory_space<vmem_shared>>)
        tpu.yield
      }) : () -> ()
    }
    %scan3A_9 = arith.constant 40 : i32
    %barrier3A_10 = arith.constant 0 : index
    tpu.barrier barrier_id(%barrier3A_10)
    "tpu.region"() ({
      %run_scoped3A = tpu.sem_alloc : memref<!tpu.dma_semaphore, #tpu.memory_space<semaphore_mem>>
      %dma_start3A = arith.constant 0 : i32
      %dma_start3A_11 = tpu.memref_slice %arg5[%arg0, %mul3A_0, %dma_start3A] : memref<2x10000x16xf32, #tpu.memory_space<hbm>> -> memref<1x625x16xf32, #tpu.memory_space<hbm>>
      %dma_start3A_12 = tpu.memref_squeeze %dma_start3A_11 : memref<1x625x16xf32, #tpu.memory_space<hbm>> -> memref<625x16xf32, #tpu.memory_space<hbm>>
      %dma_start3A_13 = arith.constant 0 : i32
      %dma_start3A_14 = tpu.memref_slice %arg8[%mul3A_0, %dma_start3A_13] : memref<10008x16xf32, #tpu.memory_space<vmem_shared>> -> memref<625x16xf32, #tpu.memory_space<vmem_shared>>
      tpu.enqueue_dma source(%dma_start3A_14 : memref<625x16xf32, #tpu.memory_space<vmem_shared>>) target(%dma_start3A_12 : memref<625x16xf32, #tpu.memory_space<hbm>>) target_semaphore(%run_scoped3A : memref<!tpu.dma_semaphore, #tpu.memory_space<semaphore_mem>>)
      %dma_wait3A = arith.constant 0 : i32
      %dma_wait3A_15 = tpu.memref_slice %arg5[%arg0, %mul3A_0, %dma_wait3A] : memref<2x10000x16xf32, #tpu.memory_space<hbm>> -> memref<1x625x16xf32, #tpu.memory_space<hbm>>
      %dma_wait3A_16 = tpu.memref_squeeze %dma_wait3A_15 : memref<1x625x16xf32, #tpu.memory_space<hbm>> -> memref<625x16xf32, #tpu.memory_space<hbm>>
      %dma_wait3A_17 = arith.constant 0 : i32
      %dma_wait3A_18 = tpu.memref_slice %arg8[%mul3A_0, %dma_wait3A_17] : memref<10008x16xf32, #tpu.memory_space<vmem_shared>> -> memref<625x16xf32, #tpu.memory_space<vmem_shared>>
      tpu.wait_dma2 semaphore(%run_scoped3A : memref<!tpu.dma_semaphore, #tpu.memory_space<semaphore_mem>>) src(%dma_wait3A_18 : memref<625x16xf32, #tpu.memory_space<vmem_shared>>) dst(%dma_wait3A_16 : memref<625x16xf32, #tpu.memory_space<hbm>>)
      tpu.yield
    }) : () -> ()
    return
  }
}

#map = affine_map<(d0, d1) -> (0, 0, 0, 0)>
#map1 = affine_map<(d0, d1) -> (0, 0)>
module attributes {stable_mosaic.version = 14 : i64} {
  func.func @spmm(%arg0: i32, %arg1: i32, %arg2: memref<16x80x2x128xi32, #tpu.memory_space<hbm>>, %arg3: memref<10000x128xf32, #tpu.memory_space<hbm>>, %arg4: memref<10000x128xf32, #tpu.memory_space<hbm>>, %arg5: memref<10000x128xf32, #tpu.memory_space<hbm>>, %arg6: memref<10000x128xf32, #tpu.memory_space<hbm>>, %arg7: memref<2x128xi32, #tpu.memory_space<vmem>>, %arg8: memref<2x128xi32, #tpu.memory_space<vmem>>, %arg9: memref<2x128xi32, #tpu.memory_space<vmem>>, %arg10: memref<2x128xi32, #tpu.memory_space<vmem>>, %arg11: memref<128x128xf32, #tpu.memory_space<vmem>>, %arg12: memref<128x128xf32, #tpu.memory_space<vmem>>, %arg13: memref<10008x128xf32, #tpu.memory_space<vmem_shared>>, %arg14: memref<!tpu.dma_semaphore, #tpu.memory_space<semaphore_mem>>, %arg15: memref<!tpu.dma_semaphore, #tpu.memory_space<semaphore_mem>>, %arg16: memref<!tpu.dma_semaphore, #tpu.memory_space<semaphore_mem>>, %arg17: memref<!tpu.dma_semaphore, #tpu.memory_space<semaphore_mem>>, %arg18: memref<!tpu.dma_semaphore, #tpu.memory_space<semaphore_mem>>, %arg19: memref<!tpu.dma_semaphore, #tpu.memory_space<semaphore_mem>>) attributes {dimension_semantics = [#tpu.dimension_semantics<core_parallel>, #tpu.dimension_semantics<subcore_parallel>], iteration_bounds = array<i64: 2, 16>, scalar_prefetch = 0 : i64, scratch_operands = 13 : i64, tpu.core_type = #tpu.core_type<sc_vector_subcore>, window_params = [{transform_indices = #map}, {transform_indices = #map1}, {transform_indices = #map1}, {transform_indices = #map1}, {transform_indices = #map1}]} {
    %mul3A = arith.constant 625 : i32
    %mul3A_0 = arith.muli %arg1, %mul3A : i32
    %eq3A = arith.constant 0 : i32
    %eq3A_1 = arith.cmpi eq, %arg0, %eq3A : i32
    %convert_element_type3A = arith.extui %eq3A_1 : i1 to i32
    %cond3A = arith.constant 0 : i32
    %cond3A_2 = arith.cmpi ne, %convert_element_type3A, %cond3A : i32
    scf.if %cond3A_2 {
      "tpu.region"() ({
        %run_scoped3A_280 = tpu.sem_alloc : memref<!tpu.dma_semaphore, #tpu.memory_space<semaphore_mem>>
        %dma_start3A_281 = arith.constant 0 : i32
        %dma_start3A_282 = tpu.memref_slice %arg13[%mul3A_0, %dma_start3A_281] : memref<10008x128xf32, #tpu.memory_space<vmem_shared>> -> memref<625x128xf32, #tpu.memory_space<vmem_shared>>
        %dma_start3A_283 = arith.constant 0 : i32
        %dma_start3A_284 = tpu.memref_slice %arg3[%mul3A_0, %dma_start3A_283] : memref<10000x128xf32, #tpu.memory_space<hbm>> -> memref<625x128xf32, #tpu.memory_space<hbm>>
        tpu.enqueue_dma source(%dma_start3A_284 : memref<625x128xf32, #tpu.memory_space<hbm>>) target(%dma_start3A_282 : memref<625x128xf32, #tpu.memory_space<vmem_shared>>) target_semaphore(%run_scoped3A_280 : memref<!tpu.dma_semaphore, #tpu.memory_space<semaphore_mem>>)
        %dma_wait3A_285 = arith.constant 0 : i32
        %dma_wait3A_286 = tpu.memref_slice %arg13[%mul3A_0, %dma_wait3A_285] : memref<10008x128xf32, #tpu.memory_space<vmem_shared>> -> memref<625x128xf32, #tpu.memory_space<vmem_shared>>
        %dma_wait3A_287 = arith.constant 0 : i32
        %dma_wait3A_288 = tpu.memref_slice %arg3[%mul3A_0, %dma_wait3A_287] : memref<10000x128xf32, #tpu.memory_space<hbm>> -> memref<625x128xf32, #tpu.memory_space<hbm>>
        tpu.wait_dma2 semaphore(%run_scoped3A_280 : memref<!tpu.dma_semaphore, #tpu.memory_space<semaphore_mem>>) src(%dma_wait3A_288 : memref<625x128xf32, #tpu.memory_space<hbm>>) dst(%dma_wait3A_286 : memref<625x128xf32, #tpu.memory_space<vmem_shared>>)
        tpu.yield
      }) : () -> ()
      %eq3A_8 = arith.constant 0 : i32
      %eq3A_9 = arith.cmpi eq, %arg1, %eq3A_8 : i32
      %convert_element_type3A_10 = arith.extui %eq3A_9 : i1 to i32
      %cond3A_11 = arith.constant 0 : i32
      %cond3A_12 = arith.cmpi ne, %convert_element_type3A_10, %cond3A_11 : i32
      scf.if %cond3A_12 {
        "tpu.region"() ({
          %run_scoped3A_280 = tpu.sem_alloc : memref<!tpu.dma_semaphore, #tpu.memory_space<semaphore_mem>>
          %dma_start3A_281 = arith.constant 10000 : i32
          %dma_start3A_282 = arith.constant 0 : i32
          %dma_start3A_283 = tpu.memref_slice %arg13[%dma_start3A_281, %dma_start3A_282] : memref<10008x128xf32, #tpu.memory_space<vmem_shared>> -> memref<8x128xf32, #tpu.memory_space<vmem_shared>>
          %dma_start3A_284 = arith.constant 0 : i32
          %dma_start3A_285 = arith.constant 0 : i32
          %dma_start3A_286 = tpu.memref_slice %arg3[%dma_start3A_284, %dma_start3A_285] : memref<10000x128xf32, #tpu.memory_space<hbm>> -> memref<8x128xf32, #tpu.memory_space<hbm>>
          tpu.enqueue_dma source(%dma_start3A_286 : memref<8x128xf32, #tpu.memory_space<hbm>>) target(%dma_start3A_283 : memref<8x128xf32, #tpu.memory_space<vmem_shared>>) target_semaphore(%run_scoped3A_280 : memref<!tpu.dma_semaphore, #tpu.memory_space<semaphore_mem>>)
          %dma_wait3A_287 = arith.constant 10000 : i32
          %dma_wait3A_288 = arith.constant 0 : i32
          %dma_wait3A_289 = tpu.memref_slice %arg13[%dma_wait3A_287, %dma_wait3A_288] : memref<10008x128xf32, #tpu.memory_space<vmem_shared>> -> memref<8x128xf32, #tpu.memory_space<vmem_shared>>
          %dma_wait3A_290 = arith.constant 0 : i32
          %dma_wait3A_291 = arith.constant 0 : i32
          %dma_wait3A_292 = tpu.memref_slice %arg3[%dma_wait3A_290, %dma_wait3A_291] : memref<10000x128xf32, #tpu.memory_space<hbm>> -> memref<8x128xf32, #tpu.memory_space<hbm>>
          tpu.wait_dma2 semaphore(%run_scoped3A_280 : memref<!tpu.dma_semaphore, #tpu.memory_space<semaphore_mem>>) src(%dma_wait3A_292 : memref<8x128xf32, #tpu.memory_space<hbm>>) dst(%dma_wait3A_289 : memref<8x128xf32, #tpu.memory_space<vmem_shared>>)
          tpu.yield
        }) : () -> ()
      } else {
      }
      %barrier3A = arith.constant 0 : index
      tpu.barrier barrier_id(%barrier3A)
      %dma_start3A = arith.constant 0 : i32
      %dma_start3A_13 = arith.constant 0 : i32
      %dma_start3A_14 = arith.constant 0 : i32
      %dma_start3A_15 = tpu.memref_slice %arg2[%arg1, %dma_start3A, %dma_start3A_13, %dma_start3A_14] : memref<16x80x2x128xi32, #tpu.memory_space<hbm>> -> memref<1x1x2x128xi32, #tpu.memory_space<hbm>>
      %dma_start3A_16 = tpu.memref_squeeze %dma_start3A_15 : memref<1x1x2x128xi32, #tpu.memory_space<hbm>> -> memref<2x128xi32, #tpu.memory_space<hbm>>
      %dma_start3A_17 = arith.constant 0 : i32
      %dma_start3A_18 = arith.constant 0 : i32
      %dma_start3A_19 = tpu.memref_slice %arg2[%arg1, %dma_start3A, %dma_start3A_17, %dma_start3A_18] : memref<16x80x2x128xi32, #tpu.memory_space<hbm>> -> memref<1x1x2x128xi32, #tpu.memory_space<hbm>>
      %dma_start3A_20 = tpu.memref_squeeze %dma_start3A_19 : memref<1x1x2x128xi32, #tpu.memory_space<hbm>> -> memref<2x128xi32, #tpu.memory_space<hbm>>
      tpu.enqueue_dma source(%dma_start3A_20 : memref<2x128xi32, #tpu.memory_space<hbm>>) target(%arg7 : memref<2x128xi32, #tpu.memory_space<vmem>>) target_semaphore(%arg14 : memref<!tpu.dma_semaphore, #tpu.memory_space<semaphore_mem>>)
      %dma_start3A_21 = arith.constant 1 : i32
      %dma_start3A_22 = arith.constant 0 : i32
      %dma_start3A_23 = arith.constant 0 : i32
      %dma_start3A_24 = tpu.memref_slice %arg2[%arg1, %dma_start3A_21, %dma_start3A_22, %dma_start3A_23] : memref<16x80x2x128xi32, #tpu.memory_space<hbm>> -> memref<1x1x2x128xi32, #tpu.memory_space<hbm>>
      %dma_start3A_25 = tpu.memref_squeeze %dma_start3A_24 : memref<1x1x2x128xi32, #tpu.memory_space<hbm>> -> memref<2x128xi32, #tpu.memory_space<hbm>>
      %dma_start3A_26 = arith.constant 0 : i32
      %dma_start3A_27 = arith.constant 0 : i32
      %dma_start3A_28 = tpu.memref_slice %arg2[%arg1, %dma_start3A_21, %dma_start3A_26, %dma_start3A_27] : memref<16x80x2x128xi32, #tpu.memory_space<hbm>> -> memref<1x1x2x128xi32, #tpu.memory_space<hbm>>
      %dma_start3A_29 = tpu.memref_squeeze %dma_start3A_28 : memref<1x1x2x128xi32, #tpu.memory_space<hbm>> -> memref<2x128xi32, #tpu.memory_space<hbm>>
      tpu.enqueue_dma source(%dma_start3A_29 : memref<2x128xi32, #tpu.memory_space<hbm>>) target(%arg8 : memref<2x128xi32, #tpu.memory_space<vmem>>) target_semaphore(%arg15 : memref<!tpu.dma_semaphore, #tpu.memory_space<semaphore_mem>>)
      %dma_start3A_30 = arith.constant 2 : i32
      %dma_start3A_31 = arith.constant 0 : i32
      %dma_start3A_32 = arith.constant 0 : i32
      %dma_start3A_33 = tpu.memref_slice %arg2[%arg1, %dma_start3A_30, %dma_start3A_31, %dma_start3A_32] : memref<16x80x2x128xi32, #tpu.memory_space<hbm>> -> memref<1x1x2x128xi32, #tpu.memory_space<hbm>>
      %dma_start3A_34 = tpu.memref_squeeze %dma_start3A_33 : memref<1x1x2x128xi32, #tpu.memory_space<hbm>> -> memref<2x128xi32, #tpu.memory_space<hbm>>
      %dma_start3A_35 = arith.constant 0 : i32
      %dma_start3A_36 = arith.constant 0 : i32
      %dma_start3A_37 = tpu.memref_slice %arg2[%arg1, %dma_start3A_30, %dma_start3A_35, %dma_start3A_36] : memref<16x80x2x128xi32, #tpu.memory_space<hbm>> -> memref<1x1x2x128xi32, #tpu.memory_space<hbm>>
      %dma_start3A_38 = tpu.memref_squeeze %dma_start3A_37 : memref<1x1x2x128xi32, #tpu.memory_space<hbm>> -> memref<2x128xi32, #tpu.memory_space<hbm>>
      tpu.enqueue_dma source(%dma_start3A_38 : memref<2x128xi32, #tpu.memory_space<hbm>>) target(%arg9 : memref<2x128xi32, #tpu.memory_space<vmem>>) target_semaphore(%arg16 : memref<!tpu.dma_semaphore, #tpu.memory_space<semaphore_mem>>)
      %dma_start3A_39 = arith.constant 3 : i32
      %dma_start3A_40 = arith.constant 0 : i32
      %dma_start3A_41 = arith.constant 0 : i32
      %dma_start3A_42 = tpu.memref_slice %arg2[%arg1, %dma_start3A_39, %dma_start3A_40, %dma_start3A_41] : memref<16x80x2x128xi32, #tpu.memory_space<hbm>> -> memref<1x1x2x128xi32, #tpu.memory_space<hbm>>
      %dma_start3A_43 = tpu.memref_squeeze %dma_start3A_42 : memref<1x1x2x128xi32, #tpu.memory_space<hbm>> -> memref<2x128xi32, #tpu.memory_space<hbm>>
      %dma_start3A_44 = arith.constant 0 : i32
      %dma_start3A_45 = arith.constant 0 : i32
      %dma_start3A_46 = tpu.memref_slice %arg2[%arg1, %dma_start3A_39, %dma_start3A_44, %dma_start3A_45] : memref<16x80x2x128xi32, #tpu.memory_space<hbm>> -> memref<1x1x2x128xi32, #tpu.memory_space<hbm>>
      %dma_start3A_47 = tpu.memref_squeeze %dma_start3A_46 : memref<1x1x2x128xi32, #tpu.memory_space<hbm>> -> memref<2x128xi32, #tpu.memory_space<hbm>>
      tpu.enqueue_dma source(%dma_start3A_47 : memref<2x128xi32, #tpu.memory_space<hbm>>) target(%arg10 : memref<2x128xi32, #tpu.memory_space<vmem>>) target_semaphore(%arg17 : memref<!tpu.dma_semaphore, #tpu.memory_space<semaphore_mem>>)
      %dma_wait3A = arith.constant 0 : i32
      %dma_wait3A_48 = arith.constant 0 : i32
      %dma_wait3A_49 = arith.constant 0 : i32
      %dma_wait3A_50 = tpu.memref_slice %arg2[%arg1, %dma_wait3A, %dma_wait3A_48, %dma_wait3A_49] : memref<16x80x2x128xi32, #tpu.memory_space<hbm>> -> memref<1x1x2x128xi32, #tpu.memory_space<hbm>>
      %dma_wait3A_51 = tpu.memref_squeeze %dma_wait3A_50 : memref<1x1x2x128xi32, #tpu.memory_space<hbm>> -> memref<2x128xi32, #tpu.memory_space<hbm>>
      %dma_wait3A_52 = arith.constant 0 : i32
      %dma_wait3A_53 = arith.constant 0 : i32
      %dma_wait3A_54 = tpu.memref_slice %arg2[%arg1, %dma_wait3A, %dma_wait3A_52, %dma_wait3A_53] : memref<16x80x2x128xi32, #tpu.memory_space<hbm>> -> memref<1x1x2x128xi32, #tpu.memory_space<hbm>>
      %dma_wait3A_55 = tpu.memref_squeeze %dma_wait3A_54 : memref<1x1x2x128xi32, #tpu.memory_space<hbm>> -> memref<2x128xi32, #tpu.memory_space<hbm>>
      tpu.wait_dma2 semaphore(%arg14 : memref<!tpu.dma_semaphore, #tpu.memory_space<semaphore_mem>>) src(%dma_wait3A_55 : memref<2x128xi32, #tpu.memory_space<hbm>>) dst(%arg7 : memref<2x128xi32, #tpu.memory_space<vmem>>)
      %dma_start3A_56 = arith.constant 0 : i32
      %dma_start3A_57 = arith.constant 0 : i32
      %dma_start3A_58 = tpu.memref_slice %arg7[%dma_start3A_56, %dma_start3A_57] : memref<2x128xi32, #tpu.memory_space<vmem>> -> memref<1x128xi32, #tpu.memory_space<vmem>>
      %dma_start3A_59 = tpu.memref_squeeze %dma_start3A_58 : memref<1x128xi32, #tpu.memory_space<vmem>> -> memref<128xi32, #tpu.memory_space<vmem>>
      %dma_start3A_60 = arith.constant 0 : i32
      %dma_start3A_61 = arith.constant 0 : i32
      %dma_start3A_62 = tpu.memref_slice %arg3[%dma_start3A_60, %dma_start3A_61] : memref<10000x128xf32, #tpu.memory_space<hbm>> -> memref<10000x128xf32, #tpu.memory_space<hbm>>
      tpu.enqueue_indirect_dma source(%dma_start3A_62 : memref<10000x128xf32, #tpu.memory_space<hbm>>) target(%arg11 : memref<128x128xf32, #tpu.memory_space<vmem>>) offsets(%dma_start3A_59 : memref<128xi32, #tpu.memory_space<vmem>>) semaphore(%arg18 : memref<!tpu.dma_semaphore, #tpu.memory_space<semaphore_mem>>)
      %dma_wait3A_63 = arith.constant 1 : i32
      %dma_wait3A_64 = arith.constant 0 : i32
      %dma_wait3A_65 = arith.constant 0 : i32
      %dma_wait3A_66 = tpu.memref_slice %arg2[%arg1, %dma_wait3A_63, %dma_wait3A_64, %dma_wait3A_65] : memref<16x80x2x128xi32, #tpu.memory_space<hbm>> -> memref<1x1x2x128xi32, #tpu.memory_space<hbm>>
      %dma_wait3A_67 = tpu.memref_squeeze %dma_wait3A_66 : memref<1x1x2x128xi32, #tpu.memory_space<hbm>> -> memref<2x128xi32, #tpu.memory_space<hbm>>
      %dma_wait3A_68 = arith.constant 0 : i32
      %dma_wait3A_69 = arith.constant 0 : i32
      %dma_wait3A_70 = tpu.memref_slice %arg2[%arg1, %dma_wait3A_63, %dma_wait3A_68, %dma_wait3A_69] : memref<16x80x2x128xi32, #tpu.memory_space<hbm>> -> memref<1x1x2x128xi32, #tpu.memory_space<hbm>>
      %dma_wait3A_71 = tpu.memref_squeeze %dma_wait3A_70 : memref<1x1x2x128xi32, #tpu.memory_space<hbm>> -> memref<2x128xi32, #tpu.memory_space<hbm>>
      tpu.wait_dma2 semaphore(%arg15 : memref<!tpu.dma_semaphore, #tpu.memory_space<semaphore_mem>>) src(%dma_wait3A_71 : memref<2x128xi32, #tpu.memory_space<hbm>>) dst(%arg8 : memref<2x128xi32, #tpu.memory_space<vmem>>)
      %dma_start3A_72 = arith.constant 0 : i32
      %dma_start3A_73 = arith.constant 0 : i32
      %dma_start3A_74 = tpu.memref_slice %arg8[%dma_start3A_72, %dma_start3A_73] : memref<2x128xi32, #tpu.memory_space<vmem>> -> memref<1x128xi32, #tpu.memory_space<vmem>>
      %dma_start3A_75 = tpu.memref_squeeze %dma_start3A_74 : memref<1x128xi32, #tpu.memory_space<vmem>> -> memref<128xi32, #tpu.memory_space<vmem>>
      %dma_start3A_76 = arith.constant 0 : i32
      %dma_start3A_77 = arith.constant 0 : i32
      %dma_start3A_78 = tpu.memref_slice %arg3[%dma_start3A_76, %dma_start3A_77] : memref<10000x128xf32, #tpu.memory_space<hbm>> -> memref<10000x128xf32, #tpu.memory_space<hbm>>
      tpu.enqueue_indirect_dma source(%dma_start3A_78 : memref<10000x128xf32, #tpu.memory_space<hbm>>) target(%arg12 : memref<128x128xf32, #tpu.memory_space<vmem>>) offsets(%dma_start3A_75 : memref<128xi32, #tpu.memory_space<vmem>>) semaphore(%arg19 : memref<!tpu.dma_semaphore, #tpu.memory_space<semaphore_mem>>)
      %dma_wait3A_79 = arith.constant 0 : i32
      %dma_wait3A_80 = arith.constant 0 : i32
      %dma_wait3A_81 = tpu.memref_slice %arg7[%dma_wait3A_79, %dma_wait3A_80] : memref<2x128xi32, #tpu.memory_space<vmem>> -> memref<1x128xi32, #tpu.memory_space<vmem>>
      %dma_wait3A_82 = tpu.memref_squeeze %dma_wait3A_81 : memref<1x128xi32, #tpu.memory_space<vmem>> -> memref<128xi32, #tpu.memory_space<vmem>>
      %dma_wait3A_83 = arith.constant 0 : i32
      %dma_wait3A_84 = arith.constant 0 : i32
      %dma_wait3A_85 = tpu.memref_slice %arg3[%dma_wait3A_83, %dma_wait3A_84] : memref<10000x128xf32, #tpu.memory_space<hbm>> -> memref<10000x128xf32, #tpu.memory_space<hbm>>
      tpu.wait_indirect_dma semaphore(%arg18 : memref<!tpu.dma_semaphore, #tpu.memory_space<semaphore_mem>>) src(%dma_wait3A_85 : memref<10000x128xf32, #tpu.memory_space<hbm>>) dst(%arg11 : memref<128x128xf32, #tpu.memory_space<vmem>>)
      %run_scoped3A = arith.constant 1 : i32
      "tpu.region"() ({
        %run_scoped3A_280 = tpu.sem_alloc : memref<!tpu.dma_semaphore, #tpu.memory_space<semaphore_mem>>
        %dma_start3A_281 = arith.constant 0 : i32
        %dma_start3A_282 = tpu.memref_slice %arg7[%run_scoped3A, %dma_start3A_281] : memref<2x128xi32, #tpu.memory_space<vmem>> -> memref<1x128xi32, #tpu.memory_space<vmem>>
        %dma_start3A_283 = tpu.memref_squeeze %dma_start3A_282 : memref<1x128xi32, #tpu.memory_space<vmem>> -> memref<128xi32, #tpu.memory_space<vmem>>
        %dma_start3A_284 = arith.constant 0 : i32
        %dma_start3A_285 = arith.constant 0 : i32
        %dma_start3A_286 = tpu.memref_slice %arg13[%dma_start3A_284, %dma_start3A_285] : memref<10008x128xf32, #tpu.memory_space<vmem_shared>> -> memref<10008x128xf32, #tpu.memory_space<vmem_shared>>
        tpu.enqueue_indirect_dma source(%arg11 : memref<128x128xf32, #tpu.memory_space<vmem>>) target(%dma_start3A_286 : memref<10008x128xf32, #tpu.memory_space<vmem_shared>>) offsets(%dma_start3A_283 : memref<128xi32, #tpu.memory_space<vmem>>) semaphore(%run_scoped3A_280 : memref<!tpu.dma_semaphore, #tpu.memory_space<semaphore_mem>>) {add = true}
        %dma_wait3A_287 = arith.constant 0 : i32
        %dma_wait3A_288 = tpu.memref_slice %arg7[%run_scoped3A, %dma_wait3A_287] : memref<2x128xi32, #tpu.memory_space<vmem>> -> memref<1x128xi32, #tpu.memory_space<vmem>>
        %dma_wait3A_289 = tpu.memref_squeeze %dma_wait3A_288 : memref<1x128xi32, #tpu.memory_space<vmem>> -> memref<128xi32, #tpu.memory_space<vmem>>
        %dma_wait3A_290 = arith.constant 0 : i32
        %dma_wait3A_291 = arith.constant 0 : i32
        %dma_wait3A_292 = tpu.memref_slice %arg13[%dma_wait3A_290, %dma_wait3A_291] : memref<10008x128xf32, #tpu.memory_space<vmem_shared>> -> memref<10008x128xf32, #tpu.memory_space<vmem_shared>>
        tpu.wait_indirect_dma semaphore(%run_scoped3A_280 : memref<!tpu.dma_semaphore, #tpu.memory_space<semaphore_mem>>) src(%arg11 : memref<128x128xf32, #tpu.memory_space<vmem>>) dst(%dma_wait3A_292 : memref<10008x128xf32, #tpu.memory_space<vmem_shared>>)
        tpu.yield
      }) : () -> ()
      %dma_start3A_86 = arith.constant 4 : i32
      %dma_start3A_87 = arith.constant 0 : i32
      %dma_start3A_88 = arith.constant 0 : i32
      %dma_start3A_89 = tpu.memref_slice %arg2[%arg1, %dma_start3A_86, %dma_start3A_87, %dma_start3A_88] : memref<16x80x2x128xi32, #tpu.memory_space<hbm>> -> memref<1x1x2x128xi32, #tpu.memory_space<hbm>>
      %dma_start3A_90 = tpu.memref_squeeze %dma_start3A_89 : memref<1x1x2x128xi32, #tpu.memory_space<hbm>> -> memref<2x128xi32, #tpu.memory_space<hbm>>
      %dma_start3A_91 = arith.constant 0 : i32
      %dma_start3A_92 = arith.constant 0 : i32
      %dma_start3A_93 = tpu.memref_slice %arg2[%arg1, %dma_start3A_86, %dma_start3A_91, %dma_start3A_92] : memref<16x80x2x128xi32, #tpu.memory_space<hbm>> -> memref<1x1x2x128xi32, #tpu.memory_space<hbm>>
      %dma_start3A_94 = tpu.memref_squeeze %dma_start3A_93 : memref<1x1x2x128xi32, #tpu.memory_space<hbm>> -> memref<2x128xi32, #tpu.memory_space<hbm>>
      tpu.enqueue_dma source(%dma_start3A_94 : memref<2x128xi32, #tpu.memory_space<hbm>>) target(%arg7 : memref<2x128xi32, #tpu.memory_space<vmem>>) target_semaphore(%arg14 : memref<!tpu.dma_semaphore, #tpu.memory_space<semaphore_mem>>)
      %dma_wait3A_95 = arith.constant 2 : i32
      %dma_wait3A_96 = arith.constant 0 : i32
      %dma_wait3A_97 = arith.constant 0 : i32
      %dma_wait3A_98 = tpu.memref_slice %arg2[%arg1, %dma_wait3A_95, %dma_wait3A_96, %dma_wait3A_97] : memref<16x80x2x128xi32, #tpu.memory_space<hbm>> -> memref<1x1x2x128xi32, #tpu.memory_space<hbm>>
      %dma_wait3A_99 = tpu.memref_squeeze %dma_wait3A_98 : memref<1x1x2x128xi32, #tpu.memory_space<hbm>> -> memref<2x128xi32, #tpu.memory_space<hbm>>
      %dma_wait3A_100 = arith.constant 0 : i32
      %dma_wait3A_101 = arith.constant 0 : i32
      %dma_wait3A_102 = tpu.memref_slice %arg2[%arg1, %dma_wait3A_95, %dma_wait3A_100, %dma_wait3A_101] : memref<16x80x2x128xi32, #tpu.memory_space<hbm>> -> memref<1x1x2x128xi32, #tpu.memory_space<hbm>>
      %dma_wait3A_103 = tpu.memref_squeeze %dma_wait3A_102 : memref<1x1x2x128xi32, #tpu.memory_space<hbm>> -> memref<2x128xi32, #tpu.memory_space<hbm>>
      tpu.wait_dma2 semaphore(%arg16 : memref<!tpu.dma_semaphore, #tpu.memory_space<semaphore_mem>>) src(%dma_wait3A_103 : memref<2x128xi32, #tpu.memory_space<hbm>>) dst(%arg9 : memref<2x128xi32, #tpu.memory_space<vmem>>)
      %dma_start3A_104 = arith.constant 0 : i32
      %dma_start3A_105 = arith.constant 0 : i32
      %dma_start3A_106 = tpu.memref_slice %arg9[%dma_start3A_104, %dma_start3A_105] : memref<2x128xi32, #tpu.memory_space<vmem>> -> memref<1x128xi32, #tpu.memory_space<vmem>>
      %dma_start3A_107 = tpu.memref_squeeze %dma_start3A_106 : memref<1x128xi32, #tpu.memory_space<vmem>> -> memref<128xi32, #tpu.memory_space<vmem>>
      %dma_start3A_108 = arith.constant 0 : i32
      %dma_start3A_109 = arith.constant 0 : i32
      %dma_start3A_110 = tpu.memref_slice %arg3[%dma_start3A_108, %dma_start3A_109] : memref<10000x128xf32, #tpu.memory_space<hbm>> -> memref<10000x128xf32, #tpu.memory_space<hbm>>
      tpu.enqueue_indirect_dma source(%dma_start3A_110 : memref<10000x128xf32, #tpu.memory_space<hbm>>) target(%arg11 : memref<128x128xf32, #tpu.memory_space<vmem>>) offsets(%dma_start3A_107 : memref<128xi32, #tpu.memory_space<vmem>>) semaphore(%arg18 : memref<!tpu.dma_semaphore, #tpu.memory_space<semaphore_mem>>)
      %scan3A = arith.constant 0 : i32
      %scan3A_111 = arith.constant 0 : i32
      %scan3A_112 = arith.constant 18 : i32
      %scan3A_113 = arith.addi %scan3A_111, %scan3A_112 : i32
      %scan3A_114 = arith.constant 1 : i32
      scf.for %scan3A_280 = %scan3A_111 to %scan3A_113 step %scan3A_114  : i32 {
        %mul3A_281 = arith.constant 4 : i32
        %mul3A_282 = arith.muli %mul3A_281, %scan3A_280 : i32
        %add3A = arith.constant 1 : i32
        %add3A_283 = arith.addi %mul3A_282, %add3A : i32
        %add3A_284 = arith.constant 0 : i32
        %add3A_285 = arith.addi %add3A_283, %add3A_284 : i32
        %dma_wait3A_286 = arith.constant 0 : i32
        %dma_wait3A_287 = arith.constant 0 : i32
        %dma_wait3A_288 = tpu.memref_slice %arg8[%dma_wait3A_286, %dma_wait3A_287] : memref<2x128xi32, #tpu.memory_space<vmem>> -> memref<1x128xi32, #tpu.memory_space<vmem>>
        %dma_wait3A_289 = tpu.memref_squeeze %dma_wait3A_288 : memref<1x128xi32, #tpu.memory_space<vmem>> -> memref<128xi32, #tpu.memory_space<vmem>>
        %dma_wait3A_290 = arith.constant 0 : i32
        %dma_wait3A_291 = arith.constant 0 : i32
        %dma_wait3A_292 = tpu.memref_slice %arg3[%dma_wait3A_290, %dma_wait3A_291] : memref<10000x128xf32, #tpu.memory_space<hbm>> -> memref<10000x128xf32, #tpu.memory_space<hbm>>
        tpu.wait_indirect_dma semaphore(%arg19 : memref<!tpu.dma_semaphore, #tpu.memory_space<semaphore_mem>>) src(%dma_wait3A_292 : memref<10000x128xf32, #tpu.memory_space<hbm>>) dst(%arg12 : memref<128x128xf32, #tpu.memory_space<vmem>>)
        %run_scoped3A_293 = arith.constant 1 : i32
        "tpu.region"() ({
          %run_scoped3A_444 = tpu.sem_alloc : memref<!tpu.dma_semaphore, #tpu.memory_space<semaphore_mem>>
          %dma_start3A_445 = arith.constant 0 : i32
          %dma_start3A_446 = tpu.memref_slice %arg8[%run_scoped3A_293, %dma_start3A_445] : memref<2x128xi32, #tpu.memory_space<vmem>> -> memref<1x128xi32, #tpu.memory_space<vmem>>
          %dma_start3A_447 = tpu.memref_squeeze %dma_start3A_446 : memref<1x128xi32, #tpu.memory_space<vmem>> -> memref<128xi32, #tpu.memory_space<vmem>>
          %dma_start3A_448 = arith.constant 0 : i32
          %dma_start3A_449 = arith.constant 0 : i32
          %dma_start3A_450 = tpu.memref_slice %arg13[%dma_start3A_448, %dma_start3A_449] : memref<10008x128xf32, #tpu.memory_space<vmem_shared>> -> memref<10008x128xf32, #tpu.memory_space<vmem_shared>>
          tpu.enqueue_indirect_dma source(%arg12 : memref<128x128xf32, #tpu.memory_space<vmem>>) target(%dma_start3A_450 : memref<10008x128xf32, #tpu.memory_space<vmem_shared>>) offsets(%dma_start3A_447 : memref<128xi32, #tpu.memory_space<vmem>>) semaphore(%run_scoped3A_444 : memref<!tpu.dma_semaphore, #tpu.memory_space<semaphore_mem>>) {add = true}
          %dma_wait3A_451 = arith.constant 0 : i32
          %dma_wait3A_452 = tpu.memref_slice %arg8[%run_scoped3A_293, %dma_wait3A_451] : memref<2x128xi32, #tpu.memory_space<vmem>> -> memref<1x128xi32, #tpu.memory_space<vmem>>
          %dma_wait3A_453 = tpu.memref_squeeze %dma_wait3A_452 : memref<1x128xi32, #tpu.memory_space<vmem>> -> memref<128xi32, #tpu.memory_space<vmem>>
          %dma_wait3A_454 = arith.constant 0 : i32
          %dma_wait3A_455 = arith.constant 0 : i32
          %dma_wait3A_456 = tpu.memref_slice %arg13[%dma_wait3A_454, %dma_wait3A_455] : memref<10008x128xf32, #tpu.memory_space<vmem_shared>> -> memref<10008x128xf32, #tpu.memory_space<vmem_shared>>
          tpu.wait_indirect_dma semaphore(%run_scoped3A_444 : memref<!tpu.dma_semaphore, #tpu.memory_space<semaphore_mem>>) src(%arg12 : memref<128x128xf32, #tpu.memory_space<vmem>>) dst(%dma_wait3A_456 : memref<10008x128xf32, #tpu.memory_space<vmem_shared>>)
          tpu.yield
        }) : () -> ()
        %add3A_294 = arith.constant 4 : i32
        %add3A_295 = arith.addi %add3A_285, %add3A_294 : i32
        %dma_start3A_296 = arith.constant 0 : i32
        %dma_start3A_297 = arith.constant 0 : i32
        %dma_start3A_298 = tpu.memref_slice %arg2[%arg1, %add3A_295, %dma_start3A_296, %dma_start3A_297] : memref<16x80x2x128xi32, #tpu.memory_space<hbm>> -> memref<1x1x2x128xi32, #tpu.memory_space<hbm>>
        %dma_start3A_299 = tpu.memref_squeeze %dma_start3A_298 : memref<1x1x2x128xi32, #tpu.memory_space<hbm>> -> memref<2x128xi32, #tpu.memory_space<hbm>>
        %dma_start3A_300 = arith.constant 0 : i32
        %dma_start3A_301 = arith.constant 0 : i32
        %dma_start3A_302 = tpu.memref_slice %arg2[%arg1, %add3A_295, %dma_start3A_300, %dma_start3A_301] : memref<16x80x2x128xi32, #tpu.memory_space<hbm>> -> memref<1x1x2x128xi32, #tpu.memory_space<hbm>>
        %dma_start3A_303 = tpu.memref_squeeze %dma_start3A_302 : memref<1x1x2x128xi32, #tpu.memory_space<hbm>> -> memref<2x128xi32, #tpu.memory_space<hbm>>
        tpu.enqueue_dma source(%dma_start3A_303 : memref<2x128xi32, #tpu.memory_space<hbm>>) target(%arg8 : memref<2x128xi32, #tpu.memory_space<vmem>>) target_semaphore(%arg15 : memref<!tpu.dma_semaphore, #tpu.memory_space<semaphore_mem>>)
        %add3A_304 = arith.constant 2 : i32
        %add3A_305 = arith.addi %add3A_285, %add3A_304 : i32
        %dma_wait3A_306 = arith.constant 0 : i32
        %dma_wait3A_307 = arith.constant 0 : i32
        %dma_wait3A_308 = tpu.memref_slice %arg2[%arg1, %add3A_305, %dma_wait3A_306, %dma_wait3A_307] : memref<16x80x2x128xi32, #tpu.memory_space<hbm>> -> memref<1x1x2x128xi32, #tpu.memory_space<hbm>>
        %dma_wait3A_309 = tpu.memref_squeeze %dma_wait3A_308 : memref<1x1x2x128xi32, #tpu.memory_space<hbm>> -> memref<2x128xi32, #tpu.memory_space<hbm>>
        %dma_wait3A_310 = arith.constant 0 : i32
        %dma_wait3A_311 = arith.constant 0 : i32
        %dma_wait3A_312 = tpu.memref_slice %arg2[%arg1, %add3A_305, %dma_wait3A_310, %dma_wait3A_311] : memref<16x80x2x128xi32, #tpu.memory_space<hbm>> -> memref<1x1x2x128xi32, #tpu.memory_space<hbm>>
        %dma_wait3A_313 = tpu.memref_squeeze %dma_wait3A_312 : memref<1x1x2x128xi32, #tpu.memory_space<hbm>> -> memref<2x128xi32, #tpu.memory_space<hbm>>
        tpu.wait_dma2 semaphore(%arg17 : memref<!tpu.dma_semaphore, #tpu.memory_space<semaphore_mem>>) src(%dma_wait3A_313 : memref<2x128xi32, #tpu.memory_space<hbm>>) dst(%arg10 : memref<2x128xi32, #tpu.memory_space<vmem>>)
        %dma_start3A_314 = arith.constant 0 : i32
        %dma_start3A_315 = arith.constant 0 : i32
        %dma_start3A_316 = tpu.memref_slice %arg10[%dma_start3A_314, %dma_start3A_315] : memref<2x128xi32, #tpu.memory_space<vmem>> -> memref<1x128xi32, #tpu.memory_space<vmem>>
        %dma_start3A_317 = tpu.memref_squeeze %dma_start3A_316 : memref<1x128xi32, #tpu.memory_space<vmem>> -> memref<128xi32, #tpu.memory_space<vmem>>
        %dma_start3A_318 = arith.constant 0 : i32
        %dma_start3A_319 = arith.constant 0 : i32
        %dma_start3A_320 = tpu.memref_slice %arg3[%dma_start3A_318, %dma_start3A_319] : memref<10000x128xf32, #tpu.memory_space<hbm>> -> memref<10000x128xf32, #tpu.memory_space<hbm>>
        tpu.enqueue_indirect_dma source(%dma_start3A_320 : memref<10000x128xf32, #tpu.memory_space<hbm>>) target(%arg12 : memref<128x128xf32, #tpu.memory_space<vmem>>) offsets(%dma_start3A_317 : memref<128xi32, #tpu.memory_space<vmem>>) semaphore(%arg19 : memref<!tpu.dma_semaphore, #tpu.memory_space<semaphore_mem>>)
        %mul3A_321 = arith.constant 4 : i32
        %mul3A_322 = arith.muli %mul3A_321, %scan3A_280 : i32
        %add3A_323 = arith.constant 1 : i32
        %add3A_324 = arith.addi %mul3A_322, %add3A_323 : i32
        %add3A_325 = arith.constant 1 : i32
        %add3A_326 = arith.addi %add3A_324, %add3A_325 : i32
        %dma_wait3A_327 = arith.constant 0 : i32
        %dma_wait3A_328 = arith.constant 0 : i32
        %dma_wait3A_329 = tpu.memref_slice %arg9[%dma_wait3A_327, %dma_wait3A_328] : memref<2x128xi32, #tpu.memory_space<vmem>> -> memref<1x128xi32, #tpu.memory_space<vmem>>
        %dma_wait3A_330 = tpu.memref_squeeze %dma_wait3A_329 : memref<1x128xi32, #tpu.memory_space<vmem>> -> memref<128xi32, #tpu.memory_space<vmem>>
        %dma_wait3A_331 = arith.constant 0 : i32
        %dma_wait3A_332 = arith.constant 0 : i32
        %dma_wait3A_333 = tpu.memref_slice %arg3[%dma_wait3A_331, %dma_wait3A_332] : memref<10000x128xf32, #tpu.memory_space<hbm>> -> memref<10000x128xf32, #tpu.memory_space<hbm>>
        tpu.wait_indirect_dma semaphore(%arg18 : memref<!tpu.dma_semaphore, #tpu.memory_space<semaphore_mem>>) src(%dma_wait3A_333 : memref<10000x128xf32, #tpu.memory_space<hbm>>) dst(%arg11 : memref<128x128xf32, #tpu.memory_space<vmem>>)
        %run_scoped3A_334 = arith.constant 1 : i32
        "tpu.region"() ({
          %run_scoped3A_444 = tpu.sem_alloc : memref<!tpu.dma_semaphore, #tpu.memory_space<semaphore_mem>>
          %dma_start3A_445 = arith.constant 0 : i32
          %dma_start3A_446 = tpu.memref_slice %arg9[%run_scoped3A_334, %dma_start3A_445] : memref<2x128xi32, #tpu.memory_space<vmem>> -> memref<1x128xi32, #tpu.memory_space<vmem>>
          %dma_start3A_447 = tpu.memref_squeeze %dma_start3A_446 : memref<1x128xi32, #tpu.memory_space<vmem>> -> memref<128xi32, #tpu.memory_space<vmem>>
          %dma_start3A_448 = arith.constant 0 : i32
          %dma_start3A_449 = arith.constant 0 : i32
          %dma_start3A_450 = tpu.memref_slice %arg13[%dma_start3A_448, %dma_start3A_449] : memref<10008x128xf32, #tpu.memory_space<vmem_shared>> -> memref<10008x128xf32, #tpu.memory_space<vmem_shared>>
          tpu.enqueue_indirect_dma source(%arg11 : memref<128x128xf32, #tpu.memory_space<vmem>>) target(%dma_start3A_450 : memref<10008x128xf32, #tpu.memory_space<vmem_shared>>) offsets(%dma_start3A_447 : memref<128xi32, #tpu.memory_space<vmem>>) semaphore(%run_scoped3A_444 : memref<!tpu.dma_semaphore, #tpu.memory_space<semaphore_mem>>) {add = true}
          %dma_wait3A_451 = arith.constant 0 : i32
          %dma_wait3A_452 = tpu.memref_slice %arg9[%run_scoped3A_334, %dma_wait3A_451] : memref<2x128xi32, #tpu.memory_space<vmem>> -> memref<1x128xi32, #tpu.memory_space<vmem>>
          %dma_wait3A_453 = tpu.memref_squeeze %dma_wait3A_452 : memref<1x128xi32, #tpu.memory_space<vmem>> -> memref<128xi32, #tpu.memory_space<vmem>>
          %dma_wait3A_454 = arith.constant 0 : i32
          %dma_wait3A_455 = arith.constant 0 : i32
          %dma_wait3A_456 = tpu.memref_slice %arg13[%dma_wait3A_454, %dma_wait3A_455] : memref<10008x128xf32, #tpu.memory_space<vmem_shared>> -> memref<10008x128xf32, #tpu.memory_space<vmem_shared>>
          tpu.wait_indirect_dma semaphore(%run_scoped3A_444 : memref<!tpu.dma_semaphore, #tpu.memory_space<semaphore_mem>>) src(%arg11 : memref<128x128xf32, #tpu.memory_space<vmem>>) dst(%dma_wait3A_456 : memref<10008x128xf32, #tpu.memory_space<vmem_shared>>)
          tpu.yield
        }) : () -> ()
        %add3A_335 = arith.constant 4 : i32
        %add3A_336 = arith.addi %add3A_326, %add3A_335 : i32
        %dma_start3A_337 = arith.constant 0 : i32
        %dma_start3A_338 = arith.constant 0 : i32
        %dma_start3A_339 = tpu.memref_slice %arg2[%arg1, %add3A_336, %dma_start3A_337, %dma_start3A_338] : memref<16x80x2x128xi32, #tpu.memory_space<hbm>> -> memref<1x1x2x128xi32, #tpu.memory_space<hbm>>
        %dma_start3A_340 = tpu.memref_squeeze %dma_start3A_339 : memref<1x1x2x128xi32, #tpu.memory_space<hbm>> -> memref<2x128xi32, #tpu.memory_space<hbm>>
        %dma_start3A_341 = arith.constant 0 : i32
        %dma_start3A_342 = arith.constant 0 : i32
        %dma_start3A_343 = tpu.memref_slice %arg2[%arg1, %add3A_336, %dma_start3A_341, %dma_start3A_342] : memref<16x80x2x128xi32, #tpu.memory_space<hbm>> -> memref<1x1x2x128xi32, #tpu.memory_space<hbm>>
        %dma_start3A_344 = tpu.memref_squeeze %dma_start3A_343 : memref<1x1x2x128xi32, #tpu.memory_space<hbm>> -> memref<2x128xi32, #tpu.memory_space<hbm>>
        tpu.enqueue_dma source(%dma_start3A_344 : memref<2x128xi32, #tpu.memory_space<hbm>>) target(%arg9 : memref<2x128xi32, #tpu.memory_space<vmem>>) target_semaphore(%arg16 : memref<!tpu.dma_semaphore, #tpu.memory_space<semaphore_mem>>)
        %add3A_345 = arith.constant 2 : i32
        %add3A_346 = arith.addi %add3A_326, %add3A_345 : i32
        %dma_wait3A_347 = arith.constant 0 : i32
        %dma_wait3A_348 = arith.constant 0 : i32
        %dma_wait3A_349 = tpu.memref_slice %arg2[%arg1, %add3A_346, %dma_wait3A_347, %dma_wait3A_348] : memref<16x80x2x128xi32, #tpu.memory_space<hbm>> -> memref<1x1x2x128xi32, #tpu.memory_space<hbm>>
        %dma_wait3A_350 = tpu.memref_squeeze %dma_wait3A_349 : memref<1x1x2x128xi32, #tpu.memory_space<hbm>> -> memref<2x128xi32, #tpu.memory_space<hbm>>
        %dma_wait3A_351 = arith.constant 0 : i32
        %dma_wait3A_352 = arith.constant 0 : i32
        %dma_wait3A_353 = tpu.memref_slice %arg2[%arg1, %add3A_346, %dma_wait3A_351, %dma_wait3A_352] : memref<16x80x2x128xi32, #tpu.memory_space<hbm>> -> memref<1x1x2x128xi32, #tpu.memory_space<hbm>>
        %dma_wait3A_354 = tpu.memref_squeeze %dma_wait3A_353 : memref<1x1x2x128xi32, #tpu.memory_space<hbm>> -> memref<2x128xi32, #tpu.memory_space<hbm>>
        tpu.wait_dma2 semaphore(%arg14 : memref<!tpu.dma_semaphore, #tpu.memory_space<semaphore_mem>>) src(%dma_wait3A_354 : memref<2x128xi32, #tpu.memory_space<hbm>>) dst(%arg7 : memref<2x128xi32, #tpu.memory_space<vmem>>)
        %dma_start3A_355 = arith.constant 0 : i32
        %dma_start3A_356 = arith.constant 0 : i32
        %dma_start3A_357 = tpu.memref_slice %arg7[%dma_start3A_355, %dma_start3A_356] : memref<2x128xi32, #tpu.memory_space<vmem>> -> memref<1x128xi32, #tpu.memory_space<vmem>>
        %dma_start3A_358 = tpu.memref_squeeze %dma_start3A_357 : memref<1x128xi32, #tpu.memory_space<vmem>> -> memref<128xi32, #tpu.memory_space<vmem>>
        %dma_start3A_359 = arith.constant 0 : i32
        %dma_start3A_360 = arith.constant 0 : i32
        %dma_start3A_361 = tpu.memref_slice %arg3[%dma_start3A_359, %dma_start3A_360] : memref<10000x128xf32, #tpu.memory_space<hbm>> -> memref<10000x128xf32, #tpu.memory_space<hbm>>
        tpu.enqueue_indirect_dma source(%dma_start3A_361 : memref<10000x128xf32, #tpu.memory_space<hbm>>) target(%arg11 : memref<128x128xf32, #tpu.memory_space<vmem>>) offsets(%dma_start3A_358 : memref<128xi32, #tpu.memory_space<vmem>>) semaphore(%arg18 : memref<!tpu.dma_semaphore, #tpu.memory_space<semaphore_mem>>)
        %mul3A_362 = arith.constant 4 : i32
        %mul3A_363 = arith.muli %mul3A_362, %scan3A_280 : i32
        %add3A_364 = arith.constant 1 : i32
        %add3A_365 = arith.addi %mul3A_363, %add3A_364 : i32
        %add3A_366 = arith.constant 2 : i32
        %add3A_367 = arith.addi %add3A_365, %add3A_366 : i32
        %dma_wait3A_368 = arith.constant 0 : i32
        %dma_wait3A_369 = arith.constant 0 : i32
        %dma_wait3A_370 = tpu.memref_slice %arg10[%dma_wait3A_368, %dma_wait3A_369] : memref<2x128xi32, #tpu.memory_space<vmem>> -> memref<1x128xi32, #tpu.memory_space<vmem>>
        %dma_wait3A_371 = tpu.memref_squeeze %dma_wait3A_370 : memref<1x128xi32, #tpu.memory_space<vmem>> -> memref<128xi32, #tpu.memory_space<vmem>>
        %dma_wait3A_372 = arith.constant 0 : i32
        %dma_wait3A_373 = arith.constant 0 : i32
        %dma_wait3A_374 = tpu.memref_slice %arg3[%dma_wait3A_372, %dma_wait3A_373] : memref<10000x128xf32, #tpu.memory_space<hbm>> -> memref<10000x128xf32, #tpu.memory_space<hbm>>
        tpu.wait_indirect_dma semaphore(%arg19 : memref<!tpu.dma_semaphore, #tpu.memory_space<semaphore_mem>>) src(%dma_wait3A_374 : memref<10000x128xf32, #tpu.memory_space<hbm>>) dst(%arg12 : memref<128x128xf32, #tpu.memory_space<vmem>>)
        %run_scoped3A_375 = arith.constant 1 : i32
        "tpu.region"() ({
          %run_scoped3A_444 = tpu.sem_alloc : memref<!tpu.dma_semaphore, #tpu.memory_space<semaphore_mem>>
          %dma_start3A_445 = arith.constant 0 : i32
          %dma_start3A_446 = tpu.memref_slice %arg10[%run_scoped3A_375, %dma_start3A_445] : memref<2x128xi32, #tpu.memory_space<vmem>> -> memref<1x128xi32, #tpu.memory_space<vmem>>
          %dma_start3A_447 = tpu.memref_squeeze %dma_start3A_446 : memref<1x128xi32, #tpu.memory_space<vmem>> -> memref<128xi32, #tpu.memory_space<vmem>>
          %dma_start3A_448 = arith.constant 0 : i32
          %dma_start3A_449 = arith.constant 0 : i32
          %dma_start3A_450 = tpu.memref_slice %arg13[%dma_start3A_448, %dma_start3A_449] : memref<10008x128xf32, #tpu.memory_space<vmem_shared>> -> memref<10008x128xf32, #tpu.memory_space<vmem_shared>>
          tpu.enqueue_indirect_dma source(%arg12 : memref<128x128xf32, #tpu.memory_space<vmem>>) target(%dma_start3A_450 : memref<10008x128xf32, #tpu.memory_space<vmem_shared>>) offsets(%dma_start3A_447 : memref<128xi32, #tpu.memory_space<vmem>>) semaphore(%run_scoped3A_444 : memref<!tpu.dma_semaphore, #tpu.memory_space<semaphore_mem>>) {add = true}
          %dma_wait3A_451 = arith.constant 0 : i32
          %dma_wait3A_452 = tpu.memref_slice %arg10[%run_scoped3A_375, %dma_wait3A_451] : memref<2x128xi32, #tpu.memory_space<vmem>> -> memref<1x128xi32, #tpu.memory_space<vmem>>
          %dma_wait3A_453 = tpu.memref_squeeze %dma_wait3A_452 : memref<1x128xi32, #tpu.memory_space<vmem>> -> memref<128xi32, #tpu.memory_space<vmem>>
          %dma_wait3A_454 = arith.constant 0 : i32
          %dma_wait3A_455 = arith.constant 0 : i32
          %dma_wait3A_456 = tpu.memref_slice %arg13[%dma_wait3A_454, %dma_wait3A_455] : memref<10008x128xf32, #tpu.memory_space<vmem_shared>> -> memref<10008x128xf32, #tpu.memory_space<vmem_shared>>
          tpu.wait_indirect_dma semaphore(%run_scoped3A_444 : memref<!tpu.dma_semaphore, #tpu.memory_space<semaphore_mem>>) src(%arg12 : memref<128x128xf32, #tpu.memory_space<vmem>>) dst(%dma_wait3A_456 : memref<10008x128xf32, #tpu.memory_space<vmem_shared>>)
          tpu.yield
        }) : () -> ()
        %add3A_376 = arith.constant 4 : i32
        %add3A_377 = arith.addi %add3A_367, %add3A_376 : i32
        %dma_start3A_378 = arith.constant 0 : i32
        %dma_start3A_379 = arith.constant 0 : i32
        %dma_start3A_380 = tpu.memref_slice %arg2[%arg1, %add3A_377, %dma_start3A_378, %dma_start3A_379] : memref<16x80x2x128xi32, #tpu.memory_space<hbm>> -> memref<1x1x2x128xi32, #tpu.memory_space<hbm>>
        %dma_start3A_381 = tpu.memref_squeeze %dma_start3A_380 : memref<1x1x2x128xi32, #tpu.memory_space<hbm>> -> memref<2x128xi32, #tpu.memory_space<hbm>>
        %dma_start3A_382 = arith.constant 0 : i32
        %dma_start3A_383 = arith.constant 0 : i32
        %dma_start3A_384 = tpu.memref_slice %arg2[%arg1, %add3A_377, %dma_start3A_382, %dma_start3A_383] : memref<16x80x2x128xi32, #tpu.memory_space<hbm>> -> memref<1x1x2x128xi32, #tpu.memory_space<hbm>>
        %dma_start3A_385 = tpu.memref_squeeze %dma_start3A_384 : memref<1x1x2x128xi32, #tpu.memory_space<hbm>> -> memref<2x128xi32, #tpu.memory_space<hbm>>
        tpu.enqueue_dma source(%dma_start3A_385 : memref<2x128xi32, #tpu.memory_space<hbm>>) target(%arg10 : memref<2x128xi32, #tpu.memory_space<vmem>>) target_semaphore(%arg17 : memref<!tpu.dma_semaphore, #tpu.memory_space<semaphore_mem>>)
        %add3A_386 = arith.constant 2 : i32
        %add3A_387 = arith.addi %add3A_367, %add3A_386 : i32
        %dma_wait3A_388 = arith.constant 0 : i32
        %dma_wait3A_389 = arith.constant 0 : i32
        %dma_wait3A_390 = tpu.memref_slice %arg2[%arg1, %add3A_387, %dma_wait3A_388, %dma_wait3A_389] : memref<16x80x2x128xi32, #tpu.memory_space<hbm>> -> memref<1x1x2x128xi32, #tpu.memory_space<hbm>>
        %dma_wait3A_391 = tpu.memref_squeeze %dma_wait3A_390 : memref<1x1x2x128xi32, #tpu.memory_space<hbm>> -> memref<2x128xi32, #tpu.memory_space<hbm>>
        %dma_wait3A_392 = arith.constant 0 : i32
        %dma_wait3A_393 = arith.constant 0 : i32
        %dma_wait3A_394 = tpu.memref_slice %arg2[%arg1, %add3A_387, %dma_wait3A_392, %dma_wait3A_393] : memref<16x80x2x128xi32, #tpu.memory_space<hbm>> -> memref<1x1x2x128xi32, #tpu.memory_space<hbm>>
        %dma_wait3A_395 = tpu.memref_squeeze %dma_wait3A_394 : memref<1x1x2x128xi32, #tpu.memory_space<hbm>> -> memref<2x128xi32, #tpu.memory_space<hbm>>
        tpu.wait_dma2 semaphore(%arg15 : memref<!tpu.dma_semaphore, #tpu.memory_space<semaphore_mem>>) src(%dma_wait3A_395 : memref<2x128xi32, #tpu.memory_space<hbm>>) dst(%arg8 : memref<2x128xi32, #tpu.memory_space<vmem>>)
        %dma_start3A_396 = arith.constant 0 : i32
        %dma_start3A_397 = arith.constant 0 : i32
        %dma_start3A_398 = tpu.memref_slice %arg8[%dma_start3A_396, %dma_start3A_397] : memref<2x128xi32, #tpu.memory_space<vmem>> -> memref<1x128xi32, #tpu.memory_space<vmem>>
        %dma_start3A_399 = tpu.memref_squeeze %dma_start3A_398 : memref<1x128xi32, #tpu.memory_space<vmem>> -> memref<128xi32, #tpu.memory_space<vmem>>
        %dma_start3A_400 = arith.constant 0 : i32
        %dma_start3A_401 = arith.constant 0 : i32
        %dma_start3A_402 = tpu.memref_slice %arg3[%dma_start3A_400, %dma_start3A_401] : memref<10000x128xf32, #tpu.memory_space<hbm>> -> memref<10000x128xf32, #tpu.memory_space<hbm>>
        tpu.enqueue_indirect_dma source(%dma_start3A_402 : memref<10000x128xf32, #tpu.memory_space<hbm>>) target(%arg12 : memref<128x128xf32, #tpu.memory_space<vmem>>) offsets(%dma_start3A_399 : memref<128xi32, #tpu.memory_space<vmem>>) semaphore(%arg19 : memref<!tpu.dma_semaphore, #tpu.memory_space<semaphore_mem>>)
        %mul3A_403 = arith.constant 4 : i32
        %mul3A_404 = arith.muli %mul3A_403, %scan3A_280 : i32
        %add3A_405 = arith.constant 1 : i32
        %add3A_406 = arith.addi %mul3A_404, %add3A_405 : i32
        %add3A_407 = arith.constant 3 : i32
        %add3A_408 = arith.addi %add3A_406, %add3A_407 : i32
        %dma_wait3A_409 = arith.constant 0 : i32
        %dma_wait3A_410 = arith.constant 0 : i32
        %dma_wait3A_411 = tpu.memref_slice %arg7[%dma_wait3A_409, %dma_wait3A_410] : memref<2x128xi32, #tpu.memory_space<vmem>> -> memref<1x128xi32, #tpu.memory_space<vmem>>
        %dma_wait3A_412 = tpu.memref_squeeze %dma_wait3A_411 : memref<1x128xi32, #tpu.memory_space<vmem>> -> memref<128xi32, #tpu.memory_space<vmem>>
        %dma_wait3A_413 = arith.constant 0 : i32
        %dma_wait3A_414 = arith.constant 0 : i32
        %dma_wait3A_415 = tpu.memref_slice %arg3[%dma_wait3A_413, %dma_wait3A_414] : memref<10000x128xf32, #tpu.memory_space<hbm>> -> memref<10000x128xf32, #tpu.memory_space<hbm>>
        tpu.wait_indirect_dma semaphore(%arg18 : memref<!tpu.dma_semaphore, #tpu.memory_space<semaphore_mem>>) src(%dma_wait3A_415 : memref<10000x128xf32, #tpu.memory_space<hbm>>) dst(%arg11 : memref<128x128xf32, #tpu.memory_space<vmem>>)
        %run_scoped3A_416 = arith.constant 1 : i32
        "tpu.region"() ({
          %run_scoped3A_444 = tpu.sem_alloc : memref<!tpu.dma_semaphore, #tpu.memory_space<semaphore_mem>>
          %dma_start3A_445 = arith.constant 0 : i32
          %dma_start3A_446 = tpu.memref_slice %arg7[%run_scoped3A_416, %dma_start3A_445] : memref<2x128xi32, #tpu.memory_space<vmem>> -> memref<1x128xi32, #tpu.memory_space<vmem>>
          %dma_start3A_447 = tpu.memref_squeeze %dma_start3A_446 : memref<1x128xi32, #tpu.memory_space<vmem>> -> memref<128xi32, #tpu.memory_space<vmem>>
          %dma_start3A_448 = arith.constant 0 : i32
          %dma_start3A_449 = arith.constant 0 : i32
          %dma_start3A_450 = tpu.memref_slice %arg13[%dma_start3A_448, %dma_start3A_449] : memref<10008x128xf32, #tpu.memory_space<vmem_shared>> -> memref<10008x128xf32, #tpu.memory_space<vmem_shared>>
          tpu.enqueue_indirect_dma source(%arg11 : memref<128x128xf32, #tpu.memory_space<vmem>>) target(%dma_start3A_450 : memref<10008x128xf32, #tpu.memory_space<vmem_shared>>) offsets(%dma_start3A_447 : memref<128xi32, #tpu.memory_space<vmem>>) semaphore(%run_scoped3A_444 : memref<!tpu.dma_semaphore, #tpu.memory_space<semaphore_mem>>) {add = true}
          %dma_wait3A_451 = arith.constant 0 : i32
          %dma_wait3A_452 = tpu.memref_slice %arg7[%run_scoped3A_416, %dma_wait3A_451] : memref<2x128xi32, #tpu.memory_space<vmem>> -> memref<1x128xi32, #tpu.memory_space<vmem>>
          %dma_wait3A_453 = tpu.memref_squeeze %dma_wait3A_452 : memref<1x128xi32, #tpu.memory_space<vmem>> -> memref<128xi32, #tpu.memory_space<vmem>>
          %dma_wait3A_454 = arith.constant 0 : i32
          %dma_wait3A_455 = arith.constant 0 : i32
          %dma_wait3A_456 = tpu.memref_slice %arg13[%dma_wait3A_454, %dma_wait3A_455] : memref<10008x128xf32, #tpu.memory_space<vmem_shared>> -> memref<10008x128xf32, #tpu.memory_space<vmem_shared>>
          tpu.wait_indirect_dma semaphore(%run_scoped3A_444 : memref<!tpu.dma_semaphore, #tpu.memory_space<semaphore_mem>>) src(%arg11 : memref<128x128xf32, #tpu.memory_space<vmem>>) dst(%dma_wait3A_456 : memref<10008x128xf32, #tpu.memory_space<vmem_shared>>)
          tpu.yield
        }) : () -> ()
        %add3A_417 = arith.constant 4 : i32
        %add3A_418 = arith.addi %add3A_408, %add3A_417 : i32
        %dma_start3A_419 = arith.constant 0 : i32
        %dma_start3A_420 = arith.constant 0 : i32
        %dma_start3A_421 = tpu.memref_slice %arg2[%arg1, %add3A_418, %dma_start3A_419, %dma_start3A_420] : memref<16x80x2x128xi32, #tpu.memory_space<hbm>> -> memref<1x1x2x128xi32, #tpu.memory_space<hbm>>
        %dma_start3A_422 = tpu.memref_squeeze %dma_start3A_421 : memref<1x1x2x128xi32, #tpu.memory_space<hbm>> -> memref<2x128xi32, #tpu.memory_space<hbm>>
        %dma_start3A_423 = arith.constant 0 : i32
        %dma_start3A_424 = arith.constant 0 : i32
        %dma_start3A_425 = tpu.memref_slice %arg2[%arg1, %add3A_418, %dma_start3A_423, %dma_start3A_424] : memref<16x80x2x128xi32, #tpu.memory_space<hbm>> -> memref<1x1x2x128xi32, #tpu.memory_space<hbm>>
        %dma_start3A_426 = tpu.memref_squeeze %dma_start3A_425 : memref<1x1x2x128xi32, #tpu.memory_space<hbm>> -> memref<2x128xi32, #tpu.memory_space<hbm>>
        tpu.enqueue_dma source(%dma_start3A_426 : memref<2x128xi32, #tpu.memory_space<hbm>>) target(%arg7 : memref<2x128xi32, #tpu.memory_space<vmem>>) target_semaphore(%arg14 : memref<!tpu.dma_semaphore, #tpu.memory_space<semaphore_mem>>)
        %add3A_427 = arith.constant 2 : i32
        %add3A_428 = arith.addi %add3A_408, %add3A_427 : i32
        %dma_wait3A_429 = arith.constant 0 : i32
        %dma_wait3A_430 = arith.constant 0 : i32
        %dma_wait3A_431 = tpu.memref_slice %arg2[%arg1, %add3A_428, %dma_wait3A_429, %dma_wait3A_430] : memref<16x80x2x128xi32, #tpu.memory_space<hbm>> -> memref<1x1x2x128xi32, #tpu.memory_space<hbm>>
        %dma_wait3A_432 = tpu.memref_squeeze %dma_wait3A_431 : memref<1x1x2x128xi32, #tpu.memory_space<hbm>> -> memref<2x128xi32, #tpu.memory_space<hbm>>
        %dma_wait3A_433 = arith.constant 0 : i32
        %dma_wait3A_434 = arith.constant 0 : i32
        %dma_wait3A_435 = tpu.memref_slice %arg2[%arg1, %add3A_428, %dma_wait3A_433, %dma_wait3A_434] : memref<16x80x2x128xi32, #tpu.memory_space<hbm>> -> memref<1x1x2x128xi32, #tpu.memory_space<hbm>>
        %dma_wait3A_436 = tpu.memref_squeeze %dma_wait3A_435 : memref<1x1x2x128xi32, #tpu.memory_space<hbm>> -> memref<2x128xi32, #tpu.memory_space<hbm>>
        tpu.wait_dma2 semaphore(%arg16 : memref<!tpu.dma_semaphore, #tpu.memory_space<semaphore_mem>>) src(%dma_wait3A_436 : memref<2x128xi32, #tpu.memory_space<hbm>>) dst(%arg9 : memref<2x128xi32, #tpu.memory_space<vmem>>)
        %dma_start3A_437 = arith.constant 0 : i32
        %dma_start3A_438 = arith.constant 0 : i32
        %dma_start3A_439 = tpu.memref_slice %arg9[%dma_start3A_437, %dma_start3A_438] : memref<2x128xi32, #tpu.memory_space<vmem>> -> memref<1x128xi32, #tpu.memory_space<vmem>>
        %dma_start3A_440 = tpu.memref_squeeze %dma_start3A_439 : memref<1x128xi32, #tpu.memory_space<vmem>> -> memref<128xi32, #tpu.memory_space<vmem>>
        %dma_start3A_441 = arith.constant 0 : i32
        %dma_start3A_442 = arith.constant 0 : i32
        %dma_start3A_443 = tpu.memref_slice %arg3[%dma_start3A_441, %dma_start3A_442] : memref<10000x128xf32, #tpu.memory_space<hbm>> -> memref<10000x128xf32, #tpu.memory_space<hbm>>
        tpu.enqueue_indirect_dma source(%dma_start3A_443 : memref<10000x128xf32, #tpu.memory_space<hbm>>) target(%arg11 : memref<128x128xf32, #tpu.memory_space<vmem>>) offsets(%dma_start3A_440 : memref<128xi32, #tpu.memory_space<vmem>>) semaphore(%arg18 : memref<!tpu.dma_semaphore, #tpu.memory_space<semaphore_mem>>)
      }
      %scan3A_115 = arith.constant 18 : i32
      %dma_wait3A_116 = arith.constant 0 : i32
      %dma_wait3A_117 = arith.constant 0 : i32
      %dma_wait3A_118 = tpu.memref_slice %arg8[%dma_wait3A_116, %dma_wait3A_117] : memref<2x128xi32, #tpu.memory_space<vmem>> -> memref<1x128xi32, #tpu.memory_space<vmem>>
      %dma_wait3A_119 = tpu.memref_squeeze %dma_wait3A_118 : memref<1x128xi32, #tpu.memory_space<vmem>> -> memref<128xi32, #tpu.memory_space<vmem>>
      %dma_wait3A_120 = arith.constant 0 : i32
      %dma_wait3A_121 = arith.constant 0 : i32
      %dma_wait3A_122 = tpu.memref_slice %arg3[%dma_wait3A_120, %dma_wait3A_121] : memref<10000x128xf32, #tpu.memory_space<hbm>> -> memref<10000x128xf32, #tpu.memory_space<hbm>>
      tpu.wait_indirect_dma semaphore(%arg19 : memref<!tpu.dma_semaphore, #tpu.memory_space<semaphore_mem>>) src(%dma_wait3A_122 : memref<10000x128xf32, #tpu.memory_space<hbm>>) dst(%arg12 : memref<128x128xf32, #tpu.memory_space<vmem>>)
      %run_scoped3A_123 = arith.constant 1 : i32
      "tpu.region"() ({
        %run_scoped3A_280 = tpu.sem_alloc : memref<!tpu.dma_semaphore, #tpu.memory_space<semaphore_mem>>
        %dma_start3A_281 = arith.constant 0 : i32
        %dma_start3A_282 = tpu.memref_slice %arg8[%run_scoped3A_123, %dma_start3A_281] : memref<2x128xi32, #tpu.memory_space<vmem>> -> memref<1x128xi32, #tpu.memory_space<vmem>>
        %dma_start3A_283 = tpu.memref_squeeze %dma_start3A_282 : memref<1x128xi32, #tpu.memory_space<vmem>> -> memref<128xi32, #tpu.memory_space<vmem>>
        %dma_start3A_284 = arith.constant 0 : i32
        %dma_start3A_285 = arith.constant 0 : i32
        %dma_start3A_286 = tpu.memref_slice %arg13[%dma_start3A_284, %dma_start3A_285] : memref<10008x128xf32, #tpu.memory_space<vmem_shared>> -> memref<10008x128xf32, #tpu.memory_space<vmem_shared>>
        tpu.enqueue_indirect_dma source(%arg12 : memref<128x128xf32, #tpu.memory_space<vmem>>) target(%dma_start3A_286 : memref<10008x128xf32, #tpu.memory_space<vmem_shared>>) offsets(%dma_start3A_283 : memref<128xi32, #tpu.memory_space<vmem>>) semaphore(%run_scoped3A_280 : memref<!tpu.dma_semaphore, #tpu.memory_space<semaphore_mem>>) {add = true}
        %dma_wait3A_287 = arith.constant 0 : i32
        %dma_wait3A_288 = tpu.memref_slice %arg8[%run_scoped3A_123, %dma_wait3A_287] : memref<2x128xi32, #tpu.memory_space<vmem>> -> memref<1x128xi32, #tpu.memory_space<vmem>>
        %dma_wait3A_289 = tpu.memref_squeeze %dma_wait3A_288 : memref<1x128xi32, #tpu.memory_space<vmem>> -> memref<128xi32, #tpu.memory_space<vmem>>
        %dma_wait3A_290 = arith.constant 0 : i32
        %dma_wait3A_291 = arith.constant 0 : i32
        %dma_wait3A_292 = tpu.memref_slice %arg13[%dma_wait3A_290, %dma_wait3A_291] : memref<10008x128xf32, #tpu.memory_space<vmem_shared>> -> memref<10008x128xf32, #tpu.memory_space<vmem_shared>>
        tpu.wait_indirect_dma semaphore(%run_scoped3A_280 : memref<!tpu.dma_semaphore, #tpu.memory_space<semaphore_mem>>) src(%arg12 : memref<128x128xf32, #tpu.memory_space<vmem>>) dst(%dma_wait3A_292 : memref<10008x128xf32, #tpu.memory_space<vmem_shared>>)
        tpu.yield
      }) : () -> ()
      %dma_start3A_124 = arith.constant 77 : i32
      %dma_start3A_125 = arith.constant 0 : i32
      %dma_start3A_126 = arith.constant 0 : i32
      %dma_start3A_127 = tpu.memref_slice %arg2[%arg1, %dma_start3A_124, %dma_start3A_125, %dma_start3A_126] : memref<16x80x2x128xi32, #tpu.memory_space<hbm>> -> memref<1x1x2x128xi32, #tpu.memory_space<hbm>>
      %dma_start3A_128 = tpu.memref_squeeze %dma_start3A_127 : memref<1x1x2x128xi32, #tpu.memory_space<hbm>> -> memref<2x128xi32, #tpu.memory_space<hbm>>
      %dma_start3A_129 = arith.constant 0 : i32
      %dma_start3A_130 = arith.constant 0 : i32
      %dma_start3A_131 = tpu.memref_slice %arg2[%arg1, %dma_start3A_124, %dma_start3A_129, %dma_start3A_130] : memref<16x80x2x128xi32, #tpu.memory_space<hbm>> -> memref<1x1x2x128xi32, #tpu.memory_space<hbm>>
      %dma_start3A_132 = tpu.memref_squeeze %dma_start3A_131 : memref<1x1x2x128xi32, #tpu.memory_space<hbm>> -> memref<2x128xi32, #tpu.memory_space<hbm>>
      tpu.enqueue_dma source(%dma_start3A_132 : memref<2x128xi32, #tpu.memory_space<hbm>>) target(%arg8 : memref<2x128xi32, #tpu.memory_space<vmem>>) target_semaphore(%arg15 : memref<!tpu.dma_semaphore, #tpu.memory_space<semaphore_mem>>)
      %dma_wait3A_133 = arith.constant 75 : i32
      %dma_wait3A_134 = arith.constant 0 : i32
      %dma_wait3A_135 = arith.constant 0 : i32
      %dma_wait3A_136 = tpu.memref_slice %arg2[%arg1, %dma_wait3A_133, %dma_wait3A_134, %dma_wait3A_135] : memref<16x80x2x128xi32, #tpu.memory_space<hbm>> -> memref<1x1x2x128xi32, #tpu.memory_space<hbm>>
      %dma_wait3A_137 = tpu.memref_squeeze %dma_wait3A_136 : memref<1x1x2x128xi32, #tpu.memory_space<hbm>> -> memref<2x128xi32, #tpu.memory_space<hbm>>
      %dma_wait3A_138 = arith.constant 0 : i32
      %dma_wait3A_139 = arith.constant 0 : i32
      %dma_wait3A_140 = tpu.memref_slice %arg2[%arg1, %dma_wait3A_133, %dma_wait3A_138, %dma_wait3A_139] : memref<16x80x2x128xi32, #tpu.memory_space<hbm>> -> memref<1x1x2x128xi32, #tpu.memory_space<hbm>>
      %dma_wait3A_141 = tpu.memref_squeeze %dma_wait3A_140 : memref<1x1x2x128xi32, #tpu.memory_space<hbm>> -> memref<2x128xi32, #tpu.memory_space<hbm>>
      tpu.wait_dma2 semaphore(%arg17 : memref<!tpu.dma_semaphore, #tpu.memory_space<semaphore_mem>>) src(%dma_wait3A_141 : memref<2x128xi32, #tpu.memory_space<hbm>>) dst(%arg10 : memref<2x128xi32, #tpu.memory_space<vmem>>)
      %dma_start3A_142 = arith.constant 0 : i32
      %dma_start3A_143 = arith.constant 0 : i32
      %dma_start3A_144 = tpu.memref_slice %arg10[%dma_start3A_142, %dma_start3A_143] : memref<2x128xi32, #tpu.memory_space<vmem>> -> memref<1x128xi32, #tpu.memory_space<vmem>>
      %dma_start3A_145 = tpu.memref_squeeze %dma_start3A_144 : memref<1x128xi32, #tpu.memory_space<vmem>> -> memref<128xi32, #tpu.memory_space<vmem>>
      %dma_start3A_146 = arith.constant 0 : i32
      %dma_start3A_147 = arith.constant 0 : i32
      %dma_start3A_148 = tpu.memref_slice %arg3[%dma_start3A_146, %dma_start3A_147] : memref<10000x128xf32, #tpu.memory_space<hbm>> -> memref<10000x128xf32, #tpu.memory_space<hbm>>
      tpu.enqueue_indirect_dma source(%dma_start3A_148 : memref<10000x128xf32, #tpu.memory_space<hbm>>) target(%arg12 : memref<128x128xf32, #tpu.memory_space<vmem>>) offsets(%dma_start3A_145 : memref<128xi32, #tpu.memory_space<vmem>>) semaphore(%arg19 : memref<!tpu.dma_semaphore, #tpu.memory_space<semaphore_mem>>)
      %dma_wait3A_149 = arith.constant 0 : i32
      %dma_wait3A_150 = arith.constant 0 : i32
      %dma_wait3A_151 = tpu.memref_slice %arg9[%dma_wait3A_149, %dma_wait3A_150] : memref<2x128xi32, #tpu.memory_space<vmem>> -> memref<1x128xi32, #tpu.memory_space<vmem>>
      %dma_wait3A_152 = tpu.memref_squeeze %dma_wait3A_151 : memref<1x128xi32, #tpu.memory_space<vmem>> -> memref<128xi32, #tpu.memory_space<vmem>>
      %dma_wait3A_153 = arith.constant 0 : i32
      %dma_wait3A_154 = arith.constant 0 : i32
      %dma_wait3A_155 = tpu.memref_slice %arg3[%dma_wait3A_153, %dma_wait3A_154] : memref<10000x128xf32, #tpu.memory_space<hbm>> -> memref<10000x128xf32, #tpu.memory_space<hbm>>
      tpu.wait_indirect_dma semaphore(%arg18 : memref<!tpu.dma_semaphore, #tpu.memory_space<semaphore_mem>>) src(%dma_wait3A_155 : memref<10000x128xf32, #tpu.memory_space<hbm>>) dst(%arg11 : memref<128x128xf32, #tpu.memory_space<vmem>>)
      %run_scoped3A_156 = arith.constant 1 : i32
      "tpu.region"() ({
        %run_scoped3A_280 = tpu.sem_alloc : memref<!tpu.dma_semaphore, #tpu.memory_space<semaphore_mem>>
        %dma_start3A_281 = arith.constant 0 : i32
        %dma_start3A_282 = tpu.memref_slice %arg9[%run_scoped3A_156, %dma_start3A_281] : memref<2x128xi32, #tpu.memory_space<vmem>> -> memref<1x128xi32, #tpu.memory_space<vmem>>
        %dma_start3A_283 = tpu.memref_squeeze %dma_start3A_282 : memref<1x128xi32, #tpu.memory_space<vmem>> -> memref<128xi32, #tpu.memory_space<vmem>>
        %dma_start3A_284 = arith.constant 0 : i32
        %dma_start3A_285 = arith.constant 0 : i32
        %dma_start3A_286 = tpu.memref_slice %arg13[%dma_start3A_284, %dma_start3A_285] : memref<10008x128xf32, #tpu.memory_space<vmem_shared>> -> memref<10008x128xf32, #tpu.memory_space<vmem_shared>>
        tpu.enqueue_indirect_dma source(%arg11 : memref<128x128xf32, #tpu.memory_space<vmem>>) target(%dma_start3A_286 : memref<10008x128xf32, #tpu.memory_space<vmem_shared>>) offsets(%dma_start3A_283 : memref<128xi32, #tpu.memory_space<vmem>>) semaphore(%run_scoped3A_280 : memref<!tpu.dma_semaphore, #tpu.memory_space<semaphore_mem>>) {add = true}
        %dma_wait3A_287 = arith.constant 0 : i32
        %dma_wait3A_288 = tpu.memref_slice %arg9[%run_scoped3A_156, %dma_wait3A_287] : memref<2x128xi32, #tpu.memory_space<vmem>> -> memref<1x128xi32, #tpu.memory_space<vmem>>
        %dma_wait3A_289 = tpu.memref_squeeze %dma_wait3A_288 : memref<1x128xi32, #tpu.memory_space<vmem>> -> memref<128xi32, #tpu.memory_space<vmem>>
        %dma_wait3A_290 = arith.constant 0 : i32
        %dma_wait3A_291 = arith.constant 0 : i32
        %dma_wait3A_292 = tpu.memref_slice %arg13[%dma_wait3A_290, %dma_wait3A_291] : memref<10008x128xf32, #tpu.memory_space<vmem_shared>> -> memref<10008x128xf32, #tpu.memory_space<vmem_shared>>
        tpu.wait_indirect_dma semaphore(%run_scoped3A_280 : memref<!tpu.dma_semaphore, #tpu.memory_space<semaphore_mem>>) src(%arg11 : memref<128x128xf32, #tpu.memory_space<vmem>>) dst(%dma_wait3A_292 : memref<10008x128xf32, #tpu.memory_space<vmem_shared>>)
        tpu.yield
      }) : () -> ()
      %dma_start3A_157 = arith.constant 78 : i32
      %dma_start3A_158 = arith.constant 0 : i32
      %dma_start3A_159 = arith.constant 0 : i32
      %dma_start3A_160 = tpu.memref_slice %arg2[%arg1, %dma_start3A_157, %dma_start3A_158, %dma_start3A_159] : memref<16x80x2x128xi32, #tpu.memory_space<hbm>> -> memref<1x1x2x128xi32, #tpu.memory_space<hbm>>
      %dma_start3A_161 = tpu.memref_squeeze %dma_start3A_160 : memref<1x1x2x128xi32, #tpu.memory_space<hbm>> -> memref<2x128xi32, #tpu.memory_space<hbm>>
      %dma_start3A_162 = arith.constant 0 : i32
      %dma_start3A_163 = arith.constant 0 : i32
      %dma_start3A_164 = tpu.memref_slice %arg2[%arg1, %dma_start3A_157, %dma_start3A_162, %dma_start3A_163] : memref<16x80x2x128xi32, #tpu.memory_space<hbm>> -> memref<1x1x2x128xi32, #tpu.memory_space<hbm>>
      %dma_start3A_165 = tpu.memref_squeeze %dma_start3A_164 : memref<1x1x2x128xi32, #tpu.memory_space<hbm>> -> memref<2x128xi32, #tpu.memory_space<hbm>>
      tpu.enqueue_dma source(%dma_start3A_165 : memref<2x128xi32, #tpu.memory_space<hbm>>) target(%arg9 : memref<2x128xi32, #tpu.memory_space<vmem>>) target_semaphore(%arg16 : memref<!tpu.dma_semaphore, #tpu.memory_space<semaphore_mem>>)
      %dma_wait3A_166 = arith.constant 76 : i32
      %dma_wait3A_167 = arith.constant 0 : i32
      %dma_wait3A_168 = arith.constant 0 : i32
      %dma_wait3A_169 = tpu.memref_slice %arg2[%arg1, %dma_wait3A_166, %dma_wait3A_167, %dma_wait3A_168] : memref<16x80x2x128xi32, #tpu.memory_space<hbm>> -> memref<1x1x2x128xi32, #tpu.memory_space<hbm>>
      %dma_wait3A_170 = tpu.memref_squeeze %dma_wait3A_169 : memref<1x1x2x128xi32, #tpu.memory_space<hbm>> -> memref<2x128xi32, #tpu.memory_space<hbm>>
      %dma_wait3A_171 = arith.constant 0 : i32
      %dma_wait3A_172 = arith.constant 0 : i32
      %dma_wait3A_173 = tpu.memref_slice %arg2[%arg1, %dma_wait3A_166, %dma_wait3A_171, %dma_wait3A_172] : memref<16x80x2x128xi32, #tpu.memory_space<hbm>> -> memref<1x1x2x128xi32, #tpu.memory_space<hbm>>
      %dma_wait3A_174 = tpu.memref_squeeze %dma_wait3A_173 : memref<1x1x2x128xi32, #tpu.memory_space<hbm>> -> memref<2x128xi32, #tpu.memory_space<hbm>>
      tpu.wait_dma2 semaphore(%arg14 : memref<!tpu.dma_semaphore, #tpu.memory_space<semaphore_mem>>) src(%dma_wait3A_174 : memref<2x128xi32, #tpu.memory_space<hbm>>) dst(%arg7 : memref<2x128xi32, #tpu.memory_space<vmem>>)
      %dma_start3A_175 = arith.constant 0 : i32
      %dma_start3A_176 = arith.constant 0 : i32
      %dma_start3A_177 = tpu.memref_slice %arg7[%dma_start3A_175, %dma_start3A_176] : memref<2x128xi32, #tpu.memory_space<vmem>> -> memref<1x128xi32, #tpu.memory_space<vmem>>
      %dma_start3A_178 = tpu.memref_squeeze %dma_start3A_177 : memref<1x128xi32, #tpu.memory_space<vmem>> -> memref<128xi32, #tpu.memory_space<vmem>>
      %dma_start3A_179 = arith.constant 0 : i32
      %dma_start3A_180 = arith.constant 0 : i32
      %dma_start3A_181 = tpu.memref_slice %arg3[%dma_start3A_179, %dma_start3A_180] : memref<10000x128xf32, #tpu.memory_space<hbm>> -> memref<10000x128xf32, #tpu.memory_space<hbm>>
      tpu.enqueue_indirect_dma source(%dma_start3A_181 : memref<10000x128xf32, #tpu.memory_space<hbm>>) target(%arg11 : memref<128x128xf32, #tpu.memory_space<vmem>>) offsets(%dma_start3A_178 : memref<128xi32, #tpu.memory_space<vmem>>) semaphore(%arg18 : memref<!tpu.dma_semaphore, #tpu.memory_space<semaphore_mem>>)
      %dma_wait3A_182 = arith.constant 0 : i32
      %dma_wait3A_183 = arith.constant 0 : i32
      %dma_wait3A_184 = tpu.memref_slice %arg10[%dma_wait3A_182, %dma_wait3A_183] : memref<2x128xi32, #tpu.memory_space<vmem>> -> memref<1x128xi32, #tpu.memory_space<vmem>>
      %dma_wait3A_185 = tpu.memref_squeeze %dma_wait3A_184 : memref<1x128xi32, #tpu.memory_space<vmem>> -> memref<128xi32, #tpu.memory_space<vmem>>
      %dma_wait3A_186 = arith.constant 0 : i32
      %dma_wait3A_187 = arith.constant 0 : i32
      %dma_wait3A_188 = tpu.memref_slice %arg3[%dma_wait3A_186, %dma_wait3A_187] : memref<10000x128xf32, #tpu.memory_space<hbm>> -> memref<10000x128xf32, #tpu.memory_space<hbm>>
      tpu.wait_indirect_dma semaphore(%arg19 : memref<!tpu.dma_semaphore, #tpu.memory_space<semaphore_mem>>) src(%dma_wait3A_188 : memref<10000x128xf32, #tpu.memory_space<hbm>>) dst(%arg12 : memref<128x128xf32, #tpu.memory_space<vmem>>)
      %run_scoped3A_189 = arith.constant 1 : i32
      "tpu.region"() ({
        %run_scoped3A_280 = tpu.sem_alloc : memref<!tpu.dma_semaphore, #tpu.memory_space<semaphore_mem>>
        %dma_start3A_281 = arith.constant 0 : i32
        %dma_start3A_282 = tpu.memref_slice %arg10[%run_scoped3A_189, %dma_start3A_281] : memref<2x128xi32, #tpu.memory_space<vmem>> -> memref<1x128xi32, #tpu.memory_space<vmem>>
        %dma_start3A_283 = tpu.memref_squeeze %dma_start3A_282 : memref<1x128xi32, #tpu.memory_space<vmem>> -> memref<128xi32, #tpu.memory_space<vmem>>
        %dma_start3A_284 = arith.constant 0 : i32
        %dma_start3A_285 = arith.constant 0 : i32
        %dma_start3A_286 = tpu.memref_slice %arg13[%dma_start3A_284, %dma_start3A_285] : memref<10008x128xf32, #tpu.memory_space<vmem_shared>> -> memref<10008x128xf32, #tpu.memory_space<vmem_shared>>
        tpu.enqueue_indirect_dma source(%arg12 : memref<128x128xf32, #tpu.memory_space<vmem>>) target(%dma_start3A_286 : memref<10008x128xf32, #tpu.memory_space<vmem_shared>>) offsets(%dma_start3A_283 : memref<128xi32, #tpu.memory_space<vmem>>) semaphore(%run_scoped3A_280 : memref<!tpu.dma_semaphore, #tpu.memory_space<semaphore_mem>>) {add = true}
        %dma_wait3A_287 = arith.constant 0 : i32
        %dma_wait3A_288 = tpu.memref_slice %arg10[%run_scoped3A_189, %dma_wait3A_287] : memref<2x128xi32, #tpu.memory_space<vmem>> -> memref<1x128xi32, #tpu.memory_space<vmem>>
        %dma_wait3A_289 = tpu.memref_squeeze %dma_wait3A_288 : memref<1x128xi32, #tpu.memory_space<vmem>> -> memref<128xi32, #tpu.memory_space<vmem>>
        %dma_wait3A_290 = arith.constant 0 : i32
        %dma_wait3A_291 = arith.constant 0 : i32
        %dma_wait3A_292 = tpu.memref_slice %arg13[%dma_wait3A_290, %dma_wait3A_291] : memref<10008x128xf32, #tpu.memory_space<vmem_shared>> -> memref<10008x128xf32, #tpu.memory_space<vmem_shared>>
        tpu.wait_indirect_dma semaphore(%run_scoped3A_280 : memref<!tpu.dma_semaphore, #tpu.memory_space<semaphore_mem>>) src(%arg12 : memref<128x128xf32, #tpu.memory_space<vmem>>) dst(%dma_wait3A_292 : memref<10008x128xf32, #tpu.memory_space<vmem_shared>>)
        tpu.yield
      }) : () -> ()
      %dma_start3A_190 = arith.constant 79 : i32
      %dma_start3A_191 = arith.constant 0 : i32
      %dma_start3A_192 = arith.constant 0 : i32
      %dma_start3A_193 = tpu.memref_slice %arg2[%arg1, %dma_start3A_190, %dma_start3A_191, %dma_start3A_192] : memref<16x80x2x128xi32, #tpu.memory_space<hbm>> -> memref<1x1x2x128xi32, #tpu.memory_space<hbm>>
      %dma_start3A_194 = tpu.memref_squeeze %dma_start3A_193 : memref<1x1x2x128xi32, #tpu.memory_space<hbm>> -> memref<2x128xi32, #tpu.memory_space<hbm>>
      %dma_start3A_195 = arith.constant 0 : i32
      %dma_start3A_196 = arith.constant 0 : i32
      %dma_start3A_197 = tpu.memref_slice %arg2[%arg1, %dma_start3A_190, %dma_start3A_195, %dma_start3A_196] : memref<16x80x2x128xi32, #tpu.memory_space<hbm>> -> memref<1x1x2x128xi32, #tpu.memory_space<hbm>>
      %dma_start3A_198 = tpu.memref_squeeze %dma_start3A_197 : memref<1x1x2x128xi32, #tpu.memory_space<hbm>> -> memref<2x128xi32, #tpu.memory_space<hbm>>
      tpu.enqueue_dma source(%dma_start3A_198 : memref<2x128xi32, #tpu.memory_space<hbm>>) target(%arg10 : memref<2x128xi32, #tpu.memory_space<vmem>>) target_semaphore(%arg17 : memref<!tpu.dma_semaphore, #tpu.memory_space<semaphore_mem>>)
      %dma_wait3A_199 = arith.constant 77 : i32
      %dma_wait3A_200 = arith.constant 0 : i32
      %dma_wait3A_201 = arith.constant 0 : i32
      %dma_wait3A_202 = tpu.memref_slice %arg2[%arg1, %dma_wait3A_199, %dma_wait3A_200, %dma_wait3A_201] : memref<16x80x2x128xi32, #tpu.memory_space<hbm>> -> memref<1x1x2x128xi32, #tpu.memory_space<hbm>>
      %dma_wait3A_203 = tpu.memref_squeeze %dma_wait3A_202 : memref<1x1x2x128xi32, #tpu.memory_space<hbm>> -> memref<2x128xi32, #tpu.memory_space<hbm>>
      %dma_wait3A_204 = arith.constant 0 : i32
      %dma_wait3A_205 = arith.constant 0 : i32
      %dma_wait3A_206 = tpu.memref_slice %arg2[%arg1, %dma_wait3A_199, %dma_wait3A_204, %dma_wait3A_205] : memref<16x80x2x128xi32, #tpu.memory_space<hbm>> -> memref<1x1x2x128xi32, #tpu.memory_space<hbm>>
      %dma_wait3A_207 = tpu.memref_squeeze %dma_wait3A_206 : memref<1x1x2x128xi32, #tpu.memory_space<hbm>> -> memref<2x128xi32, #tpu.memory_space<hbm>>
      tpu.wait_dma2 semaphore(%arg15 : memref<!tpu.dma_semaphore, #tpu.memory_space<semaphore_mem>>) src(%dma_wait3A_207 : memref<2x128xi32, #tpu.memory_space<hbm>>) dst(%arg8 : memref<2x128xi32, #tpu.memory_space<vmem>>)
      %dma_start3A_208 = arith.constant 0 : i32
      %dma_start3A_209 = arith.constant 0 : i32
      %dma_start3A_210 = tpu.memref_slice %arg8[%dma_start3A_208, %dma_start3A_209] : memref<2x128xi32, #tpu.memory_space<vmem>> -> memref<1x128xi32, #tpu.memory_space<vmem>>
      %dma_start3A_211 = tpu.memref_squeeze %dma_start3A_210 : memref<1x128xi32, #tpu.memory_space<vmem>> -> memref<128xi32, #tpu.memory_space<vmem>>
      %dma_start3A_212 = arith.constant 0 : i32
      %dma_start3A_213 = arith.constant 0 : i32
      %dma_start3A_214 = tpu.memref_slice %arg3[%dma_start3A_212, %dma_start3A_213] : memref<10000x128xf32, #tpu.memory_space<hbm>> -> memref<10000x128xf32, #tpu.memory_space<hbm>>
      tpu.enqueue_indirect_dma source(%dma_start3A_214 : memref<10000x128xf32, #tpu.memory_space<hbm>>) target(%arg12 : memref<128x128xf32, #tpu.memory_space<vmem>>) offsets(%dma_start3A_211 : memref<128xi32, #tpu.memory_space<vmem>>) semaphore(%arg19 : memref<!tpu.dma_semaphore, #tpu.memory_space<semaphore_mem>>)
      %dma_wait3A_215 = arith.constant 0 : i32
      %dma_wait3A_216 = arith.constant 0 : i32
      %dma_wait3A_217 = tpu.memref_slice %arg7[%dma_wait3A_215, %dma_wait3A_216] : memref<2x128xi32, #tpu.memory_space<vmem>> -> memref<1x128xi32, #tpu.memory_space<vmem>>
      %dma_wait3A_218 = tpu.memref_squeeze %dma_wait3A_217 : memref<1x128xi32, #tpu.memory_space<vmem>> -> memref<128xi32, #tpu.memory_space<vmem>>
      %dma_wait3A_219 = arith.constant 0 : i32
      %dma_wait3A_220 = arith.constant 0 : i32
      %dma_wait3A_221 = tpu.memref_slice %arg3[%dma_wait3A_219, %dma_wait3A_220] : memref<10000x128xf32, #tpu.memory_space<hbm>> -> memref<10000x128xf32, #tpu.memory_space<hbm>>
      tpu.wait_indirect_dma semaphore(%arg18 : memref<!tpu.dma_semaphore, #tpu.memory_space<semaphore_mem>>) src(%dma_wait3A_221 : memref<10000x128xf32, #tpu.memory_space<hbm>>) dst(%arg11 : memref<128x128xf32, #tpu.memory_space<vmem>>)
      %run_scoped3A_222 = arith.constant 1 : i32
      "tpu.region"() ({
        %run_scoped3A_280 = tpu.sem_alloc : memref<!tpu.dma_semaphore, #tpu.memory_space<semaphore_mem>>
        %dma_start3A_281 = arith.constant 0 : i32
        %dma_start3A_282 = tpu.memref_slice %arg7[%run_scoped3A_222, %dma_start3A_281] : memref<2x128xi32, #tpu.memory_space<vmem>> -> memref<1x128xi32, #tpu.memory_space<vmem>>
        %dma_start3A_283 = tpu.memref_squeeze %dma_start3A_282 : memref<1x128xi32, #tpu.memory_space<vmem>> -> memref<128xi32, #tpu.memory_space<vmem>>
        %dma_start3A_284 = arith.constant 0 : i32
        %dma_start3A_285 = arith.constant 0 : i32
        %dma_start3A_286 = tpu.memref_slice %arg13[%dma_start3A_284, %dma_start3A_285] : memref<10008x128xf32, #tpu.memory_space<vmem_shared>> -> memref<10008x128xf32, #tpu.memory_space<vmem_shared>>
        tpu.enqueue_indirect_dma source(%arg11 : memref<128x128xf32, #tpu.memory_space<vmem>>) target(%dma_start3A_286 : memref<10008x128xf32, #tpu.memory_space<vmem_shared>>) offsets(%dma_start3A_283 : memref<128xi32, #tpu.memory_space<vmem>>) semaphore(%run_scoped3A_280 : memref<!tpu.dma_semaphore, #tpu.memory_space<semaphore_mem>>) {add = true}
        %dma_wait3A_287 = arith.constant 0 : i32
        %dma_wait3A_288 = tpu.memref_slice %arg7[%run_scoped3A_222, %dma_wait3A_287] : memref<2x128xi32, #tpu.memory_space<vmem>> -> memref<1x128xi32, #tpu.memory_space<vmem>>
        %dma_wait3A_289 = tpu.memref_squeeze %dma_wait3A_288 : memref<1x128xi32, #tpu.memory_space<vmem>> -> memref<128xi32, #tpu.memory_space<vmem>>
        %dma_wait3A_290 = arith.constant 0 : i32
        %dma_wait3A_291 = arith.constant 0 : i32
        %dma_wait3A_292 = tpu.memref_slice %arg13[%dma_wait3A_290, %dma_wait3A_291] : memref<10008x128xf32, #tpu.memory_space<vmem_shared>> -> memref<10008x128xf32, #tpu.memory_space<vmem_shared>>
        tpu.wait_indirect_dma semaphore(%run_scoped3A_280 : memref<!tpu.dma_semaphore, #tpu.memory_space<semaphore_mem>>) src(%arg11 : memref<128x128xf32, #tpu.memory_space<vmem>>) dst(%dma_wait3A_292 : memref<10008x128xf32, #tpu.memory_space<vmem_shared>>)
        tpu.yield
      }) : () -> ()
      %dma_wait3A_223 = arith.constant 78 : i32
      %dma_wait3A_224 = arith.constant 0 : i32
      %dma_wait3A_225 = arith.constant 0 : i32
      %dma_wait3A_226 = tpu.memref_slice %arg2[%arg1, %dma_wait3A_223, %dma_wait3A_224, %dma_wait3A_225] : memref<16x80x2x128xi32, #tpu.memory_space<hbm>> -> memref<1x1x2x128xi32, #tpu.memory_space<hbm>>
      %dma_wait3A_227 = tpu.memref_squeeze %dma_wait3A_226 : memref<1x1x2x128xi32, #tpu.memory_space<hbm>> -> memref<2x128xi32, #tpu.memory_space<hbm>>
      %dma_wait3A_228 = arith.constant 0 : i32
      %dma_wait3A_229 = arith.constant 0 : i32
      %dma_wait3A_230 = tpu.memref_slice %arg2[%arg1, %dma_wait3A_223, %dma_wait3A_228, %dma_wait3A_229] : memref<16x80x2x128xi32, #tpu.memory_space<hbm>> -> memref<1x1x2x128xi32, #tpu.memory_space<hbm>>
      %dma_wait3A_231 = tpu.memref_squeeze %dma_wait3A_230 : memref<1x1x2x128xi32, #tpu.memory_space<hbm>> -> memref<2x128xi32, #tpu.memory_space<hbm>>
      tpu.wait_dma2 semaphore(%arg16 : memref<!tpu.dma_semaphore, #tpu.memory_space<semaphore_mem>>) src(%dma_wait3A_231 : memref<2x128xi32, #tpu.memory_space<hbm>>) dst(%arg9 : memref<2x128xi32, #tpu.memory_space<vmem>>)
      %dma_start3A_232 = arith.constant 0 : i32
      %dma_start3A_233 = arith.constant 0 : i32
      %dma_start3A_234 = tpu.memref_slice %arg9[%dma_start3A_232, %dma_start3A_233] : memref<2x128xi32, #tpu.memory_space<vmem>> -> memref<1x128xi32, #tpu.memory_space<vmem>>
      %dma_start3A_235 = tpu.memref_squeeze %dma_start3A_234 : memref<1x128xi32, #tpu.memory_space<vmem>> -> memref<128xi32, #tpu.memory_space<vmem>>
      %dma_start3A_236 = arith.constant 0 : i32
      %dma_start3A_237 = arith.constant 0 : i32
      %dma_start3A_238 = tpu.memref_slice %arg3[%dma_start3A_236, %dma_start3A_237] : memref<10000x128xf32, #tpu.memory_space<hbm>> -> memref<10000x128xf32, #tpu.memory_space<hbm>>
      tpu.enqueue_indirect_dma source(%dma_start3A_238 : memref<10000x128xf32, #tpu.memory_space<hbm>>) target(%arg11 : memref<128x128xf32, #tpu.memory_space<vmem>>) offsets(%dma_start3A_235 : memref<128xi32, #tpu.memory_space<vmem>>) semaphore(%arg18 : memref<!tpu.dma_semaphore, #tpu.memory_space<semaphore_mem>>)
      %dma_wait3A_239 = arith.constant 0 : i32
      %dma_wait3A_240 = arith.constant 0 : i32
      %dma_wait3A_241 = tpu.memref_slice %arg8[%dma_wait3A_239, %dma_wait3A_240] : memref<2x128xi32, #tpu.memory_space<vmem>> -> memref<1x128xi32, #tpu.memory_space<vmem>>
      %dma_wait3A_242 = tpu.memref_squeeze %dma_wait3A_241 : memref<1x128xi32, #tpu.memory_space<vmem>> -> memref<128xi32, #tpu.memory_space<vmem>>
      %dma_wait3A_243 = arith.constant 0 : i32
      %dma_wait3A_244 = arith.constant 0 : i32
      %dma_wait3A_245 = tpu.memref_slice %arg3[%dma_wait3A_243, %dma_wait3A_244] : memref<10000x128xf32, #tpu.memory_space<hbm>> -> memref<10000x128xf32, #tpu.memory_space<hbm>>
      tpu.wait_indirect_dma semaphore(%arg19 : memref<!tpu.dma_semaphore, #tpu.memory_space<semaphore_mem>>) src(%dma_wait3A_245 : memref<10000x128xf32, #tpu.memory_space<hbm>>) dst(%arg12 : memref<128x128xf32, #tpu.memory_space<vmem>>)
      %run_scoped3A_246 = arith.constant 1 : i32
      "tpu.region"() ({
        %run_scoped3A_280 = tpu.sem_alloc : memref<!tpu.dma_semaphore, #tpu.memory_space<semaphore_mem>>
        %dma_start3A_281 = arith.constant 0 : i32
        %dma_start3A_282 = tpu.memref_slice %arg8[%run_scoped3A_246, %dma_start3A_281] : memref<2x128xi32, #tpu.memory_space<vmem>> -> memref<1x128xi32, #tpu.memory_space<vmem>>
        %dma_start3A_283 = tpu.memref_squeeze %dma_start3A_282 : memref<1x128xi32, #tpu.memory_space<vmem>> -> memref<128xi32, #tpu.memory_space<vmem>>
        %dma_start3A_284 = arith.constant 0 : i32
        %dma_start3A_285 = arith.constant 0 : i32
        %dma_start3A_286 = tpu.memref_slice %arg13[%dma_start3A_284, %dma_start3A_285] : memref<10008x128xf32, #tpu.memory_space<vmem_shared>> -> memref<10008x128xf32, #tpu.memory_space<vmem_shared>>
        tpu.enqueue_indirect_dma source(%arg12 : memref<128x128xf32, #tpu.memory_space<vmem>>) target(%dma_start3A_286 : memref<10008x128xf32, #tpu.memory_space<vmem_shared>>) offsets(%dma_start3A_283 : memref<128xi32, #tpu.memory_space<vmem>>) semaphore(%run_scoped3A_280 : memref<!tpu.dma_semaphore, #tpu.memory_space<semaphore_mem>>) {add = true}
        %dma_wait3A_287 = arith.constant 0 : i32
        %dma_wait3A_288 = tpu.memref_slice %arg8[%run_scoped3A_246, %dma_wait3A_287] : memref<2x128xi32, #tpu.memory_space<vmem>> -> memref<1x128xi32, #tpu.memory_space<vmem>>
        %dma_wait3A_289 = tpu.memref_squeeze %dma_wait3A_288 : memref<1x128xi32, #tpu.memory_space<vmem>> -> memref<128xi32, #tpu.memory_space<vmem>>
        %dma_wait3A_290 = arith.constant 0 : i32
        %dma_wait3A_291 = arith.constant 0 : i32
        %dma_wait3A_292 = tpu.memref_slice %arg13[%dma_wait3A_290, %dma_wait3A_291] : memref<10008x128xf32, #tpu.memory_space<vmem_shared>> -> memref<10008x128xf32, #tpu.memory_space<vmem_shared>>
        tpu.wait_indirect_dma semaphore(%run_scoped3A_280 : memref<!tpu.dma_semaphore, #tpu.memory_space<semaphore_mem>>) src(%arg12 : memref<128x128xf32, #tpu.memory_space<vmem>>) dst(%dma_wait3A_292 : memref<10008x128xf32, #tpu.memory_space<vmem_shared>>)
        tpu.yield
      }) : () -> ()
      %dma_wait3A_247 = arith.constant 79 : i32
      %dma_wait3A_248 = arith.constant 0 : i32
      %dma_wait3A_249 = arith.constant 0 : i32
      %dma_wait3A_250 = tpu.memref_slice %arg2[%arg1, %dma_wait3A_247, %dma_wait3A_248, %dma_wait3A_249] : memref<16x80x2x128xi32, #tpu.memory_space<hbm>> -> memref<1x1x2x128xi32, #tpu.memory_space<hbm>>
      %dma_wait3A_251 = tpu.memref_squeeze %dma_wait3A_250 : memref<1x1x2x128xi32, #tpu.memory_space<hbm>> -> memref<2x128xi32, #tpu.memory_space<hbm>>
      %dma_wait3A_252 = arith.constant 0 : i32
      %dma_wait3A_253 = arith.constant 0 : i32
      %dma_wait3A_254 = tpu.memref_slice %arg2[%arg1, %dma_wait3A_247, %dma_wait3A_252, %dma_wait3A_253] : memref<16x80x2x128xi32, #tpu.memory_space<hbm>> -> memref<1x1x2x128xi32, #tpu.memory_space<hbm>>
      %dma_wait3A_255 = tpu.memref_squeeze %dma_wait3A_254 : memref<1x1x2x128xi32, #tpu.memory_space<hbm>> -> memref<2x128xi32, #tpu.memory_space<hbm>>
      tpu.wait_dma2 semaphore(%arg17 : memref<!tpu.dma_semaphore, #tpu.memory_space<semaphore_mem>>) src(%dma_wait3A_255 : memref<2x128xi32, #tpu.memory_space<hbm>>) dst(%arg10 : memref<2x128xi32, #tpu.memory_space<vmem>>)
      %dma_start3A_256 = arith.constant 0 : i32
      %dma_start3A_257 = arith.constant 0 : i32
      %dma_start3A_258 = tpu.memref_slice %arg10[%dma_start3A_256, %dma_start3A_257] : memref<2x128xi32, #tpu.memory_space<vmem>> -> memref<1x128xi32, #tpu.memory_space<vmem>>
      %dma_start3A_259 = tpu.memref_squeeze %dma_start3A_258 : memref<1x128xi32, #tpu.memory_space<vmem>> -> memref<128xi32, #tpu.memory_space<vmem>>
      %dma_start3A_260 = arith.constant 0 : i32
      %dma_start3A_261 = arith.constant 0 : i32
      %dma_start3A_262 = tpu.memref_slice %arg3[%dma_start3A_260, %dma_start3A_261] : memref<10000x128xf32, #tpu.memory_space<hbm>> -> memref<10000x128xf32, #tpu.memory_space<hbm>>
      tpu.enqueue_indirect_dma source(%dma_start3A_262 : memref<10000x128xf32, #tpu.memory_space<hbm>>) target(%arg12 : memref<128x128xf32, #tpu.memory_space<vmem>>) offsets(%dma_start3A_259 : memref<128xi32, #tpu.memory_space<vmem>>) semaphore(%arg19 : memref<!tpu.dma_semaphore, #tpu.memory_space<semaphore_mem>>)
      %dma_wait3A_263 = arith.constant 0 : i32
      %dma_wait3A_264 = arith.constant 0 : i32
      %dma_wait3A_265 = tpu.memref_slice %arg9[%dma_wait3A_263, %dma_wait3A_264] : memref<2x128xi32, #tpu.memory_space<vmem>> -> memref<1x128xi32, #tpu.memory_space<vmem>>
      %dma_wait3A_266 = tpu.memref_squeeze %dma_wait3A_265 : memref<1x128xi32, #tpu.memory_space<vmem>> -> memref<128xi32, #tpu.memory_space<vmem>>
      %dma_wait3A_267 = arith.constant 0 : i32
      %dma_wait3A_268 = arith.constant 0 : i32
      %dma_wait3A_269 = tpu.memref_slice %arg3[%dma_wait3A_267, %dma_wait3A_268] : memref<10000x128xf32, #tpu.memory_space<hbm>> -> memref<10000x128xf32, #tpu.memory_space<hbm>>
      tpu.wait_indirect_dma semaphore(%arg18 : memref<!tpu.dma_semaphore, #tpu.memory_space<semaphore_mem>>) src(%dma_wait3A_269 : memref<10000x128xf32, #tpu.memory_space<hbm>>) dst(%arg11 : memref<128x128xf32, #tpu.memory_space<vmem>>)
      %run_scoped3A_270 = arith.constant 1 : i32
      "tpu.region"() ({
        %run_scoped3A_280 = tpu.sem_alloc : memref<!tpu.dma_semaphore, #tpu.memory_space<semaphore_mem>>
        %dma_start3A_281 = arith.constant 0 : i32
        %dma_start3A_282 = tpu.memref_slice %arg9[%run_scoped3A_270, %dma_start3A_281] : memref<2x128xi32, #tpu.memory_space<vmem>> -> memref<1x128xi32, #tpu.memory_space<vmem>>
        %dma_start3A_283 = tpu.memref_squeeze %dma_start3A_282 : memref<1x128xi32, #tpu.memory_space<vmem>> -> memref<128xi32, #tpu.memory_space<vmem>>
        %dma_start3A_284 = arith.constant 0 : i32
        %dma_start3A_285 = arith.constant 0 : i32
        %dma_start3A_286 = tpu.memref_slice %arg13[%dma_start3A_284, %dma_start3A_285] : memref<10008x128xf32, #tpu.memory_space<vmem_shared>> -> memref<10008x128xf32, #tpu.memory_space<vmem_shared>>
        tpu.enqueue_indirect_dma source(%arg11 : memref<128x128xf32, #tpu.memory_space<vmem>>) target(%dma_start3A_286 : memref<10008x128xf32, #tpu.memory_space<vmem_shared>>) offsets(%dma_start3A_283 : memref<128xi32, #tpu.memory_space<vmem>>) semaphore(%run_scoped3A_280 : memref<!tpu.dma_semaphore, #tpu.memory_space<semaphore_mem>>) {add = true}
        %dma_wait3A_287 = arith.constant 0 : i32
        %dma_wait3A_288 = tpu.memref_slice %arg9[%run_scoped3A_270, %dma_wait3A_287] : memref<2x128xi32, #tpu.memory_space<vmem>> -> memref<1x128xi32, #tpu.memory_space<vmem>>
        %dma_wait3A_289 = tpu.memref_squeeze %dma_wait3A_288 : memref<1x128xi32, #tpu.memory_space<vmem>> -> memref<128xi32, #tpu.memory_space<vmem>>
        %dma_wait3A_290 = arith.constant 0 : i32
        %dma_wait3A_291 = arith.constant 0 : i32
        %dma_wait3A_292 = tpu.memref_slice %arg13[%dma_wait3A_290, %dma_wait3A_291] : memref<10008x128xf32, #tpu.memory_space<vmem_shared>> -> memref<10008x128xf32, #tpu.memory_space<vmem_shared>>
        tpu.wait_indirect_dma semaphore(%run_scoped3A_280 : memref<!tpu.dma_semaphore, #tpu.memory_space<semaphore_mem>>) src(%arg11 : memref<128x128xf32, #tpu.memory_space<vmem>>) dst(%dma_wait3A_292 : memref<10008x128xf32, #tpu.memory_space<vmem_shared>>)
        tpu.yield
      }) : () -> ()
      %dma_wait3A_271 = arith.constant 0 : i32
      %dma_wait3A_272 = arith.constant 0 : i32
      %dma_wait3A_273 = tpu.memref_slice %arg10[%dma_wait3A_271, %dma_wait3A_272] : memref<2x128xi32, #tpu.memory_space<vmem>> -> memref<1x128xi32, #tpu.memory_space<vmem>>
      %dma_wait3A_274 = tpu.memref_squeeze %dma_wait3A_273 : memref<1x128xi32, #tpu.memory_space<vmem>> -> memref<128xi32, #tpu.memory_space<vmem>>
      %dma_wait3A_275 = arith.constant 0 : i32
      %dma_wait3A_276 = arith.constant 0 : i32
      %dma_wait3A_277 = tpu.memref_slice %arg3[%dma_wait3A_275, %dma_wait3A_276] : memref<10000x128xf32, #tpu.memory_space<hbm>> -> memref<10000x128xf32, #tpu.memory_space<hbm>>
      tpu.wait_indirect_dma semaphore(%arg19 : memref<!tpu.dma_semaphore, #tpu.memory_space<semaphore_mem>>) src(%dma_wait3A_277 : memref<10000x128xf32, #tpu.memory_space<hbm>>) dst(%arg12 : memref<128x128xf32, #tpu.memory_space<vmem>>)
      %run_scoped3A_278 = arith.constant 1 : i32
      "tpu.region"() ({
        %run_scoped3A_280 = tpu.sem_alloc : memref<!tpu.dma_semaphore, #tpu.memory_space<semaphore_mem>>
        %dma_start3A_281 = arith.constant 0 : i32
        %dma_start3A_282 = tpu.memref_slice %arg10[%run_scoped3A_278, %dma_start3A_281] : memref<2x128xi32, #tpu.memory_space<vmem>> -> memref<1x128xi32, #tpu.memory_space<vmem>>
        %dma_start3A_283 = tpu.memref_squeeze %dma_start3A_282 : memref<1x128xi32, #tpu.memory_space<vmem>> -> memref<128xi32, #tpu.memory_space<vmem>>
        %dma_start3A_284 = arith.constant 0 : i32
        %dma_start3A_285 = arith.constant 0 : i32
        %dma_start3A_286 = tpu.memref_slice %arg13[%dma_start3A_284, %dma_start3A_285] : memref<10008x128xf32, #tpu.memory_space<vmem_shared>> -> memref<10008x128xf32, #tpu.memory_space<vmem_shared>>
        tpu.enqueue_indirect_dma source(%arg12 : memref<128x128xf32, #tpu.memory_space<vmem>>) target(%dma_start3A_286 : memref<10008x128xf32, #tpu.memory_space<vmem_shared>>) offsets(%dma_start3A_283 : memref<128xi32, #tpu.memory_space<vmem>>) semaphore(%run_scoped3A_280 : memref<!tpu.dma_semaphore, #tpu.memory_space<semaphore_mem>>) {add = true}
        %dma_wait3A_287 = arith.constant 0 : i32
        %dma_wait3A_288 = tpu.memref_slice %arg10[%run_scoped3A_278, %dma_wait3A_287] : memref<2x128xi32, #tpu.memory_space<vmem>> -> memref<1x128xi32, #tpu.memory_space<vmem>>
        %dma_wait3A_289 = tpu.memref_squeeze %dma_wait3A_288 : memref<1x128xi32, #tpu.memory_space<vmem>> -> memref<128xi32, #tpu.memory_space<vmem>>
        %dma_wait3A_290 = arith.constant 0 : i32
        %dma_wait3A_291 = arith.constant 0 : i32
        %dma_wait3A_292 = tpu.memref_slice %arg13[%dma_wait3A_290, %dma_wait3A_291] : memref<10008x128xf32, #tpu.memory_space<vmem_shared>> -> memref<10008x128xf32, #tpu.memory_space<vmem_shared>>
        tpu.wait_indirect_dma semaphore(%run_scoped3A_280 : memref<!tpu.dma_semaphore, #tpu.memory_space<semaphore_mem>>) src(%arg12 : memref<128x128xf32, #tpu.memory_space<vmem>>) dst(%dma_wait3A_292 : memref<10008x128xf32, #tpu.memory_space<vmem_shared>>)
        tpu.yield
      }) : () -> ()
      %barrier3A_279 = arith.constant 0 : index
      tpu.barrier barrier_id(%barrier3A_279)
      "tpu.region"() ({
        %run_scoped3A_280 = tpu.sem_alloc : memref<!tpu.dma_semaphore, #tpu.memory_space<semaphore_mem>>
        %dma_start3A_281 = arith.constant 0 : i32
        %dma_start3A_282 = tpu.memref_slice %arg5[%mul3A_0, %dma_start3A_281] : memref<10000x128xf32, #tpu.memory_space<hbm>> -> memref<625x128xf32, #tpu.memory_space<hbm>>
        %dma_start3A_283 = arith.constant 0 : i32
        %dma_start3A_284 = tpu.memref_slice %arg13[%mul3A_0, %dma_start3A_283] : memref<10008x128xf32, #tpu.memory_space<vmem_shared>> -> memref<625x128xf32, #tpu.memory_space<vmem_shared>>
        tpu.enqueue_dma source(%dma_start3A_284 : memref<625x128xf32, #tpu.memory_space<vmem_shared>>) target(%dma_start3A_282 : memref<625x128xf32, #tpu.memory_space<hbm>>) target_semaphore(%run_scoped3A_280 : memref<!tpu.dma_semaphore, #tpu.memory_space<semaphore_mem>>)
        %dma_wait3A_285 = arith.constant 0 : i32
        %dma_wait3A_286 = tpu.memref_slice %arg5[%mul3A_0, %dma_wait3A_285] : memref<10000x128xf32, #tpu.memory_space<hbm>> -> memref<625x128xf32, #tpu.memory_space<hbm>>
        %dma_wait3A_287 = arith.constant 0 : i32
        %dma_wait3A_288 = tpu.memref_slice %arg13[%mul3A_0, %dma_wait3A_287] : memref<10008x128xf32, #tpu.memory_space<vmem_shared>> -> memref<625x128xf32, #tpu.memory_space<vmem_shared>>
        tpu.wait_dma2 semaphore(%run_scoped3A_280 : memref<!tpu.dma_semaphore, #tpu.memory_space<semaphore_mem>>) src(%dma_wait3A_288 : memref<625x128xf32, #tpu.memory_space<vmem_shared>>) dst(%dma_wait3A_286 : memref<625x128xf32, #tpu.memory_space<hbm>>)
        tpu.yield
      }) : () -> ()
    } else {
    }
    %eq3A_3 = arith.constant 1 : i32
    %eq3A_4 = arith.cmpi eq, %arg0, %eq3A_3 : i32
    %convert_element_type3A_5 = arith.extui %eq3A_4 : i1 to i32
    %cond3A_6 = arith.constant 0 : i32
    %cond3A_7 = arith.cmpi ne, %convert_element_type3A_5, %cond3A_6 : i32
    scf.if %cond3A_7 {
      "tpu.region"() ({
        %run_scoped3A_280 = tpu.sem_alloc : memref<!tpu.dma_semaphore, #tpu.memory_space<semaphore_mem>>
        %dma_start3A_281 = arith.constant 0 : i32
        %dma_start3A_282 = tpu.memref_slice %arg13[%mul3A_0, %dma_start3A_281] : memref<10008x128xf32, #tpu.memory_space<vmem_shared>> -> memref<625x128xf32, #tpu.memory_space<vmem_shared>>
        %dma_start3A_283 = arith.constant 0 : i32
        %dma_start3A_284 = tpu.memref_slice %arg4[%mul3A_0, %dma_start3A_283] : memref<10000x128xf32, #tpu.memory_space<hbm>> -> memref<625x128xf32, #tpu.memory_space<hbm>>
        tpu.enqueue_dma source(%dma_start3A_284 : memref<625x128xf32, #tpu.memory_space<hbm>>) target(%dma_start3A_282 : memref<625x128xf32, #tpu.memory_space<vmem_shared>>) target_semaphore(%run_scoped3A_280 : memref<!tpu.dma_semaphore, #tpu.memory_space<semaphore_mem>>)
        %dma_wait3A_285 = arith.constant 0 : i32
        %dma_wait3A_286 = tpu.memref_slice %arg13[%mul3A_0, %dma_wait3A_285] : memref<10008x128xf32, #tpu.memory_space<vmem_shared>> -> memref<625x128xf32, #tpu.memory_space<vmem_shared>>
        %dma_wait3A_287 = arith.constant 0 : i32
        %dma_wait3A_288 = tpu.memref_slice %arg4[%mul3A_0, %dma_wait3A_287] : memref<10000x128xf32, #tpu.memory_space<hbm>> -> memref<625x128xf32, #tpu.memory_space<hbm>>
        tpu.wait_dma2 semaphore(%run_scoped3A_280 : memref<!tpu.dma_semaphore, #tpu.memory_space<semaphore_mem>>) src(%dma_wait3A_288 : memref<625x128xf32, #tpu.memory_space<hbm>>) dst(%dma_wait3A_286 : memref<625x128xf32, #tpu.memory_space<vmem_shared>>)
        tpu.yield
      }) : () -> ()
      %eq3A_8 = arith.constant 0 : i32
      %eq3A_9 = arith.cmpi eq, %arg1, %eq3A_8 : i32
      %convert_element_type3A_10 = arith.extui %eq3A_9 : i1 to i32
      %cond3A_11 = arith.constant 0 : i32
      %cond3A_12 = arith.cmpi ne, %convert_element_type3A_10, %cond3A_11 : i32
      scf.if %cond3A_12 {
        "tpu.region"() ({
          %run_scoped3A_280 = tpu.sem_alloc : memref<!tpu.dma_semaphore, #tpu.memory_space<semaphore_mem>>
          %dma_start3A_281 = arith.constant 10000 : i32
          %dma_start3A_282 = arith.constant 0 : i32
          %dma_start3A_283 = tpu.memref_slice %arg13[%dma_start3A_281, %dma_start3A_282] : memref<10008x128xf32, #tpu.memory_space<vmem_shared>> -> memref<8x128xf32, #tpu.memory_space<vmem_shared>>
          %dma_start3A_284 = arith.constant 0 : i32
          %dma_start3A_285 = arith.constant 0 : i32
          %dma_start3A_286 = tpu.memref_slice %arg4[%dma_start3A_284, %dma_start3A_285] : memref<10000x128xf32, #tpu.memory_space<hbm>> -> memref<8x128xf32, #tpu.memory_space<hbm>>
          tpu.enqueue_dma source(%dma_start3A_286 : memref<8x128xf32, #tpu.memory_space<hbm>>) target(%dma_start3A_283 : memref<8x128xf32, #tpu.memory_space<vmem_shared>>) target_semaphore(%run_scoped3A_280 : memref<!tpu.dma_semaphore, #tpu.memory_space<semaphore_mem>>)
          %dma_wait3A_287 = arith.constant 10000 : i32
          %dma_wait3A_288 = arith.constant 0 : i32
          %dma_wait3A_289 = tpu.memref_slice %arg13[%dma_wait3A_287, %dma_wait3A_288] : memref<10008x128xf32, #tpu.memory_space<vmem_shared>> -> memref<8x128xf32, #tpu.memory_space<vmem_shared>>
          %dma_wait3A_290 = arith.constant 0 : i32
          %dma_wait3A_291 = arith.constant 0 : i32
          %dma_wait3A_292 = tpu.memref_slice %arg4[%dma_wait3A_290, %dma_wait3A_291] : memref<10000x128xf32, #tpu.memory_space<hbm>> -> memref<8x128xf32, #tpu.memory_space<hbm>>
          tpu.wait_dma2 semaphore(%run_scoped3A_280 : memref<!tpu.dma_semaphore, #tpu.memory_space<semaphore_mem>>) src(%dma_wait3A_292 : memref<8x128xf32, #tpu.memory_space<hbm>>) dst(%dma_wait3A_289 : memref<8x128xf32, #tpu.memory_space<vmem_shared>>)
          tpu.yield
        }) : () -> ()
      } else {
      }
      %barrier3A = arith.constant 0 : index
      tpu.barrier barrier_id(%barrier3A)
      %dma_start3A = arith.constant 0 : i32
      %dma_start3A_13 = arith.constant 0 : i32
      %dma_start3A_14 = arith.constant 0 : i32
      %dma_start3A_15 = tpu.memref_slice %arg2[%arg1, %dma_start3A, %dma_start3A_13, %dma_start3A_14] : memref<16x80x2x128xi32, #tpu.memory_space<hbm>> -> memref<1x1x2x128xi32, #tpu.memory_space<hbm>>
      %dma_start3A_16 = tpu.memref_squeeze %dma_start3A_15 : memref<1x1x2x128xi32, #tpu.memory_space<hbm>> -> memref<2x128xi32, #tpu.memory_space<hbm>>
      %dma_start3A_17 = arith.constant 0 : i32
      %dma_start3A_18 = arith.constant 0 : i32
      %dma_start3A_19 = tpu.memref_slice %arg2[%arg1, %dma_start3A, %dma_start3A_17, %dma_start3A_18] : memref<16x80x2x128xi32, #tpu.memory_space<hbm>> -> memref<1x1x2x128xi32, #tpu.memory_space<hbm>>
      %dma_start3A_20 = tpu.memref_squeeze %dma_start3A_19 : memref<1x1x2x128xi32, #tpu.memory_space<hbm>> -> memref<2x128xi32, #tpu.memory_space<hbm>>
      tpu.enqueue_dma source(%dma_start3A_20 : memref<2x128xi32, #tpu.memory_space<hbm>>) target(%arg7 : memref<2x128xi32, #tpu.memory_space<vmem>>) target_semaphore(%arg14 : memref<!tpu.dma_semaphore, #tpu.memory_space<semaphore_mem>>)
      %dma_start3A_21 = arith.constant 1 : i32
      %dma_start3A_22 = arith.constant 0 : i32
      %dma_start3A_23 = arith.constant 0 : i32
      %dma_start3A_24 = tpu.memref_slice %arg2[%arg1, %dma_start3A_21, %dma_start3A_22, %dma_start3A_23] : memref<16x80x2x128xi32, #tpu.memory_space<hbm>> -> memref<1x1x2x128xi32, #tpu.memory_space<hbm>>
      %dma_start3A_25 = tpu.memref_squeeze %dma_start3A_24 : memref<1x1x2x128xi32, #tpu.memory_space<hbm>> -> memref<2x128xi32, #tpu.memory_space<hbm>>
      %dma_start3A_26 = arith.constant 0 : i32
      %dma_start3A_27 = arith.constant 0 : i32
      %dma_start3A_28 = tpu.memref_slice %arg2[%arg1, %dma_start3A_21, %dma_start3A_26, %dma_start3A_27] : memref<16x80x2x128xi32, #tpu.memory_space<hbm>> -> memref<1x1x2x128xi32, #tpu.memory_space<hbm>>
      %dma_start3A_29 = tpu.memref_squeeze %dma_start3A_28 : memref<1x1x2x128xi32, #tpu.memory_space<hbm>> -> memref<2x128xi32, #tpu.memory_space<hbm>>
      tpu.enqueue_dma source(%dma_start3A_29 : memref<2x128xi32, #tpu.memory_space<hbm>>) target(%arg8 : memref<2x128xi32, #tpu.memory_space<vmem>>) target_semaphore(%arg15 : memref<!tpu.dma_semaphore, #tpu.memory_space<semaphore_mem>>)
      %dma_start3A_30 = arith.constant 2 : i32
      %dma_start3A_31 = arith.constant 0 : i32
      %dma_start3A_32 = arith.constant 0 : i32
      %dma_start3A_33 = tpu.memref_slice %arg2[%arg1, %dma_start3A_30, %dma_start3A_31, %dma_start3A_32] : memref<16x80x2x128xi32, #tpu.memory_space<hbm>> -> memref<1x1x2x128xi32, #tpu.memory_space<hbm>>
      %dma_start3A_34 = tpu.memref_squeeze %dma_start3A_33 : memref<1x1x2x128xi32, #tpu.memory_space<hbm>> -> memref<2x128xi32, #tpu.memory_space<hbm>>
      %dma_start3A_35 = arith.constant 0 : i32
      %dma_start3A_36 = arith.constant 0 : i32
      %dma_start3A_37 = tpu.memref_slice %arg2[%arg1, %dma_start3A_30, %dma_start3A_35, %dma_start3A_36] : memref<16x80x2x128xi32, #tpu.memory_space<hbm>> -> memref<1x1x2x128xi32, #tpu.memory_space<hbm>>
      %dma_start3A_38 = tpu.memref_squeeze %dma_start3A_37 : memref<1x1x2x128xi32, #tpu.memory_space<hbm>> -> memref<2x128xi32, #tpu.memory_space<hbm>>
      tpu.enqueue_dma source(%dma_start3A_38 : memref<2x128xi32, #tpu.memory_space<hbm>>) target(%arg9 : memref<2x128xi32, #tpu.memory_space<vmem>>) target_semaphore(%arg16 : memref<!tpu.dma_semaphore, #tpu.memory_space<semaphore_mem>>)
      %dma_start3A_39 = arith.constant 3 : i32
      %dma_start3A_40 = arith.constant 0 : i32
      %dma_start3A_41 = arith.constant 0 : i32
      %dma_start3A_42 = tpu.memref_slice %arg2[%arg1, %dma_start3A_39, %dma_start3A_40, %dma_start3A_41] : memref<16x80x2x128xi32, #tpu.memory_space<hbm>> -> memref<1x1x2x128xi32, #tpu.memory_space<hbm>>
      %dma_start3A_43 = tpu.memref_squeeze %dma_start3A_42 : memref<1x1x2x128xi32, #tpu.memory_space<hbm>> -> memref<2x128xi32, #tpu.memory_space<hbm>>
      %dma_start3A_44 = arith.constant 0 : i32
      %dma_start3A_45 = arith.constant 0 : i32
      %dma_start3A_46 = tpu.memref_slice %arg2[%arg1, %dma_start3A_39, %dma_start3A_44, %dma_start3A_45] : memref<16x80x2x128xi32, #tpu.memory_space<hbm>> -> memref<1x1x2x128xi32, #tpu.memory_space<hbm>>
      %dma_start3A_47 = tpu.memref_squeeze %dma_start3A_46 : memref<1x1x2x128xi32, #tpu.memory_space<hbm>> -> memref<2x128xi32, #tpu.memory_space<hbm>>
      tpu.enqueue_dma source(%dma_start3A_47 : memref<2x128xi32, #tpu.memory_space<hbm>>) target(%arg10 : memref<2x128xi32, #tpu.memory_space<vmem>>) target_semaphore(%arg17 : memref<!tpu.dma_semaphore, #tpu.memory_space<semaphore_mem>>)
      %dma_wait3A = arith.constant 0 : i32
      %dma_wait3A_48 = arith.constant 0 : i32
      %dma_wait3A_49 = arith.constant 0 : i32
      %dma_wait3A_50 = tpu.memref_slice %arg2[%arg1, %dma_wait3A, %dma_wait3A_48, %dma_wait3A_49] : memref<16x80x2x128xi32, #tpu.memory_space<hbm>> -> memref<1x1x2x128xi32, #tpu.memory_space<hbm>>
      %dma_wait3A_51 = tpu.memref_squeeze %dma_wait3A_50 : memref<1x1x2x128xi32, #tpu.memory_space<hbm>> -> memref<2x128xi32, #tpu.memory_space<hbm>>
      %dma_wait3A_52 = arith.constant 0 : i32
      %dma_wait3A_53 = arith.constant 0 : i32
      %dma_wait3A_54 = tpu.memref_slice %arg2[%arg1, %dma_wait3A, %dma_wait3A_52, %dma_wait3A_53] : memref<16x80x2x128xi32, #tpu.memory_space<hbm>> -> memref<1x1x2x128xi32, #tpu.memory_space<hbm>>
      %dma_wait3A_55 = tpu.memref_squeeze %dma_wait3A_54 : memref<1x1x2x128xi32, #tpu.memory_space<hbm>> -> memref<2x128xi32, #tpu.memory_space<hbm>>
      tpu.wait_dma2 semaphore(%arg14 : memref<!tpu.dma_semaphore, #tpu.memory_space<semaphore_mem>>) src(%dma_wait3A_55 : memref<2x128xi32, #tpu.memory_space<hbm>>) dst(%arg7 : memref<2x128xi32, #tpu.memory_space<vmem>>)
      %dma_start3A_56 = arith.constant 0 : i32
      %dma_start3A_57 = arith.constant 0 : i32
      %dma_start3A_58 = tpu.memref_slice %arg7[%dma_start3A_56, %dma_start3A_57] : memref<2x128xi32, #tpu.memory_space<vmem>> -> memref<1x128xi32, #tpu.memory_space<vmem>>
      %dma_start3A_59 = tpu.memref_squeeze %dma_start3A_58 : memref<1x128xi32, #tpu.memory_space<vmem>> -> memref<128xi32, #tpu.memory_space<vmem>>
      %dma_start3A_60 = arith.constant 0 : i32
      %dma_start3A_61 = arith.constant 0 : i32
      %dma_start3A_62 = tpu.memref_slice %arg4[%dma_start3A_60, %dma_start3A_61] : memref<10000x128xf32, #tpu.memory_space<hbm>> -> memref<10000x128xf32, #tpu.memory_space<hbm>>
      tpu.enqueue_indirect_dma source(%dma_start3A_62 : memref<10000x128xf32, #tpu.memory_space<hbm>>) target(%arg11 : memref<128x128xf32, #tpu.memory_space<vmem>>) offsets(%dma_start3A_59 : memref<128xi32, #tpu.memory_space<vmem>>) semaphore(%arg18 : memref<!tpu.dma_semaphore, #tpu.memory_space<semaphore_mem>>)
      %dma_wait3A_63 = arith.constant 1 : i32
      %dma_wait3A_64 = arith.constant 0 : i32
      %dma_wait3A_65 = arith.constant 0 : i32
      %dma_wait3A_66 = tpu.memref_slice %arg2[%arg1, %dma_wait3A_63, %dma_wait3A_64, %dma_wait3A_65] : memref<16x80x2x128xi32, #tpu.memory_space<hbm>> -> memref<1x1x2x128xi32, #tpu.memory_space<hbm>>
      %dma_wait3A_67 = tpu.memref_squeeze %dma_wait3A_66 : memref<1x1x2x128xi32, #tpu.memory_space<hbm>> -> memref<2x128xi32, #tpu.memory_space<hbm>>
      %dma_wait3A_68 = arith.constant 0 : i32
      %dma_wait3A_69 = arith.constant 0 : i32
      %dma_wait3A_70 = tpu.memref_slice %arg2[%arg1, %dma_wait3A_63, %dma_wait3A_68, %dma_wait3A_69] : memref<16x80x2x128xi32, #tpu.memory_space<hbm>> -> memref<1x1x2x128xi32, #tpu.memory_space<hbm>>
      %dma_wait3A_71 = tpu.memref_squeeze %dma_wait3A_70 : memref<1x1x2x128xi32, #tpu.memory_space<hbm>> -> memref<2x128xi32, #tpu.memory_space<hbm>>
      tpu.wait_dma2 semaphore(%arg15 : memref<!tpu.dma_semaphore, #tpu.memory_space<semaphore_mem>>) src(%dma_wait3A_71 : memref<2x128xi32, #tpu.memory_space<hbm>>) dst(%arg8 : memref<2x128xi32, #tpu.memory_space<vmem>>)
      %dma_start3A_72 = arith.constant 0 : i32
      %dma_start3A_73 = arith.constant 0 : i32
      %dma_start3A_74 = tpu.memref_slice %arg8[%dma_start3A_72, %dma_start3A_73] : memref<2x128xi32, #tpu.memory_space<vmem>> -> memref<1x128xi32, #tpu.memory_space<vmem>>
      %dma_start3A_75 = tpu.memref_squeeze %dma_start3A_74 : memref<1x128xi32, #tpu.memory_space<vmem>> -> memref<128xi32, #tpu.memory_space<vmem>>
      %dma_start3A_76 = arith.constant 0 : i32
      %dma_start3A_77 = arith.constant 0 : i32
      %dma_start3A_78 = tpu.memref_slice %arg4[%dma_start3A_76, %dma_start3A_77] : memref<10000x128xf32, #tpu.memory_space<hbm>> -> memref<10000x128xf32, #tpu.memory_space<hbm>>
      tpu.enqueue_indirect_dma source(%dma_start3A_78 : memref<10000x128xf32, #tpu.memory_space<hbm>>) target(%arg12 : memref<128x128xf32, #tpu.memory_space<vmem>>) offsets(%dma_start3A_75 : memref<128xi32, #tpu.memory_space<vmem>>) semaphore(%arg19 : memref<!tpu.dma_semaphore, #tpu.memory_space<semaphore_mem>>)
      %dma_wait3A_79 = arith.constant 0 : i32
      %dma_wait3A_80 = arith.constant 0 : i32
      %dma_wait3A_81 = tpu.memref_slice %arg7[%dma_wait3A_79, %dma_wait3A_80] : memref<2x128xi32, #tpu.memory_space<vmem>> -> memref<1x128xi32, #tpu.memory_space<vmem>>
      %dma_wait3A_82 = tpu.memref_squeeze %dma_wait3A_81 : memref<1x128xi32, #tpu.memory_space<vmem>> -> memref<128xi32, #tpu.memory_space<vmem>>
      %dma_wait3A_83 = arith.constant 0 : i32
      %dma_wait3A_84 = arith.constant 0 : i32
      %dma_wait3A_85 = tpu.memref_slice %arg4[%dma_wait3A_83, %dma_wait3A_84] : memref<10000x128xf32, #tpu.memory_space<hbm>> -> memref<10000x128xf32, #tpu.memory_space<hbm>>
      tpu.wait_indirect_dma semaphore(%arg18 : memref<!tpu.dma_semaphore, #tpu.memory_space<semaphore_mem>>) src(%dma_wait3A_85 : memref<10000x128xf32, #tpu.memory_space<hbm>>) dst(%arg11 : memref<128x128xf32, #tpu.memory_space<vmem>>)
      %run_scoped3A = arith.constant 1 : i32
      "tpu.region"() ({
        %run_scoped3A_280 = tpu.sem_alloc : memref<!tpu.dma_semaphore, #tpu.memory_space<semaphore_mem>>
        %dma_start3A_281 = arith.constant 0 : i32
        %dma_start3A_282 = tpu.memref_slice %arg7[%run_scoped3A, %dma_start3A_281] : memref<2x128xi32, #tpu.memory_space<vmem>> -> memref<1x128xi32, #tpu.memory_space<vmem>>
        %dma_start3A_283 = tpu.memref_squeeze %dma_start3A_282 : memref<1x128xi32, #tpu.memory_space<vmem>> -> memref<128xi32, #tpu.memory_space<vmem>>
        %dma_start3A_284 = arith.constant 0 : i32
        %dma_start3A_285 = arith.constant 0 : i32
        %dma_start3A_286 = tpu.memref_slice %arg13[%dma_start3A_284, %dma_start3A_285] : memref<10008x128xf32, #tpu.memory_space<vmem_shared>> -> memref<10008x128xf32, #tpu.memory_space<vmem_shared>>
        tpu.enqueue_indirect_dma source(%arg11 : memref<128x128xf32, #tpu.memory_space<vmem>>) target(%dma_start3A_286 : memref<10008x128xf32, #tpu.memory_space<vmem_shared>>) offsets(%dma_start3A_283 : memref<128xi32, #tpu.memory_space<vmem>>) semaphore(%run_scoped3A_280 : memref<!tpu.dma_semaphore, #tpu.memory_space<semaphore_mem>>) {add = true}
        %dma_wait3A_287 = arith.constant 0 : i32
        %dma_wait3A_288 = tpu.memref_slice %arg7[%run_scoped3A, %dma_wait3A_287] : memref<2x128xi32, #tpu.memory_space<vmem>> -> memref<1x128xi32, #tpu.memory_space<vmem>>
        %dma_wait3A_289 = tpu.memref_squeeze %dma_wait3A_288 : memref<1x128xi32, #tpu.memory_space<vmem>> -> memref<128xi32, #tpu.memory_space<vmem>>
        %dma_wait3A_290 = arith.constant 0 : i32
        %dma_wait3A_291 = arith.constant 0 : i32
        %dma_wait3A_292 = tpu.memref_slice %arg13[%dma_wait3A_290, %dma_wait3A_291] : memref<10008x128xf32, #tpu.memory_space<vmem_shared>> -> memref<10008x128xf32, #tpu.memory_space<vmem_shared>>
        tpu.wait_indirect_dma semaphore(%run_scoped3A_280 : memref<!tpu.dma_semaphore, #tpu.memory_space<semaphore_mem>>) src(%arg11 : memref<128x128xf32, #tpu.memory_space<vmem>>) dst(%dma_wait3A_292 : memref<10008x128xf32, #tpu.memory_space<vmem_shared>>)
        tpu.yield
      }) : () -> ()
      %dma_start3A_86 = arith.constant 4 : i32
      %dma_start3A_87 = arith.constant 0 : i32
      %dma_start3A_88 = arith.constant 0 : i32
      %dma_start3A_89 = tpu.memref_slice %arg2[%arg1, %dma_start3A_86, %dma_start3A_87, %dma_start3A_88] : memref<16x80x2x128xi32, #tpu.memory_space<hbm>> -> memref<1x1x2x128xi32, #tpu.memory_space<hbm>>
      %dma_start3A_90 = tpu.memref_squeeze %dma_start3A_89 : memref<1x1x2x128xi32, #tpu.memory_space<hbm>> -> memref<2x128xi32, #tpu.memory_space<hbm>>
      %dma_start3A_91 = arith.constant 0 : i32
      %dma_start3A_92 = arith.constant 0 : i32
      %dma_start3A_93 = tpu.memref_slice %arg2[%arg1, %dma_start3A_86, %dma_start3A_91, %dma_start3A_92] : memref<16x80x2x128xi32, #tpu.memory_space<hbm>> -> memref<1x1x2x128xi32, #tpu.memory_space<hbm>>
      %dma_start3A_94 = tpu.memref_squeeze %dma_start3A_93 : memref<1x1x2x128xi32, #tpu.memory_space<hbm>> -> memref<2x128xi32, #tpu.memory_space<hbm>>
      tpu.enqueue_dma source(%dma_start3A_94 : memref<2x128xi32, #tpu.memory_space<hbm>>) target(%arg7 : memref<2x128xi32, #tpu.memory_space<vmem>>) target_semaphore(%arg14 : memref<!tpu.dma_semaphore, #tpu.memory_space<semaphore_mem>>)
      %dma_wait3A_95 = arith.constant 2 : i32
      %dma_wait3A_96 = arith.constant 0 : i32
      %dma_wait3A_97 = arith.constant 0 : i32
      %dma_wait3A_98 = tpu.memref_slice %arg2[%arg1, %dma_wait3A_95, %dma_wait3A_96, %dma_wait3A_97] : memref<16x80x2x128xi32, #tpu.memory_space<hbm>> -> memref<1x1x2x128xi32, #tpu.memory_space<hbm>>
      %dma_wait3A_99 = tpu.memref_squeeze %dma_wait3A_98 : memref<1x1x2x128xi32, #tpu.memory_space<hbm>> -> memref<2x128xi32, #tpu.memory_space<hbm>>
      %dma_wait3A_100 = arith.constant 0 : i32
      %dma_wait3A_101 = arith.constant 0 : i32
      %dma_wait3A_102 = tpu.memref_slice %arg2[%arg1, %dma_wait3A_95, %dma_wait3A_100, %dma_wait3A_101] : memref<16x80x2x128xi32, #tpu.memory_space<hbm>> -> memref<1x1x2x128xi32, #tpu.memory_space<hbm>>
      %dma_wait3A_103 = tpu.memref_squeeze %dma_wait3A_102 : memref<1x1x2x128xi32, #tpu.memory_space<hbm>> -> memref<2x128xi32, #tpu.memory_space<hbm>>
      tpu.wait_dma2 semaphore(%arg16 : memref<!tpu.dma_semaphore, #tpu.memory_space<semaphore_mem>>) src(%dma_wait3A_103 : memref<2x128xi32, #tpu.memory_space<hbm>>) dst(%arg9 : memref<2x128xi32, #tpu.memory_space<vmem>>)
      %dma_start3A_104 = arith.constant 0 : i32
      %dma_start3A_105 = arith.constant 0 : i32
      %dma_start3A_106 = tpu.memref_slice %arg9[%dma_start3A_104, %dma_start3A_105] : memref<2x128xi32, #tpu.memory_space<vmem>> -> memref<1x128xi32, #tpu.memory_space<vmem>>
      %dma_start3A_107 = tpu.memref_squeeze %dma_start3A_106 : memref<1x128xi32, #tpu.memory_space<vmem>> -> memref<128xi32, #tpu.memory_space<vmem>>
      %dma_start3A_108 = arith.constant 0 : i32
      %dma_start3A_109 = arith.constant 0 : i32
      %dma_start3A_110 = tpu.memref_slice %arg4[%dma_start3A_108, %dma_start3A_109] : memref<10000x128xf32, #tpu.memory_space<hbm>> -> memref<10000x128xf32, #tpu.memory_space<hbm>>
      tpu.enqueue_indirect_dma source(%dma_start3A_110 : memref<10000x128xf32, #tpu.memory_space<hbm>>) target(%arg11 : memref<128x128xf32, #tpu.memory_space<vmem>>) offsets(%dma_start3A_107 : memref<128xi32, #tpu.memory_space<vmem>>) semaphore(%arg18 : memref<!tpu.dma_semaphore, #tpu.memory_space<semaphore_mem>>)
      %scan3A = arith.constant 0 : i32
      %scan3A_111 = arith.constant 0 : i32
      %scan3A_112 = arith.constant 18 : i32
      %scan3A_113 = arith.addi %scan3A_111, %scan3A_112 : i32
      %scan3A_114 = arith.constant 1 : i32
      scf.for %scan3A_280 = %scan3A_111 to %scan3A_113 step %scan3A_114  : i32 {
        %mul3A_281 = arith.constant 4 : i32
        %mul3A_282 = arith.muli %mul3A_281, %scan3A_280 : i32
        %add3A = arith.constant 1 : i32
        %add3A_283 = arith.addi %mul3A_282, %add3A : i32
        %add3A_284 = arith.constant 0 : i32
        %add3A_285 = arith.addi %add3A_283, %add3A_284 : i32
        %dma_wait3A_286 = arith.constant 0 : i32
        %dma_wait3A_287 = arith.constant 0 : i32
        %dma_wait3A_288 = tpu.memref_slice %arg8[%dma_wait3A_286, %dma_wait3A_287] : memref<2x128xi32, #tpu.memory_space<vmem>> -> memref<1x128xi32, #tpu.memory_space<vmem>>
        %dma_wait3A_289 = tpu.memref_squeeze %dma_wait3A_288 : memref<1x128xi32, #tpu.memory_space<vmem>> -> memref<128xi32, #tpu.memory_space<vmem>>
        %dma_wait3A_290 = arith.constant 0 : i32
        %dma_wait3A_291 = arith.constant 0 : i32
        %dma_wait3A_292 = tpu.memref_slice %arg4[%dma_wait3A_290, %dma_wait3A_291] : memref<10000x128xf32, #tpu.memory_space<hbm>> -> memref<10000x128xf32, #tpu.memory_space<hbm>>
        tpu.wait_indirect_dma semaphore(%arg19 : memref<!tpu.dma_semaphore, #tpu.memory_space<semaphore_mem>>) src(%dma_wait3A_292 : memref<10000x128xf32, #tpu.memory_space<hbm>>) dst(%arg12 : memref<128x128xf32, #tpu.memory_space<vmem>>)
        %run_scoped3A_293 = arith.constant 1 : i32
        "tpu.region"() ({
          %run_scoped3A_444 = tpu.sem_alloc : memref<!tpu.dma_semaphore, #tpu.memory_space<semaphore_mem>>
          %dma_start3A_445 = arith.constant 0 : i32
          %dma_start3A_446 = tpu.memref_slice %arg8[%run_scoped3A_293, %dma_start3A_445] : memref<2x128xi32, #tpu.memory_space<vmem>> -> memref<1x128xi32, #tpu.memory_space<vmem>>
          %dma_start3A_447 = tpu.memref_squeeze %dma_start3A_446 : memref<1x128xi32, #tpu.memory_space<vmem>> -> memref<128xi32, #tpu.memory_space<vmem>>
          %dma_start3A_448 = arith.constant 0 : i32
          %dma_start3A_449 = arith.constant 0 : i32
          %dma_start3A_450 = tpu.memref_slice %arg13[%dma_start3A_448, %dma_start3A_449] : memref<10008x128xf32, #tpu.memory_space<vmem_shared>> -> memref<10008x128xf32, #tpu.memory_space<vmem_shared>>
          tpu.enqueue_indirect_dma source(%arg12 : memref<128x128xf32, #tpu.memory_space<vmem>>) target(%dma_start3A_450 : memref<10008x128xf32, #tpu.memory_space<vmem_shared>>) offsets(%dma_start3A_447 : memref<128xi32, #tpu.memory_space<vmem>>) semaphore(%run_scoped3A_444 : memref<!tpu.dma_semaphore, #tpu.memory_space<semaphore_mem>>) {add = true}
          %dma_wait3A_451 = arith.constant 0 : i32
          %dma_wait3A_452 = tpu.memref_slice %arg8[%run_scoped3A_293, %dma_wait3A_451] : memref<2x128xi32, #tpu.memory_space<vmem>> -> memref<1x128xi32, #tpu.memory_space<vmem>>
          %dma_wait3A_453 = tpu.memref_squeeze %dma_wait3A_452 : memref<1x128xi32, #tpu.memory_space<vmem>> -> memref<128xi32, #tpu.memory_space<vmem>>
          %dma_wait3A_454 = arith.constant 0 : i32
          %dma_wait3A_455 = arith.constant 0 : i32
          %dma_wait3A_456 = tpu.memref_slice %arg13[%dma_wait3A_454, %dma_wait3A_455] : memref<10008x128xf32, #tpu.memory_space<vmem_shared>> -> memref<10008x128xf32, #tpu.memory_space<vmem_shared>>
          tpu.wait_indirect_dma semaphore(%run_scoped3A_444 : memref<!tpu.dma_semaphore, #tpu.memory_space<semaphore_mem>>) src(%arg12 : memref<128x128xf32, #tpu.memory_space<vmem>>) dst(%dma_wait3A_456 : memref<10008x128xf32, #tpu.memory_space<vmem_shared>>)
          tpu.yield
        }) : () -> ()
        %add3A_294 = arith.constant 4 : i32
        %add3A_295 = arith.addi %add3A_285, %add3A_294 : i32
        %dma_start3A_296 = arith.constant 0 : i32
        %dma_start3A_297 = arith.constant 0 : i32
        %dma_start3A_298 = tpu.memref_slice %arg2[%arg1, %add3A_295, %dma_start3A_296, %dma_start3A_297] : memref<16x80x2x128xi32, #tpu.memory_space<hbm>> -> memref<1x1x2x128xi32, #tpu.memory_space<hbm>>
        %dma_start3A_299 = tpu.memref_squeeze %dma_start3A_298 : memref<1x1x2x128xi32, #tpu.memory_space<hbm>> -> memref<2x128xi32, #tpu.memory_space<hbm>>
        %dma_start3A_300 = arith.constant 0 : i32
        %dma_start3A_301 = arith.constant 0 : i32
        %dma_start3A_302 = tpu.memref_slice %arg2[%arg1, %add3A_295, %dma_start3A_300, %dma_start3A_301] : memref<16x80x2x128xi32, #tpu.memory_space<hbm>> -> memref<1x1x2x128xi32, #tpu.memory_space<hbm>>
        %dma_start3A_303 = tpu.memref_squeeze %dma_start3A_302 : memref<1x1x2x128xi32, #tpu.memory_space<hbm>> -> memref<2x128xi32, #tpu.memory_space<hbm>>
        tpu.enqueue_dma source(%dma_start3A_303 : memref<2x128xi32, #tpu.memory_space<hbm>>) target(%arg8 : memref<2x128xi32, #tpu.memory_space<vmem>>) target_semaphore(%arg15 : memref<!tpu.dma_semaphore, #tpu.memory_space<semaphore_mem>>)
        %add3A_304 = arith.constant 2 : i32
        %add3A_305 = arith.addi %add3A_285, %add3A_304 : i32
        %dma_wait3A_306 = arith.constant 0 : i32
        %dma_wait3A_307 = arith.constant 0 : i32
        %dma_wait3A_308 = tpu.memref_slice %arg2[%arg1, %add3A_305, %dma_wait3A_306, %dma_wait3A_307] : memref<16x80x2x128xi32, #tpu.memory_space<hbm>> -> memref<1x1x2x128xi32, #tpu.memory_space<hbm>>
        %dma_wait3A_309 = tpu.memref_squeeze %dma_wait3A_308 : memref<1x1x2x128xi32, #tpu.memory_space<hbm>> -> memref<2x128xi32, #tpu.memory_space<hbm>>
        %dma_wait3A_310 = arith.constant 0 : i32
        %dma_wait3A_311 = arith.constant 0 : i32
        %dma_wait3A_312 = tpu.memref_slice %arg2[%arg1, %add3A_305, %dma_wait3A_310, %dma_wait3A_311] : memref<16x80x2x128xi32, #tpu.memory_space<hbm>> -> memref<1x1x2x128xi32, #tpu.memory_space<hbm>>
        %dma_wait3A_313 = tpu.memref_squeeze %dma_wait3A_312 : memref<1x1x2x128xi32, #tpu.memory_space<hbm>> -> memref<2x128xi32, #tpu.memory_space<hbm>>
        tpu.wait_dma2 semaphore(%arg17 : memref<!tpu.dma_semaphore, #tpu.memory_space<semaphore_mem>>) src(%dma_wait3A_313 : memref<2x128xi32, #tpu.memory_space<hbm>>) dst(%arg10 : memref<2x128xi32, #tpu.memory_space<vmem>>)
        %dma_start3A_314 = arith.constant 0 : i32
        %dma_start3A_315 = arith.constant 0 : i32
        %dma_start3A_316 = tpu.memref_slice %arg10[%dma_start3A_314, %dma_start3A_315] : memref<2x128xi32, #tpu.memory_space<vmem>> -> memref<1x128xi32, #tpu.memory_space<vmem>>
        %dma_start3A_317 = tpu.memref_squeeze %dma_start3A_316 : memref<1x128xi32, #tpu.memory_space<vmem>> -> memref<128xi32, #tpu.memory_space<vmem>>
        %dma_start3A_318 = arith.constant 0 : i32
        %dma_start3A_319 = arith.constant 0 : i32
        %dma_start3A_320 = tpu.memref_slice %arg4[%dma_start3A_318, %dma_start3A_319] : memref<10000x128xf32, #tpu.memory_space<hbm>> -> memref<10000x128xf32, #tpu.memory_space<hbm>>
        tpu.enqueue_indirect_dma source(%dma_start3A_320 : memref<10000x128xf32, #tpu.memory_space<hbm>>) target(%arg12 : memref<128x128xf32, #tpu.memory_space<vmem>>) offsets(%dma_start3A_317 : memref<128xi32, #tpu.memory_space<vmem>>) semaphore(%arg19 : memref<!tpu.dma_semaphore, #tpu.memory_space<semaphore_mem>>)
        %mul3A_321 = arith.constant 4 : i32
        %mul3A_322 = arith.muli %mul3A_321, %scan3A_280 : i32
        %add3A_323 = arith.constant 1 : i32
        %add3A_324 = arith.addi %mul3A_322, %add3A_323 : i32
        %add3A_325 = arith.constant 1 : i32
        %add3A_326 = arith.addi %add3A_324, %add3A_325 : i32
        %dma_wait3A_327 = arith.constant 0 : i32
        %dma_wait3A_328 = arith.constant 0 : i32
        %dma_wait3A_329 = tpu.memref_slice %arg9[%dma_wait3A_327, %dma_wait3A_328] : memref<2x128xi32, #tpu.memory_space<vmem>> -> memref<1x128xi32, #tpu.memory_space<vmem>>
        %dma_wait3A_330 = tpu.memref_squeeze %dma_wait3A_329 : memref<1x128xi32, #tpu.memory_space<vmem>> -> memref<128xi32, #tpu.memory_space<vmem>>
        %dma_wait3A_331 = arith.constant 0 : i32
        %dma_wait3A_332 = arith.constant 0 : i32
        %dma_wait3A_333 = tpu.memref_slice %arg4[%dma_wait3A_331, %dma_wait3A_332] : memref<10000x128xf32, #tpu.memory_space<hbm>> -> memref<10000x128xf32, #tpu.memory_space<hbm>>
        tpu.wait_indirect_dma semaphore(%arg18 : memref<!tpu.dma_semaphore, #tpu.memory_space<semaphore_mem>>) src(%dma_wait3A_333 : memref<10000x128xf32, #tpu.memory_space<hbm>>) dst(%arg11 : memref<128x128xf32, #tpu.memory_space<vmem>>)
        %run_scoped3A_334 = arith.constant 1 : i32
        "tpu.region"() ({
          %run_scoped3A_444 = tpu.sem_alloc : memref<!tpu.dma_semaphore, #tpu.memory_space<semaphore_mem>>
          %dma_start3A_445 = arith.constant 0 : i32
          %dma_start3A_446 = tpu.memref_slice %arg9[%run_scoped3A_334, %dma_start3A_445] : memref<2x128xi32, #tpu.memory_space<vmem>> -> memref<1x128xi32, #tpu.memory_space<vmem>>
          %dma_start3A_447 = tpu.memref_squeeze %dma_start3A_446 : memref<1x128xi32, #tpu.memory_space<vmem>> -> memref<128xi32, #tpu.memory_space<vmem>>
          %dma_start3A_448 = arith.constant 0 : i32
          %dma_start3A_449 = arith.constant 0 : i32
          %dma_start3A_450 = tpu.memref_slice %arg13[%dma_start3A_448, %dma_start3A_449] : memref<10008x128xf32, #tpu.memory_space<vmem_shared>> -> memref<10008x128xf32, #tpu.memory_space<vmem_shared>>
          tpu.enqueue_indirect_dma source(%arg11 : memref<128x128xf32, #tpu.memory_space<vmem>>) target(%dma_start3A_450 : memref<10008x128xf32, #tpu.memory_space<vmem_shared>>) offsets(%dma_start3A_447 : memref<128xi32, #tpu.memory_space<vmem>>) semaphore(%run_scoped3A_444 : memref<!tpu.dma_semaphore, #tpu.memory_space<semaphore_mem>>) {add = true}
          %dma_wait3A_451 = arith.constant 0 : i32
          %dma_wait3A_452 = tpu.memref_slice %arg9[%run_scoped3A_334, %dma_wait3A_451] : memref<2x128xi32, #tpu.memory_space<vmem>> -> memref<1x128xi32, #tpu.memory_space<vmem>>
          %dma_wait3A_453 = tpu.memref_squeeze %dma_wait3A_452 : memref<1x128xi32, #tpu.memory_space<vmem>> -> memref<128xi32, #tpu.memory_space<vmem>>
          %dma_wait3A_454 = arith.constant 0 : i32
          %dma_wait3A_455 = arith.constant 0 : i32
          %dma_wait3A_456 = tpu.memref_slice %arg13[%dma_wait3A_454, %dma_wait3A_455] : memref<10008x128xf32, #tpu.memory_space<vmem_shared>> -> memref<10008x128xf32, #tpu.memory_space<vmem_shared>>
          tpu.wait_indirect_dma semaphore(%run_scoped3A_444 : memref<!tpu.dma_semaphore, #tpu.memory_space<semaphore_mem>>) src(%arg11 : memref<128x128xf32, #tpu.memory_space<vmem>>) dst(%dma_wait3A_456 : memref<10008x128xf32, #tpu.memory_space<vmem_shared>>)
          tpu.yield
        }) : () -> ()
        %add3A_335 = arith.constant 4 : i32
        %add3A_336 = arith.addi %add3A_326, %add3A_335 : i32
        %dma_start3A_337 = arith.constant 0 : i32
        %dma_start3A_338 = arith.constant 0 : i32
        %dma_start3A_339 = tpu.memref_slice %arg2[%arg1, %add3A_336, %dma_start3A_337, %dma_start3A_338] : memref<16x80x2x128xi32, #tpu.memory_space<hbm>> -> memref<1x1x2x128xi32, #tpu.memory_space<hbm>>
        %dma_start3A_340 = tpu.memref_squeeze %dma_start3A_339 : memref<1x1x2x128xi32, #tpu.memory_space<hbm>> -> memref<2x128xi32, #tpu.memory_space<hbm>>
        %dma_start3A_341 = arith.constant 0 : i32
        %dma_start3A_342 = arith.constant 0 : i32
        %dma_start3A_343 = tpu.memref_slice %arg2[%arg1, %add3A_336, %dma_start3A_341, %dma_start3A_342] : memref<16x80x2x128xi32, #tpu.memory_space<hbm>> -> memref<1x1x2x128xi32, #tpu.memory_space<hbm>>
        %dma_start3A_344 = tpu.memref_squeeze %dma_start3A_343 : memref<1x1x2x128xi32, #tpu.memory_space<hbm>> -> memref<2x128xi32, #tpu.memory_space<hbm>>
        tpu.enqueue_dma source(%dma_start3A_344 : memref<2x128xi32, #tpu.memory_space<hbm>>) target(%arg9 : memref<2x128xi32, #tpu.memory_space<vmem>>) target_semaphore(%arg16 : memref<!tpu.dma_semaphore, #tpu.memory_space<semaphore_mem>>)
        %add3A_345 = arith.constant 2 : i32
        %add3A_346 = arith.addi %add3A_326, %add3A_345 : i32
        %dma_wait3A_347 = arith.constant 0 : i32
        %dma_wait3A_348 = arith.constant 0 : i32
        %dma_wait3A_349 = tpu.memref_slice %arg2[%arg1, %add3A_346, %dma_wait3A_347, %dma_wait3A_348] : memref<16x80x2x128xi32, #tpu.memory_space<hbm>> -> memref<1x1x2x128xi32, #tpu.memory_space<hbm>>
        %dma_wait3A_350 = tpu.memref_squeeze %dma_wait3A_349 : memref<1x1x2x128xi32, #tpu.memory_space<hbm>> -> memref<2x128xi32, #tpu.memory_space<hbm>>
        %dma_wait3A_351 = arith.constant 0 : i32
        %dma_wait3A_352 = arith.constant 0 : i32
        %dma_wait3A_353 = tpu.memref_slice %arg2[%arg1, %add3A_346, %dma_wait3A_351, %dma_wait3A_352] : memref<16x80x2x128xi32, #tpu.memory_space<hbm>> -> memref<1x1x2x128xi32, #tpu.memory_space<hbm>>
        %dma_wait3A_354 = tpu.memref_squeeze %dma_wait3A_353 : memref<1x1x2x128xi32, #tpu.memory_space<hbm>> -> memref<2x128xi32, #tpu.memory_space<hbm>>
        tpu.wait_dma2 semaphore(%arg14 : memref<!tpu.dma_semaphore, #tpu.memory_space<semaphore_mem>>) src(%dma_wait3A_354 : memref<2x128xi32, #tpu.memory_space<hbm>>) dst(%arg7 : memref<2x128xi32, #tpu.memory_space<vmem>>)
        %dma_start3A_355 = arith.constant 0 : i32
        %dma_start3A_356 = arith.constant 0 : i32
        %dma_start3A_357 = tpu.memref_slice %arg7[%dma_start3A_355, %dma_start3A_356] : memref<2x128xi32, #tpu.memory_space<vmem>> -> memref<1x128xi32, #tpu.memory_space<vmem>>
        %dma_start3A_358 = tpu.memref_squeeze %dma_start3A_357 : memref<1x128xi32, #tpu.memory_space<vmem>> -> memref<128xi32, #tpu.memory_space<vmem>>
        %dma_start3A_359 = arith.constant 0 : i32
        %dma_start3A_360 = arith.constant 0 : i32
        %dma_start3A_361 = tpu.memref_slice %arg4[%dma_start3A_359, %dma_start3A_360] : memref<10000x128xf32, #tpu.memory_space<hbm>> -> memref<10000x128xf32, #tpu.memory_space<hbm>>
        tpu.enqueue_indirect_dma source(%dma_start3A_361 : memref<10000x128xf32, #tpu.memory_space<hbm>>) target(%arg11 : memref<128x128xf32, #tpu.memory_space<vmem>>) offsets(%dma_start3A_358 : memref<128xi32, #tpu.memory_space<vmem>>) semaphore(%arg18 : memref<!tpu.dma_semaphore, #tpu.memory_space<semaphore_mem>>)
        %mul3A_362 = arith.constant 4 : i32
        %mul3A_363 = arith.muli %mul3A_362, %scan3A_280 : i32
        %add3A_364 = arith.constant 1 : i32
        %add3A_365 = arith.addi %mul3A_363, %add3A_364 : i32
        %add3A_366 = arith.constant 2 : i32
        %add3A_367 = arith.addi %add3A_365, %add3A_366 : i32
        %dma_wait3A_368 = arith.constant 0 : i32
        %dma_wait3A_369 = arith.constant 0 : i32
        %dma_wait3A_370 = tpu.memref_slice %arg10[%dma_wait3A_368, %dma_wait3A_369] : memref<2x128xi32, #tpu.memory_space<vmem>> -> memref<1x128xi32, #tpu.memory_space<vmem>>
        %dma_wait3A_371 = tpu.memref_squeeze %dma_wait3A_370 : memref<1x128xi32, #tpu.memory_space<vmem>> -> memref<128xi32, #tpu.memory_space<vmem>>
        %dma_wait3A_372 = arith.constant 0 : i32
        %dma_wait3A_373 = arith.constant 0 : i32
        %dma_wait3A_374 = tpu.memref_slice %arg4[%dma_wait3A_372, %dma_wait3A_373] : memref<10000x128xf32, #tpu.memory_space<hbm>> -> memref<10000x128xf32, #tpu.memory_space<hbm>>
        tpu.wait_indirect_dma semaphore(%arg19 : memref<!tpu.dma_semaphore, #tpu.memory_space<semaphore_mem>>) src(%dma_wait3A_374 : memref<10000x128xf32, #tpu.memory_space<hbm>>) dst(%arg12 : memref<128x128xf32, #tpu.memory_space<vmem>>)
        %run_scoped3A_375 = arith.constant 1 : i32
        "tpu.region"() ({
          %run_scoped3A_444 = tpu.sem_alloc : memref<!tpu.dma_semaphore, #tpu.memory_space<semaphore_mem>>
          %dma_start3A_445 = arith.constant 0 : i32
          %dma_start3A_446 = tpu.memref_slice %arg10[%run_scoped3A_375, %dma_start3A_445] : memref<2x128xi32, #tpu.memory_space<vmem>> -> memref<1x128xi32, #tpu.memory_space<vmem>>
          %dma_start3A_447 = tpu.memref_squeeze %dma_start3A_446 : memref<1x128xi32, #tpu.memory_space<vmem>> -> memref<128xi32, #tpu.memory_space<vmem>>
          %dma_start3A_448 = arith.constant 0 : i32
          %dma_start3A_449 = arith.constant 0 : i32
          %dma_start3A_450 = tpu.memref_slice %arg13[%dma_start3A_448, %dma_start3A_449] : memref<10008x128xf32, #tpu.memory_space<vmem_shared>> -> memref<10008x128xf32, #tpu.memory_space<vmem_shared>>
          tpu.enqueue_indirect_dma source(%arg12 : memref<128x128xf32, #tpu.memory_space<vmem>>) target(%dma_start3A_450 : memref<10008x128xf32, #tpu.memory_space<vmem_shared>>) offsets(%dma_start3A_447 : memref<128xi32, #tpu.memory_space<vmem>>) semaphore(%run_scoped3A_444 : memref<!tpu.dma_semaphore, #tpu.memory_space<semaphore_mem>>) {add = true}
          %dma_wait3A_451 = arith.constant 0 : i32
          %dma_wait3A_452 = tpu.memref_slice %arg10[%run_scoped3A_375, %dma_wait3A_451] : memref<2x128xi32, #tpu.memory_space<vmem>> -> memref<1x128xi32, #tpu.memory_space<vmem>>
          %dma_wait3A_453 = tpu.memref_squeeze %dma_wait3A_452 : memref<1x128xi32, #tpu.memory_space<vmem>> -> memref<128xi32, #tpu.memory_space<vmem>>
          %dma_wait3A_454 = arith.constant 0 : i32
          %dma_wait3A_455 = arith.constant 0 : i32
          %dma_wait3A_456 = tpu.memref_slice %arg13[%dma_wait3A_454, %dma_wait3A_455] : memref<10008x128xf32, #tpu.memory_space<vmem_shared>> -> memref<10008x128xf32, #tpu.memory_space<vmem_shared>>
          tpu.wait_indirect_dma semaphore(%run_scoped3A_444 : memref<!tpu.dma_semaphore, #tpu.memory_space<semaphore_mem>>) src(%arg12 : memref<128x128xf32, #tpu.memory_space<vmem>>) dst(%dma_wait3A_456 : memref<10008x128xf32, #tpu.memory_space<vmem_shared>>)
          tpu.yield
        }) : () -> ()
        %add3A_376 = arith.constant 4 : i32
        %add3A_377 = arith.addi %add3A_367, %add3A_376 : i32
        %dma_start3A_378 = arith.constant 0 : i32
        %dma_start3A_379 = arith.constant 0 : i32
        %dma_start3A_380 = tpu.memref_slice %arg2[%arg1, %add3A_377, %dma_start3A_378, %dma_start3A_379] : memref<16x80x2x128xi32, #tpu.memory_space<hbm>> -> memref<1x1x2x128xi32, #tpu.memory_space<hbm>>
        %dma_start3A_381 = tpu.memref_squeeze %dma_start3A_380 : memref<1x1x2x128xi32, #tpu.memory_space<hbm>> -> memref<2x128xi32, #tpu.memory_space<hbm>>
        %dma_start3A_382 = arith.constant 0 : i32
        %dma_start3A_383 = arith.constant 0 : i32
        %dma_start3A_384 = tpu.memref_slice %arg2[%arg1, %add3A_377, %dma_start3A_382, %dma_start3A_383] : memref<16x80x2x128xi32, #tpu.memory_space<hbm>> -> memref<1x1x2x128xi32, #tpu.memory_space<hbm>>
        %dma_start3A_385 = tpu.memref_squeeze %dma_start3A_384 : memref<1x1x2x128xi32, #tpu.memory_space<hbm>> -> memref<2x128xi32, #tpu.memory_space<hbm>>
        tpu.enqueue_dma source(%dma_start3A_385 : memref<2x128xi32, #tpu.memory_space<hbm>>) target(%arg10 : memref<2x128xi32, #tpu.memory_space<vmem>>) target_semaphore(%arg17 : memref<!tpu.dma_semaphore, #tpu.memory_space<semaphore_mem>>)
        %add3A_386 = arith.constant 2 : i32
        %add3A_387 = arith.addi %add3A_367, %add3A_386 : i32
        %dma_wait3A_388 = arith.constant 0 : i32
        %dma_wait3A_389 = arith.constant 0 : i32
        %dma_wait3A_390 = tpu.memref_slice %arg2[%arg1, %add3A_387, %dma_wait3A_388, %dma_wait3A_389] : memref<16x80x2x128xi32, #tpu.memory_space<hbm>> -> memref<1x1x2x128xi32, #tpu.memory_space<hbm>>
        %dma_wait3A_391 = tpu.memref_squeeze %dma_wait3A_390 : memref<1x1x2x128xi32, #tpu.memory_space<hbm>> -> memref<2x128xi32, #tpu.memory_space<hbm>>
        %dma_wait3A_392 = arith.constant 0 : i32
        %dma_wait3A_393 = arith.constant 0 : i32
        %dma_wait3A_394 = tpu.memref_slice %arg2[%arg1, %add3A_387, %dma_wait3A_392, %dma_wait3A_393] : memref<16x80x2x128xi32, #tpu.memory_space<hbm>> -> memref<1x1x2x128xi32, #tpu.memory_space<hbm>>
        %dma_wait3A_395 = tpu.memref_squeeze %dma_wait3A_394 : memref<1x1x2x128xi32, #tpu.memory_space<hbm>> -> memref<2x128xi32, #tpu.memory_space<hbm>>
        tpu.wait_dma2 semaphore(%arg15 : memref<!tpu.dma_semaphore, #tpu.memory_space<semaphore_mem>>) src(%dma_wait3A_395 : memref<2x128xi32, #tpu.memory_space<hbm>>) dst(%arg8 : memref<2x128xi32, #tpu.memory_space<vmem>>)
        %dma_start3A_396 = arith.constant 0 : i32
        %dma_start3A_397 = arith.constant 0 : i32
        %dma_start3A_398 = tpu.memref_slice %arg8[%dma_start3A_396, %dma_start3A_397] : memref<2x128xi32, #tpu.memory_space<vmem>> -> memref<1x128xi32, #tpu.memory_space<vmem>>
        %dma_start3A_399 = tpu.memref_squeeze %dma_start3A_398 : memref<1x128xi32, #tpu.memory_space<vmem>> -> memref<128xi32, #tpu.memory_space<vmem>>
        %dma_start3A_400 = arith.constant 0 : i32
        %dma_start3A_401 = arith.constant 0 : i32
        %dma_start3A_402 = tpu.memref_slice %arg4[%dma_start3A_400, %dma_start3A_401] : memref<10000x128xf32, #tpu.memory_space<hbm>> -> memref<10000x128xf32, #tpu.memory_space<hbm>>
        tpu.enqueue_indirect_dma source(%dma_start3A_402 : memref<10000x128xf32, #tpu.memory_space<hbm>>) target(%arg12 : memref<128x128xf32, #tpu.memory_space<vmem>>) offsets(%dma_start3A_399 : memref<128xi32, #tpu.memory_space<vmem>>) semaphore(%arg19 : memref<!tpu.dma_semaphore, #tpu.memory_space<semaphore_mem>>)
        %mul3A_403 = arith.constant 4 : i32
        %mul3A_404 = arith.muli %mul3A_403, %scan3A_280 : i32
        %add3A_405 = arith.constant 1 : i32
        %add3A_406 = arith.addi %mul3A_404, %add3A_405 : i32
        %add3A_407 = arith.constant 3 : i32
        %add3A_408 = arith.addi %add3A_406, %add3A_407 : i32
        %dma_wait3A_409 = arith.constant 0 : i32
        %dma_wait3A_410 = arith.constant 0 : i32
        %dma_wait3A_411 = tpu.memref_slice %arg7[%dma_wait3A_409, %dma_wait3A_410] : memref<2x128xi32, #tpu.memory_space<vmem>> -> memref<1x128xi32, #tpu.memory_space<vmem>>
        %dma_wait3A_412 = tpu.memref_squeeze %dma_wait3A_411 : memref<1x128xi32, #tpu.memory_space<vmem>> -> memref<128xi32, #tpu.memory_space<vmem>>
        %dma_wait3A_413 = arith.constant 0 : i32
        %dma_wait3A_414 = arith.constant 0 : i32
        %dma_wait3A_415 = tpu.memref_slice %arg4[%dma_wait3A_413, %dma_wait3A_414] : memref<10000x128xf32, #tpu.memory_space<hbm>> -> memref<10000x128xf32, #tpu.memory_space<hbm>>
        tpu.wait_indirect_dma semaphore(%arg18 : memref<!tpu.dma_semaphore, #tpu.memory_space<semaphore_mem>>) src(%dma_wait3A_415 : memref<10000x128xf32, #tpu.memory_space<hbm>>) dst(%arg11 : memref<128x128xf32, #tpu.memory_space<vmem>>)
        %run_scoped3A_416 = arith.constant 1 : i32
        "tpu.region"() ({
          %run_scoped3A_444 = tpu.sem_alloc : memref<!tpu.dma_semaphore, #tpu.memory_space<semaphore_mem>>
          %dma_start3A_445 = arith.constant 0 : i32
          %dma_start3A_446 = tpu.memref_slice %arg7[%run_scoped3A_416, %dma_start3A_445] : memref<2x128xi32, #tpu.memory_space<vmem>> -> memref<1x128xi32, #tpu.memory_space<vmem>>
          %dma_start3A_447 = tpu.memref_squeeze %dma_start3A_446 : memref<1x128xi32, #tpu.memory_space<vmem>> -> memref<128xi32, #tpu.memory_space<vmem>>
          %dma_start3A_448 = arith.constant 0 : i32
          %dma_start3A_449 = arith.constant 0 : i32
          %dma_start3A_450 = tpu.memref_slice %arg13[%dma_start3A_448, %dma_start3A_449] : memref<10008x128xf32, #tpu.memory_space<vmem_shared>> -> memref<10008x128xf32, #tpu.memory_space<vmem_shared>>
          tpu.enqueue_indirect_dma source(%arg11 : memref<128x128xf32, #tpu.memory_space<vmem>>) target(%dma_start3A_450 : memref<10008x128xf32, #tpu.memory_space<vmem_shared>>) offsets(%dma_start3A_447 : memref<128xi32, #tpu.memory_space<vmem>>) semaphore(%run_scoped3A_444 : memref<!tpu.dma_semaphore, #tpu.memory_space<semaphore_mem>>) {add = true}
          %dma_wait3A_451 = arith.constant 0 : i32
          %dma_wait3A_452 = tpu.memref_slice %arg7[%run_scoped3A_416, %dma_wait3A_451] : memref<2x128xi32, #tpu.memory_space<vmem>> -> memref<1x128xi32, #tpu.memory_space<vmem>>
          %dma_wait3A_453 = tpu.memref_squeeze %dma_wait3A_452 : memref<1x128xi32, #tpu.memory_space<vmem>> -> memref<128xi32, #tpu.memory_space<vmem>>
          %dma_wait3A_454 = arith.constant 0 : i32
          %dma_wait3A_455 = arith.constant 0 : i32
          %dma_wait3A_456 = tpu.memref_slice %arg13[%dma_wait3A_454, %dma_wait3A_455] : memref<10008x128xf32, #tpu.memory_space<vmem_shared>> -> memref<10008x128xf32, #tpu.memory_space<vmem_shared>>
          tpu.wait_indirect_dma semaphore(%run_scoped3A_444 : memref<!tpu.dma_semaphore, #tpu.memory_space<semaphore_mem>>) src(%arg11 : memref<128x128xf32, #tpu.memory_space<vmem>>) dst(%dma_wait3A_456 : memref<10008x128xf32, #tpu.memory_space<vmem_shared>>)
          tpu.yield
        }) : () -> ()
        %add3A_417 = arith.constant 4 : i32
        %add3A_418 = arith.addi %add3A_408, %add3A_417 : i32
        %dma_start3A_419 = arith.constant 0 : i32
        %dma_start3A_420 = arith.constant 0 : i32
        %dma_start3A_421 = tpu.memref_slice %arg2[%arg1, %add3A_418, %dma_start3A_419, %dma_start3A_420] : memref<16x80x2x128xi32, #tpu.memory_space<hbm>> -> memref<1x1x2x128xi32, #tpu.memory_space<hbm>>
        %dma_start3A_422 = tpu.memref_squeeze %dma_start3A_421 : memref<1x1x2x128xi32, #tpu.memory_space<hbm>> -> memref<2x128xi32, #tpu.memory_space<hbm>>
        %dma_start3A_423 = arith.constant 0 : i32
        %dma_start3A_424 = arith.constant 0 : i32
        %dma_start3A_425 = tpu.memref_slice %arg2[%arg1, %add3A_418, %dma_start3A_423, %dma_start3A_424] : memref<16x80x2x128xi32, #tpu.memory_space<hbm>> -> memref<1x1x2x128xi32, #tpu.memory_space<hbm>>
        %dma_start3A_426 = tpu.memref_squeeze %dma_start3A_425 : memref<1x1x2x128xi32, #tpu.memory_space<hbm>> -> memref<2x128xi32, #tpu.memory_space<hbm>>
        tpu.enqueue_dma source(%dma_start3A_426 : memref<2x128xi32, #tpu.memory_space<hbm>>) target(%arg7 : memref<2x128xi32, #tpu.memory_space<vmem>>) target_semaphore(%arg14 : memref<!tpu.dma_semaphore, #tpu.memory_space<semaphore_mem>>)
        %add3A_427 = arith.constant 2 : i32
        %add3A_428 = arith.addi %add3A_408, %add3A_427 : i32
        %dma_wait3A_429 = arith.constant 0 : i32
        %dma_wait3A_430 = arith.constant 0 : i32
        %dma_wait3A_431 = tpu.memref_slice %arg2[%arg1, %add3A_428, %dma_wait3A_429, %dma_wait3A_430] : memref<16x80x2x128xi32, #tpu.memory_space<hbm>> -> memref<1x1x2x128xi32, #tpu.memory_space<hbm>>
        %dma_wait3A_432 = tpu.memref_squeeze %dma_wait3A_431 : memref<1x1x2x128xi32, #tpu.memory_space<hbm>> -> memref<2x128xi32, #tpu.memory_space<hbm>>
        %dma_wait3A_433 = arith.constant 0 : i32
        %dma_wait3A_434 = arith.constant 0 : i32
        %dma_wait3A_435 = tpu.memref_slice %arg2[%arg1, %add3A_428, %dma_wait3A_433, %dma_wait3A_434] : memref<16x80x2x128xi32, #tpu.memory_space<hbm>> -> memref<1x1x2x128xi32, #tpu.memory_space<hbm>>
        %dma_wait3A_436 = tpu.memref_squeeze %dma_wait3A_435 : memref<1x1x2x128xi32, #tpu.memory_space<hbm>> -> memref<2x128xi32, #tpu.memory_space<hbm>>
        tpu.wait_dma2 semaphore(%arg16 : memref<!tpu.dma_semaphore, #tpu.memory_space<semaphore_mem>>) src(%dma_wait3A_436 : memref<2x128xi32, #tpu.memory_space<hbm>>) dst(%arg9 : memref<2x128xi32, #tpu.memory_space<vmem>>)
        %dma_start3A_437 = arith.constant 0 : i32
        %dma_start3A_438 = arith.constant 0 : i32
        %dma_start3A_439 = tpu.memref_slice %arg9[%dma_start3A_437, %dma_start3A_438] : memref<2x128xi32, #tpu.memory_space<vmem>> -> memref<1x128xi32, #tpu.memory_space<vmem>>
        %dma_start3A_440 = tpu.memref_squeeze %dma_start3A_439 : memref<1x128xi32, #tpu.memory_space<vmem>> -> memref<128xi32, #tpu.memory_space<vmem>>
        %dma_start3A_441 = arith.constant 0 : i32
        %dma_start3A_442 = arith.constant 0 : i32
        %dma_start3A_443 = tpu.memref_slice %arg4[%dma_start3A_441, %dma_start3A_442] : memref<10000x128xf32, #tpu.memory_space<hbm>> -> memref<10000x128xf32, #tpu.memory_space<hbm>>
        tpu.enqueue_indirect_dma source(%dma_start3A_443 : memref<10000x128xf32, #tpu.memory_space<hbm>>) target(%arg11 : memref<128x128xf32, #tpu.memory_space<vmem>>) offsets(%dma_start3A_440 : memref<128xi32, #tpu.memory_space<vmem>>) semaphore(%arg18 : memref<!tpu.dma_semaphore, #tpu.memory_space<semaphore_mem>>)
      }
      %scan3A_115 = arith.constant 18 : i32
      %dma_wait3A_116 = arith.constant 0 : i32
      %dma_wait3A_117 = arith.constant 0 : i32
      %dma_wait3A_118 = tpu.memref_slice %arg8[%dma_wait3A_116, %dma_wait3A_117] : memref<2x128xi32, #tpu.memory_space<vmem>> -> memref<1x128xi32, #tpu.memory_space<vmem>>
      %dma_wait3A_119 = tpu.memref_squeeze %dma_wait3A_118 : memref<1x128xi32, #tpu.memory_space<vmem>> -> memref<128xi32, #tpu.memory_space<vmem>>
      %dma_wait3A_120 = arith.constant 0 : i32
      %dma_wait3A_121 = arith.constant 0 : i32
      %dma_wait3A_122 = tpu.memref_slice %arg4[%dma_wait3A_120, %dma_wait3A_121] : memref<10000x128xf32, #tpu.memory_space<hbm>> -> memref<10000x128xf32, #tpu.memory_space<hbm>>
      tpu.wait_indirect_dma semaphore(%arg19 : memref<!tpu.dma_semaphore, #tpu.memory_space<semaphore_mem>>) src(%dma_wait3A_122 : memref<10000x128xf32, #tpu.memory_space<hbm>>) dst(%arg12 : memref<128x128xf32, #tpu.memory_space<vmem>>)
      %run_scoped3A_123 = arith.constant 1 : i32
      "tpu.region"() ({
        %run_scoped3A_280 = tpu.sem_alloc : memref<!tpu.dma_semaphore, #tpu.memory_space<semaphore_mem>>
        %dma_start3A_281 = arith.constant 0 : i32
        %dma_start3A_282 = tpu.memref_slice %arg8[%run_scoped3A_123, %dma_start3A_281] : memref<2x128xi32, #tpu.memory_space<vmem>> -> memref<1x128xi32, #tpu.memory_space<vmem>>
        %dma_start3A_283 = tpu.memref_squeeze %dma_start3A_282 : memref<1x128xi32, #tpu.memory_space<vmem>> -> memref<128xi32, #tpu.memory_space<vmem>>
        %dma_start3A_284 = arith.constant 0 : i32
        %dma_start3A_285 = arith.constant 0 : i32
        %dma_start3A_286 = tpu.memref_slice %arg13[%dma_start3A_284, %dma_start3A_285] : memref<10008x128xf32, #tpu.memory_space<vmem_shared>> -> memref<10008x128xf32, #tpu.memory_space<vmem_shared>>
        tpu.enqueue_indirect_dma source(%arg12 : memref<128x128xf32, #tpu.memory_space<vmem>>) target(%dma_start3A_286 : memref<10008x128xf32, #tpu.memory_space<vmem_shared>>) offsets(%dma_start3A_283 : memref<128xi32, #tpu.memory_space<vmem>>) semaphore(%run_scoped3A_280 : memref<!tpu.dma_semaphore, #tpu.memory_space<semaphore_mem>>) {add = true}
        %dma_wait3A_287 = arith.constant 0 : i32
        %dma_wait3A_288 = tpu.memref_slice %arg8[%run_scoped3A_123, %dma_wait3A_287] : memref<2x128xi32, #tpu.memory_space<vmem>> -> memref<1x128xi32, #tpu.memory_space<vmem>>
        %dma_wait3A_289 = tpu.memref_squeeze %dma_wait3A_288 : memref<1x128xi32, #tpu.memory_space<vmem>> -> memref<128xi32, #tpu.memory_space<vmem>>
        %dma_wait3A_290 = arith.constant 0 : i32
        %dma_wait3A_291 = arith.constant 0 : i32
        %dma_wait3A_292 = tpu.memref_slice %arg13[%dma_wait3A_290, %dma_wait3A_291] : memref<10008x128xf32, #tpu.memory_space<vmem_shared>> -> memref<10008x128xf32, #tpu.memory_space<vmem_shared>>
        tpu.wait_indirect_dma semaphore(%run_scoped3A_280 : memref<!tpu.dma_semaphore, #tpu.memory_space<semaphore_mem>>) src(%arg12 : memref<128x128xf32, #tpu.memory_space<vmem>>) dst(%dma_wait3A_292 : memref<10008x128xf32, #tpu.memory_space<vmem_shared>>)
        tpu.yield
      }) : () -> ()
      %dma_start3A_124 = arith.constant 77 : i32
      %dma_start3A_125 = arith.constant 0 : i32
      %dma_start3A_126 = arith.constant 0 : i32
      %dma_start3A_127 = tpu.memref_slice %arg2[%arg1, %dma_start3A_124, %dma_start3A_125, %dma_start3A_126] : memref<16x80x2x128xi32, #tpu.memory_space<hbm>> -> memref<1x1x2x128xi32, #tpu.memory_space<hbm>>
      %dma_start3A_128 = tpu.memref_squeeze %dma_start3A_127 : memref<1x1x2x128xi32, #tpu.memory_space<hbm>> -> memref<2x128xi32, #tpu.memory_space<hbm>>
      %dma_start3A_129 = arith.constant 0 : i32
      %dma_start3A_130 = arith.constant 0 : i32
      %dma_start3A_131 = tpu.memref_slice %arg2[%arg1, %dma_start3A_124, %dma_start3A_129, %dma_start3A_130] : memref<16x80x2x128xi32, #tpu.memory_space<hbm>> -> memref<1x1x2x128xi32, #tpu.memory_space<hbm>>
      %dma_start3A_132 = tpu.memref_squeeze %dma_start3A_131 : memref<1x1x2x128xi32, #tpu.memory_space<hbm>> -> memref<2x128xi32, #tpu.memory_space<hbm>>
      tpu.enqueue_dma source(%dma_start3A_132 : memref<2x128xi32, #tpu.memory_space<hbm>>) target(%arg8 : memref<2x128xi32, #tpu.memory_space<vmem>>) target_semaphore(%arg15 : memref<!tpu.dma_semaphore, #tpu.memory_space<semaphore_mem>>)
      %dma_wait3A_133 = arith.constant 75 : i32
      %dma_wait3A_134 = arith.constant 0 : i32
      %dma_wait3A_135 = arith.constant 0 : i32
      %dma_wait3A_136 = tpu.memref_slice %arg2[%arg1, %dma_wait3A_133, %dma_wait3A_134, %dma_wait3A_135] : memref<16x80x2x128xi32, #tpu.memory_space<hbm>> -> memref<1x1x2x128xi32, #tpu.memory_space<hbm>>
      %dma_wait3A_137 = tpu.memref_squeeze %dma_wait3A_136 : memref<1x1x2x128xi32, #tpu.memory_space<hbm>> -> memref<2x128xi32, #tpu.memory_space<hbm>>
      %dma_wait3A_138 = arith.constant 0 : i32
      %dma_wait3A_139 = arith.constant 0 : i32
      %dma_wait3A_140 = tpu.memref_slice %arg2[%arg1, %dma_wait3A_133, %dma_wait3A_138, %dma_wait3A_139] : memref<16x80x2x128xi32, #tpu.memory_space<hbm>> -> memref<1x1x2x128xi32, #tpu.memory_space<hbm>>
      %dma_wait3A_141 = tpu.memref_squeeze %dma_wait3A_140 : memref<1x1x2x128xi32, #tpu.memory_space<hbm>> -> memref<2x128xi32, #tpu.memory_space<hbm>>
      tpu.wait_dma2 semaphore(%arg17 : memref<!tpu.dma_semaphore, #tpu.memory_space<semaphore_mem>>) src(%dma_wait3A_141 : memref<2x128xi32, #tpu.memory_space<hbm>>) dst(%arg10 : memref<2x128xi32, #tpu.memory_space<vmem>>)
      %dma_start3A_142 = arith.constant 0 : i32
      %dma_start3A_143 = arith.constant 0 : i32
      %dma_start3A_144 = tpu.memref_slice %arg10[%dma_start3A_142, %dma_start3A_143] : memref<2x128xi32, #tpu.memory_space<vmem>> -> memref<1x128xi32, #tpu.memory_space<vmem>>
      %dma_start3A_145 = tpu.memref_squeeze %dma_start3A_144 : memref<1x128xi32, #tpu.memory_space<vmem>> -> memref<128xi32, #tpu.memory_space<vmem>>
      %dma_start3A_146 = arith.constant 0 : i32
      %dma_start3A_147 = arith.constant 0 : i32
      %dma_start3A_148 = tpu.memref_slice %arg4[%dma_start3A_146, %dma_start3A_147] : memref<10000x128xf32, #tpu.memory_space<hbm>> -> memref<10000x128xf32, #tpu.memory_space<hbm>>
      tpu.enqueue_indirect_dma source(%dma_start3A_148 : memref<10000x128xf32, #tpu.memory_space<hbm>>) target(%arg12 : memref<128x128xf32, #tpu.memory_space<vmem>>) offsets(%dma_start3A_145 : memref<128xi32, #tpu.memory_space<vmem>>) semaphore(%arg19 : memref<!tpu.dma_semaphore, #tpu.memory_space<semaphore_mem>>)
      %dma_wait3A_149 = arith.constant 0 : i32
      %dma_wait3A_150 = arith.constant 0 : i32
      %dma_wait3A_151 = tpu.memref_slice %arg9[%dma_wait3A_149, %dma_wait3A_150] : memref<2x128xi32, #tpu.memory_space<vmem>> -> memref<1x128xi32, #tpu.memory_space<vmem>>
      %dma_wait3A_152 = tpu.memref_squeeze %dma_wait3A_151 : memref<1x128xi32, #tpu.memory_space<vmem>> -> memref<128xi32, #tpu.memory_space<vmem>>
      %dma_wait3A_153 = arith.constant 0 : i32
      %dma_wait3A_154 = arith.constant 0 : i32
      %dma_wait3A_155 = tpu.memref_slice %arg4[%dma_wait3A_153, %dma_wait3A_154] : memref<10000x128xf32, #tpu.memory_space<hbm>> -> memref<10000x128xf32, #tpu.memory_space<hbm>>
      tpu.wait_indirect_dma semaphore(%arg18 : memref<!tpu.dma_semaphore, #tpu.memory_space<semaphore_mem>>) src(%dma_wait3A_155 : memref<10000x128xf32, #tpu.memory_space<hbm>>) dst(%arg11 : memref<128x128xf32, #tpu.memory_space<vmem>>)
      %run_scoped3A_156 = arith.constant 1 : i32
      "tpu.region"() ({
        %run_scoped3A_280 = tpu.sem_alloc : memref<!tpu.dma_semaphore, #tpu.memory_space<semaphore_mem>>
        %dma_start3A_281 = arith.constant 0 : i32
        %dma_start3A_282 = tpu.memref_slice %arg9[%run_scoped3A_156, %dma_start3A_281] : memref<2x128xi32, #tpu.memory_space<vmem>> -> memref<1x128xi32, #tpu.memory_space<vmem>>
        %dma_start3A_283 = tpu.memref_squeeze %dma_start3A_282 : memref<1x128xi32, #tpu.memory_space<vmem>> -> memref<128xi32, #tpu.memory_space<vmem>>
        %dma_start3A_284 = arith.constant 0 : i32
        %dma_start3A_285 = arith.constant 0 : i32
        %dma_start3A_286 = tpu.memref_slice %arg13[%dma_start3A_284, %dma_start3A_285] : memref<10008x128xf32, #tpu.memory_space<vmem_shared>> -> memref<10008x128xf32, #tpu.memory_space<vmem_shared>>
        tpu.enqueue_indirect_dma source(%arg11 : memref<128x128xf32, #tpu.memory_space<vmem>>) target(%dma_start3A_286 : memref<10008x128xf32, #tpu.memory_space<vmem_shared>>) offsets(%dma_start3A_283 : memref<128xi32, #tpu.memory_space<vmem>>) semaphore(%run_scoped3A_280 : memref<!tpu.dma_semaphore, #tpu.memory_space<semaphore_mem>>) {add = true}
        %dma_wait3A_287 = arith.constant 0 : i32
        %dma_wait3A_288 = tpu.memref_slice %arg9[%run_scoped3A_156, %dma_wait3A_287] : memref<2x128xi32, #tpu.memory_space<vmem>> -> memref<1x128xi32, #tpu.memory_space<vmem>>
        %dma_wait3A_289 = tpu.memref_squeeze %dma_wait3A_288 : memref<1x128xi32, #tpu.memory_space<vmem>> -> memref<128xi32, #tpu.memory_space<vmem>>
        %dma_wait3A_290 = arith.constant 0 : i32
        %dma_wait3A_291 = arith.constant 0 : i32
        %dma_wait3A_292 = tpu.memref_slice %arg13[%dma_wait3A_290, %dma_wait3A_291] : memref<10008x128xf32, #tpu.memory_space<vmem_shared>> -> memref<10008x128xf32, #tpu.memory_space<vmem_shared>>
        tpu.wait_indirect_dma semaphore(%run_scoped3A_280 : memref<!tpu.dma_semaphore, #tpu.memory_space<semaphore_mem>>) src(%arg11 : memref<128x128xf32, #tpu.memory_space<vmem>>) dst(%dma_wait3A_292 : memref<10008x128xf32, #tpu.memory_space<vmem_shared>>)
        tpu.yield
      }) : () -> ()
      %dma_start3A_157 = arith.constant 78 : i32
      %dma_start3A_158 = arith.constant 0 : i32
      %dma_start3A_159 = arith.constant 0 : i32
      %dma_start3A_160 = tpu.memref_slice %arg2[%arg1, %dma_start3A_157, %dma_start3A_158, %dma_start3A_159] : memref<16x80x2x128xi32, #tpu.memory_space<hbm>> -> memref<1x1x2x128xi32, #tpu.memory_space<hbm>>
      %dma_start3A_161 = tpu.memref_squeeze %dma_start3A_160 : memref<1x1x2x128xi32, #tpu.memory_space<hbm>> -> memref<2x128xi32, #tpu.memory_space<hbm>>
      %dma_start3A_162 = arith.constant 0 : i32
      %dma_start3A_163 = arith.constant 0 : i32
      %dma_start3A_164 = tpu.memref_slice %arg2[%arg1, %dma_start3A_157, %dma_start3A_162, %dma_start3A_163] : memref<16x80x2x128xi32, #tpu.memory_space<hbm>> -> memref<1x1x2x128xi32, #tpu.memory_space<hbm>>
      %dma_start3A_165 = tpu.memref_squeeze %dma_start3A_164 : memref<1x1x2x128xi32, #tpu.memory_space<hbm>> -> memref<2x128xi32, #tpu.memory_space<hbm>>
      tpu.enqueue_dma source(%dma_start3A_165 : memref<2x128xi32, #tpu.memory_space<hbm>>) target(%arg9 : memref<2x128xi32, #tpu.memory_space<vmem>>) target_semaphore(%arg16 : memref<!tpu.dma_semaphore, #tpu.memory_space<semaphore_mem>>)
      %dma_wait3A_166 = arith.constant 76 : i32
      %dma_wait3A_167 = arith.constant 0 : i32
      %dma_wait3A_168 = arith.constant 0 : i32
      %dma_wait3A_169 = tpu.memref_slice %arg2[%arg1, %dma_wait3A_166, %dma_wait3A_167, %dma_wait3A_168] : memref<16x80x2x128xi32, #tpu.memory_space<hbm>> -> memref<1x1x2x128xi32, #tpu.memory_space<hbm>>
      %dma_wait3A_170 = tpu.memref_squeeze %dma_wait3A_169 : memref<1x1x2x128xi32, #tpu.memory_space<hbm>> -> memref<2x128xi32, #tpu.memory_space<hbm>>
      %dma_wait3A_171 = arith.constant 0 : i32
      %dma_wait3A_172 = arith.constant 0 : i32
      %dma_wait3A_173 = tpu.memref_slice %arg2[%arg1, %dma_wait3A_166, %dma_wait3A_171, %dma_wait3A_172] : memref<16x80x2x128xi32, #tpu.memory_space<hbm>> -> memref<1x1x2x128xi32, #tpu.memory_space<hbm>>
      %dma_wait3A_174 = tpu.memref_squeeze %dma_wait3A_173 : memref<1x1x2x128xi32, #tpu.memory_space<hbm>> -> memref<2x128xi32, #tpu.memory_space<hbm>>
      tpu.wait_dma2 semaphore(%arg14 : memref<!tpu.dma_semaphore, #tpu.memory_space<semaphore_mem>>) src(%dma_wait3A_174 : memref<2x128xi32, #tpu.memory_space<hbm>>) dst(%arg7 : memref<2x128xi32, #tpu.memory_space<vmem>>)
      %dma_start3A_175 = arith.constant 0 : i32
      %dma_start3A_176 = arith.constant 0 : i32
      %dma_start3A_177 = tpu.memref_slice %arg7[%dma_start3A_175, %dma_start3A_176] : memref<2x128xi32, #tpu.memory_space<vmem>> -> memref<1x128xi32, #tpu.memory_space<vmem>>
      %dma_start3A_178 = tpu.memref_squeeze %dma_start3A_177 : memref<1x128xi32, #tpu.memory_space<vmem>> -> memref<128xi32, #tpu.memory_space<vmem>>
      %dma_start3A_179 = arith.constant 0 : i32
      %dma_start3A_180 = arith.constant 0 : i32
      %dma_start3A_181 = tpu.memref_slice %arg4[%dma_start3A_179, %dma_start3A_180] : memref<10000x128xf32, #tpu.memory_space<hbm>> -> memref<10000x128xf32, #tpu.memory_space<hbm>>
      tpu.enqueue_indirect_dma source(%dma_start3A_181 : memref<10000x128xf32, #tpu.memory_space<hbm>>) target(%arg11 : memref<128x128xf32, #tpu.memory_space<vmem>>) offsets(%dma_start3A_178 : memref<128xi32, #tpu.memory_space<vmem>>) semaphore(%arg18 : memref<!tpu.dma_semaphore, #tpu.memory_space<semaphore_mem>>)
      %dma_wait3A_182 = arith.constant 0 : i32
      %dma_wait3A_183 = arith.constant 0 : i32
      %dma_wait3A_184 = tpu.memref_slice %arg10[%dma_wait3A_182, %dma_wait3A_183] : memref<2x128xi32, #tpu.memory_space<vmem>> -> memref<1x128xi32, #tpu.memory_space<vmem>>
      %dma_wait3A_185 = tpu.memref_squeeze %dma_wait3A_184 : memref<1x128xi32, #tpu.memory_space<vmem>> -> memref<128xi32, #tpu.memory_space<vmem>>
      %dma_wait3A_186 = arith.constant 0 : i32
      %dma_wait3A_187 = arith.constant 0 : i32
      %dma_wait3A_188 = tpu.memref_slice %arg4[%dma_wait3A_186, %dma_wait3A_187] : memref<10000x128xf32, #tpu.memory_space<hbm>> -> memref<10000x128xf32, #tpu.memory_space<hbm>>
      tpu.wait_indirect_dma semaphore(%arg19 : memref<!tpu.dma_semaphore, #tpu.memory_space<semaphore_mem>>) src(%dma_wait3A_188 : memref<10000x128xf32, #tpu.memory_space<hbm>>) dst(%arg12 : memref<128x128xf32, #tpu.memory_space<vmem>>)
      %run_scoped3A_189 = arith.constant 1 : i32
      "tpu.region"() ({
        %run_scoped3A_280 = tpu.sem_alloc : memref<!tpu.dma_semaphore, #tpu.memory_space<semaphore_mem>>
        %dma_start3A_281 = arith.constant 0 : i32
        %dma_start3A_282 = tpu.memref_slice %arg10[%run_scoped3A_189, %dma_start3A_281] : memref<2x128xi32, #tpu.memory_space<vmem>> -> memref<1x128xi32, #tpu.memory_space<vmem>>
        %dma_start3A_283 = tpu.memref_squeeze %dma_start3A_282 : memref<1x128xi32, #tpu.memory_space<vmem>> -> memref<128xi32, #tpu.memory_space<vmem>>
        %dma_start3A_284 = arith.constant 0 : i32
        %dma_start3A_285 = arith.constant 0 : i32
        %dma_start3A_286 = tpu.memref_slice %arg13[%dma_start3A_284, %dma_start3A_285] : memref<10008x128xf32, #tpu.memory_space<vmem_shared>> -> memref<10008x128xf32, #tpu.memory_space<vmem_shared>>
        tpu.enqueue_indirect_dma source(%arg12 : memref<128x128xf32, #tpu.memory_space<vmem>>) target(%dma_start3A_286 : memref<10008x128xf32, #tpu.memory_space<vmem_shared>>) offsets(%dma_start3A_283 : memref<128xi32, #tpu.memory_space<vmem>>) semaphore(%run_scoped3A_280 : memref<!tpu.dma_semaphore, #tpu.memory_space<semaphore_mem>>) {add = true}
        %dma_wait3A_287 = arith.constant 0 : i32
        %dma_wait3A_288 = tpu.memref_slice %arg10[%run_scoped3A_189, %dma_wait3A_287] : memref<2x128xi32, #tpu.memory_space<vmem>> -> memref<1x128xi32, #tpu.memory_space<vmem>>
        %dma_wait3A_289 = tpu.memref_squeeze %dma_wait3A_288 : memref<1x128xi32, #tpu.memory_space<vmem>> -> memref<128xi32, #tpu.memory_space<vmem>>
        %dma_wait3A_290 = arith.constant 0 : i32
        %dma_wait3A_291 = arith.constant 0 : i32
        %dma_wait3A_292 = tpu.memref_slice %arg13[%dma_wait3A_290, %dma_wait3A_291] : memref<10008x128xf32, #tpu.memory_space<vmem_shared>> -> memref<10008x128xf32, #tpu.memory_space<vmem_shared>>
        tpu.wait_indirect_dma semaphore(%run_scoped3A_280 : memref<!tpu.dma_semaphore, #tpu.memory_space<semaphore_mem>>) src(%arg12 : memref<128x128xf32, #tpu.memory_space<vmem>>) dst(%dma_wait3A_292 : memref<10008x128xf32, #tpu.memory_space<vmem_shared>>)
        tpu.yield
      }) : () -> ()
      %dma_start3A_190 = arith.constant 79 : i32
      %dma_start3A_191 = arith.constant 0 : i32
      %dma_start3A_192 = arith.constant 0 : i32
      %dma_start3A_193 = tpu.memref_slice %arg2[%arg1, %dma_start3A_190, %dma_start3A_191, %dma_start3A_192] : memref<16x80x2x128xi32, #tpu.memory_space<hbm>> -> memref<1x1x2x128xi32, #tpu.memory_space<hbm>>
      %dma_start3A_194 = tpu.memref_squeeze %dma_start3A_193 : memref<1x1x2x128xi32, #tpu.memory_space<hbm>> -> memref<2x128xi32, #tpu.memory_space<hbm>>
      %dma_start3A_195 = arith.constant 0 : i32
      %dma_start3A_196 = arith.constant 0 : i32
      %dma_start3A_197 = tpu.memref_slice %arg2[%arg1, %dma_start3A_190, %dma_start3A_195, %dma_start3A_196] : memref<16x80x2x128xi32, #tpu.memory_space<hbm>> -> memref<1x1x2x128xi32, #tpu.memory_space<hbm>>
      %dma_start3A_198 = tpu.memref_squeeze %dma_start3A_197 : memref<1x1x2x128xi32, #tpu.memory_space<hbm>> -> memref<2x128xi32, #tpu.memory_space<hbm>>
      tpu.enqueue_dma source(%dma_start3A_198 : memref<2x128xi32, #tpu.memory_space<hbm>>) target(%arg10 : memref<2x128xi32, #tpu.memory_space<vmem>>) target_semaphore(%arg17 : memref<!tpu.dma_semaphore, #tpu.memory_space<semaphore_mem>>)
      %dma_wait3A_199 = arith.constant 77 : i32
      %dma_wait3A_200 = arith.constant 0 : i32
      %dma_wait3A_201 = arith.constant 0 : i32
      %dma_wait3A_202 = tpu.memref_slice %arg2[%arg1, %dma_wait3A_199, %dma_wait3A_200, %dma_wait3A_201] : memref<16x80x2x128xi32, #tpu.memory_space<hbm>> -> memref<1x1x2x128xi32, #tpu.memory_space<hbm>>
      %dma_wait3A_203 = tpu.memref_squeeze %dma_wait3A_202 : memref<1x1x2x128xi32, #tpu.memory_space<hbm>> -> memref<2x128xi32, #tpu.memory_space<hbm>>
      %dma_wait3A_204 = arith.constant 0 : i32
      %dma_wait3A_205 = arith.constant 0 : i32
      %dma_wait3A_206 = tpu.memref_slice %arg2[%arg1, %dma_wait3A_199, %dma_wait3A_204, %dma_wait3A_205] : memref<16x80x2x128xi32, #tpu.memory_space<hbm>> -> memref<1x1x2x128xi32, #tpu.memory_space<hbm>>
      %dma_wait3A_207 = tpu.memref_squeeze %dma_wait3A_206 : memref<1x1x2x128xi32, #tpu.memory_space<hbm>> -> memref<2x128xi32, #tpu.memory_space<hbm>>
      tpu.wait_dma2 semaphore(%arg15 : memref<!tpu.dma_semaphore, #tpu.memory_space<semaphore_mem>>) src(%dma_wait3A_207 : memref<2x128xi32, #tpu.memory_space<hbm>>) dst(%arg8 : memref<2x128xi32, #tpu.memory_space<vmem>>)
      %dma_start3A_208 = arith.constant 0 : i32
      %dma_start3A_209 = arith.constant 0 : i32
      %dma_start3A_210 = tpu.memref_slice %arg8[%dma_start3A_208, %dma_start3A_209] : memref<2x128xi32, #tpu.memory_space<vmem>> -> memref<1x128xi32, #tpu.memory_space<vmem>>
      %dma_start3A_211 = tpu.memref_squeeze %dma_start3A_210 : memref<1x128xi32, #tpu.memory_space<vmem>> -> memref<128xi32, #tpu.memory_space<vmem>>
      %dma_start3A_212 = arith.constant 0 : i32
      %dma_start3A_213 = arith.constant 0 : i32
      %dma_start3A_214 = tpu.memref_slice %arg4[%dma_start3A_212, %dma_start3A_213] : memref<10000x128xf32, #tpu.memory_space<hbm>> -> memref<10000x128xf32, #tpu.memory_space<hbm>>
      tpu.enqueue_indirect_dma source(%dma_start3A_214 : memref<10000x128xf32, #tpu.memory_space<hbm>>) target(%arg12 : memref<128x128xf32, #tpu.memory_space<vmem>>) offsets(%dma_start3A_211 : memref<128xi32, #tpu.memory_space<vmem>>) semaphore(%arg19 : memref<!tpu.dma_semaphore, #tpu.memory_space<semaphore_mem>>)
      %dma_wait3A_215 = arith.constant 0 : i32
      %dma_wait3A_216 = arith.constant 0 : i32
      %dma_wait3A_217 = tpu.memref_slice %arg7[%dma_wait3A_215, %dma_wait3A_216] : memref<2x128xi32, #tpu.memory_space<vmem>> -> memref<1x128xi32, #tpu.memory_space<vmem>>
      %dma_wait3A_218 = tpu.memref_squeeze %dma_wait3A_217 : memref<1x128xi32, #tpu.memory_space<vmem>> -> memref<128xi32, #tpu.memory_space<vmem>>
      %dma_wait3A_219 = arith.constant 0 : i32
      %dma_wait3A_220 = arith.constant 0 : i32
      %dma_wait3A_221 = tpu.memref_slice %arg4[%dma_wait3A_219, %dma_wait3A_220] : memref<10000x128xf32, #tpu.memory_space<hbm>> -> memref<10000x128xf32, #tpu.memory_space<hbm>>
      tpu.wait_indirect_dma semaphore(%arg18 : memref<!tpu.dma_semaphore, #tpu.memory_space<semaphore_mem>>) src(%dma_wait3A_221 : memref<10000x128xf32, #tpu.memory_space<hbm>>) dst(%arg11 : memref<128x128xf32, #tpu.memory_space<vmem>>)
      %run_scoped3A_222 = arith.constant 1 : i32
      "tpu.region"() ({
        %run_scoped3A_280 = tpu.sem_alloc : memref<!tpu.dma_semaphore, #tpu.memory_space<semaphore_mem>>
        %dma_start3A_281 = arith.constant 0 : i32
        %dma_start3A_282 = tpu.memref_slice %arg7[%run_scoped3A_222, %dma_start3A_281] : memref<2x128xi32, #tpu.memory_space<vmem>> -> memref<1x128xi32, #tpu.memory_space<vmem>>
        %dma_start3A_283 = tpu.memref_squeeze %dma_start3A_282 : memref<1x128xi32, #tpu.memory_space<vmem>> -> memref<128xi32, #tpu.memory_space<vmem>>
        %dma_start3A_284 = arith.constant 0 : i32
        %dma_start3A_285 = arith.constant 0 : i32
        %dma_start3A_286 = tpu.memref_slice %arg13[%dma_start3A_284, %dma_start3A_285] : memref<10008x128xf32, #tpu.memory_space<vmem_shared>> -> memref<10008x128xf32, #tpu.memory_space<vmem_shared>>
        tpu.enqueue_indirect_dma source(%arg11 : memref<128x128xf32, #tpu.memory_space<vmem>>) target(%dma_start3A_286 : memref<10008x128xf32, #tpu.memory_space<vmem_shared>>) offsets(%dma_start3A_283 : memref<128xi32, #tpu.memory_space<vmem>>) semaphore(%run_scoped3A_280 : memref<!tpu.dma_semaphore, #tpu.memory_space<semaphore_mem>>) {add = true}
        %dma_wait3A_287 = arith.constant 0 : i32
        %dma_wait3A_288 = tpu.memref_slice %arg7[%run_scoped3A_222, %dma_wait3A_287] : memref<2x128xi32, #tpu.memory_space<vmem>> -> memref<1x128xi32, #tpu.memory_space<vmem>>
        %dma_wait3A_289 = tpu.memref_squeeze %dma_wait3A_288 : memref<1x128xi32, #tpu.memory_space<vmem>> -> memref<128xi32, #tpu.memory_space<vmem>>
        %dma_wait3A_290 = arith.constant 0 : i32
        %dma_wait3A_291 = arith.constant 0 : i32
        %dma_wait3A_292 = tpu.memref_slice %arg13[%dma_wait3A_290, %dma_wait3A_291] : memref<10008x128xf32, #tpu.memory_space<vmem_shared>> -> memref<10008x128xf32, #tpu.memory_space<vmem_shared>>
        tpu.wait_indirect_dma semaphore(%run_scoped3A_280 : memref<!tpu.dma_semaphore, #tpu.memory_space<semaphore_mem>>) src(%arg11 : memref<128x128xf32, #tpu.memory_space<vmem>>) dst(%dma_wait3A_292 : memref<10008x128xf32, #tpu.memory_space<vmem_shared>>)
        tpu.yield
      }) : () -> ()
      %dma_wait3A_223 = arith.constant 78 : i32
      %dma_wait3A_224 = arith.constant 0 : i32
      %dma_wait3A_225 = arith.constant 0 : i32
      %dma_wait3A_226 = tpu.memref_slice %arg2[%arg1, %dma_wait3A_223, %dma_wait3A_224, %dma_wait3A_225] : memref<16x80x2x128xi32, #tpu.memory_space<hbm>> -> memref<1x1x2x128xi32, #tpu.memory_space<hbm>>
      %dma_wait3A_227 = tpu.memref_squeeze %dma_wait3A_226 : memref<1x1x2x128xi32, #tpu.memory_space<hbm>> -> memref<2x128xi32, #tpu.memory_space<hbm>>
      %dma_wait3A_228 = arith.constant 0 : i32
      %dma_wait3A_229 = arith.constant 0 : i32
      %dma_wait3A_230 = tpu.memref_slice %arg2[%arg1, %dma_wait3A_223, %dma_wait3A_228, %dma_wait3A_229] : memref<16x80x2x128xi32, #tpu.memory_space<hbm>> -> memref<1x1x2x128xi32, #tpu.memory_space<hbm>>
      %dma_wait3A_231 = tpu.memref_squeeze %dma_wait3A_230 : memref<1x1x2x128xi32, #tpu.memory_space<hbm>> -> memref<2x128xi32, #tpu.memory_space<hbm>>
      tpu.wait_dma2 semaphore(%arg16 : memref<!tpu.dma_semaphore, #tpu.memory_space<semaphore_mem>>) src(%dma_wait3A_231 : memref<2x128xi32, #tpu.memory_space<hbm>>) dst(%arg9 : memref<2x128xi32, #tpu.memory_space<vmem>>)
      %dma_start3A_232 = arith.constant 0 : i32
      %dma_start3A_233 = arith.constant 0 : i32
      %dma_start3A_234 = tpu.memref_slice %arg9[%dma_start3A_232, %dma_start3A_233] : memref<2x128xi32, #tpu.memory_space<vmem>> -> memref<1x128xi32, #tpu.memory_space<vmem>>
      %dma_start3A_235 = tpu.memref_squeeze %dma_start3A_234 : memref<1x128xi32, #tpu.memory_space<vmem>> -> memref<128xi32, #tpu.memory_space<vmem>>
      %dma_start3A_236 = arith.constant 0 : i32
      %dma_start3A_237 = arith.constant 0 : i32
      %dma_start3A_238 = tpu.memref_slice %arg4[%dma_start3A_236, %dma_start3A_237] : memref<10000x128xf32, #tpu.memory_space<hbm>> -> memref<10000x128xf32, #tpu.memory_space<hbm>>
      tpu.enqueue_indirect_dma source(%dma_start3A_238 : memref<10000x128xf32, #tpu.memory_space<hbm>>) target(%arg11 : memref<128x128xf32, #tpu.memory_space<vmem>>) offsets(%dma_start3A_235 : memref<128xi32, #tpu.memory_space<vmem>>) semaphore(%arg18 : memref<!tpu.dma_semaphore, #tpu.memory_space<semaphore_mem>>)
      %dma_wait3A_239 = arith.constant 0 : i32
      %dma_wait3A_240 = arith.constant 0 : i32
      %dma_wait3A_241 = tpu.memref_slice %arg8[%dma_wait3A_239, %dma_wait3A_240] : memref<2x128xi32, #tpu.memory_space<vmem>> -> memref<1x128xi32, #tpu.memory_space<vmem>>
      %dma_wait3A_242 = tpu.memref_squeeze %dma_wait3A_241 : memref<1x128xi32, #tpu.memory_space<vmem>> -> memref<128xi32, #tpu.memory_space<vmem>>
      %dma_wait3A_243 = arith.constant 0 : i32
      %dma_wait3A_244 = arith.constant 0 : i32
      %dma_wait3A_245 = tpu.memref_slice %arg4[%dma_wait3A_243, %dma_wait3A_244] : memref<10000x128xf32, #tpu.memory_space<hbm>> -> memref<10000x128xf32, #tpu.memory_space<hbm>>
      tpu.wait_indirect_dma semaphore(%arg19 : memref<!tpu.dma_semaphore, #tpu.memory_space<semaphore_mem>>) src(%dma_wait3A_245 : memref<10000x128xf32, #tpu.memory_space<hbm>>) dst(%arg12 : memref<128x128xf32, #tpu.memory_space<vmem>>)
      %run_scoped3A_246 = arith.constant 1 : i32
      "tpu.region"() ({
        %run_scoped3A_280 = tpu.sem_alloc : memref<!tpu.dma_semaphore, #tpu.memory_space<semaphore_mem>>
        %dma_start3A_281 = arith.constant 0 : i32
        %dma_start3A_282 = tpu.memref_slice %arg8[%run_scoped3A_246, %dma_start3A_281] : memref<2x128xi32, #tpu.memory_space<vmem>> -> memref<1x128xi32, #tpu.memory_space<vmem>>
        %dma_start3A_283 = tpu.memref_squeeze %dma_start3A_282 : memref<1x128xi32, #tpu.memory_space<vmem>> -> memref<128xi32, #tpu.memory_space<vmem>>
        %dma_start3A_284 = arith.constant 0 : i32
        %dma_start3A_285 = arith.constant 0 : i32
        %dma_start3A_286 = tpu.memref_slice %arg13[%dma_start3A_284, %dma_start3A_285] : memref<10008x128xf32, #tpu.memory_space<vmem_shared>> -> memref<10008x128xf32, #tpu.memory_space<vmem_shared>>
        tpu.enqueue_indirect_dma source(%arg12 : memref<128x128xf32, #tpu.memory_space<vmem>>) target(%dma_start3A_286 : memref<10008x128xf32, #tpu.memory_space<vmem_shared>>) offsets(%dma_start3A_283 : memref<128xi32, #tpu.memory_space<vmem>>) semaphore(%run_scoped3A_280 : memref<!tpu.dma_semaphore, #tpu.memory_space<semaphore_mem>>) {add = true}
        %dma_wait3A_287 = arith.constant 0 : i32
        %dma_wait3A_288 = tpu.memref_slice %arg8[%run_scoped3A_246, %dma_wait3A_287] : memref<2x128xi32, #tpu.memory_space<vmem>> -> memref<1x128xi32, #tpu.memory_space<vmem>>
        %dma_wait3A_289 = tpu.memref_squeeze %dma_wait3A_288 : memref<1x128xi32, #tpu.memory_space<vmem>> -> memref<128xi32, #tpu.memory_space<vmem>>
        %dma_wait3A_290 = arith.constant 0 : i32
        %dma_wait3A_291 = arith.constant 0 : i32
        %dma_wait3A_292 = tpu.memref_slice %arg13[%dma_wait3A_290, %dma_wait3A_291] : memref<10008x128xf32, #tpu.memory_space<vmem_shared>> -> memref<10008x128xf32, #tpu.memory_space<vmem_shared>>
        tpu.wait_indirect_dma semaphore(%run_scoped3A_280 : memref<!tpu.dma_semaphore, #tpu.memory_space<semaphore_mem>>) src(%arg12 : memref<128x128xf32, #tpu.memory_space<vmem>>) dst(%dma_wait3A_292 : memref<10008x128xf32, #tpu.memory_space<vmem_shared>>)
        tpu.yield
      }) : () -> ()
      %dma_wait3A_247 = arith.constant 79 : i32
      %dma_wait3A_248 = arith.constant 0 : i32
      %dma_wait3A_249 = arith.constant 0 : i32
      %dma_wait3A_250 = tpu.memref_slice %arg2[%arg1, %dma_wait3A_247, %dma_wait3A_248, %dma_wait3A_249] : memref<16x80x2x128xi32, #tpu.memory_space<hbm>> -> memref<1x1x2x128xi32, #tpu.memory_space<hbm>>
      %dma_wait3A_251 = tpu.memref_squeeze %dma_wait3A_250 : memref<1x1x2x128xi32, #tpu.memory_space<hbm>> -> memref<2x128xi32, #tpu.memory_space<hbm>>
      %dma_wait3A_252 = arith.constant 0 : i32
      %dma_wait3A_253 = arith.constant 0 : i32
      %dma_wait3A_254 = tpu.memref_slice %arg2[%arg1, %dma_wait3A_247, %dma_wait3A_252, %dma_wait3A_253] : memref<16x80x2x128xi32, #tpu.memory_space<hbm>> -> memref<1x1x2x128xi32, #tpu.memory_space<hbm>>
      %dma_wait3A_255 = tpu.memref_squeeze %dma_wait3A_254 : memref<1x1x2x128xi32, #tpu.memory_space<hbm>> -> memref<2x128xi32, #tpu.memory_space<hbm>>
      tpu.wait_dma2 semaphore(%arg17 : memref<!tpu.dma_semaphore, #tpu.memory_space<semaphore_mem>>) src(%dma_wait3A_255 : memref<2x128xi32, #tpu.memory_space<hbm>>) dst(%arg10 : memref<2x128xi32, #tpu.memory_space<vmem>>)
      %dma_start3A_256 = arith.constant 0 : i32
      %dma_start3A_257 = arith.constant 0 : i32
      %dma_start3A_258 = tpu.memref_slice %arg10[%dma_start3A_256, %dma_start3A_257] : memref<2x128xi32, #tpu.memory_space<vmem>> -> memref<1x128xi32, #tpu.memory_space<vmem>>
      %dma_start3A_259 = tpu.memref_squeeze %dma_start3A_258 : memref<1x128xi32, #tpu.memory_space<vmem>> -> memref<128xi32, #tpu.memory_space<vmem>>
      %dma_start3A_260 = arith.constant 0 : i32
      %dma_start3A_261 = arith.constant 0 : i32
      %dma_start3A_262 = tpu.memref_slice %arg4[%dma_start3A_260, %dma_start3A_261] : memref<10000x128xf32, #tpu.memory_space<hbm>> -> memref<10000x128xf32, #tpu.memory_space<hbm>>
      tpu.enqueue_indirect_dma source(%dma_start3A_262 : memref<10000x128xf32, #tpu.memory_space<hbm>>) target(%arg12 : memref<128x128xf32, #tpu.memory_space<vmem>>) offsets(%dma_start3A_259 : memref<128xi32, #tpu.memory_space<vmem>>) semaphore(%arg19 : memref<!tpu.dma_semaphore, #tpu.memory_space<semaphore_mem>>)
      %dma_wait3A_263 = arith.constant 0 : i32
      %dma_wait3A_264 = arith.constant 0 : i32
      %dma_wait3A_265 = tpu.memref_slice %arg9[%dma_wait3A_263, %dma_wait3A_264] : memref<2x128xi32, #tpu.memory_space<vmem>> -> memref<1x128xi32, #tpu.memory_space<vmem>>
      %dma_wait3A_266 = tpu.memref_squeeze %dma_wait3A_265 : memref<1x128xi32, #tpu.memory_space<vmem>> -> memref<128xi32, #tpu.memory_space<vmem>>
      %dma_wait3A_267 = arith.constant 0 : i32
      %dma_wait3A_268 = arith.constant 0 : i32
      %dma_wait3A_269 = tpu.memref_slice %arg4[%dma_wait3A_267, %dma_wait3A_268] : memref<10000x128xf32, #tpu.memory_space<hbm>> -> memref<10000x128xf32, #tpu.memory_space<hbm>>
      tpu.wait_indirect_dma semaphore(%arg18 : memref<!tpu.dma_semaphore, #tpu.memory_space<semaphore_mem>>) src(%dma_wait3A_269 : memref<10000x128xf32, #tpu.memory_space<hbm>>) dst(%arg11 : memref<128x128xf32, #tpu.memory_space<vmem>>)
      %run_scoped3A_270 = arith.constant 1 : i32
      "tpu.region"() ({
        %run_scoped3A_280 = tpu.sem_alloc : memref<!tpu.dma_semaphore, #tpu.memory_space<semaphore_mem>>
        %dma_start3A_281 = arith.constant 0 : i32
        %dma_start3A_282 = tpu.memref_slice %arg9[%run_scoped3A_270, %dma_start3A_281] : memref<2x128xi32, #tpu.memory_space<vmem>> -> memref<1x128xi32, #tpu.memory_space<vmem>>
        %dma_start3A_283 = tpu.memref_squeeze %dma_start3A_282 : memref<1x128xi32, #tpu.memory_space<vmem>> -> memref<128xi32, #tpu.memory_space<vmem>>
        %dma_start3A_284 = arith.constant 0 : i32
        %dma_start3A_285 = arith.constant 0 : i32
        %dma_start3A_286 = tpu.memref_slice %arg13[%dma_start3A_284, %dma_start3A_285] : memref<10008x128xf32, #tpu.memory_space<vmem_shared>> -> memref<10008x128xf32, #tpu.memory_space<vmem_shared>>
        tpu.enqueue_indirect_dma source(%arg11 : memref<128x128xf32, #tpu.memory_space<vmem>>) target(%dma_start3A_286 : memref<10008x128xf32, #tpu.memory_space<vmem_shared>>) offsets(%dma_start3A_283 : memref<128xi32, #tpu.memory_space<vmem>>) semaphore(%run_scoped3A_280 : memref<!tpu.dma_semaphore, #tpu.memory_space<semaphore_mem>>) {add = true}
        %dma_wait3A_287 = arith.constant 0 : i32
        %dma_wait3A_288 = tpu.memref_slice %arg9[%run_scoped3A_270, %dma_wait3A_287] : memref<2x128xi32, #tpu.memory_space<vmem>> -> memref<1x128xi32, #tpu.memory_space<vmem>>
        %dma_wait3A_289 = tpu.memref_squeeze %dma_wait3A_288 : memref<1x128xi32, #tpu.memory_space<vmem>> -> memref<128xi32, #tpu.memory_space<vmem>>
        %dma_wait3A_290 = arith.constant 0 : i32
        %dma_wait3A_291 = arith.constant 0 : i32
        %dma_wait3A_292 = tpu.memref_slice %arg13[%dma_wait3A_290, %dma_wait3A_291] : memref<10008x128xf32, #tpu.memory_space<vmem_shared>> -> memref<10008x128xf32, #tpu.memory_space<vmem_shared>>
        tpu.wait_indirect_dma semaphore(%run_scoped3A_280 : memref<!tpu.dma_semaphore, #tpu.memory_space<semaphore_mem>>) src(%arg11 : memref<128x128xf32, #tpu.memory_space<vmem>>) dst(%dma_wait3A_292 : memref<10008x128xf32, #tpu.memory_space<vmem_shared>>)
        tpu.yield
      }) : () -> ()
      %dma_wait3A_271 = arith.constant 0 : i32
      %dma_wait3A_272 = arith.constant 0 : i32
      %dma_wait3A_273 = tpu.memref_slice %arg10[%dma_wait3A_271, %dma_wait3A_272] : memref<2x128xi32, #tpu.memory_space<vmem>> -> memref<1x128xi32, #tpu.memory_space<vmem>>
      %dma_wait3A_274 = tpu.memref_squeeze %dma_wait3A_273 : memref<1x128xi32, #tpu.memory_space<vmem>> -> memref<128xi32, #tpu.memory_space<vmem>>
      %dma_wait3A_275 = arith.constant 0 : i32
      %dma_wait3A_276 = arith.constant 0 : i32
      %dma_wait3A_277 = tpu.memref_slice %arg4[%dma_wait3A_275, %dma_wait3A_276] : memref<10000x128xf32, #tpu.memory_space<hbm>> -> memref<10000x128xf32, #tpu.memory_space<hbm>>
      tpu.wait_indirect_dma semaphore(%arg19 : memref<!tpu.dma_semaphore, #tpu.memory_space<semaphore_mem>>) src(%dma_wait3A_277 : memref<10000x128xf32, #tpu.memory_space<hbm>>) dst(%arg12 : memref<128x128xf32, #tpu.memory_space<vmem>>)
      %run_scoped3A_278 = arith.constant 1 : i32
      "tpu.region"() ({
        %run_scoped3A_280 = tpu.sem_alloc : memref<!tpu.dma_semaphore, #tpu.memory_space<semaphore_mem>>
        %dma_start3A_281 = arith.constant 0 : i32
        %dma_start3A_282 = tpu.memref_slice %arg10[%run_scoped3A_278, %dma_start3A_281] : memref<2x128xi32, #tpu.memory_space<vmem>> -> memref<1x128xi32, #tpu.memory_space<vmem>>
        %dma_start3A_283 = tpu.memref_squeeze %dma_start3A_282 : memref<1x128xi32, #tpu.memory_space<vmem>> -> memref<128xi32, #tpu.memory_space<vmem>>
        %dma_start3A_284 = arith.constant 0 : i32
        %dma_start3A_285 = arith.constant 0 : i32
        %dma_start3A_286 = tpu.memref_slice %arg13[%dma_start3A_284, %dma_start3A_285] : memref<10008x128xf32, #tpu.memory_space<vmem_shared>> -> memref<10008x128xf32, #tpu.memory_space<vmem_shared>>
        tpu.enqueue_indirect_dma source(%arg12 : memref<128x128xf32, #tpu.memory_space<vmem>>) target(%dma_start3A_286 : memref<10008x128xf32, #tpu.memory_space<vmem_shared>>) offsets(%dma_start3A_283 : memref<128xi32, #tpu.memory_space<vmem>>) semaphore(%run_scoped3A_280 : memref<!tpu.dma_semaphore, #tpu.memory_space<semaphore_mem>>) {add = true}
        %dma_wait3A_287 = arith.constant 0 : i32
        %dma_wait3A_288 = tpu.memref_slice %arg10[%run_scoped3A_278, %dma_wait3A_287] : memref<2x128xi32, #tpu.memory_space<vmem>> -> memref<1x128xi32, #tpu.memory_space<vmem>>
        %dma_wait3A_289 = tpu.memref_squeeze %dma_wait3A_288 : memref<1x128xi32, #tpu.memory_space<vmem>> -> memref<128xi32, #tpu.memory_space<vmem>>
        %dma_wait3A_290 = arith.constant 0 : i32
        %dma_wait3A_291 = arith.constant 0 : i32
        %dma_wait3A_292 = tpu.memref_slice %arg13[%dma_wait3A_290, %dma_wait3A_291] : memref<10008x128xf32, #tpu.memory_space<vmem_shared>> -> memref<10008x128xf32, #tpu.memory_space<vmem_shared>>
        tpu.wait_indirect_dma semaphore(%run_scoped3A_280 : memref<!tpu.dma_semaphore, #tpu.memory_space<semaphore_mem>>) src(%arg12 : memref<128x128xf32, #tpu.memory_space<vmem>>) dst(%dma_wait3A_292 : memref<10008x128xf32, #tpu.memory_space<vmem_shared>>)
        tpu.yield
      }) : () -> ()
      %barrier3A_279 = arith.constant 0 : index
      tpu.barrier barrier_id(%barrier3A_279)
      "tpu.region"() ({
        %run_scoped3A_280 = tpu.sem_alloc : memref<!tpu.dma_semaphore, #tpu.memory_space<semaphore_mem>>
        %dma_start3A_281 = arith.constant 0 : i32
        %dma_start3A_282 = tpu.memref_slice %arg6[%mul3A_0, %dma_start3A_281] : memref<10000x128xf32, #tpu.memory_space<hbm>> -> memref<625x128xf32, #tpu.memory_space<hbm>>
        %dma_start3A_283 = arith.constant 0 : i32
        %dma_start3A_284 = tpu.memref_slice %arg13[%mul3A_0, %dma_start3A_283] : memref<10008x128xf32, #tpu.memory_space<vmem_shared>> -> memref<625x128xf32, #tpu.memory_space<vmem_shared>>
        tpu.enqueue_dma source(%dma_start3A_284 : memref<625x128xf32, #tpu.memory_space<vmem_shared>>) target(%dma_start3A_282 : memref<625x128xf32, #tpu.memory_space<hbm>>) target_semaphore(%run_scoped3A_280 : memref<!tpu.dma_semaphore, #tpu.memory_space<semaphore_mem>>)
        %dma_wait3A_285 = arith.constant 0 : i32
        %dma_wait3A_286 = tpu.memref_slice %arg6[%mul3A_0, %dma_wait3A_285] : memref<10000x128xf32, #tpu.memory_space<hbm>> -> memref<625x128xf32, #tpu.memory_space<hbm>>
        %dma_wait3A_287 = arith.constant 0 : i32
        %dma_wait3A_288 = tpu.memref_slice %arg13[%mul3A_0, %dma_wait3A_287] : memref<10008x128xf32, #tpu.memory_space<vmem_shared>> -> memref<625x128xf32, #tpu.memory_space<vmem_shared>>
        tpu.wait_dma2 semaphore(%run_scoped3A_280 : memref<!tpu.dma_semaphore, #tpu.memory_space<semaphore_mem>>) src(%dma_wait3A_288 : memref<625x128xf32, #tpu.memory_space<vmem_shared>>) dst(%dma_wait3A_286 : memref<625x128xf32, #tpu.memory_space<hbm>>)
        tpu.yield
      }) : () -> ()
    } else {
    }
    return
  }
}

module attributes {stable_mosaic.version = 14 : i64} {
  func.func @body(%arg0: i32, %arg1: memref<1000x256xf32, #tpu.memory_space<vmem>>, %arg2: memref<256x256xf32, #tpu.memory_space<vmem>>, %arg3: memref<1000x1xf32, #tpu.memory_space<vmem>>, %arg4: memref<1000x1xf32, #tpu.memory_space<vmem>>, %arg5: memref<1000x128xf32, #tpu.memory_space<vmem>>, %arg6: memref<1000x128xf32, #tpu.memory_space<vmem>>, %arg7: memref<1000x1xf32, #tpu.memory_space<vmem>>) attributes {dimension_semantics = [#tpu.dimension_semantics<arbitrary>], iteration_bounds = array<i64: 10>, scalar_prefetch = 0 : i64, scratch_operands = 0 : i64, tpu.core_type = #tpu.core_type<tc>, window_params = [{transform_indices = @transform_0, window_bounds = array<i64: 1000, 256>}, {pipeline_mode = #tpu.pipeline_mode<synchronous>, transform_indices = @transform_1, window_bounds = array<i64: 256, 256>}, {transform_indices = @transform_2, window_bounds = array<i64: 1000, 1>}, {transform_indices = @transform_3, window_bounds = array<i64: 1000, 1>}, {transform_indices = @transform_4, window_bounds = array<i64: 1000, 128>}, {transform_indices = @transform_5, window_bounds = array<i64: 1000, 128>}, {transform_indices = @transform_6, window_bounds = array<i64: 1000, 1>}]} {
    %get3A = arith.constant 0 : index
    %get3A_0 = arith.constant 0 : index
    %get3A_1 = vector.load %arg3[%get3A, %get3A_0] : memref<1000x1xf32, #tpu.memory_space<vmem>>, vector<1000x1xf32>
    %get3A_2 = arith.constant 0 : index
    %get3A_3 = arith.constant 0 : index
    %get3A_4 = vector.load %arg4[%get3A_2, %get3A_3] : memref<1000x1xf32, #tpu.memory_space<vmem>>, vector<1000x1xf32>
    %add3A = arith.addf %get3A_1, %get3A_4 : vector<1000x1xf32>
    %add3A_5 = arith.constant 1.000000e+00 : f32
    %add3A_6 = vector.broadcast %add3A_5 : f32 to vector<1000x1xf32>
    %add3A_7 = arith.addf %add3A, %add3A_6 : vector<1000x1xf32>
    %rsqrt3A = math.rsqrt %add3A_7 : vector<1000x1xf32>
    %get3A_8 = arith.constant 0 : index
    %get3A_9 = arith.constant 0 : index
    %get3A_10 = vector.load %arg1[%get3A_8, %get3A_9] : memref<1000x256xf32, #tpu.memory_space<vmem>>, vector<1000x256xf32>
    %get3A_11 = arith.constant 0 : index
    %get3A_12 = arith.constant 0 : index
    %get3A_13 = vector.load %arg2[%get3A_11, %get3A_12] : memref<256x256xf32, #tpu.memory_space<vmem>>, vector<256x256xf32>
    %dot_general3A = arith.constant dense<0.000000e+00> : vector<1000x256xf32>
    %dot_general3A_14 = tpu.matmul %get3A_10, %get3A_13, %dot_general3A {dimension_numbers = #tpu.dot_dimension_numbers<[1], [0], [0], [1], [0, 0, 1, 1], [], []>, transpose_lhs_hint = false} : vector<1000x256xf32>, vector<256x256xf32>, vector<1000x256xf32> -> vector<1000x256xf32>
    %mul3A = vector.broadcast %rsqrt3A : vector<1000x1xf32> to vector<1000x256xf32>
    %mul3A_15 = arith.mulf %dot_general3A_14, %mul3A : vector<1000x256xf32>
    %slice3A = vector.extract_strided_slice %mul3A_15 {offsets = [0, 0], sizes = [1000, 128], strides = [1, 1]} : vector<1000x256xf32> to vector<1000x128xf32>
    %swap3A = arith.constant 0 : index
    %swap3A_16 = arith.constant 0 : index
    %swap3A_17 = vector.load %arg5[%swap3A, %swap3A_16] : memref<1000x128xf32, #tpu.memory_space<vmem>>, vector<1000x128xf32>
    tpu.vector_store %arg5[%swap3A, %swap3A_16], %slice3A {strides = array<i32>} : memref<1000x128xf32, #tpu.memory_space<vmem>>, vector<1000x128xf32>,
    %slice3A_18 = vector.extract_strided_slice %mul3A_15 {offsets = [0, 128], sizes = [1000, 128], strides = [1, 1]} : vector<1000x256xf32> to vector<1000x128xf32>
    %swap3A_19 = arith.constant 0 : index
    %swap3A_20 = arith.constant 0 : index
    %swap3A_21 = vector.load %arg6[%swap3A_19, %swap3A_20] : memref<1000x128xf32, #tpu.memory_space<vmem>>, vector<1000x128xf32>
    tpu.vector_store %arg6[%swap3A_19, %swap3A_20], %slice3A_18 {strides = array<i32>} : memref<1000x128xf32, #tpu.memory_space<vmem>>, vector<1000x128xf32>,
    %swap3A_22 = arith.constant 0 : index
    %swap3A_23 = arith.constant 0 : index
    %swap3A_24 = vector.load %arg7[%swap3A_22, %swap3A_23] : memref<1000x1xf32, #tpu.memory_space<vmem>>, vector<1000x1xf32>
    tpu.vector_store %arg7[%swap3A_22, %swap3A_23], %rsqrt3A {strides = array<i32>} : memref<1000x1xf32, #tpu.memory_space<vmem>>, vector<1000x1xf32>,
    return
  }
  func.func @transform_0(%arg0: i32) -> (i32, i32) {
    %c0_i32 = arith.constant 0 : i32
    %c0_i32_0 = arith.constant 0 : i32
    return %arg0, %c0_i32 : i32, i32
  }
  func.func @transform_1(%arg0: i32) -> (i32, i32) {
    %c0_i32 = arith.constant 0 : i32
    %c0_i32_0 = arith.constant 0 : i32
    %c0_i32_1 = arith.constant 0 : i32
    return %c0_i32, %c0_i32_0 : i32, i32
  }
  func.func @transform_2(%arg0: i32) -> (i32, i32) {
    %c0_i32 = arith.constant 0 : i32
    %c0_i32_0 = arith.constant 0 : i32
    return %arg0, %c0_i32 : i32, i32
  }
  func.func @transform_3(%arg0: i32) -> (i32, i32) {
    %c0_i32 = arith.constant 0 : i32
    %c0_i32_0 = arith.constant 0 : i32
    return %arg0, %c0_i32 : i32, i32
  }
  func.func @transform_4(%arg0: i32) -> (i32, i32) {
    %c0_i32 = arith.constant 0 : i32
    %c0_i32_0 = arith.constant 0 : i32
    return %arg0, %c0_i32 : i32, i32
  }
  func.func @transform_5(%arg0: i32) -> (i32, i32) {
    %c0_i32 = arith.constant 0 : i32
    %c0_i32_0 = arith.constant 0 : i32
    return %arg0, %c0_i32 : i32, i32
  }
  func.func @transform_6(%arg0: i32) -> (i32, i32) {
    %c0_i32 = arith.constant 0 : i32
    %c0_i32_0 = arith.constant 0 : i32
    return %arg0, %c0_i32 : i32, i32
  }
}

module attributes {stable_mosaic.version = 14 : i64} {
  func.func @body(%arg0: i32, %arg1: memref<1000x128xf32, #tpu.memory_space<vmem>>, %arg2: memref<1000x128xf32, #tpu.memory_space<vmem>>, %arg3: memref<1000x1xf32, #tpu.memory_space<vmem>>, %arg4: memref<1x256xf32, #tpu.memory_space<vmem>>, %arg5: memref<256x64xf32, #tpu.memory_space<vmem>>, %arg6: memref<1000x32xf32, #tpu.memory_space<vmem>>, %arg7: memref<1000x32xf32, #tpu.memory_space<vmem>>) attributes {dimension_semantics = [#tpu.dimension_semantics<arbitrary>], iteration_bounds = array<i64: 10>, scalar_prefetch = 0 : i64, scratch_operands = 0 : i64, tpu.core_type = #tpu.core_type<tc>, window_params = [{transform_indices = @transform_0, window_bounds = array<i64: 1000, 128>}, {transform_indices = @transform_1, window_bounds = array<i64: 1000, 128>}, {transform_indices = @transform_2, window_bounds = array<i64: 1000, 1>}, {pipeline_mode = #tpu.pipeline_mode<synchronous>, transform_indices = @transform_3, window_bounds = array<i64: 1, 256>}, {pipeline_mode = #tpu.pipeline_mode<synchronous>, transform_indices = @transform_4, window_bounds = array<i64: 256, 64>}, {transform_indices = @transform_5, window_bounds = array<i64: 1000, 32>}, {transform_indices = @transform_6, window_bounds = array<i64: 1000, 32>}]} {
    %get3A = arith.constant 0 : index
    %get3A_0 = arith.constant 0 : index
    %get3A_1 = vector.load %arg3[%get3A, %get3A_0] : memref<1000x1xf32, #tpu.memory_space<vmem>>, vector<1000x1xf32>
    %get3A_2 = arith.constant 0 : index
    %get3A_3 = arith.constant 0 : index
    %get3A_4 = vector.load %arg1[%get3A_2, %get3A_3] : memref<1000x128xf32, #tpu.memory_space<vmem>>, vector<1000x128xf32>
    %get3A_5 = arith.constant 0 : index
    %get3A_6 = arith.constant 0 : index
    %get3A_7 = vector.load %arg2[%get3A_5, %get3A_6] : memref<1000x128xf32, #tpu.memory_space<vmem>>, vector<1000x128xf32>
    %concatenate3A = tpu.concatenate %get3A_4, %get3A_7 in 1 : vector<1000x128xf32>, vector<1000x128xf32> -> vector<1000x256xf32>
    %mul3A = vector.broadcast %get3A_1 : vector<1000x1xf32> to vector<1000x256xf32>
    %mul3A_8 = arith.mulf %concatenate3A, %mul3A : vector<1000x256xf32>
    %get3A_9 = arith.constant 0 : index
    %get3A_10 = arith.constant 0 : index
    %get3A_11 = vector.load %arg4[%get3A_9, %get3A_10] : memref<1x256xf32, #tpu.memory_space<vmem>>, vector<1x256xf32>
    %add3A = vector.broadcast %get3A_11 : vector<1x256xf32> to vector<1000x256xf32>
    %add3A_12 = arith.addf %mul3A_8, %add3A : vector<1000x256xf32>
    %ge3A = arith.constant 0.000000e+00 : f32
    %ge3A_13 = vector.broadcast %ge3A : f32 to vector<1000x256xf32>
    %ge3A_14 = arith.cmpf oge, %add3A_12, %ge3A_13 : vector<1000x256xf32>
    %mul3A_15 = arith.constant 2.000000e-01 : f32
    %mul3A_16 = vector.broadcast %mul3A_15 : f32 to vector<1000x256xf32>
    %mul3A_17 = arith.mulf %mul3A_16, %add3A_12 : vector<1000x256xf32>
    %select_n3A = arith.select %ge3A_14, %add3A_12, %mul3A_17 : vector<1000x256xi1>, vector<1000x256xf32>
    %get3A_18 = arith.constant 0 : index
    %get3A_19 = arith.constant 0 : index
    %get3A_20 = vector.load %arg5[%get3A_18, %get3A_19] : memref<256x64xf32, #tpu.memory_space<vmem>>, vector<256x64xf32>
    %dot_general3A = arith.constant dense<0.000000e+00> : vector<1000x64xf32>
    %dot_general3A_21 = tpu.matmul %select_n3A, %get3A_20, %dot_general3A {dimension_numbers = #tpu.dot_dimension_numbers<[1], [0], [0], [1], [0, 0, 1, 1], [], []>, transpose_lhs_hint = false} : vector<1000x256xf32>, vector<256x64xf32>, vector<1000x64xf32> -> vector<1000x64xf32>
    %mul3A_22 = vector.broadcast %get3A_1 : vector<1000x1xf32> to vector<1000x64xf32>
    %mul3A_23 = arith.mulf %dot_general3A_21, %mul3A_22 : vector<1000x64xf32>
    %slice3A = vector.extract_strided_slice %mul3A_23 {offsets = [0, 0], sizes = [1000, 32], strides = [1, 1]} : vector<1000x64xf32> to vector<1000x32xf32>
    %swap3A = arith.constant 0 : index
    %swap3A_24 = arith.constant 0 : index
    %swap3A_25 = vector.load %arg6[%swap3A, %swap3A_24] : memref<1000x32xf32, #tpu.memory_space<vmem>>, vector<1000x32xf32>
    tpu.vector_store %arg6[%swap3A, %swap3A_24], %slice3A {strides = array<i32>} : memref<1000x32xf32, #tpu.memory_space<vmem>>, vector<1000x32xf32>,
    %slice3A_26 = vector.extract_strided_slice %mul3A_23 {offsets = [0, 32], sizes = [1000, 32], strides = [1, 1]} : vector<1000x64xf32> to vector<1000x32xf32>
    %swap3A_27 = arith.constant 0 : index
    %swap3A_28 = arith.constant 0 : index
    %swap3A_29 = vector.load %arg7[%swap3A_27, %swap3A_28] : memref<1000x32xf32, #tpu.memory_space<vmem>>, vector<1000x32xf32>
    tpu.vector_store %arg7[%swap3A_27, %swap3A_28], %slice3A_26 {strides = array<i32>} : memref<1000x32xf32, #tpu.memory_space<vmem>>, vector<1000x32xf32>,
    return
  }
  func.func @transform_0(%arg0: i32) -> (i32, i32) {
    %c0_i32 = arith.constant 0 : i32
    %c0_i32_0 = arith.constant 0 : i32
    return %arg0, %c0_i32 : i32, i32
  }
  func.func @transform_1(%arg0: i32) -> (i32, i32) {
    %c0_i32 = arith.constant 0 : i32
    %c0_i32_0 = arith.constant 0 : i32
    return %arg0, %c0_i32 : i32, i32
  }
  func.func @transform_2(%arg0: i32) -> (i32, i32) {
    %c0_i32 = arith.constant 0 : i32
    %c0_i32_0 = arith.constant 0 : i32
    return %arg0, %c0_i32 : i32, i32
  }
  func.func @transform_3(%arg0: i32) -> (i32, i32) {
    %c0_i32 = arith.constant 0 : i32
    %c0_i32_0 = arith.constant 0 : i32
    %c0_i32_1 = arith.constant 0 : i32
    return %c0_i32, %c0_i32_0 : i32, i32
  }
  func.func @transform_4(%arg0: i32) -> (i32, i32) {
    %c0_i32 = arith.constant 0 : i32
    %c0_i32_0 = arith.constant 0 : i32
    %c0_i32_1 = arith.constant 0 : i32
    return %c0_i32, %c0_i32_0 : i32, i32
  }
  func.func @transform_5(%arg0: i32) -> (i32, i32) {
    %c0_i32 = arith.constant 0 : i32
    %c0_i32_0 = arith.constant 0 : i32
    return %arg0, %c0_i32 : i32, i32
  }
  func.func @transform_6(%arg0: i32) -> (i32, i32) {
    %c0_i32 = arith.constant 0 : i32
    %c0_i32_0 = arith.constant 0 : i32
    return %arg0, %c0_i32 : i32, i32
  }
}

module attributes {stable_mosaic.version = 14 : i64} {
  func.func @body(%arg0: i32, %arg1: memref<1000x32xf32, #tpu.memory_space<vmem>>, %arg2: memref<1000x32xf32, #tpu.memory_space<vmem>>, %arg3: memref<1000x1xf32, #tpu.memory_space<vmem>>, %arg4: memref<1x64xf32, #tpu.memory_space<vmem>>, %arg5: memref<1000x64xf32, #tpu.memory_space<vmem>>) attributes {dimension_semantics = [#tpu.dimension_semantics<arbitrary>], iteration_bounds = array<i64: 10>, scalar_prefetch = 0 : i64, scratch_operands = 0 : i64, tpu.core_type = #tpu.core_type<tc>, window_params = [{transform_indices = @transform_0, window_bounds = array<i64: 1000, 32>}, {transform_indices = @transform_1, window_bounds = array<i64: 1000, 32>}, {transform_indices = @transform_2, window_bounds = array<i64: 1000, 1>}, {pipeline_mode = #tpu.pipeline_mode<synchronous>, transform_indices = @transform_3, window_bounds = array<i64: 1, 64>}, {transform_indices = @transform_4, window_bounds = array<i64: 1000, 64>}]} {
    %get3A = arith.constant 0 : index
    %get3A_0 = arith.constant 0 : index
    %get3A_1 = vector.load %arg1[%get3A, %get3A_0] : memref<1000x32xf32, #tpu.memory_space<vmem>>, vector<1000x32xf32>
    %get3A_2 = arith.constant 0 : index
    %get3A_3 = arith.constant 0 : index
    %get3A_4 = vector.load %arg2[%get3A_2, %get3A_3] : memref<1000x32xf32, #tpu.memory_space<vmem>>, vector<1000x32xf32>
    %concatenate3A = tpu.concatenate %get3A_1, %get3A_4 in 1 : vector<1000x32xf32>, vector<1000x32xf32> -> vector<1000x64xf32>
    %get3A_5 = arith.constant 0 : index
    %get3A_6 = arith.constant 0 : index
    %get3A_7 = vector.load %arg3[%get3A_5, %get3A_6] : memref<1000x1xf32, #tpu.memory_space<vmem>>, vector<1000x1xf32>
    %mul3A = vector.broadcast %get3A_7 : vector<1000x1xf32> to vector<1000x64xf32>
    %mul3A_8 = arith.mulf %concatenate3A, %mul3A : vector<1000x64xf32>
    %get3A_9 = arith.constant 0 : index
    %get3A_10 = arith.constant 0 : index
    %get3A_11 = vector.load %arg4[%get3A_9, %get3A_10] : memref<1x64xf32, #tpu.memory_space<vmem>>, vector<1x64xf32>
    %add3A = vector.broadcast %get3A_11 : vector<1x64xf32> to vector<1000x64xf32>
    %add3A_12 = arith.addf %mul3A_8, %add3A : vector<1000x64xf32>
    %reduce_max3A = arith.constant dense<0xFF800000> : vector<1000xf32>
    %reduce_max3A_13 = vector.multi_reduction <maximumf>, %add3A_12, %reduce_max3A [1] : vector<1000x64xf32> to vector<1000xf32>
    %broadcast_in_dim3A = vector.shape_cast %reduce_max3A_13 : vector<1000xf32> to vector<1000x1xf32>
    %sub3A = vector.broadcast %broadcast_in_dim3A : vector<1000x1xf32> to vector<1000x64xf32>
    %sub3A_14 = arith.subf %add3A_12, %sub3A : vector<1000x64xf32>
    %exp3A = math.exp %sub3A_14 : vector<1000x64xf32>
    %reduce_sum3A = arith.constant dense<0.000000e+00> : vector<1000xf32>
    %reduce_sum3A_15 = vector.multi_reduction <add>, %exp3A, %reduce_sum3A [1] : vector<1000x64xf32> to vector<1000xf32>
    %broadcast_in_dim3A_16 = vector.shape_cast %reduce_sum3A_15 : vector<1000xf32> to vector<1000x1xf32>
    %log3A = math.log %broadcast_in_dim3A_16 : vector<1000x1xf32>
    %sub3A_17 = vector.broadcast %log3A : vector<1000x1xf32> to vector<1000x64xf32>
    %sub3A_18 = arith.subf %sub3A_14, %sub3A_17 : vector<1000x64xf32>
    %swap3A = arith.constant 0 : index
    %swap3A_19 = arith.constant 0 : index
    %swap3A_20 = vector.load %arg5[%swap3A, %swap3A_19] : memref<1000x64xf32, #tpu.memory_space<vmem>>, vector<1000x64xf32>
    tpu.vector_store %arg5[%swap3A, %swap3A_19], %sub3A_18 {strides = array<i32>} : memref<1000x64xf32, #tpu.memory_space<vmem>>, vector<1000x64xf32>,
    return
  }
  func.func @transform_0(%arg0: i32) -> (i32, i32) {
    %c0_i32 = arith.constant 0 : i32
    %c0_i32_0 = arith.constant 0 : i32
    return %arg0, %c0_i32 : i32, i32
  }
  func.func @transform_1(%arg0: i32) -> (i32, i32) {
    %c0_i32 = arith.constant 0 : i32
    %c0_i32_0 = arith.constant 0 : i32
    return %arg0, %c0_i32 : i32, i32
  }
  func.func @transform_2(%arg0: i32) -> (i32, i32) {
    %c0_i32 = arith.constant 0 : i32
    %c0_i32_0 = arith.constant 0 : i32
    return %arg0, %c0_i32 : i32, i32
  }
  func.func @transform_3(%arg0: i32) -> (i32, i32) {
    %c0_i32 = arith.constant 0 : i32
    %c0_i32_0 = arith.constant 0 : i32
    %c0_i32_1 = arith.constant 0 : i32
    return %c0_i32, %c0_i32_0 : i32, i32
  }
  func.func @transform_4(%arg0: i32) -> (i32, i32) {
    %c0_i32 = arith.constant 0 : i32
    %c0_i32_0 = arith.constant 0 : i32
    return %arg0, %c0_i32 : i32, i32
  }
}

</mosaic_0001>

<sc_bundles>
// kernel: kernel.11.cloned.1.call-start
scs
__scs_entry_jumppad:
0x0: {  	(pc) =	sbr.rel $0x88, $3  }
0x1: {  	(tag) =	ssettag $0x0;
	lr =	simm.s32 $0x1  }
0x2: {  	[smem:$0x3F9B] =	sst lr;
	_ =	strace $0xD0000000  }
0x3: {  	_ = 	snop  }
0x4: {  	_ = 	snop  }
0x5: {  	_ = 	snop  }
0x6: {  	_ = 	snop  }
0x7: {  	_ = 	snop  }
__scs_overlays_trampoline_lowered:
0x8: {  	[smem:$0x3FAA] =	sst s0  }
0x9: {  	[smem:$0x3FAB] =	sst s1  }
0xa: {  	[smem:$0x3FAC] =	sst s2  }
0xb: {  	[smem:$0x3FAD] =	sst s3  }
0xc: {  	[smem:$0x3FAE] =	sst s4  }
0xd: {  	[smem:$0x3FAF] =	sst s5  }
0xe: {  	[smem:$0x3FB0] =	sst s6  }
0xf: {  	[smem:$0x3FB1] =	sst s7  }
0x10: {  	[smem:$0x3FB2] =	sst s8  }
0x11: {  	[smem:$0x3FB3] =	sst s9;
	s0 =	simm.s32 @!p0 $0x0  }
0x12: {  	s1 =	sld [smem:$0x3F99];
	s0 =	simm.s32 @p0 $0x1  }
0x13: {  	[smem:$0x3FB4] =	sst s0;
	s0 =	simm.s32 @!p1 $0x0  }
0x14: {  	s2 =	sld [smem:$0x3F98];
	s0 =	simm.s32 @p1 $0x1  }
0x15: {  	[smem:$0x3FB5] =	sst s0;
	s0 =	simm.s32 @!p2 $0x0  }
0x16: {  	s3 =	sld [smem:$0x3FDB];
	s0 =	simm.s32 @p2 $0x1  }
0x17: {  	s4 =	simm.s32 $0x1BF5;
	[smem:$0x3FB7] =	sst s0  }
0x18: {  	s0 =	sld [smem:$0x3F9A];
	_ =	swait.ge [sflag:s4], $0x0  }
0x19: {  	s7 =	sld [smem:$0x3F9B]  }
0x1a: {  	s8 =	sadd.s32 $0xFFFFE003, lr  }
0x1b: {  	s9 =	sadd.s32 $0xFFFFFEF7, lr;
	s5 =	simm.s32 $0xFFFFFFFF;
	p2 =	slt.u32 s8, $0xFFFFF086  }
0x1c: {  	p1 =	slt.u32 s9, $0xF7A;
	s5 =	simm.s32 @!p2 $0x0  }
0x1d: {  	s5 =	simm.s32 @p1 $0x1;
	p0 =	seq.s32 s7, s2  }
0x1e: {  	s7 =	smul.u32 @!p0 $0xF7A, s2;
	p2 =	seq.s32 @!p0 s5, $0x0  }
0x1f: {  	s9 =	smul.u32 $0xF7A, s1;
	s8 =	simm.s32 @!p0 $0x1BF5;
	p2 =	por !p2, p0  }
0x20: {  	[sflag:s8] =	ssyncset.s32 @!p0 $0xFFFFF086;
	s6 =	sadd.s32 @!p0 s3, s7;
	s7 =	simm.s32 @!p0 $0x108  }
0x21: {  	s3 =	sadd.s32 s3, s9;
	s6 =	sadd.s32 @!p0 $0x88, s6;
	s7 =	simm.s32 @p2 $0x1082  }
0x22: {  	[simem:s7], [sflag:s8] =	dma.local @!p0 [hbm:s6], $0xF7A  }
0x23: {  	s9 =	sor.u32 $0xD0000000, s2;
	s6 =	simm.s32 $0x108;
	_ =	swait.ge @!p0 [sflag:s8], $0x0  }
0x24: {  	s3 =	sadd.s32 $0x88, s3;
	s6 =	simm.s32 @!p1 $0x1082;
	[sflag:s4] =	ssyncset.s32 $0xFFFFF086  }
0x25: {  	[simem:s6], [sflag:s4] =	dma.local [hbm:s3], $0xF7A  }
0x26: {  	[smem:$0x3F9B] =	sst s1;
	(tag) =	ssettag s2;
	_ =	strace s9  }
0x27: {  	s1 =	sld [smem:$0x3FAB]  }
0x28: {  	s2 =	sld [smem:$0x3FAC]  }
0x29: {  	s4 =	sld [smem:$0x3FAE]  }
0x2a: {  	p0 =	seq.s32 s5, $0x0;
	s5 =	sld [smem:$0x3FAF]  }
0x2b: {  	s6 =	sld [smem:$0x3FB0]  }
0x2c: {  	s7 =	sld [smem:$0x3FB1]  }
0x2d: {  	s3 =	simm.s32 $0x108;
	s8 =	sld [smem:$0x3FB2]  }
0x2e: {  	s3 =	simm.s32 @!p0 $0x1082;
	s9 =	sld [smem:$0x3FB3]  }
0x2f: {  	lr =	sadd.s32 s0, s3;
	s0 =	sld [smem:$0x3FAA]  }
0x30: {  	s3 =	sld [smem:$0x3FAD]  }
0x31: {  	[smem:$0x3FB6] =	sst s10  }
0x32: {  	s10 =	sld [smem:$0x3FB4];
	_ =	sdelay $0x3  }
0x33: {  	p0 =	seq.s32 s10, $0x1;
	s10 =	sld [smem:$0x3FB6];
	_ =	sdelay $0x3  }
0x34: {  	[smem:$0x3FB6] =	sst s10  }
0x35: {  	s10 =	sld [smem:$0x3FB5];
	_ =	sdelay $0x3  }
0x36: {  	p1 =	seq.s32 s10, $0x1;
	s10 =	sld [smem:$0x3FB6];
	_ =	sdelay $0x3  }
0x37: {  	[smem:$0x3FB6] =	sst s10  }
0x38: {  	s10 =	sld [smem:$0x3FB7]  }
0x39: {  	_ = 	snop;
	(pc) =	sbr.ind lr, $3  }
0x3a: {  	_ = 	snop  }
0x3b: {  	_ = 	snop  }
0x3c: {  	p2 =	seq.s32 s10, $0x1;
	s10 =	sld [smem:$0x3FB6]  }
0x3d: {  	_ =	shalt  }
0x3e: {  	_ =	shalt  }
0x3f: {  	_ =	shalt  }
0x40: {  	_ =	shalt  }
0x41: {  	_ =	shalt  }
0x42: {  	_ =	shalt  }
0x43: {  	_ =	shalt  }
0x44: {  	_ =	shalt  }
0x45: {  	_ =	shalt  }
0x46: {  	_ =	shalt  }
0x47: {  	_ =	shalt  }
0x48: {  	_ =	shalt  }
0x49: {  	_ =	shalt  }
0x4a: {  	_ =	shalt  }
0x4b: {  	_ =	shalt  }
0x4c: {  	_ =	shalt  }
0x4d: {  	_ =	shalt  }
0x4e: {  	_ =	shalt  }
0x4f: {  	_ =	shalt  }
0x50: {  	_ =	shalt  }
0x51: {  	_ =	shalt  }
0x52: {  	_ =	shalt  }
0x53: {  	_ =	shalt  }
0x54: {  	_ =	shalt  }
0x55: {  	_ =	shalt  }
0x56: {  	_ =	shalt  }
0x57: {  	_ =	shalt  }
0x58: {  	_ =	shalt  }
0x59: {  	_ =	shalt  }
0x5a: {  	_ =	shalt  }
0x5b: {  	_ =	shalt  }
0x5c: {  	_ =	shalt  }
0x5d: {  	_ =	shalt  }
0x5e: {  	_ =	shalt  }
0x5f: {  	_ =	shalt  }
0x60: {  	_ =	shalt  }
0x61: {  	_ =	shalt  }
0x62: {  	_ =	shalt  }
0x63: {  	_ =	shalt  }
0x64: {  	_ =	shalt  }
0x65: {  	_ =	shalt  }
0x66: {  	_ =	shalt  }
0x67: {  	_ =	shalt  }
0x68: {  	_ =	shalt  }
0x69: {  	_ =	shalt  }
0x6a: {  	_ =	shalt  }
0x6b: {  	_ =	shalt  }
0x6c: {  	_ =	shalt  }
0x6d: {  	_ =	shalt  }
0x6e: {  	_ =	shalt  }
0x6f: {  	_ =	shalt  }
0x70: {  	_ =	shalt  }
0x71: {  	_ =	shalt  }
0x72: {  	_ =	shalt  }
0x73: {  	_ =	shalt  }
0x74: {  	_ =	shalt  }
0x75: {  	_ =	shalt  }
0x76: {  	_ =	shalt  }
0x77: {  	_ =	shalt  }
0x78: {  	_ =	shalt  }
0x79: {  	_ =	shalt  }
0x7a: {  	_ =	shalt  }
0x7b: {  	_ =	shalt  }
0x7c: {  	_ =	shalt  }
0x7d: {  	_ =	shalt  }
0x7e: {  	_ =	shalt  }
0x7f: {  	_ =	shalt  }
0x80: {  	_ =	shalt  }
0x81: {  	_ =	shalt  }
0x82: {  	_ =	shalt  }
0x83: {  	_ =	shalt  }
0x84: {  	_ =	shalt  }
0x85: {  	_ =	shalt  }
0x86: {  	_ =	shalt  }
0x87: {  	_ =	shalt  }
.Lfunc_end0:
.L_simem_size_0:
called_computation.1_lowered:
.L_overlay_start_0:
0x88: {  	s2 =	sld [smem:$0x3FD9]  }
0x89: {  	s3 =	sld [smem:$0x3FFE];
	_ =	sdelay $0x1  }
0x8a: {  	s1 =	srdreg.scid  }
0x8b: {  	s0 =	sand.u32 $0x1, s1  }
0x8c: {  	s17 =	sshll.u32 s0, $0xA;
	s2 =	sadd.s32 s3, s2  }
0x8d: {  	s2 =	sadd.s32 s2, s17  }
0x8e: {  	[smem:$0x3FC2] =	sst s2  }
0x8f: {  	_ = 	snop  }
0x90: {  	s2 =	sld [smem:$0x3FD0];
	(tm) =	ssettm $0x1  }
0x91: {  	s18 =	sld [smem:$0x3FFB];
	_ =	sdelay $0x3  }
0x92: {  	_ =	strace s18  }
0x93: {  	s3 =	sld [smem:$0x3FFC];
	_ =	sdelay $0x3  }
0x94: {  	_ =	strace s3  }
0x95: {  	s3 =	sld [smem:$0x3FFD];
	_ =	sdelay $0x3  }
0x96: {  	_ =	strace s3  }
0x97: {  	_ =	strace $0x8FFFFFFF  }
0x98: {  	s19 =	sld [smem:$0x3FDB];
	_ =	sdelay $0x1  }
0x99: {  	s4 =	simm.s32 $_scs_section_size  }
0x9a: {  	s5 =	simm.s32 $_size__tile_overlayer_lowered;
	s6 =	simm.s32 $_tile_overlayer_lowered  }
0x9b: {  	s22 =	simm.s32 $0x1BFF;
	s21 =	sshll.u32 s6, $0x1;
	s3 =	sadd.s32 s4, s19  }
0x9c: {  	s7 =	simm.s32 $0x0;
	s20 =	sshll.u32 s5, $0x1;
	s5 =	sadd.s32 s21, s3  }
0x9d: {  	[timem:s7], [sflag:s22] =	dma.local [hbm:s5], s20  }
0x9e: {  	_ =	swait.ge [sflag:s22], s20  }
0x9f: {  	s4 =	ssub.s32 $0x0, s20;
	[sflag:s22] =	ssyncset.done $0x0  }
0xa0: {  	[sflag:s22] =	ssyncadd.s32 s4;
	_ =	sdelay $0x1  }
0xa1: {  	s23 =	simm.s32 $0x1B8B  }
0xa2: {  	_ =	swait.ge [sflag:s23], $0x1  }
0xa3: {  	[sflag:s23] =	ssyncset.done $0x0  }
0xa4: {  	s25 =	simm.s32 $0x1B8E;
	s24 =	sld [smem:$0x3FFE];
	[sflag:s23] =	ssyncadd.s32 $0xFFFFFFFF  }
0xa5: {  	s26 =	simm.s32 $execute0_lowered;
	[smem:$0x3FD2] =	sst s25  }
0xa6: {  	s5 =	sshll.u32 s26, $0x1;
	_ =	strace $0x80000049;
	[dreg:$0x1] =	wrdreg $0xFFFFFFFF  }
0xa7: {  	s28 =	simm.s32 $_size_execute0_lowered;
	s3 =	sadd.s32 s3, s5;
	[dreg:$0x0] =	wrdreg $0x0  }
0xa8: {  	s5 =	sshll.u32 s28, $0x1;
	[dreg:$0x2] =	wrdreg s3  }
0xa9: {  	[dreg:$0x3] =	wrdreg s5  }
0xaa: {  	[dreg:$0x4] =	wrdreg $0xC0  }
0xab: {  	_ =	task [dreg:s7], $0x5FFFF  }
0xac: {  	[dreg:$0x1] =	wrdreg $0xFFFFFFFF  }
0xad: {  	[dreg:$0x0] =	wrdreg $0x60  }
0xae: {  	[dreg:$0x2] =	wrdreg s2  }
0xaf: {  	[dreg:$0x3] =	wrdreg s24  }
0xb0: {  	[dreg:$0x4] =	wrdreg $0x84000  }
0xb1: {  	[dreg:$0x5] =	wrdreg $0x9  }
0xb2: {  	_ =	task.clear_ibuf [dreg:s7], $0x6FFFF;
	_ =	strace $0x90000049  }
0xb3: {  	s29 =	simm.s32 $0x9;
	_ =	strace $0x8000004B  }
0xb4: {  	_ =	swait.ge [sflag:s29], $0x1  }
0xb5: {  	[sflag:s29] =	ssyncadd.s32 $0xFFFFFFFF  }
0xb6: {  	_ =	strace $0x9000004B  }
0xb7: {  	_ =	sfence  }
0xb8: {  	s30 =	sld [smem:$0x0];
	_ =	sdelay $0x2  }
0xb9: {  	s31 =	sshll.u32 s1, $0xD;
	s1 =	sshrl.u32 s1, $0x2  }
0xba: {  	s3 =	sand.u32 $0x4000, s31;
	s1 =	sadd.s32 s1, s30  }
0xbb: {  	s0 =	sor.u32 s3, s0;
	s1 =	sshll.u32 s1, $0x11  }
0xbc: {  	s0 =	sor.u32 s1, s0  }
0xbd: {  	s0 =	sadd.s32 $0x8F2B, s0  }
0xbe: {  	[sflag:s0] =	ssyncadd.remote.s32 $0x1  }
0xbf: {  	_ =	sfence.sel $0xFFFF  }
0xc0: {  	[dreg:$0x0] =	wrdreg $0xFFFFFFFF;
	(pc) =	sbr.abs _section_cstart, $3  }
0xc1: {  	[dreg:$0x1] =	wrdreg $0xFFFFFFFF  }
0xc2: {  	_ =	task.clear_ibuf [dreg:s7], $0x2FFFF;
	_ =	strace $0x9FFFFFFF  }
0xc3: {  	(tm) =	ssettm $0x7FFFFFFF  }
tec
execute0_lowered:
.L_overlay_start_1:
0x0: {  	(tag) =	ssettag $0x1  }
0x1: {  	s0 =	rddreg [dreg:$0x0]  }
0x2: {  	s5 =	rddreg [dreg:$0x1]  }
0x3: {  	s1 =	rddreg [dreg:$0x2];
	s2 =	simm.s32 $0x0;
	s3 =	srdreg.scid  }
0x4: {  	s6 =	stileid.u32;
	s28 =	simm.s32 $0x300;
	s29 =	simm.s32 $0x1  }
0x5: {  	s30 =	simm.s32 $0x80;
	s31 =	simm.s32 $0x400;
	[smem:$0x7FF] =	sst s2  }
0x6: {  	s7 =	sand.u32 $0x1, s3;
	s3 =	sadd.s32 $0x2E00, s5;
	s9 =	smul.u32 $0x13880, s6  }
0x7: {  	s4 =	sadd.s32 $0x2A000, s5;
	s11 =	smul.u32 $0x5000, s6;
	s12 =	sadd.s32 $0x78400, s5  }
0x8: {  	s5 =	sadd.s32 $0x9F600, s5;
	s16 =	sadd.s32 $0x138800, s1;
	s24 =	smul.u32 $0xA00, s6  }
0x9: {  	s26 =	sshll.u32 s6, $0x6;
	_ =	strace $0x8000004A;
	[dreg:$0x4] =	wrdreg s12  }
0xa: {  	p1 =	sne.s32 s6, $0x0;
	s6 =	simm.s32 $0x5;
	[dreg:$0x5] =	wrdreg s5  }
0xb: {  	s8 =	ssub.s32 $0x2, s7;
	p0 =	seq.s32 s7, $0x1;
	[dreg:$0x7] =	wrdreg s16  }
0xc: {  	[dreg:$0x10] =	wrdreg s26;
	s14 =	sor.u32 $0x1C07, s26;
	s7 =	sshrl.u32 s9, $0x3  }
0xd: {  	s12 =	sshrl.u32 s11, $0x3;
	s13 =	sadd.s32 s9, s1;
	s15 =	sadd.s32 s3, s7  }
0xe: {  	s9 =	sadd.s32 s0, s12;
	s25 =	sadd.s32 s4, s7;
	[dreg:$0x6] =	wrdreg s15  }
0xf: {  	s26 =	simm.s32 $0x200;
	s17 =	sadd.s32 $0x20, s9;
	[dreg:$0xf] =	wrdreg s25  }
0x10: {  	s5 =	simm.s32 $0x4400;
	s18 =	sadd.s32 $0x40, s9;
	[dreg:$0x8] =	wrdreg s17  }
0x11: {  	s10 =	sshrl.u32 s8, $0x1;
	s19 =	sadd.s32 $0x60, s9;
	[dreg:$0x9] =	wrdreg s18  }
0x12: {  	s11 =	simm.s32 $0x280;
	s20 =	sadd.s32 $0x80, s9;
	[dreg:$0xa] =	wrdreg s19  }
0x13: {  	s10 =	ssub.s32 s8, s10;
	s21 =	sadd.s32 $0x9A0, s9;
	[dreg:$0xb] =	wrdreg s20  }
0x14: {  	s8 =	simm.s32 $0x3;
	s22 =	sadd.s32 $0x9C0, s9;
	[dreg:$0xc] =	wrdreg s21  }
.Ltmp0:
0x15: {  	s23 =	sadd.s32 $0x9E0, s9;
	[dreg:$0xd] =	wrdreg s22;
	(pc) =	sbr.rel .LBB2_1-.Ltmp0, $4  }
0x16: {  	s12 =	simm.s32 $0x380;
	s25 =	simm.s32 $0x100;
	[dreg:$0xe] =	wrdreg s23  }
0x17: {  	s19 =	smax.u32 s10, $0x1;
	s21 =	sadd.s32 s24, s0;
	s23 =	sshrl.u32 s13, $0x3  }
0x18: {  	s24 =	simm.s32 $0x7;
	s0 =	simm.s32 $0x2;
	s18 =	simm.s32 $0x6  }
0x19: {  	s20 =	simm.s32 $0x180;
	s10 =	simm.s32 $0x4;
	s13 =	simm.s32 $0x0  }
.LBB2_7:
0x1a: {  	[tilespmem:s31], [sflag:$0x5] =	stream.indirect.gather [hbm4b:s4+s30], $0x80, s26, s30, $0xb8;
	[tilespmem:$0x1BCC0] =	vst v63  }
0x1b: {  	s16 =	smov.u32 s4;
	s15 =	rddreg [dreg:$0x5];
	s22 =	smov.u32 s14  }
.LBB2_8:
0x1c: {  	_ =	swait.ge [sflag:s18], $0x4000  }
0x1d: {  	[sflag:s18] =	ssyncset.done $0x0  }
0x1e: {  	[sflag:s18] =	ssyncadd.s32 $0xFFFFC000  }
0x1f: {  	[spmem:s1] =	stream.indirect.scatter.add.f32 [tilespmem:s5], [sflag:$0x7], $0x80, s20, s30, $0xb8;
	[tilespmem:$0x1BCC0] =	vst v63  }
0x20: {  	_ =	swait.ge [sflag:s24], $0x4000  }
0x21: {  	[sflag:s24] =	ssyncset.done $0x0  }
0x22: {  	s17 =	rddreg [dreg:$0xc];
	[sflag:s24] =	ssyncadd.s32 $0xFFFFC000  }
0x23: {  	[tilespmem:s25], [sflag:$0x2] =	stream.linear.gather [hbm4b:s17+s2], $0x100, $0x38;
	[tilespmem:$0x1BCC0] =	vst v63  }
0x24: {  	_ =	swait.ge [sflag:s10], $0x100  }
0x25: {  	[sflag:s10] =	ssyncset.done $0x0  }
0x26: {  	[sflag:s10] =	ssyncadd.s32 $0xFFFFFF00  }
0x27: {  	[tilespmem:s5], [sflag:$0x6] =	stream.indirect.gather [hbm4b:s16+s30], $0x80, s28, s30, $0xb8;
	[tilespmem:$0x1BCC0] =	vst v63  }
0x28: {  	_ =	swait.ge [sflag:s6], $0x4000  }
0x29: {  	[sflag:s6] =	ssyncset.done $0x0  }
0x2a: {  	[sflag:s6] =	ssyncadd.s32 $0xFFFFC000  }
0x2b: {  	[spmem:s1] =	stream.indirect.scatter.add.f32 [tilespmem:s31], [sflag:$0x7], $0x80, s11, s30, $0xb8;
	[tilespmem:$0x1BCC0] =	vst v63  }
0x2c: {  	_ =	swait.ge [sflag:s24], $0x4000  }
0x2d: {  	[sflag:s24] =	ssyncset.done $0x0  }
0x2e: {  	s17 =	rddreg [dreg:$0xd];
	[sflag:s24] =	ssyncadd.s32 $0xFFFFC000  }
0x2f: {  	[tilespmem:s26], [sflag:$0x3] =	stream.linear.gather [hbm4b:s17+s2], $0x100, $0x38;
	[tilespmem:$0x1BCC0] =	vst v63  }
0x30: {  	_ =	swait.ge [sflag:s29], $0x100  }
0x31: {  	[sflag:s29] =	ssyncset.done $0x0  }
0x32: {  	[sflag:s29] =	ssyncadd.s32 $0xFFFFFF00  }
0x33: {  	[tilespmem:s31], [sflag:$0x5] =	stream.indirect.gather [hbm4b:s16+s30], $0x80, s2, s30, $0xb8;
	[tilespmem:$0x1BCC0] =	vst v63  }
0x34: {  	_ =	swait.ge [sflag:s18], $0x4000  }
0x35: {  	[sflag:s18] =	ssyncset.done $0x0  }
0x36: {  	[sflag:s18] =	ssyncadd.s32 $0xFFFFC000  }
0x37: {  	[spmem:s1] =	stream.indirect.scatter.add.f32 [tilespmem:s5], [sflag:$0x7], $0x80, s12, s30, $0xb8;
	[tilespmem:$0x1BCC0] =	vst v63  }
0x38: {  	_ =	swait.ge [sflag:s24], $0x4000  }
0x39: {  	[sflag:s24] =	ssyncset.done $0x0  }
0x3a: {  	s17 =	rddreg [dreg:$0xe];
	[sflag:s24] =	ssyncadd.s32 $0xFFFFC000  }
0x3b: {  	[tilespmem:s28], [sflag:$0x4] =	stream.linear.gather [hbm4b:s17+s2], $0x100, $0x38;
	[tilespmem:$0x1BCC0] =	vst v63  }
0x3c: {  	_ =	swait.ge [sflag:s0], $0x100  }
0x3d: {  	[sflag:s0] =	ssyncset.done $0x0  }
0x3e: {  	[sflag:s0] =	ssyncadd.s32 $0xFFFFFF00  }
0x3f: {  	[tilespmem:s5], [sflag:$0x6] =	stream.indirect.gather [hbm4b:s16+s30], $0x80, s25, s30, $0xb8;
	[tilespmem:$0x1BCC0] =	vst v63  }
0x40: {  	_ =	swait.ge [sflag:s6], $0x4000  }
0x41: {  	[sflag:s6] =	ssyncset.done $0x0  }
0x42: {  	[sflag:s6] =	ssyncadd.s32 $0xFFFFC000  }
0x43: {  	[spmem:s1] =	stream.indirect.scatter.add.f32 [tilespmem:s31], [sflag:$0x7], $0x80, s30, s30, $0xb8;
	[tilespmem:$0x1BCC0] =	vst v63  }
0x44: {  	_ =	swait.ge [sflag:s24], $0x4000  }
0x45: {  	[sflag:s24] =	ssyncset.done $0x0  }
0x46: {  	[sflag:s24] =	ssyncadd.s32 $0xFFFFC000  }
0x47: {  	_ =	swait.ge [sflag:s8], $0x100  }
0x48: {  	[sflag:s8] =	ssyncset.done $0x0  }
0x49: {  	[sflag:s8] =	ssyncadd.s32 $0xFFFFFF00  }
0x4a: {  	[tilespmem:s31], [sflag:$0x5] =	stream.indirect.gather [hbm4b:s16+s30], $0x80, s26, s30, $0xb8;
	[tilespmem:$0x1BCC0] =	vst v63  }
0x4b: {  	_ =	swait.ge [sflag:s18], $0x4000  }
0x4c: {  	[sflag:s18] =	ssyncset.done $0x0  }
0x4d: {  	[sflag:s18] =	ssyncadd.s32 $0xFFFFC000  }
0x4e: {  	[spmem:s1] =	stream.indirect.scatter.add.f32 [tilespmem:s5], [sflag:$0x7], $0x80, s20, s30, $0xb8;
	[tilespmem:$0x1BCC0] =	vst v63  }
0x4f: {  	_ =	swait.ge [sflag:s24], $0x4000  }
0x50: {  	[sflag:s24] =	ssyncset.done $0x0  }
0x51: {  	[sflag:s24] =	ssyncadd.s32 $0xFFFFC000  }
0x52: {  	_ =	swait.ge [sflag:s10], $0x100  }
0x53: {  	[sflag:s10] =	ssyncset.done $0x0  }
0x54: {  	[sflag:s10] =	ssyncadd.s32 $0xFFFFFF00  }
0x55: {  	[tilespmem:s5], [sflag:$0x6] =	stream.indirect.gather [hbm4b:s16+s30], $0x80, s28, s30, $0xb8;
	[tilespmem:$0x1BCC0] =	vst v63  }
0x56: {  	_ =	swait.ge [sflag:s6], $0x4000  }
0x57: {  	[sflag:s6] =	ssyncset.done $0x0  }
0x58: {  	[sflag:s6] =	ssyncadd.s32 $0xFFFFC000  }
0x59: {  	[spmem:s1] =	stream.indirect.scatter.add.f32 [tilespmem:s31], [sflag:$0x7], $0x80, s11, s30, $0xb8;
	[tilespmem:$0x1BCC0] =	vst v63  }
0x5a: {  	_ =	swait.ge [sflag:s24], $0x4000  }
0x5b: {  	[sflag:s24] =	ssyncset.done $0x0  }
0x5c: {  	[sflag:s24] =	ssyncadd.s32 $0xFFFFC000  }
0x5d: {  	_ =	swait.ge [sflag:s18], $0x4000  }
0x5e: {  	[sflag:s18] =	ssyncset.done $0x0  }
0x5f: {  	[sflag:s18] =	ssyncadd.s32 $0xFFFFC000  }
0x60: {  	[spmem:s1] =	stream.indirect.scatter.add.f32 [tilespmem:s5], [sflag:$0x7], $0x80, s12, s30, $0xb8;
	[tilespmem:$0x1BCC0] =	vst v63  }
0x61: {  	_ =	swait.ge [sflag:s24], $0x4000  }
0x62: {  	s13 =	sadd.s32 $0x1, s13;
	[sflag:s24] =	ssyncset.done $0x0  }
0x63: {  	p2 =	sne.s32 s13, s19;
	[sflag:s24] =	ssyncadd.s32 $0xFFFFC000  }
.Ltmp1:
0x64: {  	s15 =	sadd.s32 s15, s7;
	[bflag:$0x0] =	sbarrier.arrive $0xFFFF;
	(pc) =	sbr.rel @!p2 .LBB2_9-.Ltmp1, $4  }
0x65: {  	[hbm:s15], [sflag:s22] =	dma.local [spmem:s23], $0x2710  }
0x66: {  	_ =	swait.ge [sflag:s24], $0x2710  }
0x67: {  	[sflag:s24] =	ssyncset.done $0x0  }
0x68: {  	[sflag:s24] =	ssyncadd.s32 $0xFFFFD8F0  }
.LBB2_1:
.Ltmp2:
0x69: {  	(pc) =	sbr.rel @!p0 .LBB2_2-.Ltmp2, $3  }
0x6a: {  	_ =	sdelay $0x1  }
0x6b: {  	s15 =	rddreg [dreg:$0x7]  }
0x6c: {  	s15 =	sshrl.u32 @!p1 s15, $0x3  }
0x6d: {  	s16 =	rddreg [dreg:$0xf]  }
0x6e: {  	[spmem:s23], [sflag:s14] =	dma.local [hbm:s16], $0x2710  }
0x6f: {  	_ =	swait.ge [sflag:s24], $0x2710  }
0x70: {  	[sflag:s24] =	ssyncset.done $0x0  }
0x71: {  	[sflag:s24] =	ssyncadd.s32 $0xFFFFD8F0  }
0x72: {  	[spmem:s15], [sflag:s14] =	dma.local @!p1 [hbm:s4], $0x80  }
0x73: {  	s15 =	simm.s32 @!p1 $0x7  }
0x74: {  	_ =	swait.ge @!p1 [sflag:s15], $0x80  }
0x75: {  	[sflag:s15] =	ssyncset.done @!p1 $0x0  }
0x76: {  	[sflag:s15] =	ssyncadd.s32 @!p1 $0xFFFFFF80  }
0x77: {  	[bflag:$0x0] =	sbarrier.arrive $0xFFFF  }
0x78: {  	[tilespmem:s2], [sflag:$0x1] =	stream.linear.gather [hbm4b:s9+s2], $0x100, $0x38;
	[tilespmem:$0x1BCC0] =	vst v63  }
0x79: {  	s17 =	rddreg [dreg:$0x8]  }
0x7a: {  	[tilespmem:s25], [sflag:$0x2] =	stream.linear.gather [hbm4b:s17+s2], $0x100, $0x38;
	[tilespmem:$0x1BCC0] =	vst v63  }
0x7b: {  	s22 =	rddreg [dreg:$0x9]  }
0x7c: {  	[tilespmem:s26], [sflag:$0x3] =	stream.linear.gather [hbm4b:s22+s2], $0x100, $0x38;
	[tilespmem:$0x1BCC0] =	vst v63  }
0x7d: {  	s16 =	rddreg [dreg:$0xa]  }
0x7e: {  	[tilespmem:s28], [sflag:$0x4] =	stream.linear.gather [hbm4b:s16+s2], $0x100, $0x38;
	[tilespmem:$0x1BCC0] =	vst v63  }
0x7f: {  	_ =	swait.ge [sflag:s29], $0x100  }
0x80: {  	[sflag:s29] =	ssyncset.done $0x0  }
0x81: {  	[sflag:s29] =	ssyncadd.s32 $0xFFFFFF00  }
0x82: {  	[tilespmem:s31], [sflag:$0x5] =	stream.indirect.gather [hbm4b:s4+s30], $0x80, s2, s30, $0xb8;
	[tilespmem:$0x1BCC0] =	vst v63  }
0x83: {  	_ =	swait.ge [sflag:s0], $0x100  }
0x84: {  	[sflag:s0] =	ssyncset.done $0x0  }
0x85: {  	[sflag:s0] =	ssyncadd.s32 $0xFFFFFF00  }
0x86: {  	[tilespmem:s5], [sflag:$0x6] =	stream.indirect.gather [hbm4b:s4+s30], $0x80, s25, s30, $0xb8;
	[tilespmem:$0x1BCC0] =	vst v63  }
0x87: {  	_ =	swait.ge [sflag:s6], $0x4000  }
0x88: {  	[sflag:s6] =	ssyncset.done $0x0  }
0x89: {  	[sflag:s6] =	ssyncadd.s32 $0xFFFFC000  }
0x8a: {  	[spmem:s1] =	stream.indirect.scatter.add.f32 [tilespmem:s31], [sflag:$0x7], $0x80, s30, s30, $0xb8;
	[tilespmem:$0x1BCC0] =	vst v63  }
0x8b: {  	_ =	swait.ge [sflag:s24], $0x4000  }
0x8c: {  	[sflag:s24] =	ssyncset.done $0x0  }
0x8d: {  	s17 =	rddreg [dreg:$0xb];
	[sflag:s24] =	ssyncadd.s32 $0xFFFFC000  }
0x8e: {  	[tilespmem:s2], [sflag:$0x1] =	stream.linear.gather [hbm4b:s17+s2], $0x100, $0x38;
	[tilespmem:$0x1BCC0] =	vst v63  }
0x8f: {  	_ =	swait.ge [sflag:s8], $0x100  }
0x90: {  	[sflag:s8] =	ssyncset.done $0x0  }
0x91: {  	[sflag:s8] =	ssyncadd.s32 $0xFFFFFF00  }
0x92: {  	[tilespmem:s31], [sflag:$0x5] =	stream.indirect.gather [hbm4b:s4+s30], $0x80, s26, s30, $0xb8;
	[tilespmem:$0x1BCC0] =	vst v63  }
0x93: {  	_ =	swait.ge [sflag:s18], $0x4000  }
0x94: {  	[sflag:s18] =	ssyncset.done $0x0  }
0x95: {  	[sflag:s18] =	ssyncadd.s32 $0xFFFFC000  }
0x96: {  	[spmem:s1] =	stream.indirect.scatter.add.f32 [tilespmem:s5], [sflag:$0x7], $0x80, s20, s30, $0xb8;
	[tilespmem:$0x1BCC0] =	vst v63  }
0x97: {  	_ =	swait.ge [sflag:s24], $0x4000  }
0x98: {  	s15 =	sadd.s32 $0xFFFFF700, s21;
	[sflag:s24] =	ssyncset.done $0x0  }
0x99: {  	s22 =	sadd.s32 $0x9A0, s15;
	[sflag:s24] =	ssyncadd.s32 $0xFFFFC000  }
0x9a: {  	[tilespmem:s25], [sflag:$0x2] =	stream.linear.gather [hbm4b:s22+s2], $0x100, $0x38;
	[tilespmem:$0x1BCC0] =	vst v63  }
0x9b: {  	_ =	swait.ge [sflag:s10], $0x100  }
0x9c: {  	[sflag:s10] =	ssyncset.done $0x0  }
0x9d: {  	[sflag:s10] =	ssyncadd.s32 $0xFFFFFF00  }
0x9e: {  	[tilespmem:s5], [sflag:$0x6] =	stream.indirect.gather [hbm4b:s4+s30], $0x80, s28, s30, $0xb8;
	[tilespmem:$0x1BCC0] =	vst v63  }
0x9f: {  	_ =	swait.ge [sflag:s6], $0x4000  }
0xa0: {  	[sflag:s6] =	ssyncset.done $0x0  }
0xa1: {  	[sflag:s6] =	ssyncadd.s32 $0xFFFFC000  }
0xa2: {  	[spmem:s1] =	stream.indirect.scatter.add.f32 [tilespmem:s31], [sflag:$0x7], $0x80, s11, s30, $0xb8;
	[tilespmem:$0x1BCC0] =	vst v63  }
0xa3: {  	_ =	swait.ge [sflag:s24], $0x4000  }
0xa4: {  	[sflag:s24] =	ssyncset.done $0x0  }
0xa5: {  	s17 =	sadd.s32 $0x9C0, s15;
	[sflag:s24] =	ssyncadd.s32 $0xFFFFC000  }
0xa6: {  	[tilespmem:s26], [sflag:$0x3] =	stream.linear.gather [hbm4b:s17+s2], $0x100, $0x38;
	[tilespmem:$0x1BCC0] =	vst v63  }
0xa7: {  	_ =	swait.ge [sflag:s29], $0x100  }
0xa8: {  	[sflag:s29] =	ssyncset.done $0x0  }
0xa9: {  	[sflag:s29] =	ssyncadd.s32 $0xFFFFFF00  }
0xaa: {  	[tilespmem:s31], [sflag:$0x5] =	stream.indirect.gather [hbm4b:s4+s30], $0x80, s2, s30, $0xb8;
	[tilespmem:$0x1BCC0] =	vst v63  }
0xab: {  	_ =	swait.ge [sflag:s18], $0x4000  }
0xac: {  	[sflag:s18] =	ssyncset.done $0x0  }
0xad: {  	[sflag:s18] =	ssyncadd.s32 $0xFFFFC000  }
0xae: {  	[spmem:s1] =	stream.indirect.scatter.add.f32 [tilespmem:s5], [sflag:$0x7], $0x80, s12, s30, $0xb8;
	[tilespmem:$0x1BCC0] =	vst v63  }
0xaf: {  	_ =	swait.ge [sflag:s24], $0x4000  }
0xb0: {  	[sflag:s24] =	ssyncset.done $0x0  }
0xb1: {  	s22 =	sadd.s32 $0x9E0, s15;
	[sflag:s24] =	ssyncadd.s32 $0xFFFFC000  }
0xb2: {  	[tilespmem:s28], [sflag:$0x4] =	stream.linear.gather [hbm4b:s22+s2], $0x100, $0x38;
	[tilespmem:$0x1BCC0] =	vst v63  }
0xb3: {  	_ =	swait.ge [sflag:s0], $0x100  }
0xb4: {  	[sflag:s0] =	ssyncset.done $0x0  }
0xb5: {  	[sflag:s0] =	ssyncadd.s32 $0xFFFFFF00  }
0xb6: {  	[tilespmem:s5], [sflag:$0x6] =	stream.indirect.gather [hbm4b:s4+s30], $0x80, s25, s30, $0xb8;
	[tilespmem:$0x1BCC0] =	vst v63  }
0xb7: {  	_ =	swait.ge [sflag:s6], $0x4000  }
0xb8: {  	[sflag:s6] =	ssyncset.done $0x0  }
0xb9: {  	[sflag:s6] =	ssyncadd.s32 $0xFFFFC000  }
0xba: {  	[spmem:s1] =	stream.indirect.scatter.add.f32 [tilespmem:s31], [sflag:$0x7], $0x80, s30, s30, $0xb8;
	[tilespmem:$0x1BCC0] =	vst v63  }
0xbb: {  	_ =	swait.ge [sflag:s24], $0x4000  }
0xbc: {  	[sflag:s24] =	ssyncset.done $0x0  }
0xbd: {  	s15 =	sadd.s32 $0xA00, s15;
	[sflag:s24] =	ssyncadd.s32 $0xFFFFC000  }
0xbe: {  	[tilespmem:s2], [sflag:$0x1] =	stream.linear.gather [hbm4b:s15+s2], $0x100, $0x38;
	[tilespmem:$0x1BCC0] =	vst v63  }
0xbf: {  	_ =	swait.ge [sflag:s8], $0x100  }
0xc0: {  	[sflag:s8] =	ssyncset.done $0x0  }
0xc1: {  	s15 =	simm.s32 $0xFFFFF780;
	[sflag:s8] =	ssyncadd.s32 $0xFFFFFF00  }
.LBB2_6:
0xc2: {  	[tilespmem:s31], [sflag:$0x5] =	stream.indirect.gather [hbm4b:s4+s30], $0x80, s26, s30, $0xb8;
	[tilespmem:$0x1BCC0] =	vst v63  }
0xc3: {  	s16 =	smov.u32 s15  }
0xc4: {  	p2 =	sne.s32 s15, $0xFFFFFF80;
	s15 =	sadd.s32 $0x80, s15;
	_ =	swait.ge [sflag:s18], $0x4000  }
0xc5: {  	[sflag:s18] =	ssyncset.done $0x0  }
0xc6: {  	[sflag:s18] =	ssyncadd.s32 $0xFFFFC000  }
0xc7: {  	[spmem:s1] =	stream.indirect.scatter.add.f32 [tilespmem:s5], [sflag:$0x7], $0x80, s20, s30, $0xb8;
	[tilespmem:$0x1BCC0] =	vst v63  }
0xc8: {  	_ =	swait.ge [sflag:s24], $0x4000  }
0xc9: {  	s16 =	sadd.s32 s16, s21;
	[sflag:s24] =	ssyncset.done $0x0  }
0xca: {  	s17 =	sadd.s32 $0x9A0, s16;
	[sflag:s24] =	ssyncadd.s32 $0xFFFFC000  }
0xcb: {  	[tilespmem:s25], [sflag:$0x2] =	stream.linear.gather [hbm4b:s17+s2], $0x100, $0x38;
	[tilespmem:$0x1BCC0] =	vst v63  }
0xcc: {  	_ =	swait.ge [sflag:s10], $0x100  }
0xcd: {  	[sflag:s10] =	ssyncset.done $0x0  }
0xce: {  	[sflag:s10] =	ssyncadd.s32 $0xFFFFFF00  }
0xcf: {  	[tilespmem:s5], [sflag:$0x6] =	stream.indirect.gather [hbm4b:s4+s30], $0x80, s28, s30, $0xb8;
	[tilespmem:$0x1BCC0] =	vst v63  }
0xd0: {  	_ =	swait.ge [sflag:s6], $0x4000  }
0xd1: {  	[sflag:s6] =	ssyncset.done $0x0  }
0xd2: {  	[sflag:s6] =	ssyncadd.s32 $0xFFFFC000  }
0xd3: {  	[spmem:s1] =	stream.indirect.scatter.add.f32 [tilespmem:s31], [sflag:$0x7], $0x80, s11, s30, $0xb8;
	[tilespmem:$0x1BCC0] =	vst v63  }
0xd4: {  	_ =	swait.ge [sflag:s24], $0x4000  }
0xd5: {  	[sflag:s24] =	ssyncset.done $0x0  }
0xd6: {  	s17 =	sadd.s32 $0x9C0, s16;
	[sflag:s24] =	ssyncadd.s32 $0xFFFFC000  }
0xd7: {  	[tilespmem:s26], [sflag:$0x3] =	stream.linear.gather [hbm4b:s17+s2], $0x100, $0x38;
	[tilespmem:$0x1BCC0] =	vst v63  }
0xd8: {  	_ =	swait.ge [sflag:s29], $0x100  }
0xd9: {  	[sflag:s29] =	ssyncset.done $0x0  }
0xda: {  	[sflag:s29] =	ssyncadd.s32 $0xFFFFFF00  }
0xdb: {  	[tilespmem:s31], [sflag:$0x5] =	stream.indirect.gather [hbm4b:s4+s30], $0x80, s2, s30, $0xb8;
	[tilespmem:$0x1BCC0] =	vst v63  }
0xdc: {  	_ =	swait.ge [sflag:s18], $0x4000  }
0xdd: {  	[sflag:s18] =	ssyncset.done $0x0  }
0xde: {  	[sflag:s18] =	ssyncadd.s32 $0xFFFFC000  }
0xdf: {  	[spmem:s1] =	stream.indirect.scatter.add.f32 [tilespmem:s5], [sflag:$0x7], $0x80, s12, s30, $0xb8;
	[tilespmem:$0x1BCC0] =	vst v63  }
0xe0: {  	_ =	swait.ge [sflag:s24], $0x4000  }
0xe1: {  	[sflag:s24] =	ssyncset.done $0x0  }
0xe2: {  	s17 =	sadd.s32 $0x9E0, s16;
	[sflag:s24] =	ssyncadd.s32 $0xFFFFC000  }
0xe3: {  	[tilespmem:s28], [sflag:$0x4] =	stream.linear.gather [hbm4b:s17+s2], $0x100, $0x38;
	[tilespmem:$0x1BCC0] =	vst v63  }
0xe4: {  	_ =	swait.ge [sflag:s0], $0x100  }
0xe5: {  	[sflag:s0] =	ssyncset.done $0x0  }
0xe6: {  	[sflag:s0] =	ssyncadd.s32 $0xFFFFFF00  }
0xe7: {  	[tilespmem:s5], [sflag:$0x6] =	stream.indirect.gather [hbm4b:s4+s30], $0x80, s25, s30, $0xb8;
	[tilespmem:$0x1BCC0] =	vst v63  }
0xe8: {  	_ =	swait.ge [sflag:s6], $0x4000  }
0xe9: {  	[sflag:s6] =	ssyncset.done $0x0  }
0xea: {  	[sflag:s6] =	ssyncadd.s32 $0xFFFFC000  }
0xeb: {  	[spmem:s1] =	stream.indirect.scatter.add.f32 [tilespmem:s31], [sflag:$0x7], $0x80, s30, s30, $0xb8;
	[tilespmem:$0x1BCC0] =	vst v63  }
0xec: {  	_ =	swait.ge [sflag:s24], $0x4000  }
0xed: {  	[sflag:s24] =	ssyncset.done $0x0  }
.Ltmp3:
0xee: {  	s16 =	sadd.s32 $0xA00, s16;
	[sflag:s24] =	ssyncadd.s32 $0xFFFFC000;
	(pc) =	sbr.rel @p2 .LBB2_6-.Ltmp3, $4  }
0xef: {  	[tilespmem:s2], [sflag:$0x1] =	stream.linear.gather [hbm4b:s16+s2], $0x100, $0x38;
	[tilespmem:$0x1BCC0] =	vst v63  }
0xf0: {  	_ =	swait.ge [sflag:s8], $0x100  }
0xf1: {  	[sflag:s8] =	ssyncset.done $0x0  }
0xf2: {  	[sflag:s8] =	ssyncadd.s32 $0xFFFFFF00  }
.Ltmp4:
0xf3: {  	_ = 	snop;
	(pc) =	sbr.rel .LBB2_7-.Ltmp4, $1  }
0xf4: {  	_ =	sdelay $0x3  }
.LBB2_2:
0xf5: {  	s16 =	rddreg [dreg:$0x10]  }
0xf6: {  	s17 =	rddreg [dreg:$0x6];
	s22 =	sor.u32 $0x1C07, s16  }
0xf7: {  	[spmem:s23], [sflag:s22] =	dma.local [hbm:s17], $0x2710  }
0xf8: {  	_ =	swait.ge [sflag:s24], $0x2710  }
0xf9: {  	[sflag:s24] =	ssyncset.done $0x0  }
0xfa: {  	[sflag:s24] =	ssyncadd.s32 $0xFFFFD8F0  }
0xfb: {  	[spmem:s15], [sflag:s22] =	dma.local @!p1 [hbm:s3], $0x80  }
0xfc: {  	s15 =	simm.s32 @!p1 $0x7  }
0xfd: {  	_ =	swait.ge @!p1 [sflag:s15], $0x80  }
0xfe: {  	[sflag:s15] =	ssyncset.done @!p1 $0x0  }
0xff: {  	[sflag:s15] =	ssyncadd.s32 @!p1 $0xFFFFFF80  }
0x100: {  	[bflag:$0x0] =	sbarrier.arrive $0xFFFF  }
0x101: {  	[tilespmem:s2], [sflag:$0x1] =	stream.linear.gather [hbm4b:s9+s2], $0x100, $0x38;
	[tilespmem:$0x1BCC0] =	vst v63  }
0x102: {  	s17 =	rddreg [dreg:$0x8]  }
0x103: {  	[tilespmem:s25], [sflag:$0x2] =	stream.linear.gather [hbm4b:s17+s2], $0x100, $0x38;
	[tilespmem:$0x1BCC0] =	vst v63  }
0x104: {  	s16 =	rddreg [dreg:$0x9]  }
0x105: {  	[tilespmem:s26], [sflag:$0x3] =	stream.linear.gather [hbm4b:s16+s2], $0x100, $0x38;
	[tilespmem:$0x1BCC0] =	vst v63  }
0x106: {  	s17 =	rddreg [dreg:$0xa]  }
0x107: {  	[tilespmem:s28], [sflag:$0x4] =	stream.linear.gather [hbm4b:s17+s2], $0x100, $0x38;
	[tilespmem:$0x1BCC0] =	vst v63  }
0x108: {  	_ =	swait.ge [sflag:s29], $0x100  }
0x109: {  	[sflag:s29] =	ssyncset.done $0x0  }
0x10a: {  	[sflag:s29] =	ssyncadd.s32 $0xFFFFFF00  }
0x10b: {  	[tilespmem:s31], [sflag:$0x5] =	stream.indirect.gather [hbm4b:s3+s30], $0x80, s2, s30, $0xb8;
	[tilespmem:$0x1BCC0] =	vst v63  }
0x10c: {  	_ =	swait.ge [sflag:s0], $0x100  }
0x10d: {  	[sflag:s0] =	ssyncset.done $0x0  }
0x10e: {  	[sflag:s0] =	ssyncadd.s32 $0xFFFFFF00  }
0x10f: {  	[tilespmem:s5], [sflag:$0x6] =	stream.indirect.gather [hbm4b:s3+s30], $0x80, s25, s30, $0xb8;
	[tilespmem:$0x1BCC0] =	vst v63  }
0x110: {  	_ =	swait.ge [sflag:s6], $0x4000  }
0x111: {  	[sflag:s6] =	ssyncset.done $0x0  }
0x112: {  	[sflag:s6] =	ssyncadd.s32 $0xFFFFC000  }
0x113: {  	[spmem:s1] =	stream.indirect.scatter.add.f32 [tilespmem:s31], [sflag:$0x7], $0x80, s30, s30, $0xb8;
	[tilespmem:$0x1BCC0] =	vst v63  }
0x114: {  	_ =	swait.ge [sflag:s24], $0x4000  }
0x115: {  	[sflag:s24] =	ssyncset.done $0x0  }
0x116: {  	s16 =	rddreg [dreg:$0xb];
	[sflag:s24] =	ssyncadd.s32 $0xFFFFC000  }
0x117: {  	[tilespmem:s2], [sflag:$0x1] =	stream.linear.gather [hbm4b:s16+s2], $0x100, $0x38;
	[tilespmem:$0x1BCC0] =	vst v63  }
0x118: {  	_ =	swait.ge [sflag:s8], $0x100  }
0x119: {  	[sflag:s8] =	ssyncset.done $0x0  }
0x11a: {  	[sflag:s8] =	ssyncadd.s32 $0xFFFFFF00  }
0x11b: {  	[tilespmem:s31], [sflag:$0x5] =	stream.indirect.gather [hbm4b:s3+s30], $0x80, s26, s30, $0xb8;
	[tilespmem:$0x1BCC0] =	vst v63  }
0x11c: {  	_ =	swait.ge [sflag:s18], $0x4000  }
0x11d: {  	[sflag:s18] =	ssyncset.done $0x0  }
0x11e: {  	[sflag:s18] =	ssyncadd.s32 $0xFFFFC000  }
0x11f: {  	[spmem:s1] =	stream.indirect.scatter.add.f32 [tilespmem:s5], [sflag:$0x7], $0x80, s20, s30, $0xb8;
	[tilespmem:$0x1BCC0] =	vst v63  }
0x120: {  	_ =	swait.ge [sflag:s24], $0x4000  }
0x121: {  	s15 =	sadd.s32 $0xFFFFF700, s21;
	[sflag:s24] =	ssyncset.done $0x0  }
0x122: {  	s17 =	sadd.s32 $0x9A0, s15;
	[sflag:s24] =	ssyncadd.s32 $0xFFFFC000  }
0x123: {  	[tilespmem:s25], [sflag:$0x2] =	stream.linear.gather [hbm4b:s17+s2], $0x100, $0x38;
	[tilespmem:$0x1BCC0] =	vst v63  }
0x124: {  	_ =	swait.ge [sflag:s10], $0x100  }
0x125: {  	[sflag:s10] =	ssyncset.done $0x0  }
0x126: {  	[sflag:s10] =	ssyncadd.s32 $0xFFFFFF00  }
0x127: {  	[tilespmem:s5], [sflag:$0x6] =	stream.indirect.gather [hbm4b:s3+s30], $0x80, s28, s30, $0xb8;
	[tilespmem:$0x1BCC0] =	vst v63  }
0x128: {  	_ =	swait.ge [sflag:s6], $0x4000  }
0x129: {  	[sflag:s6] =	ssyncset.done $0x0  }
0x12a: {  	[sflag:s6] =	ssyncadd.s32 $0xFFFFC000  }
0x12b: {  	[spmem:s1] =	stream.indirect.scatter.add.f32 [tilespmem:s31], [sflag:$0x7], $0x80, s11, s30, $0xb8;
	[tilespmem:$0x1BCC0] =	vst v63  }
0x12c: {  	_ =	swait.ge [sflag:s24], $0x4000  }
0x12d: {  	[sflag:s24] =	ssyncset.done $0x0  }
0x12e: {  	s17 =	sadd.s32 $0x9C0, s15;
	[sflag:s24] =	ssyncadd.s32 $0xFFFFC000  }
0x12f: {  	[tilespmem:s26], [sflag:$0x3] =	stream.linear.gather [hbm4b:s17+s2], $0x100, $0x38;
	[tilespmem:$0x1BCC0] =	vst v63  }
0x130: {  	_ =	swait.ge [sflag:s29], $0x100  }
0x131: {  	[sflag:s29] =	ssyncset.done $0x0  }
0x132: {  	[sflag:s29] =	ssyncadd.s32 $0xFFFFFF00  }
0x133: {  	[tilespmem:s31], [sflag:$0x5] =	stream.indirect.gather [hbm4b:s3+s30], $0x80, s2, s30, $0xb8;
	[tilespmem:$0x1BCC0] =	vst v63  }
0x134: {  	_ =	swait.ge [sflag:s18], $0x4000  }
0x135: {  	[sflag:s18] =	ssyncset.done $0x0  }
0x136: {  	[sflag:s18] =	ssyncadd.s32 $0xFFFFC000  }
0x137: {  	[spmem:s1] =	stream.indirect.scatter.add.f32 [tilespmem:s5], [sflag:$0x7], $0x80, s12, s30, $0xb8;
	[tilespmem:$0x1BCC0] =	vst v63  }
0x138: {  	_ =	swait.ge [sflag:s24], $0x4000  }
0x139: {  	[sflag:s24] =	ssyncset.done $0x0  }
0x13a: {  	s17 =	sadd.s32 $0x9E0, s15;
	[sflag:s24] =	ssyncadd.s32 $0xFFFFC000  }
0x13b: {  	[tilespmem:s28], [sflag:$0x4] =	stream.linear.gather [hbm4b:s17+s2], $0x100, $0x38;
	[tilespmem:$0x1BCC0] =	vst v63  }
0x13c: {  	_ =	swait.ge [sflag:s0], $0x100  }
0x13d: {  	[sflag:s0] =	ssyncset.done $0x0  }
0x13e: {  	[sflag:s0] =	ssyncadd.s32 $0xFFFFFF00  }
0x13f: {  	[tilespmem:s5], [sflag:$0x6] =	stream.indirect.gather [hbm4b:s3+s30], $0x80, s25, s30, $0xb8;
	[tilespmem:$0x1BCC0] =	vst v63  }
0x140: {  	_ =	swait.ge [sflag:s6], $0x4000  }
0x141: {  	[sflag:s6] =	ssyncset.done $0x0  }
0x142: {  	[sflag:s6] =	ssyncadd.s32 $0xFFFFC000  }
0x143: {  	[spmem:s1] =	stream.indirect.scatter.add.f32 [tilespmem:s31], [sflag:$0x7], $0x80, s30, s30, $0xb8;
	[tilespmem:$0x1BCC0] =	vst v63  }
0x144: {  	_ =	swait.ge [sflag:s24], $0x4000  }
0x145: {  	[sflag:s24] =	ssyncset.done $0x0  }
0x146: {  	s15 =	sadd.s32 $0xA00, s15;
	[sflag:s24] =	ssyncadd.s32 $0xFFFFC000  }
0x147: {  	[tilespmem:s2], [sflag:$0x1] =	stream.linear.gather [hbm4b:s15+s2], $0x100, $0x38;
	[tilespmem:$0x1BCC0] =	vst v63  }
0x148: {  	_ =	swait.ge [sflag:s8], $0x100  }
0x149: {  	[sflag:s8] =	ssyncset.done $0x0  }
0x14a: {  	s15 =	simm.s32 $0xFFFFF780;
	[sflag:s8] =	ssyncadd.s32 $0xFFFFFF00  }
.LBB2_3:
0x14b: {  	[tilespmem:s31], [sflag:$0x5] =	stream.indirect.gather [hbm4b:s3+s30], $0x80, s26, s30, $0xb8;
	[tilespmem:$0x1BCC0] =	vst v63  }
0x14c: {  	s16 =	smov.u32 s15  }
0x14d: {  	p2 =	seq.s32 s15, $0xFFFFFF80;
	s15 =	sadd.s32 $0x80, s15;
	_ =	swait.ge [sflag:s18], $0x4000  }
0x14e: {  	[sflag:s18] =	ssyncset.done $0x0  }
0x14f: {  	[sflag:s18] =	ssyncadd.s32 $0xFFFFC000  }
0x150: {  	[spmem:s1] =	stream.indirect.scatter.add.f32 [tilespmem:s5], [sflag:$0x7], $0x80, s20, s30, $0xb8;
	[tilespmem:$0x1BCC0] =	vst v63  }
0x151: {  	_ =	swait.ge [sflag:s24], $0x4000  }
0x152: {  	s16 =	sadd.s32 s16, s21;
	[sflag:s24] =	ssyncset.done $0x0  }
0x153: {  	s17 =	sadd.s32 $0x9A0, s16;
	[sflag:s24] =	ssyncadd.s32 $0xFFFFC000  }
0x154: {  	[tilespmem:s25], [sflag:$0x2] =	stream.linear.gather [hbm4b:s17+s2], $0x100, $0x38;
	[tilespmem:$0x1BCC0] =	vst v63  }
0x155: {  	_ =	swait.ge [sflag:s10], $0x100  }
0x156: {  	[sflag:s10] =	ssyncset.done $0x0  }
0x157: {  	[sflag:s10] =	ssyncadd.s32 $0xFFFFFF00  }
0x158: {  	[tilespmem:s5], [sflag:$0x6] =	stream.indirect.gather [hbm4b:s3+s30], $0x80, s28, s30, $0xb8;
	[tilespmem:$0x1BCC0] =	vst v63  }
0x159: {  	_ =	swait.ge [sflag:s6], $0x4000  }
0x15a: {  	[sflag:s6] =	ssyncset.done $0x0  }
0x15b: {  	[sflag:s6] =	ssyncadd.s32 $0xFFFFC000  }
0x15c: {  	[spmem:s1] =	stream.indirect.scatter.add.f32 [tilespmem:s31], [sflag:$0x7], $0x80, s11, s30, $0xb8;
	[tilespmem:$0x1BCC0] =	vst v63  }
0x15d: {  	_ =	swait.ge [sflag:s24], $0x4000  }
0x15e: {  	[sflag:s24] =	ssyncset.done $0x0  }
0x15f: {  	s17 =	sadd.s32 $0x9C0, s16;
	[sflag:s24] =	ssyncadd.s32 $0xFFFFC000  }
0x160: {  	[tilespmem:s26], [sflag:$0x3] =	stream.linear.gather [hbm4b:s17+s2], $0x100, $0x38;
	[tilespmem:$0x1BCC0] =	vst v63  }
0x161: {  	_ =	swait.ge [sflag:s29], $0x100  }
0x162: {  	[sflag:s29] =	ssyncset.done $0x0  }
0x163: {  	[sflag:s29] =	ssyncadd.s32 $0xFFFFFF00  }
0x164: {  	[tilespmem:s31], [sflag:$0x5] =	stream.indirect.gather [hbm4b:s3+s30], $0x80, s2, s30, $0xb8;
	[tilespmem:$0x1BCC0] =	vst v63  }
0x165: {  	_ =	swait.ge [sflag:s18], $0x4000  }
0x166: {  	[sflag:s18] =	ssyncset.done $0x0  }
0x167: {  	[sflag:s18] =	ssyncadd.s32 $0xFFFFC000  }
0x168: {  	[spmem:s1] =	stream.indirect.scatter.add.f32 [tilespmem:s5], [sflag:$0x7], $0x80, s12, s30, $0xb8;
	[tilespmem:$0x1BCC0] =	vst v63  }
0x169: {  	_ =	swait.ge [sflag:s24], $0x4000  }
0x16a: {  	[sflag:s24] =	ssyncset.done $0x0  }
0x16b: {  	s17 =	sadd.s32 $0x9E0, s16;
	[sflag:s24] =	ssyncadd.s32 $0xFFFFC000  }
0x16c: {  	[tilespmem:s28], [sflag:$0x4] =	stream.linear.gather [hbm4b:s17+s2], $0x100, $0x38;
	[tilespmem:$0x1BCC0] =	vst v63  }
0x16d: {  	_ =	swait.ge [sflag:s0], $0x100  }
0x16e: {  	[sflag:s0] =	ssyncset.done $0x0  }
0x16f: {  	[sflag:s0] =	ssyncadd.s32 $0xFFFFFF00  }
0x170: {  	[tilespmem:s5], [sflag:$0x6] =	stream.indirect.gather [hbm4b:s3+s30], $0x80, s25, s30, $0xb8;
	[tilespmem:$0x1BCC0] =	vst v63  }
0x171: {  	_ =	swait.ge [sflag:s6], $0x4000  }
0x172: {  	[sflag:s6] =	ssyncset.done $0x0  }
0x173: {  	[sflag:s6] =	ssyncadd.s32 $0xFFFFC000  }
0x174: {  	[spmem:s1] =	stream.indirect.scatter.add.f32 [tilespmem:s31], [sflag:$0x7], $0x80, s30, s30, $0xb8;
	[tilespmem:$0x1BCC0] =	vst v63  }
0x175: {  	_ =	swait.ge [sflag:s24], $0x4000  }
0x176: {  	[sflag:s24] =	ssyncset.done $0x0  }
.Ltmp5:
0x177: {  	s16 =	sadd.s32 $0xA00, s16;
	[sflag:s24] =	ssyncadd.s32 $0xFFFFC000;
	(pc) =	sbr.rel @!p2 .LBB2_3-.Ltmp5, $4  }
0x178: {  	[tilespmem:s2], [sflag:$0x1] =	stream.linear.gather [hbm4b:s16+s2], $0x100, $0x38;
	[tilespmem:$0x1BCC0] =	vst v63  }
0x179: {  	_ =	swait.ge [sflag:s8], $0x100  }
0x17a: {  	[sflag:s8] =	ssyncset.done $0x0  }
0x17b: {  	[sflag:s8] =	ssyncadd.s32 $0xFFFFFF00  }
.Ltmp6:
0x17c: {  	(pc) =	sbr.rel .LBB2_8-.Ltmp6, $3  }
0x17d: {  	_ =	sdelay $0x1  }
0x17e: {  	[tilespmem:s31], [sflag:$0x5] =	stream.indirect.gather [hbm4b:s3+s30], $0x80, s26, s30, $0xb8;
	[tilespmem:$0x1BCC0] =	vst v63  }
0x17f: {  	s16 =	smov.u32 s3;
	s15 =	rddreg [dreg:$0x4]  }
.LBB2_9:
0x180: {  	_ =	sfence.sel $0x180000  }
0x181: {  	[bflag:$0x0] =	sbarrier.arrive $0xFFFF  }
0x182: {  	_ =	strace $0x9000004A  }
0x183: {  	[bflag:$0x2] =	sbarrier.arrive $0xFFFF  }
0x184: {  	s0 =	rddreg [dreg:$0x3]  }
0x185: {  	s0 =	sadd.s32 @!p1 $0x100000, s0  }
0x186: {  	[sflag:s0] =	ssyncadd.tile.s32 @!p1 $0x1;
	_ =	shalt  }
.Lfunc_end2:
_tile_overlayer_lowered:
.L_overlay_start_2:
0x187: {  	(tag) =	ssettag $0x2  }
0x188: {  	s0 =	rddreg [dreg:$0x0];
	s2 =	stileid.u32  }
0x189: {  	s1 =	rddreg [dreg:$0x1];
	p0 =	sne.s32 s2, $0x0  }
0x18a: {  	s3 =	rddreg [dreg:$0x2];
	[bflag:$0x3] =	sbarrier.arrive $0xFFFF;
	s2 =	simm.s32 @!p0 $0x1C07  }
0x18b: {  	[timem:s3], [sflag:s2] =	dma.local @!p0 [hbm:s0], s1  }
0x18c: {  	s0 =	simm.s32 @!p0 $0x7  }
0x18d: {  	_ =	swait.ge @!p0 [sflag:s0], s1  }
0x18e: {  	s1 =	ssub.s32 @!p0 $0x0, s1;
	[sflag:s0] =	ssyncset.done @!p0 $0x0  }
0x18f: {  	[sflag:s0] =	ssyncadd.s32 @!p0 s1  }
0x190: {  	[bflag:$0x3] =	sbarrier.arrive $0xFFFF  }
0x191: {  	_ =	shalt  }

// kernel: kernel.14.cloned.1.call-start
scs
__scs_entry_jumppad:
0x0: {  	(pc) =	sbr.rel $0x88, $3  }
0x1: {  	(tag) =	ssettag $0x0;
	lr =	simm.s32 $0x1  }
0x2: {  	[smem:$0x3F9B] =	sst lr;
	_ =	strace $0xD0000000  }
0x3: {  	_ = 	snop  }
0x4: {  	_ = 	snop  }
0x5: {  	_ = 	snop  }
0x6: {  	_ = 	snop  }
0x7: {  	_ = 	snop  }
__scs_overlays_trampoline_lowered:
0x8: {  	[smem:$0x3FAA] =	sst s0  }
0x9: {  	[smem:$0x3FAB] =	sst s1  }
0xa: {  	[smem:$0x3FAC] =	sst s2  }
0xb: {  	[smem:$0x3FAD] =	sst s3  }
0xc: {  	[smem:$0x3FAE] =	sst s4  }
0xd: {  	[smem:$0x3FAF] =	sst s5  }
0xe: {  	[smem:$0x3FB0] =	sst s6  }
0xf: {  	[smem:$0x3FB1] =	sst s7  }
0x10: {  	[smem:$0x3FB2] =	sst s8  }
0x11: {  	[smem:$0x3FB3] =	sst s9;
	s0 =	simm.s32 @!p0 $0x0  }
0x12: {  	s1 =	sld [smem:$0x3F99];
	s0 =	simm.s32 @p0 $0x1  }
0x13: {  	[smem:$0x3FB4] =	sst s0;
	s0 =	simm.s32 @!p1 $0x0  }
0x14: {  	s2 =	sld [smem:$0x3F98];
	s0 =	simm.s32 @p1 $0x1  }
0x15: {  	[smem:$0x3FB5] =	sst s0;
	s0 =	simm.s32 @!p2 $0x0  }
0x16: {  	s3 =	sld [smem:$0x3FDB];
	s0 =	simm.s32 @p2 $0x1  }
0x17: {  	s4 =	simm.s32 $0x1BF5;
	[smem:$0x3FB7] =	sst s0  }
0x18: {  	s0 =	sld [smem:$0x3F9A];
	_ =	swait.ge [sflag:s4], $0x0  }
0x19: {  	s7 =	sld [smem:$0x3F9B]  }
0x1a: {  	s8 =	sadd.s32 $0xFFFFE003, lr  }
0x1b: {  	s9 =	sadd.s32 $0xFFFFFEF7, lr;
	s5 =	simm.s32 $0xFFFFFFFF;
	p2 =	slt.u32 s8, $0xFFFFF086  }
0x1c: {  	p1 =	slt.u32 s9, $0xF7A;
	s5 =	simm.s32 @!p2 $0x0  }
0x1d: {  	s5 =	simm.s32 @p1 $0x1;
	p0 =	seq.s32 s7, s2  }
0x1e: {  	s7 =	smul.u32 @!p0 $0xF7A, s2;
	p2 =	seq.s32 @!p0 s5, $0x0  }
0x1f: {  	s9 =	smul.u32 $0xF7A, s1;
	s8 =	simm.s32 @!p0 $0x1BF5;
	p2 =	por !p2, p0  }
0x20: {  	[sflag:s8] =	ssyncset.s32 @!p0 $0xFFFFF086;
	s6 =	sadd.s32 @!p0 s3, s7;
	s7 =	simm.s32 @!p0 $0x108  }
0x21: {  	s3 =	sadd.s32 s3, s9;
	s6 =	sadd.s32 @!p0 $0x88, s6;
	s7 =	simm.s32 @p2 $0x1082  }
0x22: {  	[simem:s7], [sflag:s8] =	dma.local @!p0 [hbm:s6], $0xF7A  }
0x23: {  	s9 =	sor.u32 $0xD0000000, s2;
	s6 =	simm.s32 $0x108;
	_ =	swait.ge @!p0 [sflag:s8], $0x0  }
0x24: {  	s3 =	sadd.s32 $0x88, s3;
	s6 =	simm.s32 @!p1 $0x1082;
	[sflag:s4] =	ssyncset.s32 $0xFFFFF086  }
0x25: {  	[simem:s6], [sflag:s4] =	dma.local [hbm:s3], $0xF7A  }
0x26: {  	[smem:$0x3F9B] =	sst s1;
	(tag) =	ssettag s2;
	_ =	strace s9  }
0x27: {  	s1 =	sld [smem:$0x3FAB]  }
0x28: {  	s2 =	sld [smem:$0x3FAC]  }
0x29: {  	s4 =	sld [smem:$0x3FAE]  }
0x2a: {  	p0 =	seq.s32 s5, $0x0;
	s5 =	sld [smem:$0x3FAF]  }
0x2b: {  	s6 =	sld [smem:$0x3FB0]  }
0x2c: {  	s7 =	sld [smem:$0x3FB1]  }
0x2d: {  	s3 =	simm.s32 $0x108;
	s8 =	sld [smem:$0x3FB2]  }
0x2e: {  	s3 =	simm.s32 @!p0 $0x1082;
	s9 =	sld [smem:$0x3FB3]  }
0x2f: {  	lr =	sadd.s32 s0, s3;
	s0 =	sld [smem:$0x3FAA]  }
0x30: {  	s3 =	sld [smem:$0x3FAD]  }
0x31: {  	[smem:$0x3FB6] =	sst s10  }
0x32: {  	s10 =	sld [smem:$0x3FB4];
	_ =	sdelay $0x3  }
0x33: {  	p0 =	seq.s32 s10, $0x1;
	s10 =	sld [smem:$0x3FB6];
	_ =	sdelay $0x3  }
0x34: {  	[smem:$0x3FB6] =	sst s10  }
0x35: {  	s10 =	sld [smem:$0x3FB5];
	_ =	sdelay $0x3  }
0x36: {  	p1 =	seq.s32 s10, $0x1;
	s10 =	sld [smem:$0x3FB6];
	_ =	sdelay $0x3  }
0x37: {  	[smem:$0x3FB6] =	sst s10  }
0x38: {  	s10 =	sld [smem:$0x3FB7]  }
0x39: {  	_ = 	snop;
	(pc) =	sbr.ind lr, $3  }
0x3a: {  	_ = 	snop  }
0x3b: {  	_ = 	snop  }
0x3c: {  	p2 =	seq.s32 s10, $0x1;
	s10 =	sld [smem:$0x3FB6]  }
0x3d: {  	_ =	shalt  }
0x3e: {  	_ =	shalt  }
0x3f: {  	_ =	shalt  }
0x40: {  	_ =	shalt  }
0x41: {  	_ =	shalt  }
0x42: {  	_ =	shalt  }
0x43: {  	_ =	shalt  }
0x44: {  	_ =	shalt  }
0x45: {  	_ =	shalt  }
0x46: {  	_ =	shalt  }
0x47: {  	_ =	shalt  }
0x48: {  	_ =	shalt  }
0x49: {  	_ =	shalt  }
0x4a: {  	_ =	shalt  }
0x4b: {  	_ =	shalt  }
0x4c: {  	_ =	shalt  }
0x4d: {  	_ =	shalt  }
0x4e: {  	_ =	shalt  }
0x4f: {  	_ =	shalt  }
0x50: {  	_ =	shalt  }
0x51: {  	_ =	shalt  }
0x52: {  	_ =	shalt  }
0x53: {  	_ =	shalt  }
0x54: {  	_ =	shalt  }
0x55: {  	_ =	shalt  }
0x56: {  	_ =	shalt  }
0x57: {  	_ =	shalt  }
0x58: {  	_ =	shalt  }
0x59: {  	_ =	shalt  }
0x5a: {  	_ =	shalt  }
0x5b: {  	_ =	shalt  }
0x5c: {  	_ =	shalt  }
0x5d: {  	_ =	shalt  }
0x5e: {  	_ =	shalt  }
0x5f: {  	_ =	shalt  }
0x60: {  	_ =	shalt  }
0x61: {  	_ =	shalt  }
0x62: {  	_ =	shalt  }
0x63: {  	_ =	shalt  }
0x64: {  	_ =	shalt  }
0x65: {  	_ =	shalt  }
0x66: {  	_ =	shalt  }
0x67: {  	_ =	shalt  }
0x68: {  	_ =	shalt  }
0x69: {  	_ =	shalt  }
0x6a: {  	_ =	shalt  }
0x6b: {  	_ =	shalt  }
0x6c: {  	_ =	shalt  }
0x6d: {  	_ =	shalt  }
0x6e: {  	_ =	shalt  }
0x6f: {  	_ =	shalt  }
0x70: {  	_ =	shalt  }
0x71: {  	_ =	shalt  }
0x72: {  	_ =	shalt  }
0x73: {  	_ =	shalt  }
0x74: {  	_ =	shalt  }
0x75: {  	_ =	shalt  }
0x76: {  	_ =	shalt  }
0x77: {  	_ =	shalt  }
0x78: {  	_ =	shalt  }
0x79: {  	_ =	shalt  }
0x7a: {  	_ =	shalt  }
0x7b: {  	_ =	shalt  }
0x7c: {  	_ =	shalt  }
0x7d: {  	_ =	shalt  }
0x7e: {  	_ =	shalt  }
0x7f: {  	_ =	shalt  }
0x80: {  	_ =	shalt  }
0x81: {  	_ =	shalt  }
0x82: {  	_ =	shalt  }
0x83: {  	_ =	shalt  }
0x84: {  	_ =	shalt  }
0x85: {  	_ =	shalt  }
0x86: {  	_ =	shalt  }
0x87: {  	_ =	shalt  }
.Lfunc_end0:
.L_simem_size_0:
called_computation.2_lowered:
.L_overlay_start_0:
0x88: {  	s2 =	sld [smem:$0x3FD9]  }
0x89: {  	s3 =	sld [smem:$0x3FFE];
	_ =	sdelay $0x1  }
0x8a: {  	s1 =	srdreg.scid  }
0x8b: {  	s0 =	sand.u32 $0x1, s1  }
0x8c: {  	s17 =	sshll.u32 s0, $0xA;
	s2 =	sadd.s32 s3, s2  }
0x8d: {  	s2 =	sadd.s32 s2, s17  }
0x8e: {  	[smem:$0x3FC2] =	sst s2  }
0x8f: {  	_ = 	snop  }
0x90: {  	s2 =	sld [smem:$0x3FD0];
	(tm) =	ssettm $0x1  }
0x91: {  	s18 =	sld [smem:$0x3FFB];
	_ =	sdelay $0x3  }
0x92: {  	_ =	strace s18  }
0x93: {  	s3 =	sld [smem:$0x3FFC];
	_ =	sdelay $0x3  }
0x94: {  	_ =	strace s3  }
0x95: {  	s3 =	sld [smem:$0x3FFD];
	_ =	sdelay $0x3  }
0x96: {  	_ =	strace s3  }
0x97: {  	_ =	strace $0x8FFFFFFF  }
0x98: {  	s19 =	sld [smem:$0x3FDB];
	_ =	sdelay $0x1  }
0x99: {  	s4 =	simm.s32 $_scs_section_size  }
0x9a: {  	s5 =	simm.s32 $_size__tile_overlayer_lowered;
	s6 =	simm.s32 $_tile_overlayer_lowered  }
0x9b: {  	s22 =	simm.s32 $0x1BFF;
	s21 =	sshll.u32 s6, $0x1;
	s3 =	sadd.s32 s4, s19  }
0x9c: {  	s7 =	simm.s32 $0x0;
	s20 =	sshll.u32 s5, $0x1;
	s5 =	sadd.s32 s21, s3  }
0x9d: {  	[timem:s7], [sflag:s22] =	dma.local [hbm:s5], s20  }
0x9e: {  	_ =	swait.ge [sflag:s22], s20  }
0x9f: {  	s4 =	ssub.s32 $0x0, s20;
	[sflag:s22] =	ssyncset.done $0x0  }
0xa0: {  	[sflag:s22] =	ssyncadd.s32 s4;
	_ =	sdelay $0x1  }
0xa1: {  	s23 =	simm.s32 $0x1B8B  }
0xa2: {  	_ =	swait.ge [sflag:s23], $0x1  }
0xa3: {  	[sflag:s23] =	ssyncset.done $0x0  }
0xa4: {  	s25 =	simm.s32 $0x1B8E;
	s24 =	sld [smem:$0x3FFE];
	[sflag:s23] =	ssyncadd.s32 $0xFFFFFFFF  }
0xa5: {  	s26 =	simm.s32 $execute0_lowered;
	[smem:$0x3FD2] =	sst s25  }
0xa6: {  	s5 =	sshll.u32 s26, $0x1;
	_ =	strace $0x8000004C;
	[dreg:$0x1] =	wrdreg $0xFFFFFFFF  }
0xa7: {  	s28 =	simm.s32 $_size_execute0_lowered;
	s3 =	sadd.s32 s3, s5;
	[dreg:$0x0] =	wrdreg $0x0  }
0xa8: {  	s5 =	sshll.u32 s28, $0x1;
	[dreg:$0x2] =	wrdreg s3  }
0xa9: {  	[dreg:$0x3] =	wrdreg s5  }
0xaa: {  	[dreg:$0x4] =	wrdreg $0xC0  }
0xab: {  	_ =	task [dreg:s7], $0x5FFFF  }
0xac: {  	[dreg:$0x1] =	wrdreg $0xFFFFFFFF  }
0xad: {  	[dreg:$0x0] =	wrdreg $0x60  }
0xae: {  	[dreg:$0x2] =	wrdreg s2  }
0xaf: {  	[dreg:$0x3] =	wrdreg s24  }
0xb0: {  	[dreg:$0x4] =	wrdreg $0x24000  }
0xb1: {  	[dreg:$0x5] =	wrdreg $0x9  }
0xb2: {  	_ =	task.clear_ibuf [dreg:s7], $0x6FFFF;
	_ =	strace $0x9000004C  }
0xb3: {  	s29 =	simm.s32 $0x9;
	_ =	strace $0x8000004E  }
0xb4: {  	_ =	swait.ge [sflag:s29], $0x1  }
0xb5: {  	[sflag:s29] =	ssyncadd.s32 $0xFFFFFFFF  }
0xb6: {  	_ =	strace $0x9000004E  }
0xb7: {  	_ =	sfence  }
0xb8: {  	s30 =	sld [smem:$0x0];
	_ =	sdelay $0x2  }
0xb9: {  	s31 =	sshll.u32 s1, $0xD;
	s1 =	sshrl.u32 s1, $0x2  }
0xba: {  	s3 =	sand.u32 $0x4000, s31;
	s1 =	sadd.s32 s1, s30  }
0xbb: {  	s0 =	sor.u32 s3, s0;
	s1 =	sshll.u32 s1, $0x11  }
0xbc: {  	s0 =	sor.u32 s1, s0  }
0xbd: {  	s0 =	sadd.s32 $0x8F2B, s0  }
0xbe: {  	[sflag:s0] =	ssyncadd.remote.s32 $0x1  }
0xbf: {  	_ =	sfence.sel $0xFFFF  }
0xc0: {  	[dreg:$0x0] =	wrdreg $0xFFFFFFFF;
	(pc) =	sbr.abs _section_cstart, $3  }
0xc1: {  	[dreg:$0x1] =	wrdreg $0xFFFFFFFF  }
0xc2: {  	_ =	task.clear_ibuf [dreg:s7], $0x2FFFF;
	_ =	strace $0x9FFFFFFF  }
0xc3: {  	(tm) =	ssettm $0x7FFFFFFF  }
tec
execute0_lowered:
.L_overlay_start_1:
0x0: {  	(tag) =	ssettag $0x1  }
0x1: {  	s0 =	rddreg [dreg:$0x0]  }
0x2: {  	s5 =	rddreg [dreg:$0x1]  }
0x3: {  	s1 =	rddreg [dreg:$0x2];
	s2 =	simm.s32 $0x0;
	s3 =	srdreg.scid  }
0x4: {  	s6 =	stileid.u32;
	s28 =	simm.s32 $0x300;
	s29 =	simm.s32 $0x1  }
0x5: {  	s30 =	simm.s32 $0x80;
	s31 =	simm.s32 $0x400;
	[smem:$0x7FF] =	sst s2  }
0x6: {  	s7 =	sand.u32 $0x1, s3;
	s3 =	sadd.s32 $0xCC00, s5;
	s9 =	smul.u32 $0x4E20, s6  }
0x7: {  	s4 =	sadd.s32 $0x2E00, s5;
	s11 =	smul.u32 $0x5000, s6;
	s12 =	sadd.s32 $0x20800, s5  }
0x8: {  	s5 =	sadd.s32 $0x16A00, s5;
	s16 =	sadd.s32 $0x4E200, s1;
	s24 =	smul.u32 $0xA00, s6  }
0x9: {  	s26 =	sshll.u32 s6, $0x6;
	_ =	strace $0x8000004D;
	[dreg:$0x4] =	wrdreg s12  }
0xa: {  	p1 =	sne.s32 s6, $0x0;
	s6 =	simm.s32 $0x5;
	[dreg:$0x5] =	wrdreg s5  }
0xb: {  	s8 =	ssub.s32 $0x2, s7;
	p0 =	seq.s32 s7, $0x1;
	[dreg:$0x7] =	wrdreg s16  }
0xc: {  	[dreg:$0x10] =	wrdreg s26;
	s14 =	sor.u32 $0x1C07, s26;
	s7 =	sshrl.u32 s9, $0x3  }
0xd: {  	s12 =	sshrl.u32 s11, $0x3;
	s13 =	sadd.s32 s9, s1;
	s15 =	sadd.s32 s3, s7  }
0xe: {  	s9 =	sadd.s32 s0, s12;
	s25 =	sadd.s32 s4, s7;
	[dreg:$0x6] =	wrdreg s15  }
0xf: {  	s26 =	simm.s32 $0x200;
	s17 =	sadd.s32 $0x20, s9;
	[dreg:$0xf] =	wrdreg s25  }
0x10: {  	s5 =	simm.s32 $0x1400;
	s18 =	sadd.s32 $0x40, s9;
	[dreg:$0x8] =	wrdreg s17  }
0x11: {  	s10 =	sshrl.u32 s8, $0x1;
	s19 =	sadd.s32 $0x60, s9;
	[dreg:$0x9] =	wrdreg s18  }
0x12: {  	s11 =	simm.s32 $0x280;
	s20 =	sadd.s32 $0x80, s9;
	[dreg:$0xa] =	wrdreg s19  }
0x13: {  	s10 =	ssub.s32 s8, s10;
	s21 =	sadd.s32 $0x9A0, s9;
	[dreg:$0xb] =	wrdreg s20  }
0x14: {  	s8 =	simm.s32 $0x3;
	s22 =	sadd.s32 $0x9C0, s9;
	[dreg:$0xc] =	wrdreg s21  }
.Ltmp0:
0x15: {  	s23 =	sadd.s32 $0x9E0, s9;
	[dreg:$0xd] =	wrdreg s22;
	(pc) =	sbr.rel .LBB2_1-.Ltmp0, $4  }
0x16: {  	s12 =	simm.s32 $0x380;
	s25 =	simm.s32 $0x100;
	[dreg:$0xe] =	wrdreg s23  }
0x17: {  	s19 =	smax.u32 s10, $0x1;
	s21 =	sadd.s32 s24, s0;
	s23 =	sshrl.u32 s13, $0x3  }
0x18: {  	s24 =	simm.s32 $0x7;
	s0 =	simm.s32 $0x2;
	s18 =	simm.s32 $0x6  }
0x19: {  	s20 =	simm.s32 $0x180;
	s10 =	simm.s32 $0x4;
	s13 =	simm.s32 $0x0  }
.LBB2_7:
0x1a: {  	[tilespmem:s31], [sflag:$0x5] =	stream.indirect.gather [hbm4b:s4+s30], $0x20, s26, s30, $0xb8;
	[tilespmem:$0x7230] =	vst v63  }
0x1b: {  	s16 =	smov.u32 s4;
	s15 =	rddreg [dreg:$0x5];
	s22 =	smov.u32 s14  }
.LBB2_8:
0x1c: {  	_ =	swait.ge [sflag:s18], $0x1000  }
0x1d: {  	[sflag:s18] =	ssyncset.done $0x0  }
0x1e: {  	[sflag:s18] =	ssyncadd.s32 $0xFFFFF000  }
0x1f: {  	[spmem:s1] =	stream.indirect.scatter.add.f32 [tilespmem:s5], [sflag:$0x7], $0x20, s20, s30, $0xb8;
	[tilespmem:$0x7230] =	vst v63  }
0x20: {  	_ =	swait.ge [sflag:s24], $0x1000  }
0x21: {  	[sflag:s24] =	ssyncset.done $0x0  }
0x22: {  	s17 =	rddreg [dreg:$0xc];
	[sflag:s24] =	ssyncadd.s32 $0xFFFFF000  }
0x23: {  	[tilespmem:s25], [sflag:$0x2] =	stream.linear.gather [hbm4b:s17+s2], $0x100, $0x38;
	[tilespmem:$0x7230] =	vst v63  }
0x24: {  	_ =	swait.ge [sflag:s10], $0x100  }
0x25: {  	[sflag:s10] =	ssyncset.done $0x0  }
0x26: {  	[sflag:s10] =	ssyncadd.s32 $0xFFFFFF00  }
0x27: {  	[tilespmem:s5], [sflag:$0x6] =	stream.indirect.gather [hbm4b:s16+s30], $0x20, s28, s30, $0xb8;
	[tilespmem:$0x7230] =	vst v63  }
0x28: {  	_ =	swait.ge [sflag:s6], $0x1000  }
0x29: {  	[sflag:s6] =	ssyncset.done $0x0  }
0x2a: {  	[sflag:s6] =	ssyncadd.s32 $0xFFFFF000  }
0x2b: {  	[spmem:s1] =	stream.indirect.scatter.add.f32 [tilespmem:s31], [sflag:$0x7], $0x20, s11, s30, $0xb8;
	[tilespmem:$0x7230] =	vst v63  }
0x2c: {  	_ =	swait.ge [sflag:s24], $0x1000  }
0x2d: {  	[sflag:s24] =	ssyncset.done $0x0  }
0x2e: {  	s17 =	rddreg [dreg:$0xd];
	[sflag:s24] =	ssyncadd.s32 $0xFFFFF000  }
0x2f: {  	[tilespmem:s26], [sflag:$0x3] =	stream.linear.gather [hbm4b:s17+s2], $0x100, $0x38;
	[tilespmem:$0x7230] =	vst v63  }
0x30: {  	_ =	swait.ge [sflag:s29], $0x100  }
0x31: {  	[sflag:s29] =	ssyncset.done $0x0  }
0x32: {  	[sflag:s29] =	ssyncadd.s32 $0xFFFFFF00  }
0x33: {  	[tilespmem:s31], [sflag:$0x5] =	stream.indirect.gather [hbm4b:s16+s30], $0x20, s2, s30, $0xb8;
	[tilespmem:$0x7230] =	vst v63  }
0x34: {  	_ =	swait.ge [sflag:s18], $0x1000  }
0x35: {  	[sflag:s18] =	ssyncset.done $0x0  }
0x36: {  	[sflag:s18] =	ssyncadd.s32 $0xFFFFF000  }
0x37: {  	[spmem:s1] =	stream.indirect.scatter.add.f32 [tilespmem:s5], [sflag:$0x7], $0x20, s12, s30, $0xb8;
	[tilespmem:$0x7230] =	vst v63  }
0x38: {  	_ =	swait.ge [sflag:s24], $0x1000  }
0x39: {  	[sflag:s24] =	ssyncset.done $0x0  }
0x3a: {  	s17 =	rddreg [dreg:$0xe];
	[sflag:s24] =	ssyncadd.s32 $0xFFFFF000  }
0x3b: {  	[tilespmem:s28], [sflag:$0x4] =	stream.linear.gather [hbm4b:s17+s2], $0x100, $0x38;
	[tilespmem:$0x7230] =	vst v63  }
0x3c: {  	_ =	swait.ge [sflag:s0], $0x100  }
0x3d: {  	[sflag:s0] =	ssyncset.done $0x0  }
0x3e: {  	[sflag:s0] =	ssyncadd.s32 $0xFFFFFF00  }
0x3f: {  	[tilespmem:s5], [sflag:$0x6] =	stream.indirect.gather [hbm4b:s16+s30], $0x20, s25, s30, $0xb8;
	[tilespmem:$0x7230] =	vst v63  }
0x40: {  	_ =	swait.ge [sflag:s6], $0x1000  }
0x41: {  	[sflag:s6] =	ssyncset.done $0x0  }
0x42: {  	[sflag:s6] =	ssyncadd.s32 $0xFFFFF000  }
0x43: {  	[spmem:s1] =	stream.indirect.scatter.add.f32 [tilespmem:s31], [sflag:$0x7], $0x20, s30, s30, $0xb8;
	[tilespmem:$0x7230] =	vst v63  }
0x44: {  	_ =	swait.ge [sflag:s24], $0x1000  }
0x45: {  	[sflag:s24] =	ssyncset.done $0x0  }
0x46: {  	[sflag:s24] =	ssyncadd.s32 $0xFFFFF000  }
0x47: {  	_ =	swait.ge [sflag:s8], $0x100  }
0x48: {  	[sflag:s8] =	ssyncset.done $0x0  }
0x49: {  	[sflag:s8] =	ssyncadd.s32 $0xFFFFFF00  }
0x4a: {  	[tilespmem:s31], [sflag:$0x5] =	stream.indirect.gather [hbm4b:s16+s30], $0x20, s26, s30, $0xb8;
	[tilespmem:$0x7230] =	vst v63  }
0x4b: {  	_ =	swait.ge [sflag:s18], $0x1000  }
0x4c: {  	[sflag:s18] =	ssyncset.done $0x0  }
0x4d: {  	[sflag:s18] =	ssyncadd.s32 $0xFFFFF000  }
0x4e: {  	[spmem:s1] =	stream.indirect.scatter.add.f32 [tilespmem:s5], [sflag:$0x7], $0x20, s20, s30, $0xb8;
	[tilespmem:$0x7230] =	vst v63  }
0x4f: {  	_ =	swait.ge [sflag:s24], $0x1000  }
0x50: {  	[sflag:s24] =	ssyncset.done $0x0  }
0x51: {  	[sflag:s24] =	ssyncadd.s32 $0xFFFFF000  }
0x52: {  	_ =	swait.ge [sflag:s10], $0x100  }
0x53: {  	[sflag:s10] =	ssyncset.done $0x0  }
0x54: {  	[sflag:s10] =	ssyncadd.s32 $0xFFFFFF00  }
0x55: {  	[tilespmem:s5], [sflag:$0x6] =	stream.indirect.gather [hbm4b:s16+s30], $0x20, s28, s30, $0xb8;
	[tilespmem:$0x7230] =	vst v63  }
0x56: {  	_ =	swait.ge [sflag:s6], $0x1000  }
0x57: {  	[sflag:s6] =	ssyncset.done $0x0  }
0x58: {  	[sflag:s6] =	ssyncadd.s32 $0xFFFFF000  }
0x59: {  	[spmem:s1] =	stream.indirect.scatter.add.f32 [tilespmem:s31], [sflag:$0x7], $0x20, s11, s30, $0xb8;
	[tilespmem:$0x7230] =	vst v63  }
0x5a: {  	_ =	swait.ge [sflag:s24], $0x1000  }
0x5b: {  	[sflag:s24] =	ssyncset.done $0x0  }
0x5c: {  	[sflag:s24] =	ssyncadd.s32 $0xFFFFF000  }
0x5d: {  	_ =	swait.ge [sflag:s18], $0x1000  }
0x5e: {  	[sflag:s18] =	ssyncset.done $0x0  }
0x5f: {  	[sflag:s18] =	ssyncadd.s32 $0xFFFFF000  }
0x60: {  	[spmem:s1] =	stream.indirect.scatter.add.f32 [tilespmem:s5], [sflag:$0x7], $0x20, s12, s30, $0xb8;
	[tilespmem:$0x7230] =	vst v63  }
0x61: {  	_ =	swait.ge [sflag:s24], $0x1000  }
0x62: {  	s13 =	sadd.s32 $0x1, s13;
	[sflag:s24] =	ssyncset.done $0x0  }
0x63: {  	p2 =	sne.s32 s13, s19;
	[sflag:s24] =	ssyncadd.s32 $0xFFFFF000  }
.Ltmp1:
0x64: {  	s15 =	sadd.s32 s15, s7;
	[bflag:$0x0] =	sbarrier.arrive $0xFFFF;
	(pc) =	sbr.rel @!p2 .LBB2_9-.Ltmp1, $4  }
0x65: {  	[hbm:s15], [sflag:s22] =	dma.local [spmem:s23], $0x9C4  }
0x66: {  	_ =	swait.ge [sflag:s24], $0x9C4  }
0x67: {  	[sflag:s24] =	ssyncset.done $0x0  }
0x68: {  	[sflag:s24] =	ssyncadd.s32 $0xFFFFF63C  }
.LBB2_1:
.Ltmp2:
0x69: {  	(pc) =	sbr.rel @!p0 .LBB2_2-.Ltmp2, $3  }
0x6a: {  	_ =	sdelay $0x1  }
0x6b: {  	s15 =	rddreg [dreg:$0x7]  }
0x6c: {  	s15 =	sshrl.u32 @!p1 s15, $0x3  }
0x6d: {  	s16 =	rddreg [dreg:$0xf]  }
0x6e: {  	[spmem:s23], [sflag:s14] =	dma.local [hbm:s16], $0x9C4  }
0x6f: {  	_ =	swait.ge [sflag:s24], $0x9C4  }
0x70: {  	[sflag:s24] =	ssyncset.done $0x0  }
0x71: {  	[sflag:s24] =	ssyncadd.s32 $0xFFFFF63C  }
0x72: {  	[spmem:s15], [sflag:s14] =	dma.local @!p1 [hbm:s4], $0x20  }
0x73: {  	s15 =	simm.s32 @!p1 $0x7  }
0x74: {  	_ =	swait.ge @!p1 [sflag:s15], $0x20  }
0x75: {  	[sflag:s15] =	ssyncset.done @!p1 $0x0  }
0x76: {  	[sflag:s15] =	ssyncadd.s32 @!p1 $0xFFFFFFE0  }
0x77: {  	[bflag:$0x0] =	sbarrier.arrive $0xFFFF  }
0x78: {  	[tilespmem:s2], [sflag:$0x1] =	stream.linear.gather [hbm4b:s9+s2], $0x100, $0x38;
	[tilespmem:$0x7230] =	vst v63  }
0x79: {  	s17 =	rddreg [dreg:$0x8]  }
0x7a: {  	[tilespmem:s25], [sflag:$0x2] =	stream.linear.gather [hbm4b:s17+s2], $0x100, $0x38;
	[tilespmem:$0x7230] =	vst v63  }
0x7b: {  	s22 =	rddreg [dreg:$0x9]  }
0x7c: {  	[tilespmem:s26], [sflag:$0x3] =	stream.linear.gather [hbm4b:s22+s2], $0x100, $0x38;
	[tilespmem:$0x7230] =	vst v63  }
0x7d: {  	s16 =	rddreg [dreg:$0xa]  }
0x7e: {  	[tilespmem:s28], [sflag:$0x4] =	stream.linear.gather [hbm4b:s16+s2], $0x100, $0x38;
	[tilespmem:$0x7230] =	vst v63  }
0x7f: {  	_ =	swait.ge [sflag:s29], $0x100  }
0x80: {  	[sflag:s29] =	ssyncset.done $0x0  }
0x81: {  	[sflag:s29] =	ssyncadd.s32 $0xFFFFFF00  }
0x82: {  	[tilespmem:s31], [sflag:$0x5] =	stream.indirect.gather [hbm4b:s4+s30], $0x20, s2, s30, $0xb8;
	[tilespmem:$0x7230] =	vst v63  }
0x83: {  	_ =	swait.ge [sflag:s0], $0x100  }
0x84: {  	[sflag:s0] =	ssyncset.done $0x0  }
0x85: {  	[sflag:s0] =	ssyncadd.s32 $0xFFFFFF00  }
0x86: {  	[tilespmem:s5], [sflag:$0x6] =	stream.indirect.gather [hbm4b:s4+s30], $0x20, s25, s30, $0xb8;
	[tilespmem:$0x7230] =	vst v63  }
0x87: {  	_ =	swait.ge [sflag:s6], $0x1000  }
0x88: {  	[sflag:s6] =	ssyncset.done $0x0  }
0x89: {  	[sflag:s6] =	ssyncadd.s32 $0xFFFFF000  }
0x8a: {  	[spmem:s1] =	stream.indirect.scatter.add.f32 [tilespmem:s31], [sflag:$0x7], $0x20, s30, s30, $0xb8;
	[tilespmem:$0x7230] =	vst v63  }
0x8b: {  	_ =	swait.ge [sflag:s24], $0x1000  }
0x8c: {  	[sflag:s24] =	ssyncset.done $0x0  }
0x8d: {  	s17 =	rddreg [dreg:$0xb];
	[sflag:s24] =	ssyncadd.s32 $0xFFFFF000  }
0x8e: {  	[tilespmem:s2], [sflag:$0x1] =	stream.linear.gather [hbm4b:s17+s2], $0x100, $0x38;
	[tilespmem:$0x7230] =	vst v63  }
0x8f: {  	_ =	swait.ge [sflag:s8], $0x100  }
0x90: {  	[sflag:s8] =	ssyncset.done $0x0  }
0x91: {  	[sflag:s8] =	ssyncadd.s32 $0xFFFFFF00  }
0x92: {  	[tilespmem:s31], [sflag:$0x5] =	stream.indirect.gather [hbm4b:s4+s30], $0x20, s26, s30, $0xb8;
	[tilespmem:$0x7230] =	vst v63  }
0x93: {  	_ =	swait.ge [sflag:s18], $0x1000  }
0x94: {  	[sflag:s18] =	ssyncset.done $0x0  }
0x95: {  	[sflag:s18] =	ssyncadd.s32 $0xFFFFF000  }
0x96: {  	[spmem:s1] =	stream.indirect.scatter.add.f32 [tilespmem:s5], [sflag:$0x7], $0x20, s20, s30, $0xb8;
	[tilespmem:$0x7230] =	vst v63  }
0x97: {  	_ =	swait.ge [sflag:s24], $0x1000  }
0x98: {  	s15 =	sadd.s32 $0xFFFFF700, s21;
	[sflag:s24] =	ssyncset.done $0x0  }
0x99: {  	s22 =	sadd.s32 $0x9A0, s15;
	[sflag:s24] =	ssyncadd.s32 $0xFFFFF000  }
0x9a: {  	[tilespmem:s25], [sflag:$0x2] =	stream.linear.gather [hbm4b:s22+s2], $0x100, $0x38;
	[tilespmem:$0x7230] =	vst v63  }
0x9b: {  	_ =	swait.ge [sflag:s10], $0x100  }
0x9c: {  	[sflag:s10] =	ssyncset.done $0x0  }
0x9d: {  	[sflag:s10] =	ssyncadd.s32 $0xFFFFFF00  }
0x9e: {  	[tilespmem:s5], [sflag:$0x6] =	stream.indirect.gather [hbm4b:s4+s30], $0x20, s28, s30, $0xb8;
	[tilespmem:$0x7230] =	vst v63  }
0x9f: {  	_ =	swait.ge [sflag:s6], $0x1000  }
0xa0: {  	[sflag:s6] =	ssyncset.done $0x0  }
0xa1: {  	[sflag:s6] =	ssyncadd.s32 $0xFFFFF000  }
0xa2: {  	[spmem:s1] =	stream.indirect.scatter.add.f32 [tilespmem:s31], [sflag:$0x7], $0x20, s11, s30, $0xb8;
	[tilespmem:$0x7230] =	vst v63  }
0xa3: {  	_ =	swait.ge [sflag:s24], $0x1000  }
0xa4: {  	[sflag:s24] =	ssyncset.done $0x0  }
0xa5: {  	s17 =	sadd.s32 $0x9C0, s15;
	[sflag:s24] =	ssyncadd.s32 $0xFFFFF000  }
0xa6: {  	[tilespmem:s26], [sflag:$0x3] =	stream.linear.gather [hbm4b:s17+s2], $0x100, $0x38;
	[tilespmem:$0x7230] =	vst v63  }
0xa7: {  	_ =	swait.ge [sflag:s29], $0x100  }
0xa8: {  	[sflag:s29] =	ssyncset.done $0x0  }
0xa9: {  	[sflag:s29] =	ssyncadd.s32 $0xFFFFFF00  }
0xaa: {  	[tilespmem:s31], [sflag:$0x5] =	stream.indirect.gather [hbm4b:s4+s30], $0x20, s2, s30, $0xb8;
	[tilespmem:$0x7230] =	vst v63  }
0xab: {  	_ =	swait.ge [sflag:s18], $0x1000  }
0xac: {  	[sflag:s18] =	ssyncset.done $0x0  }
0xad: {  	[sflag:s18] =	ssyncadd.s32 $0xFFFFF000  }
0xae: {  	[spmem:s1] =	stream.indirect.scatter.add.f32 [tilespmem:s5], [sflag:$0x7], $0x20, s12, s30, $0xb8;
	[tilespmem:$0x7230] =	vst v63  }
0xaf: {  	_ =	swait.ge [sflag:s24], $0x1000  }
0xb0: {  	[sflag:s24] =	ssyncset.done $0x0  }
0xb1: {  	s22 =	sadd.s32 $0x9E0, s15;
	[sflag:s24] =	ssyncadd.s32 $0xFFFFF000  }
0xb2: {  	[tilespmem:s28], [sflag:$0x4] =	stream.linear.gather [hbm4b:s22+s2], $0x100, $0x38;
	[tilespmem:$0x7230] =	vst v63  }
0xb3: {  	_ =	swait.ge [sflag:s0], $0x100  }
0xb4: {  	[sflag:s0] =	ssyncset.done $0x0  }
0xb5: {  	[sflag:s0] =	ssyncadd.s32 $0xFFFFFF00  }
0xb6: {  	[tilespmem:s5], [sflag:$0x6] =	stream.indirect.gather [hbm4b:s4+s30], $0x20, s25, s30, $0xb8;
	[tilespmem:$0x7230] =	vst v63  }
0xb7: {  	_ =	swait.ge [sflag:s6], $0x1000  }
0xb8: {  	[sflag:s6] =	ssyncset.done $0x0  }
0xb9: {  	[sflag:s6] =	ssyncadd.s32 $0xFFFFF000  }
0xba: {  	[spmem:s1] =	stream.indirect.scatter.add.f32 [tilespmem:s31], [sflag:$0x7], $0x20, s30, s30, $0xb8;
	[tilespmem:$0x7230] =	vst v63  }
0xbb: {  	_ =	swait.ge [sflag:s24], $0x1000  }
0xbc: {  	[sflag:s24] =	ssyncset.done $0x0  }
0xbd: {  	s15 =	sadd.s32 $0xA00, s15;
	[sflag:s24] =	ssyncadd.s32 $0xFFFFF000  }
0xbe: {  	[tilespmem:s2], [sflag:$0x1] =	stream.linear.gather [hbm4b:s15+s2], $0x100, $0x38;
	[tilespmem:$0x7230] =	vst v63  }
0xbf: {  	_ =	swait.ge [sflag:s8], $0x100  }
0xc0: {  	[sflag:s8] =	ssyncset.done $0x0  }
0xc1: {  	s15 =	simm.s32 $0xFFFFF780;
	[sflag:s8] =	ssyncadd.s32 $0xFFFFFF00  }
.LBB2_6:
0xc2: {  	[tilespmem:s31], [sflag:$0x5] =	stream.indirect.gather [hbm4b:s4+s30], $0x20, s26, s30, $0xb8;
	[tilespmem:$0x7230] =	vst v63  }
0xc3: {  	s16 =	smov.u32 s15  }
0xc4: {  	p2 =	sne.s32 s15, $0xFFFFFF80;
	s15 =	sadd.s32 $0x80, s15;
	_ =	swait.ge [sflag:s18], $0x1000  }
0xc5: {  	[sflag:s18] =	ssyncset.done $0x0  }
0xc6: {  	[sflag:s18] =	ssyncadd.s32 $0xFFFFF000  }
0xc7: {  	[spmem:s1] =	stream.indirect.scatter.add.f32 [tilespmem:s5], [sflag:$0x7], $0x20, s20, s30, $0xb8;
	[tilespmem:$0x7230] =	vst v63  }
0xc8: {  	_ =	swait.ge [sflag:s24], $0x1000  }
0xc9: {  	s16 =	sadd.s32 s16, s21;
	[sflag:s24] =	ssyncset.done $0x0  }
0xca: {  	s17 =	sadd.s32 $0x9A0, s16;
	[sflag:s24] =	ssyncadd.s32 $0xFFFFF000  }
0xcb: {  	[tilespmem:s25], [sflag:$0x2] =	stream.linear.gather [hbm4b:s17+s2], $0x100, $0x38;
	[tilespmem:$0x7230] =	vst v63  }
0xcc: {  	_ =	swait.ge [sflag:s10], $0x100  }
0xcd: {  	[sflag:s10] =	ssyncset.done $0x0  }
0xce: {  	[sflag:s10] =	ssyncadd.s32 $0xFFFFFF00  }
0xcf: {  	[tilespmem:s5], [sflag:$0x6] =	stream.indirect.gather [hbm4b:s4+s30], $0x20, s28, s30, $0xb8;
	[tilespmem:$0x7230] =	vst v63  }
0xd0: {  	_ =	swait.ge [sflag:s6], $0x1000  }
0xd1: {  	[sflag:s6] =	ssyncset.done $0x0  }
0xd2: {  	[sflag:s6] =	ssyncadd.s32 $0xFFFFF000  }
0xd3: {  	[spmem:s1] =	stream.indirect.scatter.add.f32 [tilespmem:s31], [sflag:$0x7], $0x20, s11, s30, $0xb8;
	[tilespmem:$0x7230] =	vst v63  }
0xd4: {  	_ =	swait.ge [sflag:s24], $0x1000  }
0xd5: {  	[sflag:s24] =	ssyncset.done $0x0  }
0xd6: {  	s17 =	sadd.s32 $0x9C0, s16;
	[sflag:s24] =	ssyncadd.s32 $0xFFFFF000  }
0xd7: {  	[tilespmem:s26], [sflag:$0x3] =	stream.linear.gather [hbm4b:s17+s2], $0x100, $0x38;
	[tilespmem:$0x7230] =	vst v63  }
0xd8: {  	_ =	swait.ge [sflag:s29], $0x100  }
0xd9: {  	[sflag:s29] =	ssyncset.done $0x0  }
0xda: {  	[sflag:s29] =	ssyncadd.s32 $0xFFFFFF00  }
0xdb: {  	[tilespmem:s31], [sflag:$0x5] =	stream.indirect.gather [hbm4b:s4+s30], $0x20, s2, s30, $0xb8;
	[tilespmem:$0x7230] =	vst v63  }
0xdc: {  	_ =	swait.ge [sflag:s18], $0x1000  }
0xdd: {  	[sflag:s18] =	ssyncset.done $0x0  }
0xde: {  	[sflag:s18] =	ssyncadd.s32 $0xFFFFF000  }
0xdf: {  	[spmem:s1] =	stream.indirect.scatter.add.f32 [tilespmem:s5], [sflag:$0x7], $0x20, s12, s30, $0xb8;
	[tilespmem:$0x7230] =	vst v63  }
0xe0: {  	_ =	swait.ge [sflag:s24], $0x1000  }
0xe1: {  	[sflag:s24] =	ssyncset.done $0x0  }
0xe2: {  	s17 =	sadd.s32 $0x9E0, s16;
	[sflag:s24] =	ssyncadd.s32 $0xFFFFF000  }
0xe3: {  	[tilespmem:s28], [sflag:$0x4] =	stream.linear.gather [hbm4b:s17+s2], $0x100, $0x38;
	[tilespmem:$0x7230] =	vst v63  }
0xe4: {  	_ =	swait.ge [sflag:s0], $0x100  }
0xe5: {  	[sflag:s0] =	ssyncset.done $0x0  }
0xe6: {  	[sflag:s0] =	ssyncadd.s32 $0xFFFFFF00  }
0xe7: {  	[tilespmem:s5], [sflag:$0x6] =	stream.indirect.gather [hbm4b:s4+s30], $0x20, s25, s30, $0xb8;
	[tilespmem:$0x7230] =	vst v63  }
0xe8: {  	_ =	swait.ge [sflag:s6], $0x1000  }
0xe9: {  	[sflag:s6] =	ssyncset.done $0x0  }
0xea: {  	[sflag:s6] =	ssyncadd.s32 $0xFFFFF000  }
0xeb: {  	[spmem:s1] =	stream.indirect.scatter.add.f32 [tilespmem:s31], [sflag:$0x7], $0x20, s30, s30, $0xb8;
	[tilespmem:$0x7230] =	vst v63  }
0xec: {  	_ =	swait.ge [sflag:s24], $0x1000  }
0xed: {  	[sflag:s24] =	ssyncset.done $0x0  }
.Ltmp3:
0xee: {  	s16 =	sadd.s32 $0xA00, s16;
	[sflag:s24] =	ssyncadd.s32 $0xFFFFF000;
	(pc) =	sbr.rel @p2 .LBB2_6-.Ltmp3, $4  }
0xef: {  	[tilespmem:s2], [sflag:$0x1] =	stream.linear.gather [hbm4b:s16+s2], $0x100, $0x38;
	[tilespmem:$0x7230] =	vst v63  }
0xf0: {  	_ =	swait.ge [sflag:s8], $0x100  }
0xf1: {  	[sflag:s8] =	ssyncset.done $0x0  }
0xf2: {  	[sflag:s8] =	ssyncadd.s32 $0xFFFFFF00  }
.Ltmp4:
0xf3: {  	_ = 	snop;
	(pc) =	sbr.rel .LBB2_7-.Ltmp4, $1  }
0xf4: {  	_ =	sdelay $0x3  }
.LBB2_2:
0xf5: {  	s16 =	rddreg [dreg:$0x10]  }
0xf6: {  	s17 =	rddreg [dreg:$0x6];
	s22 =	sor.u32 $0x1C07, s16  }
0xf7: {  	[spmem:s23], [sflag:s22] =	dma.local [hbm:s17], $0x9C4  }
0xf8: {  	_ =	swait.ge [sflag:s24], $0x9C4  }
0xf9: {  	[sflag:s24] =	ssyncset.done $0x0  }
0xfa: {  	[sflag:s24] =	ssyncadd.s32 $0xFFFFF63C  }
0xfb: {  	[spmem:s15], [sflag:s22] =	dma.local @!p1 [hbm:s3], $0x20  }
0xfc: {  	s15 =	simm.s32 @!p1 $0x7  }
0xfd: {  	_ =	swait.ge @!p1 [sflag:s15], $0x20  }
0xfe: {  	[sflag:s15] =	ssyncset.done @!p1 $0x0  }
0xff: {  	[sflag:s15] =	ssyncadd.s32 @!p1 $0xFFFFFFE0  }
0x100: {  	[bflag:$0x0] =	sbarrier.arrive $0xFFFF  }
0x101: {  	[tilespmem:s2], [sflag:$0x1] =	stream.linear.gather [hbm4b:s9+s2], $0x100, $0x38;
	[tilespmem:$0x7230] =	vst v63  }
0x102: {  	s17 =	rddreg [dreg:$0x8]  }
0x103: {  	[tilespmem:s25], [sflag:$0x2] =	stream.linear.gather [hbm4b:s17+s2], $0x100, $0x38;
	[tilespmem:$0x7230] =	vst v63  }
0x104: {  	s16 =	rddreg [dreg:$0x9]  }
0x105: {  	[tilespmem:s26], [sflag:$0x3] =	stream.linear.gather [hbm4b:s16+s2], $0x100, $0x38;
	[tilespmem:$0x7230] =	vst v63  }
0x106: {  	s17 =	rddreg [dreg:$0xa]  }
0x107: {  	[tilespmem:s28], [sflag:$0x4] =	stream.linear.gather [hbm4b:s17+s2], $0x100, $0x38;
	[tilespmem:$0x7230] =	vst v63  }
0x108: {  	_ =	swait.ge [sflag:s29], $0x100  }
0x109: {  	[sflag:s29] =	ssyncset.done $0x0  }
0x10a: {  	[sflag:s29] =	ssyncadd.s32 $0xFFFFFF00  }
0x10b: {  	[tilespmem:s31], [sflag:$0x5] =	stream.indirect.gather [hbm4b:s3+s30], $0x20, s2, s30, $0xb8;
	[tilespmem:$0x7230] =	vst v63  }
0x10c: {  	_ =	swait.ge [sflag:s0], $0x100  }
0x10d: {  	[sflag:s0] =	ssyncset.done $0x0  }
0x10e: {  	[sflag:s0] =	ssyncadd.s32 $0xFFFFFF00  }
0x10f: {  	[tilespmem:s5], [sflag:$0x6] =	stream.indirect.gather [hbm4b:s3+s30], $0x20, s25, s30, $0xb8;
	[tilespmem:$0x7230] =	vst v63  }
0x110: {  	_ =	swait.ge [sflag:s6], $0x1000  }
0x111: {  	[sflag:s6] =	ssyncset.done $0x0  }
0x112: {  	[sflag:s6] =	ssyncadd.s32 $0xFFFFF000  }
0x113: {  	[spmem:s1] =	stream.indirect.scatter.add.f32 [tilespmem:s31], [sflag:$0x7], $0x20, s30, s30, $0xb8;
	[tilespmem:$0x7230] =	vst v63  }
0x114: {  	_ =	swait.ge [sflag:s24], $0x1000  }
0x115: {  	[sflag:s24] =	ssyncset.done $0x0  }
0x116: {  	s16 =	rddreg [dreg:$0xb];
	[sflag:s24] =	ssyncadd.s32 $0xFFFFF000  }
0x117: {  	[tilespmem:s2], [sflag:$0x1] =	stream.linear.gather [hbm4b:s16+s2], $0x100, $0x38;
	[tilespmem:$0x7230] =	vst v63  }
0x118: {  	_ =	swait.ge [sflag:s8], $0x100  }
0x119: {  	[sflag:s8] =	ssyncset.done $0x0  }
0x11a: {  	[sflag:s8] =	ssyncadd.s32 $0xFFFFFF00  }
0x11b: {  	[tilespmem:s31], [sflag:$0x5] =	stream.indirect.gather [hbm4b:s3+s30], $0x20, s26, s30, $0xb8;
	[tilespmem:$0x7230] =	vst v63  }
0x11c: {  	_ =	swait.ge [sflag:s18], $0x1000  }
0x11d: {  	[sflag:s18] =	ssyncset.done $0x0  }
0x11e: {  	[sflag:s18] =	ssyncadd.s32 $0xFFFFF000  }
0x11f: {  	[spmem:s1] =	stream.indirect.scatter.add.f32 [tilespmem:s5], [sflag:$0x7], $0x20, s20, s30, $0xb8;
	[tilespmem:$0x7230] =	vst v63  }
0x120: {  	_ =	swait.ge [sflag:s24], $0x1000  }
0x121: {  	s15 =	sadd.s32 $0xFFFFF700, s21;
	[sflag:s24] =	ssyncset.done $0x0  }
0x122: {  	s17 =	sadd.s32 $0x9A0, s15;
	[sflag:s24] =	ssyncadd.s32 $0xFFFFF000  }
0x123: {  	[tilespmem:s25], [sflag:$0x2] =	stream.linear.gather [hbm4b:s17+s2], $0x100, $0x38;
	[tilespmem:$0x7230] =	vst v63  }
0x124: {  	_ =	swait.ge [sflag:s10], $0x100  }
0x125: {  	[sflag:s10] =	ssyncset.done $0x0  }
0x126: {  	[sflag:s10] =	ssyncadd.s32 $0xFFFFFF00  }
0x127: {  	[tilespmem:s5], [sflag:$0x6] =	stream.indirect.gather [hbm4b:s3+s30], $0x20, s28, s30, $0xb8;
	[tilespmem:$0x7230] =	vst v63  }
0x128: {  	_ =	swait.ge [sflag:s6], $0x1000  }
0x129: {  	[sflag:s6] =	ssyncset.done $0x0  }
0x12a: {  	[sflag:s6] =	ssyncadd.s32 $0xFFFFF000  }
0x12b: {  	[spmem:s1] =	stream.indirect.scatter.add.f32 [tilespmem:s31], [sflag:$0x7], $0x20, s11, s30, $0xb8;
	[tilespmem:$0x7230] =	vst v63  }
0x12c: {  	_ =	swait.ge [sflag:s24], $0x1000  }
0x12d: {  	[sflag:s24] =	ssyncset.done $0x0  }
0x12e: {  	s17 =	sadd.s32 $0x9C0, s15;
	[sflag:s24] =	ssyncadd.s32 $0xFFFFF000  }
0x12f: {  	[tilespmem:s26], [sflag:$0x3] =	stream.linear.gather [hbm4b:s17+s2], $0x100, $0x38;
	[tilespmem:$0x7230] =	vst v63  }
0x130: {  	_ =	swait.ge [sflag:s29], $0x100  }
0x131: {  	[sflag:s29] =	ssyncset.done $0x0  }
0x132: {  	[sflag:s29] =	ssyncadd.s32 $0xFFFFFF00  }
0x133: {  	[tilespmem:s31], [sflag:$0x5] =	stream.indirect.gather [hbm4b:s3+s30], $0x20, s2, s30, $0xb8;
	[tilespmem:$0x7230] =	vst v63  }
0x134: {  	_ =	swait.ge [sflag:s18], $0x1000  }
0x135: {  	[sflag:s18] =	ssyncset.done $0x0  }
0x136: {  	[sflag:s18] =	ssyncadd.s32 $0xFFFFF000  }
0x137: {  	[spmem:s1] =	stream.indirect.scatter.add.f32 [tilespmem:s5], [sflag:$0x7], $0x20, s12, s30, $0xb8;
	[tilespmem:$0x7230] =	vst v63  }
0x138: {  	_ =	swait.ge [sflag:s24], $0x1000  }
0x139: {  	[sflag:s24] =	ssyncset.done $0x0  }
0x13a: {  	s17 =	sadd.s32 $0x9E0, s15;
	[sflag:s24] =	ssyncadd.s32 $0xFFFFF000  }
0x13b: {  	[tilespmem:s28], [sflag:$0x4] =	stream.linear.gather [hbm4b:s17+s2], $0x100, $0x38;
	[tilespmem:$0x7230] =	vst v63  }
0x13c: {  	_ =	swait.ge [sflag:s0], $0x100  }
0x13d: {  	[sflag:s0] =	ssyncset.done $0x0  }
0x13e: {  	[sflag:s0] =	ssyncadd.s32 $0xFFFFFF00  }
0x13f: {  	[tilespmem:s5], [sflag:$0x6] =	stream.indirect.gather [hbm4b:s3+s30], $0x20, s25, s30, $0xb8;
	[tilespmem:$0x7230] =	vst v63  }
0x140: {  	_ =	swait.ge [sflag:s6], $0x1000  }
0x141: {  	[sflag:s6] =	ssyncset.done $0x0  }
0x142: {  	[sflag:s6] =	ssyncadd.s32 $0xFFFFF000  }
0x143: {  	[spmem:s1] =	stream.indirect.scatter.add.f32 [tilespmem:s31], [sflag:$0x7], $0x20, s30, s30, $0xb8;
	[tilespmem:$0x7230] =	vst v63  }
0x144: {  	_ =	swait.ge [sflag:s24], $0x1000  }
0x145: {  	[sflag:s24] =	ssyncset.done $0x0  }
0x146: {  	s15 =	sadd.s32 $0xA00, s15;
	[sflag:s24] =	ssyncadd.s32 $0xFFFFF000  }
0x147: {  	[tilespmem:s2], [sflag:$0x1] =	stream.linear.gather [hbm4b:s15+s2], $0x100, $0x38;
	[tilespmem:$0x7230] =	vst v63  }
0x148: {  	_ =	swait.ge [sflag:s8], $0x100  }
0x149: {  	[sflag:s8] =	ssyncset.done $0x0  }
0x14a: {  	s15 =	simm.s32 $0xFFFFF780;
	[sflag:s8] =	ssyncadd.s32 $0xFFFFFF00  }
.LBB2_3:
0x14b: {  	[tilespmem:s31], [sflag:$0x5] =	stream.indirect.gather [hbm4b:s3+s30], $0x20, s26, s30, $0xb8;
	[tilespmem:$0x7230] =	vst v63  }
0x14c: {  	s16 =	smov.u32 s15  }
0x14d: {  	p2 =	seq.s32 s15, $0xFFFFFF80;
	s15 =	sadd.s32 $0x80, s15;
	_ =	swait.ge [sflag:s18], $0x1000  }
0x14e: {  	[sflag:s18] =	ssyncset.done $0x0  }
0x14f: {  	[sflag:s18] =	ssyncadd.s32 $0xFFFFF000  }
0x150: {  	[spmem:s1] =	stream.indirect.scatter.add.f32 [tilespmem:s5], [sflag:$0x7], $0x20, s20, s30, $0xb8;
	[tilespmem:$0x7230] =	vst v63  }
0x151: {  	_ =	swait.ge [sflag:s24], $0x1000  }
0x152: {  	s16 =	sadd.s32 s16, s21;
	[sflag:s24] =	ssyncset.done $0x0  }
0x153: {  	s17 =	sadd.s32 $0x9A0, s16;
	[sflag:s24] =	ssyncadd.s32 $0xFFFFF000  }
0x154: {  	[tilespmem:s25], [sflag:$0x2] =	stream.linear.gather [hbm4b:s17+s2], $0x100, $0x38;
	[tilespmem:$0x7230] =	vst v63  }
0x155: {  	_ =	swait.ge [sflag:s10], $0x100  }
0x156: {  	[sflag:s10] =	ssyncset.done $0x0  }
0x157: {  	[sflag:s10] =	ssyncadd.s32 $0xFFFFFF00  }
0x158: {  	[tilespmem:s5], [sflag:$0x6] =	stream.indirect.gather [hbm4b:s3+s30], $0x20, s28, s30, $0xb8;
	[tilespmem:$0x7230] =	vst v63  }
0x159: {  	_ =	swait.ge [sflag:s6], $0x1000  }
0x15a: {  	[sflag:s6] =	ssyncset.done $0x0  }
0x15b: {  	[sflag:s6] =	ssyncadd.s32 $0xFFFFF000  }
0x15c: {  	[spmem:s1] =	stream.indirect.scatter.add.f32 [tilespmem:s31], [sflag:$0x7], $0x20, s11, s30, $0xb8;
	[tilespmem:$0x7230] =	vst v63  }
0x15d: {  	_ =	swait.ge [sflag:s24], $0x1000  }
0x15e: {  	[sflag:s24] =	ssyncset.done $0x0  }
0x15f: {  	s17 =	sadd.s32 $0x9C0, s16;
	[sflag:s24] =	ssyncadd.s32 $0xFFFFF000  }
0x160: {  	[tilespmem:s26], [sflag:$0x3] =	stream.linear.gather [hbm4b:s17+s2], $0x100, $0x38;
	[tilespmem:$0x7230] =	vst v63  }
0x161: {  	_ =	swait.ge [sflag:s29], $0x100  }
0x162: {  	[sflag:s29] =	ssyncset.done $0x0  }
0x163: {  	[sflag:s29] =	ssyncadd.s32 $0xFFFFFF00  }
0x164: {  	[tilespmem:s31], [sflag:$0x5] =	stream.indirect.gather [hbm4b:s3+s30], $0x20, s2, s30, $0xb8;
	[tilespmem:$0x7230] =	vst v63  }
0x165: {  	_ =	swait.ge [sflag:s18], $0x1000  }
0x166: {  	[sflag:s18] =	ssyncset.done $0x0  }
0x167: {  	[sflag:s18] =	ssyncadd.s32 $0xFFFFF000  }
0x168: {  	[spmem:s1] =	stream.indirect.scatter.add.f32 [tilespmem:s5], [sflag:$0x7], $0x20, s12, s30, $0xb8;
	[tilespmem:$0x7230] =	vst v63  }
0x169: {  	_ =	swait.ge [sflag:s24], $0x1000  }
0x16a: {  	[sflag:s24] =	ssyncset.done $0x0  }
0x16b: {  	s17 =	sadd.s32 $0x9E0, s16;
	[sflag:s24] =	ssyncadd.s32 $0xFFFFF000  }
0x16c: {  	[tilespmem:s28], [sflag:$0x4] =	stream.linear.gather [hbm4b:s17+s2], $0x100, $0x38;
	[tilespmem:$0x7230] =	vst v63  }
0x16d: {  	_ =	swait.ge [sflag:s0], $0x100  }
0x16e: {  	[sflag:s0] =	ssyncset.done $0x0  }
0x16f: {  	[sflag:s0] =	ssyncadd.s32 $0xFFFFFF00  }
0x170: {  	[tilespmem:s5], [sflag:$0x6] =	stream.indirect.gather [hbm4b:s3+s30], $0x20, s25, s30, $0xb8;
	[tilespmem:$0x7230] =	vst v63  }
0x171: {  	_ =	swait.ge [sflag:s6], $0x1000  }
0x172: {  	[sflag:s6] =	ssyncset.done $0x0  }
0x173: {  	[sflag:s6] =	ssyncadd.s32 $0xFFFFF000  }
0x174: {  	[spmem:s1] =	stream.indirect.scatter.add.f32 [tilespmem:s31], [sflag:$0x7], $0x20, s30, s30, $0xb8;
	[tilespmem:$0x7230] =	vst v63  }
0x175: {  	_ =	swait.ge [sflag:s24], $0x1000  }
0x176: {  	[sflag:s24] =	ssyncset.done $0x0  }
.Ltmp5:
0x177: {  	s16 =	sadd.s32 $0xA00, s16;
	[sflag:s24] =	ssyncadd.s32 $0xFFFFF000;
	(pc) =	sbr.rel @!p2 .LBB2_3-.Ltmp5, $4  }
0x178: {  	[tilespmem:s2], [sflag:$0x1] =	stream.linear.gather [hbm4b:s16+s2], $0x100, $0x38;
	[tilespmem:$0x7230] =	vst v63  }
0x179: {  	_ =	swait.ge [sflag:s8], $0x100  }
0x17a: {  	[sflag:s8] =	ssyncset.done $0x0  }
0x17b: {  	[sflag:s8] =	ssyncadd.s32 $0xFFFFFF00  }
.Ltmp6:
0x17c: {  	(pc) =	sbr.rel .LBB2_8-.Ltmp6, $3  }
0x17d: {  	_ =	sdelay $0x1  }
0x17e: {  	[tilespmem:s31], [sflag:$0x5] =	stream.indirect.gather [hbm4b:s3+s30], $0x20, s26, s30, $0xb8;
	[tilespmem:$0x7230] =	vst v63  }
0x17f: {  	s16 =	smov.u32 s3;
	s15 =	rddreg [dreg:$0x4]  }
.LBB2_9:
0x180: {  	_ =	sfence.sel $0x180000  }
0x181: {  	[bflag:$0x0] =	sbarrier.arrive $0xFFFF  }
0x182: {  	_ =	strace $0x9000004D  }
0x183: {  	[bflag:$0x2] =	sbarrier.arrive $0xFFFF  }
0x184: {  	s0 =	rddreg [dreg:$0x3]  }
0x185: {  	s0 =	sadd.s32 @!p1 $0x100000, s0  }
0x186: {  	[sflag:s0] =	ssyncadd.tile.s32 @!p1 $0x1;
	_ =	shalt  }
.Lfunc_end2:
_tile_overlayer_lowered:
.L_overlay_start_2:
0x187: {  	(tag) =	ssettag $0x2  }
0x188: {  	s0 =	rddreg [dreg:$0x0];
	s2 =	stileid.u32  }
0x189: {  	s1 =	rddreg [dreg:$0x1];
	p0 =	sne.s32 s2, $0x0  }
0x18a: {  	s3 =	rddreg [dreg:$0x2];
	[bflag:$0x3] =	sbarrier.arrive $0xFFFF;
	s2 =	simm.s32 @!p0 $0x1C07  }
0x18b: {  	[timem:s3], [sflag:s2] =	dma.local @!p0 [hbm:s0], s1  }
0x18c: {  	s0 =	simm.s32 @!p0 $0x7  }
0x18d: {  	_ =	swait.ge @!p0 [sflag:s0], s1  }
0x18e: {  	s1 =	ssub.s32 @!p0 $0x0, s1;
	[sflag:s0] =	ssyncset.done @!p0 $0x0  }
0x18f: {  	[sflag:s0] =	ssyncadd.s32 @!p0 s1  }
0x190: {  	[bflag:$0x3] =	sbarrier.arrive $0xFFFF  }
0x191: {  	_ =	shalt  }

// kernel: kernel.8.cloned.1.call-start
scs
__scs_entry_jumppad:
0x0: {  	(pc) =	sbr.rel $0x88, $3  }
0x1: {  	(tag) =	ssettag $0x0;
	lr =	simm.s32 $0x1  }
0x2: {  	[smem:$0x3F9B] =	sst lr;
	_ =	strace $0xD0000000  }
0x3: {  	_ = 	snop  }
0x4: {  	_ = 	snop  }
0x5: {  	_ = 	snop  }
0x6: {  	_ = 	snop  }
0x7: {  	_ = 	snop  }
__scs_overlays_trampoline_lowered:
0x8: {  	[smem:$0x3FAA] =	sst s0  }
0x9: {  	[smem:$0x3FAB] =	sst s1  }
0xa: {  	[smem:$0x3FAC] =	sst s2  }
0xb: {  	[smem:$0x3FAD] =	sst s3  }
0xc: {  	[smem:$0x3FAE] =	sst s4  }
0xd: {  	[smem:$0x3FAF] =	sst s5  }
0xe: {  	[smem:$0x3FB0] =	sst s6  }
0xf: {  	[smem:$0x3FB1] =	sst s7  }
0x10: {  	[smem:$0x3FB2] =	sst s8  }
0x11: {  	[smem:$0x3FB3] =	sst s9;
	s0 =	simm.s32 @!p0 $0x0  }
0x12: {  	s1 =	sld [smem:$0x3F99];
	s0 =	simm.s32 @p0 $0x1  }
0x13: {  	[smem:$0x3FB4] =	sst s0;
	s0 =	simm.s32 @!p1 $0x0  }
0x14: {  	s2 =	sld [smem:$0x3F98];
	s0 =	simm.s32 @p1 $0x1  }
0x15: {  	[smem:$0x3FB5] =	sst s0;
	s0 =	simm.s32 @!p2 $0x0  }
0x16: {  	s3 =	sld [smem:$0x3FDB];
	s0 =	simm.s32 @p2 $0x1  }
0x17: {  	s4 =	simm.s32 $0x1BF5;
	[smem:$0x3FB7] =	sst s0  }
0x18: {  	s0 =	sld [smem:$0x3F9A];
	_ =	swait.ge [sflag:s4], $0x0  }
0x19: {  	s7 =	sld [smem:$0x3F9B]  }
0x1a: {  	s8 =	sadd.s32 $0xFFFFE003, lr  }
0x1b: {  	s9 =	sadd.s32 $0xFFFFFEF7, lr;
	s5 =	simm.s32 $0xFFFFFFFF;
	p2 =	slt.u32 s8, $0xFFFFF086  }
0x1c: {  	p1 =	slt.u32 s9, $0xF7A;
	s5 =	simm.s32 @!p2 $0x0  }
0x1d: {  	s5 =	simm.s32 @p1 $0x1;
	p0 =	seq.s32 s7, s2  }
0x1e: {  	s7 =	smul.u32 @!p0 $0xF7A, s2;
	p2 =	seq.s32 @!p0 s5, $0x0  }
0x1f: {  	s9 =	smul.u32 $0xF7A, s1;
	s8 =	simm.s32 @!p0 $0x1BF5;
	p2 =	por !p2, p0  }
0x20: {  	[sflag:s8] =	ssyncset.s32 @!p0 $0xFFFFF086;
	s6 =	sadd.s32 @!p0 s3, s7;
	s7 =	simm.s32 @!p0 $0x108  }
0x21: {  	s3 =	sadd.s32 s3, s9;
	s6 =	sadd.s32 @!p0 $0x88, s6;
	s7 =	simm.s32 @p2 $0x1082  }
0x22: {  	[simem:s7], [sflag:s8] =	dma.local @!p0 [hbm:s6], $0xF7A  }
0x23: {  	s9 =	sor.u32 $0xD0000000, s2;
	s6 =	simm.s32 $0x108;
	_ =	swait.ge @!p0 [sflag:s8], $0x0  }
0x24: {  	s3 =	sadd.s32 $0x88, s3;
	s6 =	simm.s32 @!p1 $0x1082;
	[sflag:s4] =	ssyncset.s32 $0xFFFFF086  }
0x25: {  	[simem:s6], [sflag:s4] =	dma.local [hbm:s3], $0xF7A  }
0x26: {  	[smem:$0x3F9B] =	sst s1;
	(tag) =	ssettag s2;
	_ =	strace s9  }
0x27: {  	s1 =	sld [smem:$0x3FAB]  }
0x28: {  	s2 =	sld [smem:$0x3FAC]  }
0x29: {  	s4 =	sld [smem:$0x3FAE]  }
0x2a: {  	p0 =	seq.s32 s5, $0x0;
	s5 =	sld [smem:$0x3FAF]  }
0x2b: {  	s6 =	sld [smem:$0x3FB0]  }
0x2c: {  	s7 =	sld [smem:$0x3FB1]  }
0x2d: {  	s3 =	simm.s32 $0x108;
	s8 =	sld [smem:$0x3FB2]  }
0x2e: {  	s3 =	simm.s32 @!p0 $0x1082;
	s9 =	sld [smem:$0x3FB3]  }
0x2f: {  	lr =	sadd.s32 s0, s3;
	s0 =	sld [smem:$0x3FAA]  }
0x30: {  	s3 =	sld [smem:$0x3FAD]  }
0x31: {  	[smem:$0x3FB6] =	sst s10  }
0x32: {  	s10 =	sld [smem:$0x3FB4];
	_ =	sdelay $0x3  }
0x33: {  	p0 =	seq.s32 s10, $0x1;
	s10 =	sld [smem:$0x3FB6];
	_ =	sdelay $0x3  }
0x34: {  	[smem:$0x3FB6] =	sst s10  }
0x35: {  	s10 =	sld [smem:$0x3FB5];
	_ =	sdelay $0x3  }
0x36: {  	p1 =	seq.s32 s10, $0x1;
	s10 =	sld [smem:$0x3FB6];
	_ =	sdelay $0x3  }
0x37: {  	[smem:$0x3FB6] =	sst s10  }
0x38: {  	s10 =	sld [smem:$0x3FB7]  }
0x39: {  	_ = 	snop;
	(pc) =	sbr.ind lr, $3  }
0x3a: {  	_ = 	snop  }
0x3b: {  	_ = 	snop  }
0x3c: {  	p2 =	seq.s32 s10, $0x1;
	s10 =	sld [smem:$0x3FB6]  }
0x3d: {  	_ =	shalt  }
0x3e: {  	_ =	shalt  }
0x3f: {  	_ =	shalt  }
0x40: {  	_ =	shalt  }
0x41: {  	_ =	shalt  }
0x42: {  	_ =	shalt  }
0x43: {  	_ =	shalt  }
0x44: {  	_ =	shalt  }
0x45: {  	_ =	shalt  }
0x46: {  	_ =	shalt  }
0x47: {  	_ =	shalt  }
0x48: {  	_ =	shalt  }
0x49: {  	_ =	shalt  }
0x4a: {  	_ =	shalt  }
0x4b: {  	_ =	shalt  }
0x4c: {  	_ =	shalt  }
0x4d: {  	_ =	shalt  }
0x4e: {  	_ =	shalt  }
0x4f: {  	_ =	shalt  }
0x50: {  	_ =	shalt  }
0x51: {  	_ =	shalt  }
0x52: {  	_ =	shalt  }
0x53: {  	_ =	shalt  }
0x54: {  	_ =	shalt  }
0x55: {  	_ =	shalt  }
0x56: {  	_ =	shalt  }
0x57: {  	_ =	shalt  }
0x58: {  	_ =	shalt  }
0x59: {  	_ =	shalt  }
0x5a: {  	_ =	shalt  }
0x5b: {  	_ =	shalt  }
0x5c: {  	_ =	shalt  }
0x5d: {  	_ =	shalt  }
0x5e: {  	_ =	shalt  }
0x5f: {  	_ =	shalt  }
0x60: {  	_ =	shalt  }
0x61: {  	_ =	shalt  }
0x62: {  	_ =	shalt  }
0x63: {  	_ =	shalt  }
0x64: {  	_ =	shalt  }
0x65: {  	_ =	shalt  }
0x66: {  	_ =	shalt  }
0x67: {  	_ =	shalt  }
0x68: {  	_ =	shalt  }
0x69: {  	_ =	shalt  }
0x6a: {  	_ =	shalt  }
0x6b: {  	_ =	shalt  }
0x6c: {  	_ =	shalt  }
0x6d: {  	_ =	shalt  }
0x6e: {  	_ =	shalt  }
0x6f: {  	_ =	shalt  }
0x70: {  	_ =	shalt  }
0x71: {  	_ =	shalt  }
0x72: {  	_ =	shalt  }
0x73: {  	_ =	shalt  }
0x74: {  	_ =	shalt  }
0x75: {  	_ =	shalt  }
0x76: {  	_ =	shalt  }
0x77: {  	_ =	shalt  }
0x78: {  	_ =	shalt  }
0x79: {  	_ =	shalt  }
0x7a: {  	_ =	shalt  }
0x7b: {  	_ =	shalt  }
0x7c: {  	_ =	shalt  }
0x7d: {  	_ =	shalt  }
0x7e: {  	_ =	shalt  }
0x7f: {  	_ =	shalt  }
0x80: {  	_ =	shalt  }
0x81: {  	_ =	shalt  }
0x82: {  	_ =	shalt  }
0x83: {  	_ =	shalt  }
0x84: {  	_ =	shalt  }
0x85: {  	_ =	shalt  }
0x86: {  	_ =	shalt  }
0x87: {  	_ =	shalt  }
.Lfunc_end0:
.L_simem_size_0:
called_computation_lowered:
.L_overlay_start_0:
0x88: {  	s2 =	sld [smem:$0x3FD9]  }
0x89: {  	s3 =	sld [smem:$0x3FFE];
	_ =	sdelay $0x1  }
0x8a: {  	s1 =	srdreg.scid  }
0x8b: {  	s0 =	sand.u32 $0x1, s1  }
0x8c: {  	s17 =	sshll.u32 s0, $0xA;
	s2 =	sadd.s32 s3, s2  }
0x8d: {  	s2 =	sadd.s32 s2, s17  }
0x8e: {  	[smem:$0x3FC2] =	sst s2  }
0x8f: {  	_ = 	snop  }
0x90: {  	s2 =	sld [smem:$0x3FD0];
	(tm) =	ssettm $0x1  }
0x91: {  	s18 =	sld [smem:$0x3FFB];
	_ =	sdelay $0x3  }
0x92: {  	_ =	strace s18  }
0x93: {  	s3 =	sld [smem:$0x3FFC];
	_ =	sdelay $0x3  }
0x94: {  	_ =	strace s3  }
0x95: {  	s3 =	sld [smem:$0x3FFD];
	_ =	sdelay $0x3  }
0x96: {  	_ =	strace s3  }
0x97: {  	_ =	strace $0x8FFFFFFF  }
0x98: {  	s19 =	sld [smem:$0x3FDB];
	_ =	sdelay $0x1  }
0x99: {  	s4 =	simm.s32 $_scs_section_size  }
0x9a: {  	s5 =	simm.s32 $_size__tile_overlayer_lowered;
	s6 =	simm.s32 $_tile_overlayer_lowered  }
0x9b: {  	s22 =	simm.s32 $0x1BFF;
	s21 =	sshll.u32 s6, $0x1;
	s3 =	sadd.s32 s4, s19  }
0x9c: {  	s7 =	simm.s32 $0x0;
	s20 =	sshll.u32 s5, $0x1;
	s5 =	sadd.s32 s21, s3  }
0x9d: {  	[timem:s7], [sflag:s22] =	dma.local [hbm:s5], s20  }
0x9e: {  	_ =	swait.ge [sflag:s22], s20  }
0x9f: {  	s4 =	ssub.s32 $0x0, s20;
	[sflag:s22] =	ssyncset.done $0x0  }
0xa0: {  	[sflag:s22] =	ssyncadd.s32 s4;
	_ =	sdelay $0x1  }
0xa1: {  	s23 =	simm.s32 $0x1B8B  }
0xa2: {  	_ =	swait.ge [sflag:s23], $0x1  }
0xa3: {  	[sflag:s23] =	ssyncset.done $0x0  }
0xa4: {  	s25 =	simm.s32 $0x1B8E;
	s24 =	sld [smem:$0x3FFE];
	[sflag:s23] =	ssyncadd.s32 $0xFFFFFFFF  }
0xa5: {  	s26 =	simm.s32 $execute0_lowered;
	[smem:$0x3FD2] =	sst s25  }
0xa6: {  	s5 =	sshll.u32 s26, $0x1;
	_ =	strace $0x80000046;
	[dreg:$0x1] =	wrdreg $0xFFFFFFFF  }
0xa7: {  	s28 =	simm.s32 $_size_execute0_lowered;
	s3 =	sadd.s32 s3, s5;
	[dreg:$0x0] =	wrdreg $0x0  }
0xa8: {  	s5 =	sshll.u32 s28, $0x1;
	[dreg:$0x2] =	wrdreg s3  }
0xa9: {  	[dreg:$0x3] =	wrdreg s5  }
0xaa: {  	[dreg:$0x4] =	wrdreg $0xC0  }
0xab: {  	_ =	task [dreg:s7], $0x5FFFF  }
0xac: {  	[dreg:$0x1] =	wrdreg $0xFFFFFFFF  }
0xad: {  	[dreg:$0x0] =	wrdreg $0x60  }
0xae: {  	[dreg:$0x2] =	wrdreg s2  }
0xaf: {  	[dreg:$0x3] =	wrdreg s24  }
0xb0: {  	[dreg:$0x4] =	wrdreg $0x30000  }
0xb1: {  	[dreg:$0x5] =	wrdreg $0x9  }
0xb2: {  	_ =	task.clear_ibuf [dreg:s7], $0x6FFFF;
	_ =	strace $0x90000046  }
0xb3: {  	s29 =	simm.s32 $0x9;
	_ =	strace $0x80000048  }
0xb4: {  	_ =	swait.ge [sflag:s29], $0x1  }
0xb5: {  	[sflag:s29] =	ssyncadd.s32 $0xFFFFFFFF  }
0xb6: {  	_ =	strace $0x90000048  }
0xb7: {  	_ =	sfence  }
0xb8: {  	s30 =	sld [smem:$0x0];
	_ =	sdelay $0x2  }
0xb9: {  	s31 =	sshll.u32 s1, $0xD;
	s1 =	sshrl.u32 s1, $0x2  }
0xba: {  	s3 =	sand.u32 $0x4000, s31;
	s1 =	sadd.s32 s1, s30  }
0xbb: {  	s0 =	sor.u32 s3, s0;
	s1 =	sshll.u32 s1, $0x11  }
0xbc: {  	s0 =	sor.u32 s1, s0  }
0xbd: {  	s0 =	sadd.s32 $0x8F2B, s0  }
0xbe: {  	[sflag:s0] =	ssyncadd.remote.s32 $0x1  }
0xbf: {  	_ =	sfence.sel $0xFFFF  }
0xc0: {  	[dreg:$0x0] =	wrdreg $0xFFFFFFFF;
	(pc) =	sbr.abs _section_cstart, $3  }
0xc1: {  	[dreg:$0x1] =	wrdreg $0xFFFFFFFF  }
0xc2: {  	_ =	task.clear_ibuf [dreg:s7], $0x2FFFF;
	_ =	strace $0x9FFFFFFF  }
0xc3: {  	(tm) =	ssettm $0x7FFFFFFF  }
tec
execute0_lowered:
.L_overlay_start_1:
0x0: {  	(tag) =	ssettag $0x1  }
0x1: {  	s7 =	rddreg [dreg:$0x0]  }
0x2: {  	s5 =	rddreg [dreg:$0x1]  }
0x3: {  	s1 =	rddreg [dreg:$0x2]  }
0x4: {  	s0 =	rddreg [dreg:$0x3]  }
0x5: {  	s3 =	srdreg.scid;
	s10 =	stileid.u32;
	s2 =	simm.s32 $0x0  }
0x6: {  	s15 =	simm.s32 $0x0;
	s4 =	sand.u32 $0x1, s3;
	s6 =	smul.u32 $0x2710, s10  }
0x7: {  	[smem:$0x7FF] =	sst s2;
	s3 =	sadd.s32 $0x7E00, s5;
	s11 =	smul.u32 $0x5000, s10  }
0x8: {  	s31 =	sshll.u32 s10, $0x6;
	s14 =	sadd.s32 $0x27100, s1;
	p0 =	sne.s32 s10, $0x0  }
0x9: {  	s8 =	smul.u32 $0x27100, s4;
	_ =	strace $0x80000047;
	s9 =	ssub.s32 $0x2, s4  }
0xa: {  	s13 =	smul.u32 $0x2800, s4;
	s4 =	sadd.s32 $0x2E00, s5;
	s12 =	sshrl.u32 s9, $0x1  }
0xb: {  	s28 =	sadd.s32 s6, s1;
	s29 =	sshrl.u32 s6, $0x3;
	s8 =	sadd.s32 s6, s8  }
0xc: {  	s9 =	ssub.s32 s9, s12;
	s30 =	sadd.s32 s13, s11;
	s6 =	sor.u32 $0x1C01, s31  }
0xd: {  	s10 =	sshrl.u32 s28, $0x3;
	s11 =	simm.s32 $0x1;
	s12 =	sshrl.u32 @!p0 s14, $0x3  }
0xe: {  	s14 =	simm.s32 $0x80;
	s8 =	sshrl.u32 s8, $0x3;
	s13 =	sshrl.u32 s30, $0x3  }
0xf: {  	s9 =	smax.u32 s9, $0x1;
	s8 =	sadd.s32 s8, s5;
	s5 =	sadd.s32 s4, s29  }
0x10: {  	s7 =	sadd.s32 s7, s13;
	s13 =	simm.s32 $0x2800;
	s8 =	sadd.s32 $0x8000, s8  }
.LBB2_1:
0x11: {  	[spmem:s10], [sflag:s6] =	dma.local [hbm:s5], $0x4E2  }
0x12: {  	_ =	swait.ge [sflag:s11], $0x4E2  }
0x13: {  	[sflag:s11] =	ssyncset.done $0x0  }
0x14: {  	s16 =	simm.s32 @!p0 $0x1;
	[sflag:s11] =	ssyncadd.s32 $0xFFFFFB1E  }
0x15: {  	[spmem:s12], [sflag:s6] =	dma.local @!p0 [hbm:s4], $0x10  }
0x16: {  	_ =	swait.ge @!p0 [sflag:s16], $0x10  }
0x17: {  	[sflag:s16] =	ssyncset.done @!p0 $0x0  }
0x18: {  	[sflag:s16] =	ssyncadd.s32 @!p0 $0xFFFFFFF0  }
0x19: {  	[tilespmem:s13], [sflag:$0x1] =	stream.linear.gather [hbm4b:s3+s2], $0x800, $0x38;
	[tilespmem:$0x5718] =	vst v63  }
0x1a: {  	_ =	swait.ge [sflag:s11], $0x800  }
0x1b: {  	[sflag:s11] =	ssyncset.done $0x0  }
0x1c: {  	[sflag:s11] =	ssyncadd.s32 $0xFFFFF800  }
0x1d: {  	[tilespmem:s2], [sflag:$0x1] =	stream.linear.gather [hbm4b:s7+s2], $0x2800, $0x38;
	[tilespmem:$0x5718] =	vst v63  }
0x1e: {  	_ =	swait.ge [sflag:s11], $0x2800  }
0x1f: {  	[sflag:s11] =	ssyncset.done $0x0  }
0x20: {  	[sflag:s11] =	ssyncadd.s32 $0xFFFFD800  }
0x21: {  	s31 =	simm.s32 $0x80;
	[bflag:$0x0] =	sbarrier.arrive $0xFFFF  }
0x22: {  	[spmem:s1] =	stream.indirect.scatter.add.f32 [tilespmem:s13], [sflag:$0x1], $0x10, s31, s14, $0xb8;
	[tilespmem:$0x5718] =	vst v63  }
0x23: {  	_ =	swait.ge [sflag:s11], $0x800  }
0x24: {  	s16 =	simm.s32 $0x600;
	[sflag:s11] =	ssyncset.done $0x0  }
.LBB2_2:
0x25: {  	s17 =	sshra.s32 s16, $0x2;
	[sflag:s11] =	ssyncadd.s32 $0xFFFFF800;
	p1 =	sne.s32 s16, $0x9E00  }
0x26: {  	[spmem:s1] =	stream.indirect.scatter.add.f32 [tilespmem:s13], [sflag:$0x1], $0x10, s17, s14, $0xb8;
	[tilespmem:$0x5718] =	vst v63  }
.Ltmp0:
0x27: {  	_ = 	snop;
	(pc) =	sbr.rel @p1 .LBB2_2-.Ltmp0, $4  }
0x28: {  	_ = 	snop  }
0x29: {  	s16 =	sadd.s32 $0x400, s16  }
0x2a: {  	_ =	swait.ge [sflag:s11], $0x800  }
0x2b: {  	[sflag:s11] =	ssyncset.done $0x0  }
0x2c: {  	s15 =	sadd.s32 $0x1, s15  }
0x2d: {  	[sflag:s11] =	ssyncadd.s32 $0xFFFFF800;
	p1 =	sne.s32 s15, s9  }
.Ltmp1:
0x2e: {  	[bflag:$0x0] =	sbarrier.arrive $0xFFFF;
	(pc) =	sbr.rel @p1 .LBB2_1-.Ltmp1, $4  }
0x2f: {  	[hbm:s8], [sflag:s6] =	dma.local [spmem:s10], $0x4E2  }
0x30: {  	_ =	swait.ge [sflag:s11], $0x4E2  }
0x31: {  	[sflag:s11] =	ssyncset.done $0x0  }
0x32: {  	[sflag:s11] =	ssyncadd.s32 $0xFFFFFB1E  }
0x33: {  	_ =	sfence.sel $0x180000  }
0x34: {  	[bflag:$0x0] =	sbarrier.arrive $0xFFFF  }
0x35: {  	_ =	strace $0x90000047  }
0x36: {  	s0 =	sadd.s32 @!p0 $0x100000, s0;
	[bflag:$0x2] =	sbarrier.arrive $0xFFFF  }
0x37: {  	[sflag:s0] =	ssyncadd.tile.s32 @!p0 $0x1;
	_ =	shalt  }
.Lfunc_end2:
_tile_overlayer_lowered:
.L_overlay_start_2:
0x38: {  	(tag) =	ssettag $0x2  }
0x39: {  	s0 =	rddreg [dreg:$0x0];
	s2 =	stileid.u32  }
0x3a: {  	s1 =	rddreg [dreg:$0x1];
	p0 =	sne.s32 s2, $0x0  }
0x3b: {  	s3 =	rddreg [dreg:$0x2];
	[bflag:$0x3] =	sbarrier.arrive $0xFFFF;
	s2 =	simm.s32 @!p0 $0x1C01  }
0x3c: {  	[timem:s3], [sflag:s2] =	dma.local @!p0 [hbm:s0], s1  }
0x3d: {  	s0 =	simm.s32 @!p0 $0x1  }
0x3e: {  	_ =	swait.ge @!p0 [sflag:s0], s1  }
0x3f: {  	s1 =	ssub.s32 @!p0 $0x0, s1;
	[sflag:s0] =	ssyncset.done @!p0 $0x0  }
0x40: {  	[sflag:s0] =	ssyncadd.s32 @!p0 s1  }
0x41: {  	[bflag:$0x3] =	sbarrier.arrive $0xFFFF  }
0x42: {  	_ =	shalt  }

</sc_bundles>
